<compile_context>
chip_gen: v7x
topology: tpu7x:2x2x1
jax: 0.10.2.dev20260603
libtpu: 0.0.44.dev20260713+nightly
codegen_flags: <defaults>
</compile_context>

<pallas_src>
import functools

import jax
import jax.numpy as jnp
from jax import lax
from jax.experimental import pallas as pl
from jax.experimental.pallas import tpu as pltpu
from jax.experimental.pallas import tpu_sc as plsc

B = 32
IN_DIM = 8192
HID = 256
K = 4096

NVEC = IN_DIM // 16


def _score_body(x_ref, W1_ref, b1_ref, ln1_g_ref, ln1_b_ref, W2_ref, b2_ref,
                W3_ref, b3_ref, Wg1_ref, bg1_ref, Wg2_ref, bg2_ref,
                key_out_ref):
    x = x_ref[...]
    h = jnp.dot(x, W1_ref[...], preferred_element_type=jnp.float32) + b1_ref[...]
    m = jnp.mean(h, axis=-1, keepdims=True)
    v = jnp.mean((h - m) ** 2, axis=-1, keepdims=True)
    h = (h - m) * jax.lax.rsqrt(v + 1e-5) * ln1_g_ref[...] + ln1_b_ref[...]
    h = jnp.maximum(h, 0.0)
    h = jnp.maximum(jnp.dot(h, W2_ref[...], preferred_element_type=jnp.float32) + b2_ref[...], 0.0)
    imp = jnp.dot(h, W3_ref[...], preferred_element_type=jnp.float32) + b3_ref[...]

    g = jnp.maximum(jnp.dot(x, Wg1_ref[...], preferred_element_type=jnp.float32) + bg1_ref[...], 0.0)
    gz = jnp.dot(g, Wg2_ref[...], preferred_element_type=jnp.float32) + bg2_ref[...]
    gates = 1.0 / (1.0 + jnp.exp(-gz))

    sel = imp * gates
    bits = jax.lax.bitcast_convert_type(sel, jnp.int32)
    key_out_ref[...] = jnp.where(bits >= 0, bits, bits ^ jnp.int32(0x7FFFFFFF))


def _thresh_kernel_body(key_hbm, th_hbm, key_v, th_v):
    wid = lax.axis_index("s") * 2 + lax.axis_index("c")
    pltpu.sync_copy(key_hbm.at[wid], key_v)

    UNROLL = 2

    def count3_ge(ca, cb, cc):
        one = jnp.int32(1)
        zero = jnp.int32(0)

        def body(i, accs):
            aa, ab, ac = accs
            for u in range(UNROLL):
                v = key_v[pl.ds((i * UNROLL + u) * 16, 16)]
                aa = aa + jnp.where(v >= ca, one, zero)
                ab = ab + jnp.where(v >= cb, one, zero)
                ac = ac + jnp.where(v >= cc, one, zero)
            return aa, ab, ac

        z = jnp.zeros((16,), jnp.int32)
        aa, ab, ac = lax.fori_loop(0, NVEC // UNROLL, body, (z, z, z))
        ta = tb = tc = jnp.int32(0)
        for j in range(16):
            ta = ta + aa[j]
            tb = tb + ab[j]
            tc = tc + ac[j]
        return ta, tb, tc

    thresh = jnp.int32(-2147483648)
    for p in range(16):
        b_hi = 31 - 2 * p
        bit_lo = jnp.int32(1) << (b_hi - 1)
        if p == 0:
            ca = jnp.int32(0)
            base = thresh
        else:
            ca = thresh | (jnp.int32(1) << b_hi)
            base = thresh
        cb = base | bit_lo
        cc = ca | bit_lo
        c_a, c_b, c_c = count3_ge(ca, cb, cc)
        thresh = jnp.where(
            c_a >= K,
            jnp.where(c_c >= K, cc, ca),
            jnp.where(c_b >= K, cb, base),
        )

    th_v[...] = jnp.full((16,), jnp.int32(0)) + thresh
    pltpu.sync_copy(th_v, th_hbm.at[wid])


@functools.cache
def _thresh_sc_build():
    return functools.partial(
        pl.kernel,
        mesh=plsc.VectorSubcoreMesh(core_axis_name="c", subcore_axis_name="s"),
        out_type=jax.ShapeDtypeStruct((B, 16), jnp.int32),
        scratch_types=[
            pltpu.VMEM((IN_DIM,), jnp.int32),
            pltpu.VMEM((16,), jnp.int32),
        ],
    )(_thresh_kernel_body)


def _transform_body(x_ref, key_ref, th_ref, Wt_ref, bt_ref, lnt_g_ref,
                    lnt_b_ref, t_out_ref, p_out_ref):
    mask = (key_ref[...] >= th_ref[...][:, 0:1]).astype(jnp.float32)
    p_out_ref[...] = mask
    t = jnp.dot(x_ref[...] * mask, Wt_ref[...],
                preferred_element_type=jnp.float32) + bt_ref[...]
    mt = jnp.mean(t, axis=-1, keepdims=True)
    vt = jnp.mean((t - mt) ** 2, axis=-1, keepdims=True)
    t = (t - mt) * jax.lax.rsqrt(vt + 1e-5) * lnt_g_ref[...] + lnt_b_ref[...]
    t_out_ref[...] = jnp.maximum(t, 0.0)


@jax.jit
def _run(x, W1, b1, ln1_g, ln1_b, W2, b2, W3, b3, Wg1, bg1, Wg2, bg2,
         Wt, bt, lnt_g, lnt_b):
    keys = pl.pallas_call(
        _score_body,
        out_shape=jax.ShapeDtypeStruct((B, IN_DIM), jnp.int32),
        compiler_params=pltpu.CompilerParams(vmem_limit_bytes=100 * 1024 * 1024),
    )(x, W1, b1, ln1_g, ln1_b, W2, b2, W3, b3, Wg1, bg1, Wg2, bg2)

    th = _thresh_sc_build()(keys)

    transformed, mask = pl.pallas_call(
        _transform_body,
        out_shape=(
            jax.ShapeDtypeStruct((B, HID), jnp.float32),
            jax.ShapeDtypeStruct((B, IN_DIM), jnp.float32),
        ),
        compiler_params=pltpu.CompilerParams(vmem_limit_bytes=100 * 1024 * 1024),
    )(x, keys, th, Wt, bt, lnt_g, lnt_b)
    return transformed, mask


def kernel(x, W1, b1, ln1_g, ln1_b, W2, b2, W3, b3, Wg1, bg1, Wg2, bg2, Wt, bt, lnt_g, lnt_b):
    return _run(
        x, W1, b1.reshape(1, -1), ln1_g.reshape(1, -1), ln1_b.reshape(1, -1),
        W2, b2.reshape(1, -1), W3, b3.reshape(1, -1),
        Wg1, bg1.reshape(1, -1), Wg2, bg2.reshape(1, -1),
        Wt, bt.reshape(1, -1), lnt_g.reshape(1, -1), lnt_b.reshape(1, -1),
    )

# --- scband reference (transcript-rebuilt; emitter-appended) ---
"""Pipeline reference for scband-adaptive-feature-selector-50199577755925 (READ-ONLY COPY).

The authoritative reference and input builder live on the scoring server;
editing this copy changes nothing except your own understanding.
"""

import jax, jax.numpy as jnp
import numpy as np

IN_DIM = 8192
HID = 256
K = 4096  # max(1, int(8192 * 0.5))
B = 32


def _layernorm(x, g, b, eps=1e-5):
    m = jnp.mean(x, axis=-1, keepdims=True)
    v = jnp.var(x, axis=-1, keepdims=True)
    return (x - m) / jnp.sqrt(v + eps) * g + b


def setup_inputs(seed: int = 0) -> dict:
    key = jax.random.key(seed)
    ks = jax.random.split(key, 20)

    def lin_w(k, fan_in, fan_out):
        bound = 1.0 / np.sqrt(fan_in)
        return jax.random.uniform(k, (fan_in, fan_out), dtype=jnp.float32, minval=-bound, maxval=bound)

    def lin_b(k, fan_in, fan_out):
        bound = 1.0 / np.sqrt(fan_in)
        return jax.random.uniform(k, (fan_out,), dtype=jnp.float32, minval=-bound, maxval=bound)

    inp = {
        "x": jax.random.normal(ks[0], (B, IN_DIM), dtype=jnp.float32),
        # importance_net: Linear(in,hid) -> LN(hid) -> ReLU -> Dropout -> Linear(hid,hid//2) -> ReLU -> Linear(hid//2,in)
        "W1": lin_w(ks[1], IN_DIM, HID), "b1": lin_b(ks[2], IN_DIM, HID),
        "ln1_g": jnp.ones((HID,), jnp.float32), "ln1_b": jnp.zeros((HID,), jnp.float32),
        "W2": lin_w(ks[3], HID, HID // 2), "b2": lin_b(ks[4], HID, HID // 2),
        "W3": lin_w(ks[5], HID // 2, IN_DIM), "b3": lin_b(ks[6], HID // 2, IN_DIM),
        # context_gate: Linear(in,hid) -> ReLU -> Linear(hid,in) -> Sigmoid
        "Wg1": lin_w(ks[7], IN_DIM, HID), "bg1": lin_b(ks[8], IN_DIM, HID),
        "Wg2": lin_w(ks[9], HID, IN_DIM), "bg2": lin_b(ks[10], HID, IN_DIM),
        # feature_transform: Linear(in,hid) -> LN(hid) -> ReLU -> Dropout
        "Wt": lin_w(ks[11], IN_DIM, HID), "bt": lin_b(ks[12], IN_DIM, HID),
        "lnt_g": jnp.ones((HID,), jnp.float32), "lnt_b": jnp.zeros((HID,), jnp.float32),
    }
    return inp


def reference(x, W1, b1, ln1_g, ln1_b, W2, b2, W3, b3, Wg1, bg1, Wg2, bg2, Wt, bt, lnt_g, lnt_b):
    # eval mode: dropout = identity; hard top-k selection path
    h = x @ W1 + b1
    h = _layernorm(h, ln1_g, ln1_b)
    h = jax.nn.relu(h)
    h = jax.nn.relu(h @ W2 + b2)
    importance_logits = h @ W3 + b3

    g = jax.nn.relu(x @ Wg1 + bg1)
    gates = jax.nn.sigmoid(g @ Wg2 + bg2)

    selection_logits = importance_logits * gates

    _, top_idx = jax.lax.top_k(selection_logits, K)
    top_idx = jax.lax.stop_gradient(top_idx)
    rows = jnp.arange(selection_logits.shape[0])[:, None]
    selection_probs = jnp.zeros(selection_logits.shape, dtype=selection_logits.dtype).at[rows, top_idx].set(1.0)

    selected = x * selection_probs
    t = selected @ Wt + bt
    t = _layernorm(t, lnt_g, lnt_b)
    transformed = jax.nn.relu(t)
    return transformed, selection_probs

if __name__ == "__main__":
    import jax
    _d = setup_inputs()
    print(jax.jit(kernel)(*tuple(_d.values())))

</pallas_src>

<mosaic_0001>
#map = affine_map<(d0, d1) -> (0, 0)>
module attributes {stable_mosaic.version = 14 : i64} {
  func.func @_thresh_kernel_body(%arg0: i32, %arg1: i32, %arg2: memref<32x8192xi32, #tpu.memory_space<hbm>>, %arg3: memref<32x16xi32, #tpu.memory_space<hbm>>, %arg4: memref<8192xi32, #tpu.memory_space<vmem>>, %arg5: memref<16xi32, #tpu.memory_space<vmem>>) attributes {dimension_semantics = [#tpu.dimension_semantics<core_parallel>, #tpu.dimension_semantics<subcore_parallel>], iteration_bounds = array<i64: 2, 16>, scalar_prefetch = 0 : i64, scratch_operands = 2 : i64, tpu.core_type = #tpu.core_type<sc_vector_subcore>, window_params = [{transform_indices = #map}, {transform_indices = #map}]} {
    %mul3A = arith.constant 2 : i32
    %mul3A_0 = arith.muli %arg1, %mul3A : i32
    %add3A = arith.addi %mul3A_0, %arg0 : i32
    "tpu.region"() ({
      %run_scoped3A = tpu.sem_alloc : memref<!tpu.dma_semaphore, #tpu.memory_space<semaphore_mem>>
      %dma_start3A = arith.constant 0 : i32
      %dma_start3A_2800 = tpu.memref_slice %arg2[%add3A, %dma_start3A] : memref<32x8192xi32, #tpu.memory_space<hbm>> -> memref<1x8192xi32, #tpu.memory_space<hbm>>
      %dma_start3A_2801 = tpu.memref_squeeze %dma_start3A_2800 : memref<1x8192xi32, #tpu.memory_space<hbm>> -> memref<8192xi32, #tpu.memory_space<hbm>>
      %dma_start3A_2802 = arith.constant 0 : i32
      %dma_start3A_2803 = tpu.memref_slice %arg2[%add3A, %dma_start3A_2802] : memref<32x8192xi32, #tpu.memory_space<hbm>> -> memref<1x8192xi32, #tpu.memory_space<hbm>>
      %dma_start3A_2804 = tpu.memref_squeeze %dma_start3A_2803 : memref<1x8192xi32, #tpu.memory_space<hbm>> -> memref<8192xi32, #tpu.memory_space<hbm>>
      tpu.enqueue_dma source(%dma_start3A_2804 : memref<8192xi32, #tpu.memory_space<hbm>>) target(%arg4 : memref<8192xi32, #tpu.memory_space<vmem>>) target_semaphore(%run_scoped3A : memref<!tpu.dma_semaphore, #tpu.memory_space<semaphore_mem>>)
      %dma_wait3A = arith.constant 0 : i32
      %dma_wait3A_2805 = tpu.memref_slice %arg2[%add3A, %dma_wait3A] : memref<32x8192xi32, #tpu.memory_space<hbm>> -> memref<1x8192xi32, #tpu.memory_space<hbm>>
      %dma_wait3A_2806 = tpu.memref_squeeze %dma_wait3A_2805 : memref<1x8192xi32, #tpu.memory_space<hbm>> -> memref<8192xi32, #tpu.memory_space<hbm>>
      %dma_wait3A_2807 = arith.constant 0 : i32
      %dma_wait3A_2808 = tpu.memref_slice %arg2[%add3A, %dma_wait3A_2807] : memref<32x8192xi32, #tpu.memory_space<hbm>> -> memref<1x8192xi32, #tpu.memory_space<hbm>>
      %dma_wait3A_2809 = tpu.memref_squeeze %dma_wait3A_2808 : memref<1x8192xi32, #tpu.memory_space<hbm>> -> memref<8192xi32, #tpu.memory_space<hbm>>
      tpu.wait_dma2 semaphore(%run_scoped3A : memref<!tpu.dma_semaphore, #tpu.memory_space<semaphore_mem>>) src(%dma_wait3A_2809 : memref<8192xi32, #tpu.memory_space<hbm>>) dst(%arg4 : memref<8192xi32, #tpu.memory_space<vmem>>)
      tpu.yield
    }) : () -> ()
    %shift_left3A = arith.constant 1 : i32
    %shift_left3A_1 = arith.constant 30 : i32
    %shift_left3A_2 = arith.shli %shift_left3A, %shift_left3A_1 : i32
    %or3A = arith.constant -2147483648 : i32
    %or3A_3 = arith.ori %or3A, %shift_left3A_2 : i32
    %or3A_4 = arith.constant 0 : i32
    %or3A_5 = arith.ori %or3A_4, %shift_left3A_2 : i32
    %broadcast_in_dim3A = arith.constant 0 : i32
    %broadcast_in_dim3A_6 = vector.broadcast %broadcast_in_dim3A : i32 to vector<16xi32>
    %scan3A = arith.constant 0 : i32
    %scan3A_7 = arith.constant 1 : i32
    %scan3A_8 = arith.constant 0 : i32
    %scan3A_9 = arith.constant 0 : i32
    %scan3A_10 = arith.constant 256 : i32
    %scan3A_11 = arith.addi %scan3A_9, %scan3A_10 : i32
    %scan3A_12 = arith.constant 1 : i32
    %scan3A_13:3 = scf.for %scan3A_2800 = %scan3A_9 to %scan3A_11 step %scan3A_12 iter_args(%scan3A_2801 = %broadcast_in_dim3A_6, %scan3A_2802 = %broadcast_in_dim3A_6, %scan3A_2803 = %broadcast_in_dim3A_6) -> (vector<16xi32>, vector<16xi32>, vector<16xi32>)  : i32 {
      %mul3A_2804 = arith.constant 2 : i32
      %mul3A_2805 = arith.muli %scan3A_2800, %mul3A_2804 : i32
      %add3A_2806 = arith.constant 0 : i32
      %add3A_2807 = arith.addi %mul3A_2805, %add3A_2806 : i32
      %mul3A_2808 = arith.constant 16 : i32
      %mul3A_2809 = arith.muli %add3A_2807, %mul3A_2808 : i32
      %get3A = arith.index_cast %mul3A_2809 : i32 to index
      %get3A_2810 = tpu.vector_load %arg4[%get3A] {strides = array<i32>} : memref<8192xi32, #tpu.memory_space<vmem>>, vector<16xi32>,
      %get3A_2811 = vector.shape_cast %get3A_2810 : vector<16xi32> to vector<16xi32>
      %ge3A_2812 = vector.broadcast %scan3A : i32 to vector<16xi32>
      %ge3A_2813 = arith.cmpi sge, %get3A_2811, %ge3A_2812 : vector<16xi32>
      %broadcast_in_dim3A_2814 = vector.broadcast %scan3A_7 : i32 to vector<16xi32>
      %broadcast_in_dim3A_2815 = vector.broadcast %scan3A_8 : i32 to vector<16xi32>
      %select_n3A_2816 = arith.select %ge3A_2813, %broadcast_in_dim3A_2814, %broadcast_in_dim3A_2815 : vector<16xi1>, vector<16xi32>
      %add3A_2817 = arith.addi %scan3A_2801, %select_n3A_2816 : vector<16xi32>
      %ge3A_2818 = vector.broadcast %or3A_3 : i32 to vector<16xi32>
      %ge3A_2819 = arith.cmpi sge, %get3A_2811, %ge3A_2818 : vector<16xi32>
      %broadcast_in_dim3A_2820 = vector.broadcast %scan3A_7 : i32 to vector<16xi32>
      %broadcast_in_dim3A_2821 = vector.broadcast %scan3A_8 : i32 to vector<16xi32>
      %select_n3A_2822 = arith.select %ge3A_2819, %broadcast_in_dim3A_2820, %broadcast_in_dim3A_2821 : vector<16xi1>, vector<16xi32>
      %add3A_2823 = arith.addi %scan3A_2802, %select_n3A_2822 : vector<16xi32>
      %ge3A_2824 = vector.broadcast %or3A_5 : i32 to vector<16xi32>
      %ge3A_2825 = arith.cmpi sge, %get3A_2811, %ge3A_2824 : vector<16xi32>
      %broadcast_in_dim3A_2826 = vector.broadcast %scan3A_7 : i32 to vector<16xi32>
      %broadcast_in_dim3A_2827 = vector.broadcast %scan3A_8 : i32 to vector<16xi32>
      %select_n3A_2828 = arith.select %ge3A_2825, %broadcast_in_dim3A_2826, %broadcast_in_dim3A_2827 : vector<16xi1>, vector<16xi32>
      %add3A_2829 = arith.addi %scan3A_2803, %select_n3A_2828 : vector<16xi32>
      %mul3A_2830 = arith.constant 2 : i32
      %mul3A_2831 = arith.muli %scan3A_2800, %mul3A_2830 : i32
      %add3A_2832 = arith.constant 1 : i32
      %add3A_2833 = arith.addi %mul3A_2831, %add3A_2832 : i32
      %mul3A_2834 = arith.constant 16 : i32
      %mul3A_2835 = arith.muli %add3A_2833, %mul3A_2834 : i32
      %get3A_2836 = arith.index_cast %mul3A_2835 : i32 to index
      %get3A_2837 = tpu.vector_load %arg4[%get3A_2836] {strides = array<i32>} : memref<8192xi32, #tpu.memory_space<vmem>>, vector<16xi32>,
      %get3A_2838 = vector.shape_cast %get3A_2837 : vector<16xi32> to vector<16xi32>
      %ge3A_2839 = vector.broadcast %scan3A : i32 to vector<16xi32>
      %ge3A_2840 = arith.cmpi sge, %get3A_2838, %ge3A_2839 : vector<16xi32>
      %broadcast_in_dim3A_2841 = vector.broadcast %scan3A_7 : i32 to vector<16xi32>
      %broadcast_in_dim3A_2842 = vector.broadcast %scan3A_8 : i32 to vector<16xi32>
      %select_n3A_2843 = arith.select %ge3A_2840, %broadcast_in_dim3A_2841, %broadcast_in_dim3A_2842 : vector<16xi1>, vector<16xi32>
      %add3A_2844 = arith.addi %add3A_2817, %select_n3A_2843 : vector<16xi32>
      %ge3A_2845 = vector.broadcast %or3A_3 : i32 to vector<16xi32>
      %ge3A_2846 = arith.cmpi sge, %get3A_2838, %ge3A_2845 : vector<16xi32>
      %broadcast_in_dim3A_2847 = vector.broadcast %scan3A_7 : i32 to vector<16xi32>
      %broadcast_in_dim3A_2848 = vector.broadcast %scan3A_8 : i32 to vector<16xi32>
      %select_n3A_2849 = arith.select %ge3A_2846, %broadcast_in_dim3A_2847, %broadcast_in_dim3A_2848 : vector<16xi1>, vector<16xi32>
      %add3A_2850 = arith.addi %add3A_2823, %select_n3A_2849 : vector<16xi32>
      %ge3A_2851 = vector.broadcast %or3A_5 : i32 to vector<16xi32>
      %ge3A_2852 = arith.cmpi sge, %get3A_2838, %ge3A_2851 : vector<16xi32>
      %broadcast_in_dim3A_2853 = vector.broadcast %scan3A_7 : i32 to vector<16xi32>
      %broadcast_in_dim3A_2854 = vector.broadcast %scan3A_8 : i32 to vector<16xi32>
      %select_n3A_2855 = arith.select %ge3A_2852, %broadcast_in_dim3A_2853, %broadcast_in_dim3A_2854 : vector<16xi1>, vector<16xi32>
      %add3A_2856 = arith.addi %add3A_2829, %select_n3A_2855 : vector<16xi32>
      scf.yield %add3A_2844, %add3A_2850, %add3A_2856 : vector<16xi32>, vector<16xi32>, vector<16xi32>
    }
    %scan3A_14 = arith.constant 256 : i32
    %slice3A = vector.extract_strided_slice %scan3A_13#0 {offsets = [0], sizes = [1], strides = [1]} : vector<16xi32> to vector<1xi32>
    %squeeze3A = vector.extract %slice3A[0] : i32 from vector<1xi32>
    %add3A_15 = arith.constant 0 : i32
    %add3A_16 = arith.addi %add3A_15, %squeeze3A : i32
    %slice3A_17 = vector.extract_strided_slice %scan3A_13#1 {offsets = [0], sizes = [1], strides = [1]} : vector<16xi32> to vector<1xi32>
    %squeeze3A_18 = vector.extract %slice3A_17[0] : i32 from vector<1xi32>
    %add3A_19 = arith.constant 0 : i32
    %add3A_20 = arith.addi %add3A_19, %squeeze3A_18 : i32
    %slice3A_21 = vector.extract_strided_slice %scan3A_13#2 {offsets = [0], sizes = [1], strides = [1]} : vector<16xi32> to vector<1xi32>
    %squeeze3A_22 = vector.extract %slice3A_21[0] : i32 from vector<1xi32>
    %add3A_23 = arith.constant 0 : i32
    %add3A_24 = arith.addi %add3A_23, %squeeze3A_22 : i32
    %slice3A_25 = vector.extract_strided_slice %scan3A_13#0 {offsets = [1], sizes = [1], strides = [1]} : vector<16xi32> to vector<1xi32>
    %squeeze3A_26 = vector.extract %slice3A_25[0] : i32 from vector<1xi32>
    %add3A_27 = arith.addi %add3A_16, %squeeze3A_26 : i32
    %slice3A_28 = vector.extract_strided_slice %scan3A_13#1 {offsets = [1], sizes = [1], strides = [1]} : vector<16xi32> to vector<1xi32>
    %squeeze3A_29 = vector.extract %slice3A_28[0] : i32 from vector<1xi32>
    %add3A_30 = arith.addi %add3A_20, %squeeze3A_29 : i32
    %slice3A_31 = vector.extract_strided_slice %scan3A_13#2 {offsets = [1], sizes = [1], strides = [1]} : vector<16xi32> to vector<1xi32>
    %squeeze3A_32 = vector.extract %slice3A_31[0] : i32 from vector<1xi32>
    %add3A_33 = arith.addi %add3A_24, %squeeze3A_32 : i32
    %slice3A_34 = vector.extract_strided_slice %scan3A_13#0 {offsets = [2], sizes = [1], strides = [1]} : vector<16xi32> to vector<1xi32>
    %squeeze3A_35 = vector.extract %slice3A_34[0] : i32 from vector<1xi32>
    %add3A_36 = arith.addi %add3A_27, %squeeze3A_35 : i32
    %slice3A_37 = vector.extract_strided_slice %scan3A_13#1 {offsets = [2], sizes = [1], strides = [1]} : vector<16xi32> to vector<1xi32>
    %squeeze3A_38 = vector.extract %slice3A_37[0] : i32 from vector<1xi32>
    %add3A_39 = arith.addi %add3A_30, %squeeze3A_38 : i32
    %slice3A_40 = vector.extract_strided_slice %scan3A_13#2 {offsets = [2], sizes = [1], strides = [1]} : vector<16xi32> to vector<1xi32>
    %squeeze3A_41 = vector.extract %slice3A_40[0] : i32 from vector<1xi32>
    %add3A_42 = arith.addi %add3A_33, %squeeze3A_41 : i32
    %slice3A_43 = vector.extract_strided_slice %scan3A_13#0 {offsets = [3], sizes = [1], strides = [1]} : vector<16xi32> to vector<1xi32>
    %squeeze3A_44 = vector.extract %slice3A_43[0] : i32 from vector<1xi32>
    %add3A_45 = arith.addi %add3A_36, %squeeze3A_44 : i32
    %slice3A_46 = vector.extract_strided_slice %scan3A_13#1 {offsets = [3], sizes = [1], strides = [1]} : vector<16xi32> to vector<1xi32>
    %squeeze3A_47 = vector.extract %slice3A_46[0] : i32 from vector<1xi32>
    %add3A_48 = arith.addi %add3A_39, %squeeze3A_47 : i32
    %slice3A_49 = vector.extract_strided_slice %scan3A_13#2 {offsets = [3], sizes = [1], strides = [1]} : vector<16xi32> to vector<1xi32>
    %squeeze3A_50 = vector.extract %slice3A_49[0] : i32 from vector<1xi32>
    %add3A_51 = arith.addi %add3A_42, %squeeze3A_50 : i32
    %slice3A_52 = vector.extract_strided_slice %scan3A_13#0 {offsets = [4], sizes = [1], strides = [1]} : vector<16xi32> to vector<1xi32>
    %squeeze3A_53 = vector.extract %slice3A_52[0] : i32 from vector<1xi32>
    %add3A_54 = arith.addi %add3A_45, %squeeze3A_53 : i32
    %slice3A_55 = vector.extract_strided_slice %scan3A_13#1 {offsets = [4], sizes = [1], strides = [1]} : vector<16xi32> to vector<1xi32>
    %squeeze3A_56 = vector.extract %slice3A_55[0] : i32 from vector<1xi32>
    %add3A_57 = arith.addi %add3A_48, %squeeze3A_56 : i32
    %slice3A_58 = vector.extract_strided_slice %scan3A_13#2 {offsets = [4], sizes = [1], strides = [1]} : vector<16xi32> to vector<1xi32>
    %squeeze3A_59 = vector.extract %slice3A_58[0] : i32 from vector<1xi32>
    %add3A_60 = arith.addi %add3A_51, %squeeze3A_59 : i32
    %slice3A_61 = vector.extract_strided_slice %scan3A_13#0 {offsets = [5], sizes = [1], strides = [1]} : vector<16xi32> to vector<1xi32>
    %squeeze3A_62 = vector.extract %slice3A_61[0] : i32 from vector<1xi32>
    %add3A_63 = arith.addi %add3A_54, %squeeze3A_62 : i32
    %slice3A_64 = vector.extract_strided_slice %scan3A_13#1 {offsets = [5], sizes = [1], strides = [1]} : vector<16xi32> to vector<1xi32>
    %squeeze3A_65 = vector.extract %slice3A_64[0] : i32 from vector<1xi32>
    %add3A_66 = arith.addi %add3A_57, %squeeze3A_65 : i32
    %slice3A_67 = vector.extract_strided_slice %scan3A_13#2 {offsets = [5], sizes = [1], strides = [1]} : vector<16xi32> to vector<1xi32>
    %squeeze3A_68 = vector.extract %slice3A_67[0] : i32 from vector<1xi32>
    %add3A_69 = arith.addi %add3A_60, %squeeze3A_68 : i32
    %slice3A_70 = vector.extract_strided_slice %scan3A_13#0 {offsets = [6], sizes = [1], strides = [1]} : vector<16xi32> to vector<1xi32>
    %squeeze3A_71 = vector.extract %slice3A_70[0] : i32 from vector<1xi32>
    %add3A_72 = arith.addi %add3A_63, %squeeze3A_71 : i32
    %slice3A_73 = vector.extract_strided_slice %scan3A_13#1 {offsets = [6], sizes = [1], strides = [1]} : vector<16xi32> to vector<1xi32>
    %squeeze3A_74 = vector.extract %slice3A_73[0] : i32 from vector<1xi32>
    %add3A_75 = arith.addi %add3A_66, %squeeze3A_74 : i32
    %slice3A_76 = vector.extract_strided_slice %scan3A_13#2 {offsets = [6], sizes = [1], strides = [1]} : vector<16xi32> to vector<1xi32>
    %squeeze3A_77 = vector.extract %slice3A_76[0] : i32 from vector<1xi32>
    %add3A_78 = arith.addi %add3A_69, %squeeze3A_77 : i32
    %slice3A_79 = vector.extract_strided_slice %scan3A_13#0 {offsets = [7], sizes = [1], strides = [1]} : vector<16xi32> to vector<1xi32>
    %squeeze3A_80 = vector.extract %slice3A_79[0] : i32 from vector<1xi32>
    %add3A_81 = arith.addi %add3A_72, %squeeze3A_80 : i32
    %slice3A_82 = vector.extract_strided_slice %scan3A_13#1 {offsets = [7], sizes = [1], strides = [1]} : vector<16xi32> to vector<1xi32>
    %squeeze3A_83 = vector.extract %slice3A_82[0] : i32 from vector<1xi32>
    %add3A_84 = arith.addi %add3A_75, %squeeze3A_83 : i32
    %slice3A_85 = vector.extract_strided_slice %scan3A_13#2 {offsets = [7], sizes = [1], strides = [1]} : vector<16xi32> to vector<1xi32>
    %squeeze3A_86 = vector.extract %slice3A_85[0] : i32 from vector<1xi32>
    %add3A_87 = arith.addi %add3A_78, %squeeze3A_86 : i32
    %slice3A_88 = vector.extract_strided_slice %scan3A_13#0 {offsets = [8], sizes = [1], strides = [1]} : vector<16xi32> to vector<1xi32>
    %squeeze3A_89 = vector.extract %slice3A_88[0] : i32 from vector<1xi32>
    %add3A_90 = arith.addi %add3A_81, %squeeze3A_89 : i32
    %slice3A_91 = vector.extract_strided_slice %scan3A_13#1 {offsets = [8], sizes = [1], strides = [1]} : vector<16xi32> to vector<1xi32>
    %squeeze3A_92 = vector.extract %slice3A_91[0] : i32 from vector<1xi32>
    %add3A_93 = arith.addi %add3A_84, %squeeze3A_92 : i32
    %slice3A_94 = vector.extract_strided_slice %scan3A_13#2 {offsets = [8], sizes = [1], strides = [1]} : vector<16xi32> to vector<1xi32>
    %squeeze3A_95 = vector.extract %slice3A_94[0] : i32 from vector<1xi32>
    %add3A_96 = arith.addi %add3A_87, %squeeze3A_95 : i32
    %slice3A_97 = vector.extract_strided_slice %scan3A_13#0 {offsets = [9], sizes = [1], strides = [1]} : vector<16xi32> to vector<1xi32>
    %squeeze3A_98 = vector.extract %slice3A_97[0] : i32 from vector<1xi32>
    %add3A_99 = arith.addi %add3A_90, %squeeze3A_98 : i32
    %slice3A_100 = vector.extract_strided_slice %scan3A_13#1 {offsets = [9], sizes = [1], strides = [1]} : vector<16xi32> to vector<1xi32>
    %squeeze3A_101 = vector.extract %slice3A_100[0] : i32 from vector<1xi32>
    %add3A_102 = arith.addi %add3A_93, %squeeze3A_101 : i32
    %slice3A_103 = vector.extract_strided_slice %scan3A_13#2 {offsets = [9], sizes = [1], strides = [1]} : vector<16xi32> to vector<1xi32>
    %squeeze3A_104 = vector.extract %slice3A_103[0] : i32 from vector<1xi32>
    %add3A_105 = arith.addi %add3A_96, %squeeze3A_104 : i32
    %slice3A_106 = vector.extract_strided_slice %scan3A_13#0 {offsets = [10], sizes = [1], strides = [1]} : vector<16xi32> to vector<1xi32>
    %squeeze3A_107 = vector.extract %slice3A_106[0] : i32 from vector<1xi32>
    %add3A_108 = arith.addi %add3A_99, %squeeze3A_107 : i32
    %slice3A_109 = vector.extract_strided_slice %scan3A_13#1 {offsets = [10], sizes = [1], strides = [1]} : vector<16xi32> to vector<1xi32>
    %squeeze3A_110 = vector.extract %slice3A_109[0] : i32 from vector<1xi32>
    %add3A_111 = arith.addi %add3A_102, %squeeze3A_110 : i32
    %slice3A_112 = vector.extract_strided_slice %scan3A_13#2 {offsets = [10], sizes = [1], strides = [1]} : vector<16xi32> to vector<1xi32>
    %squeeze3A_113 = vector.extract %slice3A_112[0] : i32 from vector<1xi32>
    %add3A_114 = arith.addi %add3A_105, %squeeze3A_113 : i32
    %slice3A_115 = vector.extract_strided_slice %scan3A_13#0 {offsets = [11], sizes = [1], strides = [1]} : vector<16xi32> to vector<1xi32>
    %squeeze3A_116 = vector.extract %slice3A_115[0] : i32 from vector<1xi32>
    %add3A_117 = arith.addi %add3A_108, %squeeze3A_116 : i32
    %slice3A_118 = vector.extract_strided_slice %scan3A_13#1 {offsets = [11], sizes = [1], strides = [1]} : vector<16xi32> to vector<1xi32>
    %squeeze3A_119 = vector.extract %slice3A_118[0] : i32 from vector<1xi32>
    %add3A_120 = arith.addi %add3A_111, %squeeze3A_119 : i32
    %slice3A_121 = vector.extract_strided_slice %scan3A_13#2 {offsets = [11], sizes = [1], strides = [1]} : vector<16xi32> to vector<1xi32>
    %squeeze3A_122 = vector.extract %slice3A_121[0] : i32 from vector<1xi32>
    %add3A_123 = arith.addi %add3A_114, %squeeze3A_122 : i32
    %slice3A_124 = vector.extract_strided_slice %scan3A_13#0 {offsets = [12], sizes = [1], strides = [1]} : vector<16xi32> to vector<1xi32>
    %squeeze3A_125 = vector.extract %slice3A_124[0] : i32 from vector<1xi32>
    %add3A_126 = arith.addi %add3A_117, %squeeze3A_125 : i32
    %slice3A_127 = vector.extract_strided_slice %scan3A_13#1 {offsets = [12], sizes = [1], strides = [1]} : vector<16xi32> to vector<1xi32>
    %squeeze3A_128 = vector.extract %slice3A_127[0] : i32 from vector<1xi32>
    %add3A_129 = arith.addi %add3A_120, %squeeze3A_128 : i32
    %slice3A_130 = vector.extract_strided_slice %scan3A_13#2 {offsets = [12], sizes = [1], strides = [1]} : vector<16xi32> to vector<1xi32>
    %squeeze3A_131 = vector.extract %slice3A_130[0] : i32 from vector<1xi32>
    %add3A_132 = arith.addi %add3A_123, %squeeze3A_131 : i32
    %slice3A_133 = vector.extract_strided_slice %scan3A_13#0 {offsets = [13], sizes = [1], strides = [1]} : vector<16xi32> to vector<1xi32>
    %squeeze3A_134 = vector.extract %slice3A_133[0] : i32 from vector<1xi32>
    %add3A_135 = arith.addi %add3A_126, %squeeze3A_134 : i32
    %slice3A_136 = vector.extract_strided_slice %scan3A_13#1 {offsets = [13], sizes = [1], strides = [1]} : vector<16xi32> to vector<1xi32>
    %squeeze3A_137 = vector.extract %slice3A_136[0] : i32 from vector<1xi32>
    %add3A_138 = arith.addi %add3A_129, %squeeze3A_137 : i32
    %slice3A_139 = vector.extract_strided_slice %scan3A_13#2 {offsets = [13], sizes = [1], strides = [1]} : vector<16xi32> to vector<1xi32>
    %squeeze3A_140 = vector.extract %slice3A_139[0] : i32 from vector<1xi32>
    %add3A_141 = arith.addi %add3A_132, %squeeze3A_140 : i32
    %slice3A_142 = vector.extract_strided_slice %scan3A_13#0 {offsets = [14], sizes = [1], strides = [1]} : vector<16xi32> to vector<1xi32>
    %squeeze3A_143 = vector.extract %slice3A_142[0] : i32 from vector<1xi32>
    %add3A_144 = arith.addi %add3A_135, %squeeze3A_143 : i32
    %slice3A_145 = vector.extract_strided_slice %scan3A_13#1 {offsets = [14], sizes = [1], strides = [1]} : vector<16xi32> to vector<1xi32>
    %squeeze3A_146 = vector.extract %slice3A_145[0] : i32 from vector<1xi32>
    %add3A_147 = arith.addi %add3A_138, %squeeze3A_146 : i32
    %slice3A_148 = vector.extract_strided_slice %scan3A_13#2 {offsets = [14], sizes = [1], strides = [1]} : vector<16xi32> to vector<1xi32>
    %squeeze3A_149 = vector.extract %slice3A_148[0] : i32 from vector<1xi32>
    %add3A_150 = arith.addi %add3A_141, %squeeze3A_149 : i32
    %slice3A_151 = vector.extract_strided_slice %scan3A_13#0 {offsets = [15], sizes = [1], strides = [1]} : vector<16xi32> to vector<1xi32>
    %squeeze3A_152 = vector.extract %slice3A_151[0] : i32 from vector<1xi32>
    %add3A_153 = arith.addi %add3A_144, %squeeze3A_152 : i32
    %slice3A_154 = vector.extract_strided_slice %scan3A_13#1 {offsets = [15], sizes = [1], strides = [1]} : vector<16xi32> to vector<1xi32>
    %squeeze3A_155 = vector.extract %slice3A_154[0] : i32 from vector<1xi32>
    %add3A_156 = arith.addi %add3A_147, %squeeze3A_155 : i32
    %slice3A_157 = vector.extract_strided_slice %scan3A_13#2 {offsets = [15], sizes = [1], strides = [1]} : vector<16xi32> to vector<1xi32>
    %squeeze3A_158 = vector.extract %slice3A_157[0] : i32 from vector<1xi32>
    %add3A_159 = arith.addi %add3A_150, %squeeze3A_158 : i32
    %ge3A = arith.constant 4096 : i32
    %ge3A_160 = arith.cmpi sge, %add3A_153, %ge3A : i32
    %ge3A_161 = arith.constant 4096 : i32
    %ge3A_162 = arith.cmpi sge, %add3A_159, %ge3A_161 : i32
    %jit3A = arith.constant 0 : i32
    %select_n3A = arith.select %ge3A_162, %or3A_5, %jit3A : i32
    %ge3A_163 = arith.constant 4096 : i32
    %ge3A_164 = arith.cmpi sge, %add3A_156, %ge3A_163 : i32
    %jit3A_165 = arith.constant -2147483648 : i32
    %select_n3A_166 = arith.select %ge3A_164, %or3A_3, %jit3A_165 : i32
    %select_n3A_167 = arith.select %ge3A_160, %select_n3A, %select_n3A_166 : i32
    %shift_left3A_168 = arith.constant 1 : i32
    %shift_left3A_169 = arith.constant 28 : i32
    %shift_left3A_170 = arith.shli %shift_left3A_168, %shift_left3A_169 : i32
    %shift_left3A_171 = arith.constant 1 : i32
    %shift_left3A_172 = arith.constant 29 : i32
    %shift_left3A_173 = arith.shli %shift_left3A_171, %shift_left3A_172 : i32
    %or3A_174 = arith.ori %select_n3A_167, %shift_left3A_173 : i32
    %or3A_175 = arith.ori %select_n3A_167, %shift_left3A_170 : i32
    %or3A_176 = arith.ori %or3A_174, %shift_left3A_170 : i32
    %broadcast_in_dim3A_177 = arith.constant 0 : i32
    %broadcast_in_dim3A_178 = vector.broadcast %broadcast_in_dim3A_177 : i32 to vector<16xi32>
    %scan3A_179 = arith.constant 1 : i32
    %scan3A_180 = arith.constant 0 : i32
    %scan3A_181 = arith.constant 0 : i32
    %scan3A_182 = arith.constant 256 : i32
    %scan3A_183 = arith.addi %scan3A_181, %scan3A_182 : i32
    %scan3A_184 = arith.constant 1 : i32
    %scan3A_185:3 = scf.for %scan3A_2800 = %scan3A_181 to %scan3A_183 step %scan3A_184 iter_args(%scan3A_2801 = %broadcast_in_dim3A_178, %scan3A_2802 = %broadcast_in_dim3A_178, %scan3A_2803 = %broadcast_in_dim3A_178) -> (vector<16xi32>, vector<16xi32>, vector<16xi32>)  : i32 {
      %mul3A_2804 = arith.constant 2 : i32
      %mul3A_2805 = arith.muli %scan3A_2800, %mul3A_2804 : i32
      %add3A_2806 = arith.constant 0 : i32
      %add3A_2807 = arith.addi %mul3A_2805, %add3A_2806 : i32
      %mul3A_2808 = arith.constant 16 : i32
      %mul3A_2809 = arith.muli %add3A_2807, %mul3A_2808 : i32
      %get3A = arith.index_cast %mul3A_2809 : i32 to index
      %get3A_2810 = tpu.vector_load %arg4[%get3A] {strides = array<i32>} : memref<8192xi32, #tpu.memory_space<vmem>>, vector<16xi32>,
      %get3A_2811 = vector.shape_cast %get3A_2810 : vector<16xi32> to vector<16xi32>
      %ge3A_2812 = vector.broadcast %or3A_174 : i32 to vector<16xi32>
      %ge3A_2813 = arith.cmpi sge, %get3A_2811, %ge3A_2812 : vector<16xi32>
      %broadcast_in_dim3A_2814 = vector.broadcast %scan3A_179 : i32 to vector<16xi32>
      %broadcast_in_dim3A_2815 = vector.broadcast %scan3A_180 : i32 to vector<16xi32>
      %select_n3A_2816 = arith.select %ge3A_2813, %broadcast_in_dim3A_2814, %broadcast_in_dim3A_2815 : vector<16xi1>, vector<16xi32>
      %add3A_2817 = arith.addi %scan3A_2801, %select_n3A_2816 : vector<16xi32>
      %ge3A_2818 = vector.broadcast %or3A_175 : i32 to vector<16xi32>
      %ge3A_2819 = arith.cmpi sge, %get3A_2811, %ge3A_2818 : vector<16xi32>
      %broadcast_in_dim3A_2820 = vector.broadcast %scan3A_179 : i32 to vector<16xi32>
      %broadcast_in_dim3A_2821 = vector.broadcast %scan3A_180 : i32 to vector<16xi32>
      %select_n3A_2822 = arith.select %ge3A_2819, %broadcast_in_dim3A_2820, %broadcast_in_dim3A_2821 : vector<16xi1>, vector<16xi32>
      %add3A_2823 = arith.addi %scan3A_2802, %select_n3A_2822 : vector<16xi32>
      %ge3A_2824 = vector.broadcast %or3A_176 : i32 to vector<16xi32>
      %ge3A_2825 = arith.cmpi sge, %get3A_2811, %ge3A_2824 : vector<16xi32>
      %broadcast_in_dim3A_2826 = vector.broadcast %scan3A_179 : i32 to vector<16xi32>
      %broadcast_in_dim3A_2827 = vector.broadcast %scan3A_180 : i32 to vector<16xi32>
      %select_n3A_2828 = arith.select %ge3A_2825, %broadcast_in_dim3A_2826, %broadcast_in_dim3A_2827 : vector<16xi1>, vector<16xi32>
      %add3A_2829 = arith.addi %scan3A_2803, %select_n3A_2828 : vector<16xi32>
      %mul3A_2830 = arith.constant 2 : i32
      %mul3A_2831 = arith.muli %scan3A_2800, %mul3A_2830 : i32
      %add3A_2832 = arith.constant 1 : i32
      %add3A_2833 = arith.addi %mul3A_2831, %add3A_2832 : i32
      %mul3A_2834 = arith.constant 16 : i32
      %mul3A_2835 = arith.muli %add3A_2833, %mul3A_2834 : i32
      %get3A_2836 = arith.index_cast %mul3A_2835 : i32 to index
      %get3A_2837 = tpu.vector_load %arg4[%get3A_2836] {strides = array<i32>} : memref<8192xi32, #tpu.memory_space<vmem>>, vector<16xi32>,
      %get3A_2838 = vector.shape_cast %get3A_2837 : vector<16xi32> to vector<16xi32>
      %ge3A_2839 = vector.broadcast %or3A_174 : i32 to vector<16xi32>
      %ge3A_2840 = arith.cmpi sge, %get3A_2838, %ge3A_2839 : vector<16xi32>
      %broadcast_in_dim3A_2841 = vector.broadcast %scan3A_179 : i32 to vector<16xi32>
      %broadcast_in_dim3A_2842 = vector.broadcast %scan3A_180 : i32 to vector<16xi32>
      %select_n3A_2843 = arith.select %ge3A_2840, %broadcast_in_dim3A_2841, %broadcast_in_dim3A_2842 : vector<16xi1>, vector<16xi32>
      %add3A_2844 = arith.addi %add3A_2817, %select_n3A_2843 : vector<16xi32>
      %ge3A_2845 = vector.broadcast %or3A_175 : i32 to vector<16xi32>
      %ge3A_2846 = arith.cmpi sge, %get3A_2838, %ge3A_2845 : vector<16xi32>
      %broadcast_in_dim3A_2847 = vector.broadcast %scan3A_179 : i32 to vector<16xi32>
      %broadcast_in_dim3A_2848 = vector.broadcast %scan3A_180 : i32 to vector<16xi32>
      %select_n3A_2849 = arith.select %ge3A_2846, %broadcast_in_dim3A_2847, %broadcast_in_dim3A_2848 : vector<16xi1>, vector<16xi32>
      %add3A_2850 = arith.addi %add3A_2823, %select_n3A_2849 : vector<16xi32>
      %ge3A_2851 = vector.broadcast %or3A_176 : i32 to vector<16xi32>
      %ge3A_2852 = arith.cmpi sge, %get3A_2838, %ge3A_2851 : vector<16xi32>
      %broadcast_in_dim3A_2853 = vector.broadcast %scan3A_179 : i32 to vector<16xi32>
      %broadcast_in_dim3A_2854 = vector.broadcast %scan3A_180 : i32 to vector<16xi32>
      %select_n3A_2855 = arith.select %ge3A_2852, %broadcast_in_dim3A_2853, %broadcast_in_dim3A_2854 : vector<16xi1>, vector<16xi32>
      %add3A_2856 = arith.addi %add3A_2829, %select_n3A_2855 : vector<16xi32>
      scf.yield %add3A_2844, %add3A_2850, %add3A_2856 : vector<16xi32>, vector<16xi32>, vector<16xi32>
    }
    %scan3A_186 = arith.constant 256 : i32
    %slice3A_187 = vector.extract_strided_slice %scan3A_185#0 {offsets = [0], sizes = [1], strides = [1]} : vector<16xi32> to vector<1xi32>
    %squeeze3A_188 = vector.extract %slice3A_187[0] : i32 from vector<1xi32>
    %add3A_189 = arith.constant 0 : i32
    %add3A_190 = arith.addi %add3A_189, %squeeze3A_188 : i32
    %slice3A_191 = vector.extract_strided_slice %scan3A_185#1 {offsets = [0], sizes = [1], strides = [1]} : vector<16xi32> to vector<1xi32>
    %squeeze3A_192 = vector.extract %slice3A_191[0] : i32 from vector<1xi32>
    %add3A_193 = arith.constant 0 : i32
    %add3A_194 = arith.addi %add3A_193, %squeeze3A_192 : i32
    %slice3A_195 = vector.extract_strided_slice %scan3A_185#2 {offsets = [0], sizes = [1], strides = [1]} : vector<16xi32> to vector<1xi32>
    %squeeze3A_196 = vector.extract %slice3A_195[0] : i32 from vector<1xi32>
    %add3A_197 = arith.constant 0 : i32
    %add3A_198 = arith.addi %add3A_197, %squeeze3A_196 : i32
    %slice3A_199 = vector.extract_strided_slice %scan3A_185#0 {offsets = [1], sizes = [1], strides = [1]} : vector<16xi32> to vector<1xi32>
    %squeeze3A_200 = vector.extract %slice3A_199[0] : i32 from vector<1xi32>
    %add3A_201 = arith.addi %add3A_190, %squeeze3A_200 : i32
    %slice3A_202 = vector.extract_strided_slice %scan3A_185#1 {offsets = [1], sizes = [1], strides = [1]} : vector<16xi32> to vector<1xi32>
    %squeeze3A_203 = vector.extract %slice3A_202[0] : i32 from vector<1xi32>
    %add3A_204 = arith.addi %add3A_194, %squeeze3A_203 : i32
    %slice3A_205 = vector.extract_strided_slice %scan3A_185#2 {offsets = [1], sizes = [1], strides = [1]} : vector<16xi32> to vector<1xi32>
    %squeeze3A_206 = vector.extract %slice3A_205[0] : i32 from vector<1xi32>
    %add3A_207 = arith.addi %add3A_198, %squeeze3A_206 : i32
    %slice3A_208 = vector.extract_strided_slice %scan3A_185#0 {offsets = [2], sizes = [1], strides = [1]} : vector<16xi32> to vector<1xi32>
    %squeeze3A_209 = vector.extract %slice3A_208[0] : i32 from vector<1xi32>
    %add3A_210 = arith.addi %add3A_201, %squeeze3A_209 : i32
    %slice3A_211 = vector.extract_strided_slice %scan3A_185#1 {offsets = [2], sizes = [1], strides = [1]} : vector<16xi32> to vector<1xi32>
    %squeeze3A_212 = vector.extract %slice3A_211[0] : i32 from vector<1xi32>
    %add3A_213 = arith.addi %add3A_204, %squeeze3A_212 : i32
    %slice3A_214 = vector.extract_strided_slice %scan3A_185#2 {offsets = [2], sizes = [1], strides = [1]} : vector<16xi32> to vector<1xi32>
    %squeeze3A_215 = vector.extract %slice3A_214[0] : i32 from vector<1xi32>
    %add3A_216 = arith.addi %add3A_207, %squeeze3A_215 : i32
    %slice3A_217 = vector.extract_strided_slice %scan3A_185#0 {offsets = [3], sizes = [1], strides = [1]} : vector<16xi32> to vector<1xi32>
    %squeeze3A_218 = vector.extract %slice3A_217[0] : i32 from vector<1xi32>
    %add3A_219 = arith.addi %add3A_210, %squeeze3A_218 : i32
    %slice3A_220 = vector.extract_strided_slice %scan3A_185#1 {offsets = [3], sizes = [1], strides = [1]} : vector<16xi32> to vector<1xi32>
    %squeeze3A_221 = vector.extract %slice3A_220[0] : i32 from vector<1xi32>
    %add3A_222 = arith.addi %add3A_213, %squeeze3A_221 : i32
    %slice3A_223 = vector.extract_strided_slice %scan3A_185#2 {offsets = [3], sizes = [1], strides = [1]} : vector<16xi32> to vector<1xi32>
    %squeeze3A_224 = vector.extract %slice3A_223[0] : i32 from vector<1xi32>
    %add3A_225 = arith.addi %add3A_216, %squeeze3A_224 : i32
    %slice3A_226 = vector.extract_strided_slice %scan3A_185#0 {offsets = [4], sizes = [1], strides = [1]} : vector<16xi32> to vector<1xi32>
    %squeeze3A_227 = vector.extract %slice3A_226[0] : i32 from vector<1xi32>
    %add3A_228 = arith.addi %add3A_219, %squeeze3A_227 : i32
    %slice3A_229 = vector.extract_strided_slice %scan3A_185#1 {offsets = [4], sizes = [1], strides = [1]} : vector<16xi32> to vector<1xi32>
    %squeeze3A_230 = vector.extract %slice3A_229[0] : i32 from vector<1xi32>
    %add3A_231 = arith.addi %add3A_222, %squeeze3A_230 : i32
    %slice3A_232 = vector.extract_strided_slice %scan3A_185#2 {offsets = [4], sizes = [1], strides = [1]} : vector<16xi32> to vector<1xi32>
    %squeeze3A_233 = vector.extract %slice3A_232[0] : i32 from vector<1xi32>
    %add3A_234 = arith.addi %add3A_225, %squeeze3A_233 : i32
    %slice3A_235 = vector.extract_strided_slice %scan3A_185#0 {offsets = [5], sizes = [1], strides = [1]} : vector<16xi32> to vector<1xi32>
    %squeeze3A_236 = vector.extract %slice3A_235[0] : i32 from vector<1xi32>
    %add3A_237 = arith.addi %add3A_228, %squeeze3A_236 : i32
    %slice3A_238 = vector.extract_strided_slice %scan3A_185#1 {offsets = [5], sizes = [1], strides = [1]} : vector<16xi32> to vector<1xi32>
    %squeeze3A_239 = vector.extract %slice3A_238[0] : i32 from vector<1xi32>
    %add3A_240 = arith.addi %add3A_231, %squeeze3A_239 : i32
    %slice3A_241 = vector.extract_strided_slice %scan3A_185#2 {offsets = [5], sizes = [1], strides = [1]} : vector<16xi32> to vector<1xi32>
    %squeeze3A_242 = vector.extract %slice3A_241[0] : i32 from vector<1xi32>
    %add3A_243 = arith.addi %add3A_234, %squeeze3A_242 : i32
    %slice3A_244 = vector.extract_strided_slice %scan3A_185#0 {offsets = [6], sizes = [1], strides = [1]} : vector<16xi32> to vector<1xi32>
    %squeeze3A_245 = vector.extract %slice3A_244[0] : i32 from vector<1xi32>
    %add3A_246 = arith.addi %add3A_237, %squeeze3A_245 : i32
    %slice3A_247 = vector.extract_strided_slice %scan3A_185#1 {offsets = [6], sizes = [1], strides = [1]} : vector<16xi32> to vector<1xi32>
    %squeeze3A_248 = vector.extract %slice3A_247[0] : i32 from vector<1xi32>
    %add3A_249 = arith.addi %add3A_240, %squeeze3A_248 : i32
    %slice3A_250 = vector.extract_strided_slice %scan3A_185#2 {offsets = [6], sizes = [1], strides = [1]} : vector<16xi32> to vector<1xi32>
    %squeeze3A_251 = vector.extract %slice3A_250[0] : i32 from vector<1xi32>
    %add3A_252 = arith.addi %add3A_243, %squeeze3A_251 : i32
    %slice3A_253 = vector.extract_strided_slice %scan3A_185#0 {offsets = [7], sizes = [1], strides = [1]} : vector<16xi32> to vector<1xi32>
    %squeeze3A_254 = vector.extract %slice3A_253[0] : i32 from vector<1xi32>
    %add3A_255 = arith.addi %add3A_246, %squeeze3A_254 : i32
    %slice3A_256 = vector.extract_strided_slice %scan3A_185#1 {offsets = [7], sizes = [1], strides = [1]} : vector<16xi32> to vector<1xi32>
    %squeeze3A_257 = vector.extract %slice3A_256[0] : i32 from vector<1xi32>
    %add3A_258 = arith.addi %add3A_249, %squeeze3A_257 : i32
    %slice3A_259 = vector.extract_strided_slice %scan3A_185#2 {offsets = [7], sizes = [1], strides = [1]} : vector<16xi32> to vector<1xi32>
    %squeeze3A_260 = vector.extract %slice3A_259[0] : i32 from vector<1xi32>
    %add3A_261 = arith.addi %add3A_252, %squeeze3A_260 : i32
    %slice3A_262 = vector.extract_strided_slice %scan3A_185#0 {offsets = [8], sizes = [1], strides = [1]} : vector<16xi32> to vector<1xi32>
    %squeeze3A_263 = vector.extract %slice3A_262[0] : i32 from vector<1xi32>
    %add3A_264 = arith.addi %add3A_255, %squeeze3A_263 : i32
    %slice3A_265 = vector.extract_strided_slice %scan3A_185#1 {offsets = [8], sizes = [1], strides = [1]} : vector<16xi32> to vector<1xi32>
    %squeeze3A_266 = vector.extract %slice3A_265[0] : i32 from vector<1xi32>
    %add3A_267 = arith.addi %add3A_258, %squeeze3A_266 : i32
    %slice3A_268 = vector.extract_strided_slice %scan3A_185#2 {offsets = [8], sizes = [1], strides = [1]} : vector<16xi32> to vector<1xi32>
    %squeeze3A_269 = vector.extract %slice3A_268[0] : i32 from vector<1xi32>
    %add3A_270 = arith.addi %add3A_261, %squeeze3A_269 : i32
    %slice3A_271 = vector.extract_strided_slice %scan3A_185#0 {offsets = [9], sizes = [1], strides = [1]} : vector<16xi32> to vector<1xi32>
    %squeeze3A_272 = vector.extract %slice3A_271[0] : i32 from vector<1xi32>
    %add3A_273 = arith.addi %add3A_264, %squeeze3A_272 : i32
    %slice3A_274 = vector.extract_strided_slice %scan3A_185#1 {offsets = [9], sizes = [1], strides = [1]} : vector<16xi32> to vector<1xi32>
    %squeeze3A_275 = vector.extract %slice3A_274[0] : i32 from vector<1xi32>
    %add3A_276 = arith.addi %add3A_267, %squeeze3A_275 : i32
    %slice3A_277 = vector.extract_strided_slice %scan3A_185#2 {offsets = [9], sizes = [1], strides = [1]} : vector<16xi32> to vector<1xi32>
    %squeeze3A_278 = vector.extract %slice3A_277[0] : i32 from vector<1xi32>
    %add3A_279 = arith.addi %add3A_270, %squeeze3A_278 : i32
    %slice3A_280 = vector.extract_strided_slice %scan3A_185#0 {offsets = [10], sizes = [1], strides = [1]} : vector<16xi32> to vector<1xi32>
    %squeeze3A_281 = vector.extract %slice3A_280[0] : i32 from vector<1xi32>
    %add3A_282 = arith.addi %add3A_273, %squeeze3A_281 : i32
    %slice3A_283 = vector.extract_strided_slice %scan3A_185#1 {offsets = [10], sizes = [1], strides = [1]} : vector<16xi32> to vector<1xi32>
    %squeeze3A_284 = vector.extract %slice3A_283[0] : i32 from vector<1xi32>
    %add3A_285 = arith.addi %add3A_276, %squeeze3A_284 : i32
    %slice3A_286 = vector.extract_strided_slice %scan3A_185#2 {offsets = [10], sizes = [1], strides = [1]} : vector<16xi32> to vector<1xi32>
    %squeeze3A_287 = vector.extract %slice3A_286[0] : i32 from vector<1xi32>
    %add3A_288 = arith.addi %add3A_279, %squeeze3A_287 : i32
    %slice3A_289 = vector.extract_strided_slice %scan3A_185#0 {offsets = [11], sizes = [1], strides = [1]} : vector<16xi32> to vector<1xi32>
    %squeeze3A_290 = vector.extract %slice3A_289[0] : i32 from vector<1xi32>
    %add3A_291 = arith.addi %add3A_282, %squeeze3A_290 : i32
    %slice3A_292 = vector.extract_strided_slice %scan3A_185#1 {offsets = [11], sizes = [1], strides = [1]} : vector<16xi32> to vector<1xi32>
    %squeeze3A_293 = vector.extract %slice3A_292[0] : i32 from vector<1xi32>
    %add3A_294 = arith.addi %add3A_285, %squeeze3A_293 : i32
    %slice3A_295 = vector.extract_strided_slice %scan3A_185#2 {offsets = [11], sizes = [1], strides = [1]} : vector<16xi32> to vector<1xi32>
    %squeeze3A_296 = vector.extract %slice3A_295[0] : i32 from vector<1xi32>
    %add3A_297 = arith.addi %add3A_288, %squeeze3A_296 : i32
    %slice3A_298 = vector.extract_strided_slice %scan3A_185#0 {offsets = [12], sizes = [1], strides = [1]} : vector<16xi32> to vector<1xi32>
    %squeeze3A_299 = vector.extract %slice3A_298[0] : i32 from vector<1xi32>
    %add3A_300 = arith.addi %add3A_291, %squeeze3A_299 : i32
    %slice3A_301 = vector.extract_strided_slice %scan3A_185#1 {offsets = [12], sizes = [1], strides = [1]} : vector<16xi32> to vector<1xi32>
    %squeeze3A_302 = vector.extract %slice3A_301[0] : i32 from vector<1xi32>
    %add3A_303 = arith.addi %add3A_294, %squeeze3A_302 : i32
    %slice3A_304 = vector.extract_strided_slice %scan3A_185#2 {offsets = [12], sizes = [1], strides = [1]} : vector<16xi32> to vector<1xi32>
    %squeeze3A_305 = vector.extract %slice3A_304[0] : i32 from vector<1xi32>
    %add3A_306 = arith.addi %add3A_297, %squeeze3A_305 : i32
    %slice3A_307 = vector.extract_strided_slice %scan3A_185#0 {offsets = [13], sizes = [1], strides = [1]} : vector<16xi32> to vector<1xi32>
    %squeeze3A_308 = vector.extract %slice3A_307[0] : i32 from vector<1xi32>
    %add3A_309 = arith.addi %add3A_300, %squeeze3A_308 : i32
    %slice3A_310 = vector.extract_strided_slice %scan3A_185#1 {offsets = [13], sizes = [1], strides = [1]} : vector<16xi32> to vector<1xi32>
    %squeeze3A_311 = vector.extract %slice3A_310[0] : i32 from vector<1xi32>
    %add3A_312 = arith.addi %add3A_303, %squeeze3A_311 : i32
    %slice3A_313 = vector.extract_strided_slice %scan3A_185#2 {offsets = [13], sizes = [1], strides = [1]} : vector<16xi32> to vector<1xi32>
    %squeeze3A_314 = vector.extract %slice3A_313[0] : i32 from vector<1xi32>
    %add3A_315 = arith.addi %add3A_306, %squeeze3A_314 : i32
    %slice3A_316 = vector.extract_strided_slice %scan3A_185#0 {offsets = [14], sizes = [1], strides = [1]} : vector<16xi32> to vector<1xi32>
    %squeeze3A_317 = vector.extract %slice3A_316[0] : i32 from vector<1xi32>
    %add3A_318 = arith.addi %add3A_309, %squeeze3A_317 : i32
    %slice3A_319 = vector.extract_strided_slice %scan3A_185#1 {offsets = [14], sizes = [1], strides = [1]} : vector<16xi32> to vector<1xi32>
    %squeeze3A_320 = vector.extract %slice3A_319[0] : i32 from vector<1xi32>
    %add3A_321 = arith.addi %add3A_312, %squeeze3A_320 : i32
    %slice3A_322 = vector.extract_strided_slice %scan3A_185#2 {offsets = [14], sizes = [1], strides = [1]} : vector<16xi32> to vector<1xi32>
    %squeeze3A_323 = vector.extract %slice3A_322[0] : i32 from vector<1xi32>
    %add3A_324 = arith.addi %add3A_315, %squeeze3A_323 : i32
    %slice3A_325 = vector.extract_strided_slice %scan3A_185#0 {offsets = [15], sizes = [1], strides = [1]} : vector<16xi32> to vector<1xi32>
    %squeeze3A_326 = vector.extract %slice3A_325[0] : i32 from vector<1xi32>
    %add3A_327 = arith.addi %add3A_318, %squeeze3A_326 : i32
    %slice3A_328 = vector.extract_strided_slice %scan3A_185#1 {offsets = [15], sizes = [1], strides = [1]} : vector<16xi32> to vector<1xi32>
    %squeeze3A_329 = vector.extract %slice3A_328[0] : i32 from vector<1xi32>
    %add3A_330 = arith.addi %add3A_321, %squeeze3A_329 : i32
    %slice3A_331 = vector.extract_strided_slice %scan3A_185#2 {offsets = [15], sizes = [1], strides = [1]} : vector<16xi32> to vector<1xi32>
    %squeeze3A_332 = vector.extract %slice3A_331[0] : i32 from vector<1xi32>
    %add3A_333 = arith.addi %add3A_324, %squeeze3A_332 : i32
    %ge3A_334 = arith.constant 4096 : i32
    %ge3A_335 = arith.cmpi sge, %add3A_327, %ge3A_334 : i32
    %ge3A_336 = arith.constant 4096 : i32
    %ge3A_337 = arith.cmpi sge, %add3A_333, %ge3A_336 : i32
    %select_n3A_338 = arith.select %ge3A_337, %or3A_176, %or3A_174 : i32
    %ge3A_339 = arith.constant 4096 : i32
    %ge3A_340 = arith.cmpi sge, %add3A_330, %ge3A_339 : i32
    %select_n3A_341 = arith.select %ge3A_340, %or3A_175, %select_n3A_167 : i32
    %select_n3A_342 = arith.select %ge3A_335, %select_n3A_338, %select_n3A_341 : i32
    %shift_left3A_343 = arith.constant 1 : i32
    %shift_left3A_344 = arith.constant 26 : i32
    %shift_left3A_345 = arith.shli %shift_left3A_343, %shift_left3A_344 : i32
    %shift_left3A_346 = arith.constant 1 : i32
    %shift_left3A_347 = arith.constant 27 : i32
    %shift_left3A_348 = arith.shli %shift_left3A_346, %shift_left3A_347 : i32
    %or3A_349 = arith.ori %select_n3A_342, %shift_left3A_348 : i32
    %or3A_350 = arith.ori %select_n3A_342, %shift_left3A_345 : i32
    %or3A_351 = arith.ori %or3A_349, %shift_left3A_345 : i32
    %broadcast_in_dim3A_352 = arith.constant 0 : i32
    %broadcast_in_dim3A_353 = vector.broadcast %broadcast_in_dim3A_352 : i32 to vector<16xi32>
    %scan3A_354 = arith.constant 1 : i32
    %scan3A_355 = arith.constant 0 : i32
    %scan3A_356 = arith.constant 0 : i32
    %scan3A_357 = arith.constant 256 : i32
    %scan3A_358 = arith.addi %scan3A_356, %scan3A_357 : i32
    %scan3A_359 = arith.constant 1 : i32
    %scan3A_360:3 = scf.for %scan3A_2800 = %scan3A_356 to %scan3A_358 step %scan3A_359 iter_args(%scan3A_2801 = %broadcast_in_dim3A_353, %scan3A_2802 = %broadcast_in_dim3A_353, %scan3A_2803 = %broadcast_in_dim3A_353) -> (vector<16xi32>, vector<16xi32>, vector<16xi32>)  : i32 {
      %mul3A_2804 = arith.constant 2 : i32
      %mul3A_2805 = arith.muli %scan3A_2800, %mul3A_2804 : i32
      %add3A_2806 = arith.constant 0 : i32
      %add3A_2807 = arith.addi %mul3A_2805, %add3A_2806 : i32
      %mul3A_2808 = arith.constant 16 : i32
      %mul3A_2809 = arith.muli %add3A_2807, %mul3A_2808 : i32
      %get3A = arith.index_cast %mul3A_2809 : i32 to index
      %get3A_2810 = tpu.vector_load %arg4[%get3A] {strides = array<i32>} : memref<8192xi32, #tpu.memory_space<vmem>>, vector<16xi32>,
      %get3A_2811 = vector.shape_cast %get3A_2810 : vector<16xi32> to vector<16xi32>
      %ge3A_2812 = vector.broadcast %or3A_349 : i32 to vector<16xi32>
      %ge3A_2813 = arith.cmpi sge, %get3A_2811, %ge3A_2812 : vector<16xi32>
      %broadcast_in_dim3A_2814 = vector.broadcast %scan3A_354 : i32 to vector<16xi32>
      %broadcast_in_dim3A_2815 = vector.broadcast %scan3A_355 : i32 to vector<16xi32>
      %select_n3A_2816 = arith.select %ge3A_2813, %broadcast_in_dim3A_2814, %broadcast_in_dim3A_2815 : vector<16xi1>, vector<16xi32>
      %add3A_2817 = arith.addi %scan3A_2801, %select_n3A_2816 : vector<16xi32>
      %ge3A_2818 = vector.broadcast %or3A_350 : i32 to vector<16xi32>
      %ge3A_2819 = arith.cmpi sge, %get3A_2811, %ge3A_2818 : vector<16xi32>
      %broadcast_in_dim3A_2820 = vector.broadcast %scan3A_354 : i32 to vector<16xi32>
      %broadcast_in_dim3A_2821 = vector.broadcast %scan3A_355 : i32 to vector<16xi32>
      %select_n3A_2822 = arith.select %ge3A_2819, %broadcast_in_dim3A_2820, %broadcast_in_dim3A_2821 : vector<16xi1>, vector<16xi32>
      %add3A_2823 = arith.addi %scan3A_2802, %select_n3A_2822 : vector<16xi32>
      %ge3A_2824 = vector.broadcast %or3A_351 : i32 to vector<16xi32>
      %ge3A_2825 = arith.cmpi sge, %get3A_2811, %ge3A_2824 : vector<16xi32>
      %broadcast_in_dim3A_2826 = vector.broadcast %scan3A_354 : i32 to vector<16xi32>
      %broadcast_in_dim3A_2827 = vector.broadcast %scan3A_355 : i32 to vector<16xi32>
      %select_n3A_2828 = arith.select %ge3A_2825, %broadcast_in_dim3A_2826, %broadcast_in_dim3A_2827 : vector<16xi1>, vector<16xi32>
      %add3A_2829 = arith.addi %scan3A_2803, %select_n3A_2828 : vector<16xi32>
      %mul3A_2830 = arith.constant 2 : i32
      %mul3A_2831 = arith.muli %scan3A_2800, %mul3A_2830 : i32
      %add3A_2832 = arith.constant 1 : i32
      %add3A_2833 = arith.addi %mul3A_2831, %add3A_2832 : i32
      %mul3A_2834 = arith.constant 16 : i32
      %mul3A_2835 = arith.muli %add3A_2833, %mul3A_2834 : i32
      %get3A_2836 = arith.index_cast %mul3A_2835 : i32 to index
      %get3A_2837 = tpu.vector_load %arg4[%get3A_2836] {strides = array<i32>} : memref<8192xi32, #tpu.memory_space<vmem>>, vector<16xi32>,
      %get3A_2838 = vector.shape_cast %get3A_2837 : vector<16xi32> to vector<16xi32>
      %ge3A_2839 = vector.broadcast %or3A_349 : i32 to vector<16xi32>
      %ge3A_2840 = arith.cmpi sge, %get3A_2838, %ge3A_2839 : vector<16xi32>
      %broadcast_in_dim3A_2841 = vector.broadcast %scan3A_354 : i32 to vector<16xi32>
      %broadcast_in_dim3A_2842 = vector.broadcast %scan3A_355 : i32 to vector<16xi32>
      %select_n3A_2843 = arith.select %ge3A_2840, %broadcast_in_dim3A_2841, %broadcast_in_dim3A_2842 : vector<16xi1>, vector<16xi32>
      %add3A_2844 = arith.addi %add3A_2817, %select_n3A_2843 : vector<16xi32>
      %ge3A_2845 = vector.broadcast %or3A_350 : i32 to vector<16xi32>
      %ge3A_2846 = arith.cmpi sge, %get3A_2838, %ge3A_2845 : vector<16xi32>
      %broadcast_in_dim3A_2847 = vector.broadcast %scan3A_354 : i32 to vector<16xi32>
      %broadcast_in_dim3A_2848 = vector.broadcast %scan3A_355 : i32 to vector<16xi32>
      %select_n3A_2849 = arith.select %ge3A_2846, %broadcast_in_dim3A_2847, %broadcast_in_dim3A_2848 : vector<16xi1>, vector<16xi32>
      %add3A_2850 = arith.addi %add3A_2823, %select_n3A_2849 : vector<16xi32>
      %ge3A_2851 = vector.broadcast %or3A_351 : i32 to vector<16xi32>
      %ge3A_2852 = arith.cmpi sge, %get3A_2838, %ge3A_2851 : vector<16xi32>
      %broadcast_in_dim3A_2853 = vector.broadcast %scan3A_354 : i32 to vector<16xi32>
      %broadcast_in_dim3A_2854 = vector.broadcast %scan3A_355 : i32 to vector<16xi32>
      %select_n3A_2855 = arith.select %ge3A_2852, %broadcast_in_dim3A_2853, %broadcast_in_dim3A_2854 : vector<16xi1>, vector<16xi32>
      %add3A_2856 = arith.addi %add3A_2829, %select_n3A_2855 : vector<16xi32>
      scf.yield %add3A_2844, %add3A_2850, %add3A_2856 : vector<16xi32>, vector<16xi32>, vector<16xi32>
    }
    %scan3A_361 = arith.constant 256 : i32
    %slice3A_362 = vector.extract_strided_slice %scan3A_360#0 {offsets = [0], sizes = [1], strides = [1]} : vector<16xi32> to vector<1xi32>
    %squeeze3A_363 = vector.extract %slice3A_362[0] : i32 from vector<1xi32>
    %add3A_364 = arith.constant 0 : i32
    %add3A_365 = arith.addi %add3A_364, %squeeze3A_363 : i32
    %slice3A_366 = vector.extract_strided_slice %scan3A_360#1 {offsets = [0], sizes = [1], strides = [1]} : vector<16xi32> to vector<1xi32>
    %squeeze3A_367 = vector.extract %slice3A_366[0] : i32 from vector<1xi32>
    %add3A_368 = arith.constant 0 : i32
    %add3A_369 = arith.addi %add3A_368, %squeeze3A_367 : i32
    %slice3A_370 = vector.extract_strided_slice %scan3A_360#2 {offsets = [0], sizes = [1], strides = [1]} : vector<16xi32> to vector<1xi32>
    %squeeze3A_371 = vector.extract %slice3A_370[0] : i32 from vector<1xi32>
    %add3A_372 = arith.constant 0 : i32
    %add3A_373 = arith.addi %add3A_372, %squeeze3A_371 : i32
    %slice3A_374 = vector.extract_strided_slice %scan3A_360#0 {offsets = [1], sizes = [1], strides = [1]} : vector<16xi32> to vector<1xi32>
    %squeeze3A_375 = vector.extract %slice3A_374[0] : i32 from vector<1xi32>
    %add3A_376 = arith.addi %add3A_365, %squeeze3A_375 : i32
    %slice3A_377 = vector.extract_strided_slice %scan3A_360#1 {offsets = [1], sizes = [1], strides = [1]} : vector<16xi32> to vector<1xi32>
    %squeeze3A_378 = vector.extract %slice3A_377[0] : i32 from vector<1xi32>
    %add3A_379 = arith.addi %add3A_369, %squeeze3A_378 : i32
    %slice3A_380 = vector.extract_strided_slice %scan3A_360#2 {offsets = [1], sizes = [1], strides = [1]} : vector<16xi32> to vector<1xi32>
    %squeeze3A_381 = vector.extract %slice3A_380[0] : i32 from vector<1xi32>
    %add3A_382 = arith.addi %add3A_373, %squeeze3A_381 : i32
    %slice3A_383 = vector.extract_strided_slice %scan3A_360#0 {offsets = [2], sizes = [1], strides = [1]} : vector<16xi32> to vector<1xi32>
    %squeeze3A_384 = vector.extract %slice3A_383[0] : i32 from vector<1xi32>
    %add3A_385 = arith.addi %add3A_376, %squeeze3A_384 : i32
    %slice3A_386 = vector.extract_strided_slice %scan3A_360#1 {offsets = [2], sizes = [1], strides = [1]} : vector<16xi32> to vector<1xi32>
    %squeeze3A_387 = vector.extract %slice3A_386[0] : i32 from vector<1xi32>
    %add3A_388 = arith.addi %add3A_379, %squeeze3A_387 : i32
    %slice3A_389 = vector.extract_strided_slice %scan3A_360#2 {offsets = [2], sizes = [1], strides = [1]} : vector<16xi32> to vector<1xi32>
    %squeeze3A_390 = vector.extract %slice3A_389[0] : i32 from vector<1xi32>
    %add3A_391 = arith.addi %add3A_382, %squeeze3A_390 : i32
    %slice3A_392 = vector.extract_strided_slice %scan3A_360#0 {offsets = [3], sizes = [1], strides = [1]} : vector<16xi32> to vector<1xi32>
    %squeeze3A_393 = vector.extract %slice3A_392[0] : i32 from vector<1xi32>
    %add3A_394 = arith.addi %add3A_385, %squeeze3A_393 : i32
    %slice3A_395 = vector.extract_strided_slice %scan3A_360#1 {offsets = [3], sizes = [1], strides = [1]} : vector<16xi32> to vector<1xi32>
    %squeeze3A_396 = vector.extract %slice3A_395[0] : i32 from vector<1xi32>
    %add3A_397 = arith.addi %add3A_388, %squeeze3A_396 : i32
    %slice3A_398 = vector.extract_strided_slice %scan3A_360#2 {offsets = [3], sizes = [1], strides = [1]} : vector<16xi32> to vector<1xi32>
    %squeeze3A_399 = vector.extract %slice3A_398[0] : i32 from vector<1xi32>
    %add3A_400 = arith.addi %add3A_391, %squeeze3A_399 : i32
    %slice3A_401 = vector.extract_strided_slice %scan3A_360#0 {offsets = [4], sizes = [1], strides = [1]} : vector<16xi32> to vector<1xi32>
    %squeeze3A_402 = vector.extract %slice3A_401[0] : i32 from vector<1xi32>
    %add3A_403 = arith.addi %add3A_394, %squeeze3A_402 : i32
    %slice3A_404 = vector.extract_strided_slice %scan3A_360#1 {offsets = [4], sizes = [1], strides = [1]} : vector<16xi32> to vector<1xi32>
    %squeeze3A_405 = vector.extract %slice3A_404[0] : i32 from vector<1xi32>
    %add3A_406 = arith.addi %add3A_397, %squeeze3A_405 : i32
    %slice3A_407 = vector.extract_strided_slice %scan3A_360#2 {offsets = [4], sizes = [1], strides = [1]} : vector<16xi32> to vector<1xi32>
    %squeeze3A_408 = vector.extract %slice3A_407[0] : i32 from vector<1xi32>
    %add3A_409 = arith.addi %add3A_400, %squeeze3A_408 : i32
    %slice3A_410 = vector.extract_strided_slice %scan3A_360#0 {offsets = [5], sizes = [1], strides = [1]} : vector<16xi32> to vector<1xi32>
    %squeeze3A_411 = vector.extract %slice3A_410[0] : i32 from vector<1xi32>
    %add3A_412 = arith.addi %add3A_403, %squeeze3A_411 : i32
    %slice3A_413 = vector.extract_strided_slice %scan3A_360#1 {offsets = [5], sizes = [1], strides = [1]} : vector<16xi32> to vector<1xi32>
    %squeeze3A_414 = vector.extract %slice3A_413[0] : i32 from vector<1xi32>
    %add3A_415 = arith.addi %add3A_406, %squeeze3A_414 : i32
    %slice3A_416 = vector.extract_strided_slice %scan3A_360#2 {offsets = [5], sizes = [1], strides = [1]} : vector<16xi32> to vector<1xi32>
    %squeeze3A_417 = vector.extract %slice3A_416[0] : i32 from vector<1xi32>
    %add3A_418 = arith.addi %add3A_409, %squeeze3A_417 : i32
    %slice3A_419 = vector.extract_strided_slice %scan3A_360#0 {offsets = [6], sizes = [1], strides = [1]} : vector<16xi32> to vector<1xi32>
    %squeeze3A_420 = vector.extract %slice3A_419[0] : i32 from vector<1xi32>
    %add3A_421 = arith.addi %add3A_412, %squeeze3A_420 : i32
    %slice3A_422 = vector.extract_strided_slice %scan3A_360#1 {offsets = [6], sizes = [1], strides = [1]} : vector<16xi32> to vector<1xi32>
    %squeeze3A_423 = vector.extract %slice3A_422[0] : i32 from vector<1xi32>
    %add3A_424 = arith.addi %add3A_415, %squeeze3A_423 : i32
    %slice3A_425 = vector.extract_strided_slice %scan3A_360#2 {offsets = [6], sizes = [1], strides = [1]} : vector<16xi32> to vector<1xi32>
    %squeeze3A_426 = vector.extract %slice3A_425[0] : i32 from vector<1xi32>
    %add3A_427 = arith.addi %add3A_418, %squeeze3A_426 : i32
    %slice3A_428 = vector.extract_strided_slice %scan3A_360#0 {offsets = [7], sizes = [1], strides = [1]} : vector<16xi32> to vector<1xi32>
    %squeeze3A_429 = vector.extract %slice3A_428[0] : i32 from vector<1xi32>
    %add3A_430 = arith.addi %add3A_421, %squeeze3A_429 : i32
    %slice3A_431 = vector.extract_strided_slice %scan3A_360#1 {offsets = [7], sizes = [1], strides = [1]} : vector<16xi32> to vector<1xi32>
    %squeeze3A_432 = vector.extract %slice3A_431[0] : i32 from vector<1xi32>
    %add3A_433 = arith.addi %add3A_424, %squeeze3A_432 : i32
    %slice3A_434 = vector.extract_strided_slice %scan3A_360#2 {offsets = [7], sizes = [1], strides = [1]} : vector<16xi32> to vector<1xi32>
    %squeeze3A_435 = vector.extract %slice3A_434[0] : i32 from vector<1xi32>
    %add3A_436 = arith.addi %add3A_427, %squeeze3A_435 : i32
    %slice3A_437 = vector.extract_strided_slice %scan3A_360#0 {offsets = [8], sizes = [1], strides = [1]} : vector<16xi32> to vector<1xi32>
    %squeeze3A_438 = vector.extract %slice3A_437[0] : i32 from vector<1xi32>
    %add3A_439 = arith.addi %add3A_430, %squeeze3A_438 : i32
    %slice3A_440 = vector.extract_strided_slice %scan3A_360#1 {offsets = [8], sizes = [1], strides = [1]} : vector<16xi32> to vector<1xi32>
    %squeeze3A_441 = vector.extract %slice3A_440[0] : i32 from vector<1xi32>
    %add3A_442 = arith.addi %add3A_433, %squeeze3A_441 : i32
    %slice3A_443 = vector.extract_strided_slice %scan3A_360#2 {offsets = [8], sizes = [1], strides = [1]} : vector<16xi32> to vector<1xi32>
    %squeeze3A_444 = vector.extract %slice3A_443[0] : i32 from vector<1xi32>
    %add3A_445 = arith.addi %add3A_436, %squeeze3A_444 : i32
    %slice3A_446 = vector.extract_strided_slice %scan3A_360#0 {offsets = [9], sizes = [1], strides = [1]} : vector<16xi32> to vector<1xi32>
    %squeeze3A_447 = vector.extract %slice3A_446[0] : i32 from vector<1xi32>
    %add3A_448 = arith.addi %add3A_439, %squeeze3A_447 : i32
    %slice3A_449 = vector.extract_strided_slice %scan3A_360#1 {offsets = [9], sizes = [1], strides = [1]} : vector<16xi32> to vector<1xi32>
    %squeeze3A_450 = vector.extract %slice3A_449[0] : i32 from vector<1xi32>
    %add3A_451 = arith.addi %add3A_442, %squeeze3A_450 : i32
    %slice3A_452 = vector.extract_strided_slice %scan3A_360#2 {offsets = [9], sizes = [1], strides = [1]} : vector<16xi32> to vector<1xi32>
    %squeeze3A_453 = vector.extract %slice3A_452[0] : i32 from vector<1xi32>
    %add3A_454 = arith.addi %add3A_445, %squeeze3A_453 : i32
    %slice3A_455 = vector.extract_strided_slice %scan3A_360#0 {offsets = [10], sizes = [1], strides = [1]} : vector<16xi32> to vector<1xi32>
    %squeeze3A_456 = vector.extract %slice3A_455[0] : i32 from vector<1xi32>
    %add3A_457 = arith.addi %add3A_448, %squeeze3A_456 : i32
    %slice3A_458 = vector.extract_strided_slice %scan3A_360#1 {offsets = [10], sizes = [1], strides = [1]} : vector<16xi32> to vector<1xi32>
    %squeeze3A_459 = vector.extract %slice3A_458[0] : i32 from vector<1xi32>
    %add3A_460 = arith.addi %add3A_451, %squeeze3A_459 : i32
    %slice3A_461 = vector.extract_strided_slice %scan3A_360#2 {offsets = [10], sizes = [1], strides = [1]} : vector<16xi32> to vector<1xi32>
    %squeeze3A_462 = vector.extract %slice3A_461[0] : i32 from vector<1xi32>
    %add3A_463 = arith.addi %add3A_454, %squeeze3A_462 : i32
    %slice3A_464 = vector.extract_strided_slice %scan3A_360#0 {offsets = [11], sizes = [1], strides = [1]} : vector<16xi32> to vector<1xi32>
    %squeeze3A_465 = vector.extract %slice3A_464[0] : i32 from vector<1xi32>
    %add3A_466 = arith.addi %add3A_457, %squeeze3A_465 : i32
    %slice3A_467 = vector.extract_strided_slice %scan3A_360#1 {offsets = [11], sizes = [1], strides = [1]} : vector<16xi32> to vector<1xi32>
    %squeeze3A_468 = vector.extract %slice3A_467[0] : i32 from vector<1xi32>
    %add3A_469 = arith.addi %add3A_460, %squeeze3A_468 : i32
    %slice3A_470 = vector.extract_strided_slice %scan3A_360#2 {offsets = [11], sizes = [1], strides = [1]} : vector<16xi32> to vector<1xi32>
    %squeeze3A_471 = vector.extract %slice3A_470[0] : i32 from vector<1xi32>
    %add3A_472 = arith.addi %add3A_463, %squeeze3A_471 : i32
    %slice3A_473 = vector.extract_strided_slice %scan3A_360#0 {offsets = [12], sizes = [1], strides = [1]} : vector<16xi32> to vector<1xi32>
    %squeeze3A_474 = vector.extract %slice3A_473[0] : i32 from vector<1xi32>
    %add3A_475 = arith.addi %add3A_466, %squeeze3A_474 : i32
    %slice3A_476 = vector.extract_strided_slice %scan3A_360#1 {offsets = [12], sizes = [1], strides = [1]} : vector<16xi32> to vector<1xi32>
    %squeeze3A_477 = vector.extract %slice3A_476[0] : i32 from vector<1xi32>
    %add3A_478 = arith.addi %add3A_469, %squeeze3A_477 : i32
    %slice3A_479 = vector.extract_strided_slice %scan3A_360#2 {offsets = [12], sizes = [1], strides = [1]} : vector<16xi32> to vector<1xi32>
    %squeeze3A_480 = vector.extract %slice3A_479[0] : i32 from vector<1xi32>
    %add3A_481 = arith.addi %add3A_472, %squeeze3A_480 : i32
    %slice3A_482 = vector.extract_strided_slice %scan3A_360#0 {offsets = [13], sizes = [1], strides = [1]} : vector<16xi32> to vector<1xi32>
    %squeeze3A_483 = vector.extract %slice3A_482[0] : i32 from vector<1xi32>
    %add3A_484 = arith.addi %add3A_475, %squeeze3A_483 : i32
    %slice3A_485 = vector.extract_strided_slice %scan3A_360#1 {offsets = [13], sizes = [1], strides = [1]} : vector<16xi32> to vector<1xi32>
    %squeeze3A_486 = vector.extract %slice3A_485[0] : i32 from vector<1xi32>
    %add3A_487 = arith.addi %add3A_478, %squeeze3A_486 : i32
    %slice3A_488 = vector.extract_strided_slice %scan3A_360#2 {offsets = [13], sizes = [1], strides = [1]} : vector<16xi32> to vector<1xi32>
    %squeeze3A_489 = vector.extract %slice3A_488[0] : i32 from vector<1xi32>
    %add3A_490 = arith.addi %add3A_481, %squeeze3A_489 : i32
    %slice3A_491 = vector.extract_strided_slice %scan3A_360#0 {offsets = [14], sizes = [1], strides = [1]} : vector<16xi32> to vector<1xi32>
    %squeeze3A_492 = vector.extract %slice3A_491[0] : i32 from vector<1xi32>
    %add3A_493 = arith.addi %add3A_484, %squeeze3A_492 : i32
    %slice3A_494 = vector.extract_strided_slice %scan3A_360#1 {offsets = [14], sizes = [1], strides = [1]} : vector<16xi32> to vector<1xi32>
    %squeeze3A_495 = vector.extract %slice3A_494[0] : i32 from vector<1xi32>
    %add3A_496 = arith.addi %add3A_487, %squeeze3A_495 : i32
    %slice3A_497 = vector.extract_strided_slice %scan3A_360#2 {offsets = [14], sizes = [1], strides = [1]} : vector<16xi32> to vector<1xi32>
    %squeeze3A_498 = vector.extract %slice3A_497[0] : i32 from vector<1xi32>
    %add3A_499 = arith.addi %add3A_490, %squeeze3A_498 : i32
    %slice3A_500 = vector.extract_strided_slice %scan3A_360#0 {offsets = [15], sizes = [1], strides = [1]} : vector<16xi32> to vector<1xi32>
    %squeeze3A_501 = vector.extract %slice3A_500[0] : i32 from vector<1xi32>
    %add3A_502 = arith.addi %add3A_493, %squeeze3A_501 : i32
    %slice3A_503 = vector.extract_strided_slice %scan3A_360#1 {offsets = [15], sizes = [1], strides = [1]} : vector<16xi32> to vector<1xi32>
    %squeeze3A_504 = vector.extract %slice3A_503[0] : i32 from vector<1xi32>
    %add3A_505 = arith.addi %add3A_496, %squeeze3A_504 : i32
    %slice3A_506 = vector.extract_strided_slice %scan3A_360#2 {offsets = [15], sizes = [1], strides = [1]} : vector<16xi32> to vector<1xi32>
    %squeeze3A_507 = vector.extract %slice3A_506[0] : i32 from vector<1xi32>
    %add3A_508 = arith.addi %add3A_499, %squeeze3A_507 : i32
    %ge3A_509 = arith.constant 4096 : i32
    %ge3A_510 = arith.cmpi sge, %add3A_502, %ge3A_509 : i32
    %ge3A_511 = arith.constant 4096 : i32
    %ge3A_512 = arith.cmpi sge, %add3A_508, %ge3A_511 : i32
    %select_n3A_513 = arith.select %ge3A_512, %or3A_351, %or3A_349 : i32
    %ge3A_514 = arith.constant 4096 : i32
    %ge3A_515 = arith.cmpi sge, %add3A_505, %ge3A_514 : i32
    %select_n3A_516 = arith.select %ge3A_515, %or3A_350, %select_n3A_342 : i32
    %select_n3A_517 = arith.select %ge3A_510, %select_n3A_513, %select_n3A_516 : i32
    %shift_left3A_518 = arith.constant 1 : i32
    %shift_left3A_519 = arith.constant 24 : i32
    %shift_left3A_520 = arith.shli %shift_left3A_518, %shift_left3A_519 : i32
    %shift_left3A_521 = arith.constant 1 : i32
    %shift_left3A_522 = arith.constant 25 : i32
    %shift_left3A_523 = arith.shli %shift_left3A_521, %shift_left3A_522 : i32
    %or3A_524 = arith.ori %select_n3A_517, %shift_left3A_523 : i32
    %or3A_525 = arith.ori %select_n3A_517, %shift_left3A_520 : i32
    %or3A_526 = arith.ori %or3A_524, %shift_left3A_520 : i32
    %broadcast_in_dim3A_527 = arith.constant 0 : i32
    %broadcast_in_dim3A_528 = vector.broadcast %broadcast_in_dim3A_527 : i32 to vector<16xi32>
    %scan3A_529 = arith.constant 1 : i32
    %scan3A_530 = arith.constant 0 : i32
    %scan3A_531 = arith.constant 0 : i32
    %scan3A_532 = arith.constant 256 : i32
    %scan3A_533 = arith.addi %scan3A_531, %scan3A_532 : i32
    %scan3A_534 = arith.constant 1 : i32
    %scan3A_535:3 = scf.for %scan3A_2800 = %scan3A_531 to %scan3A_533 step %scan3A_534 iter_args(%scan3A_2801 = %broadcast_in_dim3A_528, %scan3A_2802 = %broadcast_in_dim3A_528, %scan3A_2803 = %broadcast_in_dim3A_528) -> (vector<16xi32>, vector<16xi32>, vector<16xi32>)  : i32 {
      %mul3A_2804 = arith.constant 2 : i32
      %mul3A_2805 = arith.muli %scan3A_2800, %mul3A_2804 : i32
      %add3A_2806 = arith.constant 0 : i32
      %add3A_2807 = arith.addi %mul3A_2805, %add3A_2806 : i32
      %mul3A_2808 = arith.constant 16 : i32
      %mul3A_2809 = arith.muli %add3A_2807, %mul3A_2808 : i32
      %get3A = arith.index_cast %mul3A_2809 : i32 to index
      %get3A_2810 = tpu.vector_load %arg4[%get3A] {strides = array<i32>} : memref<8192xi32, #tpu.memory_space<vmem>>, vector<16xi32>,
      %get3A_2811 = vector.shape_cast %get3A_2810 : vector<16xi32> to vector<16xi32>
      %ge3A_2812 = vector.broadcast %or3A_524 : i32 to vector<16xi32>
      %ge3A_2813 = arith.cmpi sge, %get3A_2811, %ge3A_2812 : vector<16xi32>
      %broadcast_in_dim3A_2814 = vector.broadcast %scan3A_529 : i32 to vector<16xi32>
      %broadcast_in_dim3A_2815 = vector.broadcast %scan3A_530 : i32 to vector<16xi32>
      %select_n3A_2816 = arith.select %ge3A_2813, %broadcast_in_dim3A_2814, %broadcast_in_dim3A_2815 : vector<16xi1>, vector<16xi32>
      %add3A_2817 = arith.addi %scan3A_2801, %select_n3A_2816 : vector<16xi32>
      %ge3A_2818 = vector.broadcast %or3A_525 : i32 to vector<16xi32>
      %ge3A_2819 = arith.cmpi sge, %get3A_2811, %ge3A_2818 : vector<16xi32>
      %broadcast_in_dim3A_2820 = vector.broadcast %scan3A_529 : i32 to vector<16xi32>
      %broadcast_in_dim3A_2821 = vector.broadcast %scan3A_530 : i32 to vector<16xi32>
      %select_n3A_2822 = arith.select %ge3A_2819, %broadcast_in_dim3A_2820, %broadcast_in_dim3A_2821 : vector<16xi1>, vector<16xi32>
      %add3A_2823 = arith.addi %scan3A_2802, %select_n3A_2822 : vector<16xi32>
      %ge3A_2824 = vector.broadcast %or3A_526 : i32 to vector<16xi32>
      %ge3A_2825 = arith.cmpi sge, %get3A_2811, %ge3A_2824 : vector<16xi32>
      %broadcast_in_dim3A_2826 = vector.broadcast %scan3A_529 : i32 to vector<16xi32>
      %broadcast_in_dim3A_2827 = vector.broadcast %scan3A_530 : i32 to vector<16xi32>
      %select_n3A_2828 = arith.select %ge3A_2825, %broadcast_in_dim3A_2826, %broadcast_in_dim3A_2827 : vector<16xi1>, vector<16xi32>
      %add3A_2829 = arith.addi %scan3A_2803, %select_n3A_2828 : vector<16xi32>
      %mul3A_2830 = arith.constant 2 : i32
      %mul3A_2831 = arith.muli %scan3A_2800, %mul3A_2830 : i32
      %add3A_2832 = arith.constant 1 : i32
      %add3A_2833 = arith.addi %mul3A_2831, %add3A_2832 : i32
      %mul3A_2834 = arith.constant 16 : i32
      %mul3A_2835 = arith.muli %add3A_2833, %mul3A_2834 : i32
      %get3A_2836 = arith.index_cast %mul3A_2835 : i32 to index
      %get3A_2837 = tpu.vector_load %arg4[%get3A_2836] {strides = array<i32>} : memref<8192xi32, #tpu.memory_space<vmem>>, vector<16xi32>,
      %get3A_2838 = vector.shape_cast %get3A_2837 : vector<16xi32> to vector<16xi32>
      %ge3A_2839 = vector.broadcast %or3A_524 : i32 to vector<16xi32>
      %ge3A_2840 = arith.cmpi sge, %get3A_2838, %ge3A_2839 : vector<16xi32>
      %broadcast_in_dim3A_2841 = vector.broadcast %scan3A_529 : i32 to vector<16xi32>
      %broadcast_in_dim3A_2842 = vector.broadcast %scan3A_530 : i32 to vector<16xi32>
      %select_n3A_2843 = arith.select %ge3A_2840, %broadcast_in_dim3A_2841, %broadcast_in_dim3A_2842 : vector<16xi1>, vector<16xi32>
      %add3A_2844 = arith.addi %add3A_2817, %select_n3A_2843 : vector<16xi32>
      %ge3A_2845 = vector.broadcast %or3A_525 : i32 to vector<16xi32>
      %ge3A_2846 = arith.cmpi sge, %get3A_2838, %ge3A_2845 : vector<16xi32>
      %broadcast_in_dim3A_2847 = vector.broadcast %scan3A_529 : i32 to vector<16xi32>
      %broadcast_in_dim3A_2848 = vector.broadcast %scan3A_530 : i32 to vector<16xi32>
      %select_n3A_2849 = arith.select %ge3A_2846, %broadcast_in_dim3A_2847, %broadcast_in_dim3A_2848 : vector<16xi1>, vector<16xi32>
      %add3A_2850 = arith.addi %add3A_2823, %select_n3A_2849 : vector<16xi32>
      %ge3A_2851 = vector.broadcast %or3A_526 : i32 to vector<16xi32>
      %ge3A_2852 = arith.cmpi sge, %get3A_2838, %ge3A_2851 : vector<16xi32>
      %broadcast_in_dim3A_2853 = vector.broadcast %scan3A_529 : i32 to vector<16xi32>
      %broadcast_in_dim3A_2854 = vector.broadcast %scan3A_530 : i32 to vector<16xi32>
      %select_n3A_2855 = arith.select %ge3A_2852, %broadcast_in_dim3A_2853, %broadcast_in_dim3A_2854 : vector<16xi1>, vector<16xi32>
      %add3A_2856 = arith.addi %add3A_2829, %select_n3A_2855 : vector<16xi32>
      scf.yield %add3A_2844, %add3A_2850, %add3A_2856 : vector<16xi32>, vector<16xi32>, vector<16xi32>
    }
    %scan3A_536 = arith.constant 256 : i32
    %slice3A_537 = vector.extract_strided_slice %scan3A_535#0 {offsets = [0], sizes = [1], strides = [1]} : vector<16xi32> to vector<1xi32>
    %squeeze3A_538 = vector.extract %slice3A_537[0] : i32 from vector<1xi32>
    %add3A_539 = arith.constant 0 : i32
    %add3A_540 = arith.addi %add3A_539, %squeeze3A_538 : i32
    %slice3A_541 = vector.extract_strided_slice %scan3A_535#1 {offsets = [0], sizes = [1], strides = [1]} : vector<16xi32> to vector<1xi32>
    %squeeze3A_542 = vector.extract %slice3A_541[0] : i32 from vector<1xi32>
    %add3A_543 = arith.constant 0 : i32
    %add3A_544 = arith.addi %add3A_543, %squeeze3A_542 : i32
    %slice3A_545 = vector.extract_strided_slice %scan3A_535#2 {offsets = [0], sizes = [1], strides = [1]} : vector<16xi32> to vector<1xi32>
    %squeeze3A_546 = vector.extract %slice3A_545[0] : i32 from vector<1xi32>
    %add3A_547 = arith.constant 0 : i32
    %add3A_548 = arith.addi %add3A_547, %squeeze3A_546 : i32
    %slice3A_549 = vector.extract_strided_slice %scan3A_535#0 {offsets = [1], sizes = [1], strides = [1]} : vector<16xi32> to vector<1xi32>
    %squeeze3A_550 = vector.extract %slice3A_549[0] : i32 from vector<1xi32>
    %add3A_551 = arith.addi %add3A_540, %squeeze3A_550 : i32
    %slice3A_552 = vector.extract_strided_slice %scan3A_535#1 {offsets = [1], sizes = [1], strides = [1]} : vector<16xi32> to vector<1xi32>
    %squeeze3A_553 = vector.extract %slice3A_552[0] : i32 from vector<1xi32>
    %add3A_554 = arith.addi %add3A_544, %squeeze3A_553 : i32
    %slice3A_555 = vector.extract_strided_slice %scan3A_535#2 {offsets = [1], sizes = [1], strides = [1]} : vector<16xi32> to vector<1xi32>
    %squeeze3A_556 = vector.extract %slice3A_555[0] : i32 from vector<1xi32>
    %add3A_557 = arith.addi %add3A_548, %squeeze3A_556 : i32
    %slice3A_558 = vector.extract_strided_slice %scan3A_535#0 {offsets = [2], sizes = [1], strides = [1]} : vector<16xi32> to vector<1xi32>
    %squeeze3A_559 = vector.extract %slice3A_558[0] : i32 from vector<1xi32>
    %add3A_560 = arith.addi %add3A_551, %squeeze3A_559 : i32
    %slice3A_561 = vector.extract_strided_slice %scan3A_535#1 {offsets = [2], sizes = [1], strides = [1]} : vector<16xi32> to vector<1xi32>
    %squeeze3A_562 = vector.extract %slice3A_561[0] : i32 from vector<1xi32>
    %add3A_563 = arith.addi %add3A_554, %squeeze3A_562 : i32
    %slice3A_564 = vector.extract_strided_slice %scan3A_535#2 {offsets = [2], sizes = [1], strides = [1]} : vector<16xi32> to vector<1xi32>
    %squeeze3A_565 = vector.extract %slice3A_564[0] : i32 from vector<1xi32>
    %add3A_566 = arith.addi %add3A_557, %squeeze3A_565 : i32
    %slice3A_567 = vector.extract_strided_slice %scan3A_535#0 {offsets = [3], sizes = [1], strides = [1]} : vector<16xi32> to vector<1xi32>
    %squeeze3A_568 = vector.extract %slice3A_567[0] : i32 from vector<1xi32>
    %add3A_569 = arith.addi %add3A_560, %squeeze3A_568 : i32
    %slice3A_570 = vector.extract_strided_slice %scan3A_535#1 {offsets = [3], sizes = [1], strides = [1]} : vector<16xi32> to vector<1xi32>
    %squeeze3A_571 = vector.extract %slice3A_570[0] : i32 from vector<1xi32>
    %add3A_572 = arith.addi %add3A_563, %squeeze3A_571 : i32
    %slice3A_573 = vector.extract_strided_slice %scan3A_535#2 {offsets = [3], sizes = [1], strides = [1]} : vector<16xi32> to vector<1xi32>
    %squeeze3A_574 = vector.extract %slice3A_573[0] : i32 from vector<1xi32>
    %add3A_575 = arith.addi %add3A_566, %squeeze3A_574 : i32
    %slice3A_576 = vector.extract_strided_slice %scan3A_535#0 {offsets = [4], sizes = [1], strides = [1]} : vector<16xi32> to vector<1xi32>
    %squeeze3A_577 = vector.extract %slice3A_576[0] : i32 from vector<1xi32>
    %add3A_578 = arith.addi %add3A_569, %squeeze3A_577 : i32
    %slice3A_579 = vector.extract_strided_slice %scan3A_535#1 {offsets = [4], sizes = [1], strides = [1]} : vector<16xi32> to vector<1xi32>
    %squeeze3A_580 = vector.extract %slice3A_579[0] : i32 from vector<1xi32>
    %add3A_581 = arith.addi %add3A_572, %squeeze3A_580 : i32
    %slice3A_582 = vector.extract_strided_slice %scan3A_535#2 {offsets = [4], sizes = [1], strides = [1]} : vector<16xi32> to vector<1xi32>
    %squeeze3A_583 = vector.extract %slice3A_582[0] : i32 from vector<1xi32>
    %add3A_584 = arith.addi %add3A_575, %squeeze3A_583 : i32
    %slice3A_585 = vector.extract_strided_slice %scan3A_535#0 {offsets = [5], sizes = [1], strides = [1]} : vector<16xi32> to vector<1xi32>
    %squeeze3A_586 = vector.extract %slice3A_585[0] : i32 from vector<1xi32>
    %add3A_587 = arith.addi %add3A_578, %squeeze3A_586 : i32
    %slice3A_588 = vector.extract_strided_slice %scan3A_535#1 {offsets = [5], sizes = [1], strides = [1]} : vector<16xi32> to vector<1xi32>
    %squeeze3A_589 = vector.extract %slice3A_588[0] : i32 from vector<1xi32>
    %add3A_590 = arith.addi %add3A_581, %squeeze3A_589 : i32
    %slice3A_591 = vector.extract_strided_slice %scan3A_535#2 {offsets = [5], sizes = [1], strides = [1]} : vector<16xi32> to vector<1xi32>
    %squeeze3A_592 = vector.extract %slice3A_591[0] : i32 from vector<1xi32>
    %add3A_593 = arith.addi %add3A_584, %squeeze3A_592 : i32
    %slice3A_594 = vector.extract_strided_slice %scan3A_535#0 {offsets = [6], sizes = [1], strides = [1]} : vector<16xi32> to vector<1xi32>
    %squeeze3A_595 = vector.extract %slice3A_594[0] : i32 from vector<1xi32>
    %add3A_596 = arith.addi %add3A_587, %squeeze3A_595 : i32
    %slice3A_597 = vector.extract_strided_slice %scan3A_535#1 {offsets = [6], sizes = [1], strides = [1]} : vector<16xi32> to vector<1xi32>
    %squeeze3A_598 = vector.extract %slice3A_597[0] : i32 from vector<1xi32>
    %add3A_599 = arith.addi %add3A_590, %squeeze3A_598 : i32
    %slice3A_600 = vector.extract_strided_slice %scan3A_535#2 {offsets = [6], sizes = [1], strides = [1]} : vector<16xi32> to vector<1xi32>
    %squeeze3A_601 = vector.extract %slice3A_600[0] : i32 from vector<1xi32>
    %add3A_602 = arith.addi %add3A_593, %squeeze3A_601 : i32
    %slice3A_603 = vector.extract_strided_slice %scan3A_535#0 {offsets = [7], sizes = [1], strides = [1]} : vector<16xi32> to vector<1xi32>
    %squeeze3A_604 = vector.extract %slice3A_603[0] : i32 from vector<1xi32>
    %add3A_605 = arith.addi %add3A_596, %squeeze3A_604 : i32
    %slice3A_606 = vector.extract_strided_slice %scan3A_535#1 {offsets = [7], sizes = [1], strides = [1]} : vector<16xi32> to vector<1xi32>
    %squeeze3A_607 = vector.extract %slice3A_606[0] : i32 from vector<1xi32>
    %add3A_608 = arith.addi %add3A_599, %squeeze3A_607 : i32
    %slice3A_609 = vector.extract_strided_slice %scan3A_535#2 {offsets = [7], sizes = [1], strides = [1]} : vector<16xi32> to vector<1xi32>
    %squeeze3A_610 = vector.extract %slice3A_609[0] : i32 from vector<1xi32>
    %add3A_611 = arith.addi %add3A_602, %squeeze3A_610 : i32
    %slice3A_612 = vector.extract_strided_slice %scan3A_535#0 {offsets = [8], sizes = [1], strides = [1]} : vector<16xi32> to vector<1xi32>
    %squeeze3A_613 = vector.extract %slice3A_612[0] : i32 from vector<1xi32>
    %add3A_614 = arith.addi %add3A_605, %squeeze3A_613 : i32
    %slice3A_615 = vector.extract_strided_slice %scan3A_535#1 {offsets = [8], sizes = [1], strides = [1]} : vector<16xi32> to vector<1xi32>
    %squeeze3A_616 = vector.extract %slice3A_615[0] : i32 from vector<1xi32>
    %add3A_617 = arith.addi %add3A_608, %squeeze3A_616 : i32
    %slice3A_618 = vector.extract_strided_slice %scan3A_535#2 {offsets = [8], sizes = [1], strides = [1]} : vector<16xi32> to vector<1xi32>
    %squeeze3A_619 = vector.extract %slice3A_618[0] : i32 from vector<1xi32>
    %add3A_620 = arith.addi %add3A_611, %squeeze3A_619 : i32
    %slice3A_621 = vector.extract_strided_slice %scan3A_535#0 {offsets = [9], sizes = [1], strides = [1]} : vector<16xi32> to vector<1xi32>
    %squeeze3A_622 = vector.extract %slice3A_621[0] : i32 from vector<1xi32>
    %add3A_623 = arith.addi %add3A_614, %squeeze3A_622 : i32
    %slice3A_624 = vector.extract_strided_slice %scan3A_535#1 {offsets = [9], sizes = [1], strides = [1]} : vector<16xi32> to vector<1xi32>
    %squeeze3A_625 = vector.extract %slice3A_624[0] : i32 from vector<1xi32>
    %add3A_626 = arith.addi %add3A_617, %squeeze3A_625 : i32
    %slice3A_627 = vector.extract_strided_slice %scan3A_535#2 {offsets = [9], sizes = [1], strides = [1]} : vector<16xi32> to vector<1xi32>
    %squeeze3A_628 = vector.extract %slice3A_627[0] : i32 from vector<1xi32>
    %add3A_629 = arith.addi %add3A_620, %squeeze3A_628 : i32
    %slice3A_630 = vector.extract_strided_slice %scan3A_535#0 {offsets = [10], sizes = [1], strides = [1]} : vector<16xi32> to vector<1xi32>
    %squeeze3A_631 = vector.extract %slice3A_630[0] : i32 from vector<1xi32>
    %add3A_632 = arith.addi %add3A_623, %squeeze3A_631 : i32
    %slice3A_633 = vector.extract_strided_slice %scan3A_535#1 {offsets = [10], sizes = [1], strides = [1]} : vector<16xi32> to vector<1xi32>
    %squeeze3A_634 = vector.extract %slice3A_633[0] : i32 from vector<1xi32>
    %add3A_635 = arith.addi %add3A_626, %squeeze3A_634 : i32
    %slice3A_636 = vector.extract_strided_slice %scan3A_535#2 {offsets = [10], sizes = [1], strides = [1]} : vector<16xi32> to vector<1xi32>
    %squeeze3A_637 = vector.extract %slice3A_636[0] : i32 from vector<1xi32>
    %add3A_638 = arith.addi %add3A_629, %squeeze3A_637 : i32
    %slice3A_639 = vector.extract_strided_slice %scan3A_535#0 {offsets = [11], sizes = [1], strides = [1]} : vector<16xi32> to vector<1xi32>
    %squeeze3A_640 = vector.extract %slice3A_639[0] : i32 from vector<1xi32>
    %add3A_641 = arith.addi %add3A_632, %squeeze3A_640 : i32
    %slice3A_642 = vector.extract_strided_slice %scan3A_535#1 {offsets = [11], sizes = [1], strides = [1]} : vector<16xi32> to vector<1xi32>
    %squeeze3A_643 = vector.extract %slice3A_642[0] : i32 from vector<1xi32>
    %add3A_644 = arith.addi %add3A_635, %squeeze3A_643 : i32
    %slice3A_645 = vector.extract_strided_slice %scan3A_535#2 {offsets = [11], sizes = [1], strides = [1]} : vector<16xi32> to vector<1xi32>
    %squeeze3A_646 = vector.extract %slice3A_645[0] : i32 from vector<1xi32>
    %add3A_647 = arith.addi %add3A_638, %squeeze3A_646 : i32
    %slice3A_648 = vector.extract_strided_slice %scan3A_535#0 {offsets = [12], sizes = [1], strides = [1]} : vector<16xi32> to vector<1xi32>
    %squeeze3A_649 = vector.extract %slice3A_648[0] : i32 from vector<1xi32>
    %add3A_650 = arith.addi %add3A_641, %squeeze3A_649 : i32
    %slice3A_651 = vector.extract_strided_slice %scan3A_535#1 {offsets = [12], sizes = [1], strides = [1]} : vector<16xi32> to vector<1xi32>
    %squeeze3A_652 = vector.extract %slice3A_651[0] : i32 from vector<1xi32>
    %add3A_653 = arith.addi %add3A_644, %squeeze3A_652 : i32
    %slice3A_654 = vector.extract_strided_slice %scan3A_535#2 {offsets = [12], sizes = [1], strides = [1]} : vector<16xi32> to vector<1xi32>
    %squeeze3A_655 = vector.extract %slice3A_654[0] : i32 from vector<1xi32>
    %add3A_656 = arith.addi %add3A_647, %squeeze3A_655 : i32
    %slice3A_657 = vector.extract_strided_slice %scan3A_535#0 {offsets = [13], sizes = [1], strides = [1]} : vector<16xi32> to vector<1xi32>
    %squeeze3A_658 = vector.extract %slice3A_657[0] : i32 from vector<1xi32>
    %add3A_659 = arith.addi %add3A_650, %squeeze3A_658 : i32
    %slice3A_660 = vector.extract_strided_slice %scan3A_535#1 {offsets = [13], sizes = [1], strides = [1]} : vector<16xi32> to vector<1xi32>
    %squeeze3A_661 = vector.extract %slice3A_660[0] : i32 from vector<1xi32>
    %add3A_662 = arith.addi %add3A_653, %squeeze3A_661 : i32
    %slice3A_663 = vector.extract_strided_slice %scan3A_535#2 {offsets = [13], sizes = [1], strides = [1]} : vector<16xi32> to vector<1xi32>
    %squeeze3A_664 = vector.extract %slice3A_663[0] : i32 from vector<1xi32>
    %add3A_665 = arith.addi %add3A_656, %squeeze3A_664 : i32
    %slice3A_666 = vector.extract_strided_slice %scan3A_535#0 {offsets = [14], sizes = [1], strides = [1]} : vector<16xi32> to vector<1xi32>
    %squeeze3A_667 = vector.extract %slice3A_666[0] : i32 from vector<1xi32>
    %add3A_668 = arith.addi %add3A_659, %squeeze3A_667 : i32
    %slice3A_669 = vector.extract_strided_slice %scan3A_535#1 {offsets = [14], sizes = [1], strides = [1]} : vector<16xi32> to vector<1xi32>
    %squeeze3A_670 = vector.extract %slice3A_669[0] : i32 from vector<1xi32>
    %add3A_671 = arith.addi %add3A_662, %squeeze3A_670 : i32
    %slice3A_672 = vector.extract_strided_slice %scan3A_535#2 {offsets = [14], sizes = [1], strides = [1]} : vector<16xi32> to vector<1xi32>
    %squeeze3A_673 = vector.extract %slice3A_672[0] : i32 from vector<1xi32>
    %add3A_674 = arith.addi %add3A_665, %squeeze3A_673 : i32
    %slice3A_675 = vector.extract_strided_slice %scan3A_535#0 {offsets = [15], sizes = [1], strides = [1]} : vector<16xi32> to vector<1xi32>
    %squeeze3A_676 = vector.extract %slice3A_675[0] : i32 from vector<1xi32>
    %add3A_677 = arith.addi %add3A_668, %squeeze3A_676 : i32
    %slice3A_678 = vector.extract_strided_slice %scan3A_535#1 {offsets = [15], sizes = [1], strides = [1]} : vector<16xi32> to vector<1xi32>
    %squeeze3A_679 = vector.extract %slice3A_678[0] : i32 from vector<1xi32>
    %add3A_680 = arith.addi %add3A_671, %squeeze3A_679 : i32
    %slice3A_681 = vector.extract_strided_slice %scan3A_535#2 {offsets = [15], sizes = [1], strides = [1]} : vector<16xi32> to vector<1xi32>
    %squeeze3A_682 = vector.extract %slice3A_681[0] : i32 from vector<1xi32>
    %add3A_683 = arith.addi %add3A_674, %squeeze3A_682 : i32
    %ge3A_684 = arith.constant 4096 : i32
    %ge3A_685 = arith.cmpi sge, %add3A_677, %ge3A_684 : i32
    %ge3A_686 = arith.constant 4096 : i32
    %ge3A_687 = arith.cmpi sge, %add3A_683, %ge3A_686 : i32
    %select_n3A_688 = arith.select %ge3A_687, %or3A_526, %or3A_524 : i32
    %ge3A_689 = arith.constant 4096 : i32
    %ge3A_690 = arith.cmpi sge, %add3A_680, %ge3A_689 : i32
    %select_n3A_691 = arith.select %ge3A_690, %or3A_525, %select_n3A_517 : i32
    %select_n3A_692 = arith.select %ge3A_685, %select_n3A_688, %select_n3A_691 : i32
    %shift_left3A_693 = arith.constant 1 : i32
    %shift_left3A_694 = arith.constant 22 : i32
    %shift_left3A_695 = arith.shli %shift_left3A_693, %shift_left3A_694 : i32
    %shift_left3A_696 = arith.constant 1 : i32
    %shift_left3A_697 = arith.constant 23 : i32
    %shift_left3A_698 = arith.shli %shift_left3A_696, %shift_left3A_697 : i32
    %or3A_699 = arith.ori %select_n3A_692, %shift_left3A_698 : i32
    %or3A_700 = arith.ori %select_n3A_692, %shift_left3A_695 : i32
    %or3A_701 = arith.ori %or3A_699, %shift_left3A_695 : i32
    %broadcast_in_dim3A_702 = arith.constant 0 : i32
    %broadcast_in_dim3A_703 = vector.broadcast %broadcast_in_dim3A_702 : i32 to vector<16xi32>
    %scan3A_704 = arith.constant 1 : i32
    %scan3A_705 = arith.constant 0 : i32
    %scan3A_706 = arith.constant 0 : i32
    %scan3A_707 = arith.constant 256 : i32
    %scan3A_708 = arith.addi %scan3A_706, %scan3A_707 : i32
    %scan3A_709 = arith.constant 1 : i32
    %scan3A_710:3 = scf.for %scan3A_2800 = %scan3A_706 to %scan3A_708 step %scan3A_709 iter_args(%scan3A_2801 = %broadcast_in_dim3A_703, %scan3A_2802 = %broadcast_in_dim3A_703, %scan3A_2803 = %broadcast_in_dim3A_703) -> (vector<16xi32>, vector<16xi32>, vector<16xi32>)  : i32 {
      %mul3A_2804 = arith.constant 2 : i32
      %mul3A_2805 = arith.muli %scan3A_2800, %mul3A_2804 : i32
      %add3A_2806 = arith.constant 0 : i32
      %add3A_2807 = arith.addi %mul3A_2805, %add3A_2806 : i32
      %mul3A_2808 = arith.constant 16 : i32
      %mul3A_2809 = arith.muli %add3A_2807, %mul3A_2808 : i32
      %get3A = arith.index_cast %mul3A_2809 : i32 to index
      %get3A_2810 = tpu.vector_load %arg4[%get3A] {strides = array<i32>} : memref<8192xi32, #tpu.memory_space<vmem>>, vector<16xi32>,
      %get3A_2811 = vector.shape_cast %get3A_2810 : vector<16xi32> to vector<16xi32>
      %ge3A_2812 = vector.broadcast %or3A_699 : i32 to vector<16xi32>
      %ge3A_2813 = arith.cmpi sge, %get3A_2811, %ge3A_2812 : vector<16xi32>
      %broadcast_in_dim3A_2814 = vector.broadcast %scan3A_704 : i32 to vector<16xi32>
      %broadcast_in_dim3A_2815 = vector.broadcast %scan3A_705 : i32 to vector<16xi32>
      %select_n3A_2816 = arith.select %ge3A_2813, %broadcast_in_dim3A_2814, %broadcast_in_dim3A_2815 : vector<16xi1>, vector<16xi32>
      %add3A_2817 = arith.addi %scan3A_2801, %select_n3A_2816 : vector<16xi32>
      %ge3A_2818 = vector.broadcast %or3A_700 : i32 to vector<16xi32>
      %ge3A_2819 = arith.cmpi sge, %get3A_2811, %ge3A_2818 : vector<16xi32>
      %broadcast_in_dim3A_2820 = vector.broadcast %scan3A_704 : i32 to vector<16xi32>
      %broadcast_in_dim3A_2821 = vector.broadcast %scan3A_705 : i32 to vector<16xi32>
      %select_n3A_2822 = arith.select %ge3A_2819, %broadcast_in_dim3A_2820, %broadcast_in_dim3A_2821 : vector<16xi1>, vector<16xi32>
      %add3A_2823 = arith.addi %scan3A_2802, %select_n3A_2822 : vector<16xi32>
      %ge3A_2824 = vector.broadcast %or3A_701 : i32 to vector<16xi32>
      %ge3A_2825 = arith.cmpi sge, %get3A_2811, %ge3A_2824 : vector<16xi32>
      %broadcast_in_dim3A_2826 = vector.broadcast %scan3A_704 : i32 to vector<16xi32>
      %broadcast_in_dim3A_2827 = vector.broadcast %scan3A_705 : i32 to vector<16xi32>
      %select_n3A_2828 = arith.select %ge3A_2825, %broadcast_in_dim3A_2826, %broadcast_in_dim3A_2827 : vector<16xi1>, vector<16xi32>
      %add3A_2829 = arith.addi %scan3A_2803, %select_n3A_2828 : vector<16xi32>
      %mul3A_2830 = arith.constant 2 : i32
      %mul3A_2831 = arith.muli %scan3A_2800, %mul3A_2830 : i32
      %add3A_2832 = arith.constant 1 : i32
      %add3A_2833 = arith.addi %mul3A_2831, %add3A_2832 : i32
      %mul3A_2834 = arith.constant 16 : i32
      %mul3A_2835 = arith.muli %add3A_2833, %mul3A_2834 : i32
      %get3A_2836 = arith.index_cast %mul3A_2835 : i32 to index
      %get3A_2837 = tpu.vector_load %arg4[%get3A_2836] {strides = array<i32>} : memref<8192xi32, #tpu.memory_space<vmem>>, vector<16xi32>,
      %get3A_2838 = vector.shape_cast %get3A_2837 : vector<16xi32> to vector<16xi32>
      %ge3A_2839 = vector.broadcast %or3A_699 : i32 to vector<16xi32>
      %ge3A_2840 = arith.cmpi sge, %get3A_2838, %ge3A_2839 : vector<16xi32>
      %broadcast_in_dim3A_2841 = vector.broadcast %scan3A_704 : i32 to vector<16xi32>
      %broadcast_in_dim3A_2842 = vector.broadcast %scan3A_705 : i32 to vector<16xi32>
      %select_n3A_2843 = arith.select %ge3A_2840, %broadcast_in_dim3A_2841, %broadcast_in_dim3A_2842 : vector<16xi1>, vector<16xi32>
      %add3A_2844 = arith.addi %add3A_2817, %select_n3A_2843 : vector<16xi32>
      %ge3A_2845 = vector.broadcast %or3A_700 : i32 to vector<16xi32>
      %ge3A_2846 = arith.cmpi sge, %get3A_2838, %ge3A_2845 : vector<16xi32>
      %broadcast_in_dim3A_2847 = vector.broadcast %scan3A_704 : i32 to vector<16xi32>
      %broadcast_in_dim3A_2848 = vector.broadcast %scan3A_705 : i32 to vector<16xi32>
      %select_n3A_2849 = arith.select %ge3A_2846, %broadcast_in_dim3A_2847, %broadcast_in_dim3A_2848 : vector<16xi1>, vector<16xi32>
      %add3A_2850 = arith.addi %add3A_2823, %select_n3A_2849 : vector<16xi32>
      %ge3A_2851 = vector.broadcast %or3A_701 : i32 to vector<16xi32>
      %ge3A_2852 = arith.cmpi sge, %get3A_2838, %ge3A_2851 : vector<16xi32>
      %broadcast_in_dim3A_2853 = vector.broadcast %scan3A_704 : i32 to vector<16xi32>
      %broadcast_in_dim3A_2854 = vector.broadcast %scan3A_705 : i32 to vector<16xi32>
      %select_n3A_2855 = arith.select %ge3A_2852, %broadcast_in_dim3A_2853, %broadcast_in_dim3A_2854 : vector<16xi1>, vector<16xi32>
      %add3A_2856 = arith.addi %add3A_2829, %select_n3A_2855 : vector<16xi32>
      scf.yield %add3A_2844, %add3A_2850, %add3A_2856 : vector<16xi32>, vector<16xi32>, vector<16xi32>
    }
    %scan3A_711 = arith.constant 256 : i32
    %slice3A_712 = vector.extract_strided_slice %scan3A_710#0 {offsets = [0], sizes = [1], strides = [1]} : vector<16xi32> to vector<1xi32>
    %squeeze3A_713 = vector.extract %slice3A_712[0] : i32 from vector<1xi32>
    %add3A_714 = arith.constant 0 : i32
    %add3A_715 = arith.addi %add3A_714, %squeeze3A_713 : i32
    %slice3A_716 = vector.extract_strided_slice %scan3A_710#1 {offsets = [0], sizes = [1], strides = [1]} : vector<16xi32> to vector<1xi32>
    %squeeze3A_717 = vector.extract %slice3A_716[0] : i32 from vector<1xi32>
    %add3A_718 = arith.constant 0 : i32
    %add3A_719 = arith.addi %add3A_718, %squeeze3A_717 : i32
    %slice3A_720 = vector.extract_strided_slice %scan3A_710#2 {offsets = [0], sizes = [1], strides = [1]} : vector<16xi32> to vector<1xi32>
    %squeeze3A_721 = vector.extract %slice3A_720[0] : i32 from vector<1xi32>
    %add3A_722 = arith.constant 0 : i32
    %add3A_723 = arith.addi %add3A_722, %squeeze3A_721 : i32
    %slice3A_724 = vector.extract_strided_slice %scan3A_710#0 {offsets = [1], sizes = [1], strides = [1]} : vector<16xi32> to vector<1xi32>
    %squeeze3A_725 = vector.extract %slice3A_724[0] : i32 from vector<1xi32>
    %add3A_726 = arith.addi %add3A_715, %squeeze3A_725 : i32
    %slice3A_727 = vector.extract_strided_slice %scan3A_710#1 {offsets = [1], sizes = [1], strides = [1]} : vector<16xi32> to vector<1xi32>
    %squeeze3A_728 = vector.extract %slice3A_727[0] : i32 from vector<1xi32>
    %add3A_729 = arith.addi %add3A_719, %squeeze3A_728 : i32
    %slice3A_730 = vector.extract_strided_slice %scan3A_710#2 {offsets = [1], sizes = [1], strides = [1]} : vector<16xi32> to vector<1xi32>
    %squeeze3A_731 = vector.extract %slice3A_730[0] : i32 from vector<1xi32>
    %add3A_732 = arith.addi %add3A_723, %squeeze3A_731 : i32
    %slice3A_733 = vector.extract_strided_slice %scan3A_710#0 {offsets = [2], sizes = [1], strides = [1]} : vector<16xi32> to vector<1xi32>
    %squeeze3A_734 = vector.extract %slice3A_733[0] : i32 from vector<1xi32>
    %add3A_735 = arith.addi %add3A_726, %squeeze3A_734 : i32
    %slice3A_736 = vector.extract_strided_slice %scan3A_710#1 {offsets = [2], sizes = [1], strides = [1]} : vector<16xi32> to vector<1xi32>
    %squeeze3A_737 = vector.extract %slice3A_736[0] : i32 from vector<1xi32>
    %add3A_738 = arith.addi %add3A_729, %squeeze3A_737 : i32
    %slice3A_739 = vector.extract_strided_slice %scan3A_710#2 {offsets = [2], sizes = [1], strides = [1]} : vector<16xi32> to vector<1xi32>
    %squeeze3A_740 = vector.extract %slice3A_739[0] : i32 from vector<1xi32>
    %add3A_741 = arith.addi %add3A_732, %squeeze3A_740 : i32
    %slice3A_742 = vector.extract_strided_slice %scan3A_710#0 {offsets = [3], sizes = [1], strides = [1]} : vector<16xi32> to vector<1xi32>
    %squeeze3A_743 = vector.extract %slice3A_742[0] : i32 from vector<1xi32>
    %add3A_744 = arith.addi %add3A_735, %squeeze3A_743 : i32
    %slice3A_745 = vector.extract_strided_slice %scan3A_710#1 {offsets = [3], sizes = [1], strides = [1]} : vector<16xi32> to vector<1xi32>
    %squeeze3A_746 = vector.extract %slice3A_745[0] : i32 from vector<1xi32>
    %add3A_747 = arith.addi %add3A_738, %squeeze3A_746 : i32
    %slice3A_748 = vector.extract_strided_slice %scan3A_710#2 {offsets = [3], sizes = [1], strides = [1]} : vector<16xi32> to vector<1xi32>
    %squeeze3A_749 = vector.extract %slice3A_748[0] : i32 from vector<1xi32>
    %add3A_750 = arith.addi %add3A_741, %squeeze3A_749 : i32
    %slice3A_751 = vector.extract_strided_slice %scan3A_710#0 {offsets = [4], sizes = [1], strides = [1]} : vector<16xi32> to vector<1xi32>
    %squeeze3A_752 = vector.extract %slice3A_751[0] : i32 from vector<1xi32>
    %add3A_753 = arith.addi %add3A_744, %squeeze3A_752 : i32
    %slice3A_754 = vector.extract_strided_slice %scan3A_710#1 {offsets = [4], sizes = [1], strides = [1]} : vector<16xi32> to vector<1xi32>
    %squeeze3A_755 = vector.extract %slice3A_754[0] : i32 from vector<1xi32>
    %add3A_756 = arith.addi %add3A_747, %squeeze3A_755 : i32
    %slice3A_757 = vector.extract_strided_slice %scan3A_710#2 {offsets = [4], sizes = [1], strides = [1]} : vector<16xi32> to vector<1xi32>
    %squeeze3A_758 = vector.extract %slice3A_757[0] : i32 from vector<1xi32>
    %add3A_759 = arith.addi %add3A_750, %squeeze3A_758 : i32
    %slice3A_760 = vector.extract_strided_slice %scan3A_710#0 {offsets = [5], sizes = [1], strides = [1]} : vector<16xi32> to vector<1xi32>
    %squeeze3A_761 = vector.extract %slice3A_760[0] : i32 from vector<1xi32>
    %add3A_762 = arith.addi %add3A_753, %squeeze3A_761 : i32
    %slice3A_763 = vector.extract_strided_slice %scan3A_710#1 {offsets = [5], sizes = [1], strides = [1]} : vector<16xi32> to vector<1xi32>
    %squeeze3A_764 = vector.extract %slice3A_763[0] : i32 from vector<1xi32>
    %add3A_765 = arith.addi %add3A_756, %squeeze3A_764 : i32
    %slice3A_766 = vector.extract_strided_slice %scan3A_710#2 {offsets = [5], sizes = [1], strides = [1]} : vector<16xi32> to vector<1xi32>
    %squeeze3A_767 = vector.extract %slice3A_766[0] : i32 from vector<1xi32>
    %add3A_768 = arith.addi %add3A_759, %squeeze3A_767 : i32
    %slice3A_769 = vector.extract_strided_slice %scan3A_710#0 {offsets = [6], sizes = [1], strides = [1]} : vector<16xi32> to vector<1xi32>
    %squeeze3A_770 = vector.extract %slice3A_769[0] : i32 from vector<1xi32>
    %add3A_771 = arith.addi %add3A_762, %squeeze3A_770 : i32
    %slice3A_772 = vector.extract_strided_slice %scan3A_710#1 {offsets = [6], sizes = [1], strides = [1]} : vector<16xi32> to vector<1xi32>
    %squeeze3A_773 = vector.extract %slice3A_772[0] : i32 from vector<1xi32>
    %add3A_774 = arith.addi %add3A_765, %squeeze3A_773 : i32
    %slice3A_775 = vector.extract_strided_slice %scan3A_710#2 {offsets = [6], sizes = [1], strides = [1]} : vector<16xi32> to vector<1xi32>
    %squeeze3A_776 = vector.extract %slice3A_775[0] : i32 from vector<1xi32>
    %add3A_777 = arith.addi %add3A_768, %squeeze3A_776 : i32
    %slice3A_778 = vector.extract_strided_slice %scan3A_710#0 {offsets = [7], sizes = [1], strides = [1]} : vector<16xi32> to vector<1xi32>
    %squeeze3A_779 = vector.extract %slice3A_778[0] : i32 from vector<1xi32>
    %add3A_780 = arith.addi %add3A_771, %squeeze3A_779 : i32
    %slice3A_781 = vector.extract_strided_slice %scan3A_710#1 {offsets = [7], sizes = [1], strides = [1]} : vector<16xi32> to vector<1xi32>
    %squeeze3A_782 = vector.extract %slice3A_781[0] : i32 from vector<1xi32>
    %add3A_783 = arith.addi %add3A_774, %squeeze3A_782 : i32
    %slice3A_784 = vector.extract_strided_slice %scan3A_710#2 {offsets = [7], sizes = [1], strides = [1]} : vector<16xi32> to vector<1xi32>
    %squeeze3A_785 = vector.extract %slice3A_784[0] : i32 from vector<1xi32>
    %add3A_786 = arith.addi %add3A_777, %squeeze3A_785 : i32
    %slice3A_787 = vector.extract_strided_slice %scan3A_710#0 {offsets = [8], sizes = [1], strides = [1]} : vector<16xi32> to vector<1xi32>
    %squeeze3A_788 = vector.extract %slice3A_787[0] : i32 from vector<1xi32>
    %add3A_789 = arith.addi %add3A_780, %squeeze3A_788 : i32
    %slice3A_790 = vector.extract_strided_slice %scan3A_710#1 {offsets = [8], sizes = [1], strides = [1]} : vector<16xi32> to vector<1xi32>
    %squeeze3A_791 = vector.extract %slice3A_790[0] : i32 from vector<1xi32>
    %add3A_792 = arith.addi %add3A_783, %squeeze3A_791 : i32
    %slice3A_793 = vector.extract_strided_slice %scan3A_710#2 {offsets = [8], sizes = [1], strides = [1]} : vector<16xi32> to vector<1xi32>
    %squeeze3A_794 = vector.extract %slice3A_793[0] : i32 from vector<1xi32>
    %add3A_795 = arith.addi %add3A_786, %squeeze3A_794 : i32
    %slice3A_796 = vector.extract_strided_slice %scan3A_710#0 {offsets = [9], sizes = [1], strides = [1]} : vector<16xi32> to vector<1xi32>
    %squeeze3A_797 = vector.extract %slice3A_796[0] : i32 from vector<1xi32>
    %add3A_798 = arith.addi %add3A_789, %squeeze3A_797 : i32
    %slice3A_799 = vector.extract_strided_slice %scan3A_710#1 {offsets = [9], sizes = [1], strides = [1]} : vector<16xi32> to vector<1xi32>
    %squeeze3A_800 = vector.extract %slice3A_799[0] : i32 from vector<1xi32>
    %add3A_801 = arith.addi %add3A_792, %squeeze3A_800 : i32
    %slice3A_802 = vector.extract_strided_slice %scan3A_710#2 {offsets = [9], sizes = [1], strides = [1]} : vector<16xi32> to vector<1xi32>
    %squeeze3A_803 = vector.extract %slice3A_802[0] : i32 from vector<1xi32>
    %add3A_804 = arith.addi %add3A_795, %squeeze3A_803 : i32
    %slice3A_805 = vector.extract_strided_slice %scan3A_710#0 {offsets = [10], sizes = [1], strides = [1]} : vector<16xi32> to vector<1xi32>
    %squeeze3A_806 = vector.extract %slice3A_805[0] : i32 from vector<1xi32>
    %add3A_807 = arith.addi %add3A_798, %squeeze3A_806 : i32
    %slice3A_808 = vector.extract_strided_slice %scan3A_710#1 {offsets = [10], sizes = [1], strides = [1]} : vector<16xi32> to vector<1xi32>
    %squeeze3A_809 = vector.extract %slice3A_808[0] : i32 from vector<1xi32>
    %add3A_810 = arith.addi %add3A_801, %squeeze3A_809 : i32
    %slice3A_811 = vector.extract_strided_slice %scan3A_710#2 {offsets = [10], sizes = [1], strides = [1]} : vector<16xi32> to vector<1xi32>
    %squeeze3A_812 = vector.extract %slice3A_811[0] : i32 from vector<1xi32>
    %add3A_813 = arith.addi %add3A_804, %squeeze3A_812 : i32
    %slice3A_814 = vector.extract_strided_slice %scan3A_710#0 {offsets = [11], sizes = [1], strides = [1]} : vector<16xi32> to vector<1xi32>
    %squeeze3A_815 = vector.extract %slice3A_814[0] : i32 from vector<1xi32>
    %add3A_816 = arith.addi %add3A_807, %squeeze3A_815 : i32
    %slice3A_817 = vector.extract_strided_slice %scan3A_710#1 {offsets = [11], sizes = [1], strides = [1]} : vector<16xi32> to vector<1xi32>
    %squeeze3A_818 = vector.extract %slice3A_817[0] : i32 from vector<1xi32>
    %add3A_819 = arith.addi %add3A_810, %squeeze3A_818 : i32
    %slice3A_820 = vector.extract_strided_slice %scan3A_710#2 {offsets = [11], sizes = [1], strides = [1]} : vector<16xi32> to vector<1xi32>
    %squeeze3A_821 = vector.extract %slice3A_820[0] : i32 from vector<1xi32>
    %add3A_822 = arith.addi %add3A_813, %squeeze3A_821 : i32
    %slice3A_823 = vector.extract_strided_slice %scan3A_710#0 {offsets = [12], sizes = [1], strides = [1]} : vector<16xi32> to vector<1xi32>
    %squeeze3A_824 = vector.extract %slice3A_823[0] : i32 from vector<1xi32>
    %add3A_825 = arith.addi %add3A_816, %squeeze3A_824 : i32
    %slice3A_826 = vector.extract_strided_slice %scan3A_710#1 {offsets = [12], sizes = [1], strides = [1]} : vector<16xi32> to vector<1xi32>
    %squeeze3A_827 = vector.extract %slice3A_826[0] : i32 from vector<1xi32>
    %add3A_828 = arith.addi %add3A_819, %squeeze3A_827 : i32
    %slice3A_829 = vector.extract_strided_slice %scan3A_710#2 {offsets = [12], sizes = [1], strides = [1]} : vector<16xi32> to vector<1xi32>
    %squeeze3A_830 = vector.extract %slice3A_829[0] : i32 from vector<1xi32>
    %add3A_831 = arith.addi %add3A_822, %squeeze3A_830 : i32
    %slice3A_832 = vector.extract_strided_slice %scan3A_710#0 {offsets = [13], sizes = [1], strides = [1]} : vector<16xi32> to vector<1xi32>
    %squeeze3A_833 = vector.extract %slice3A_832[0] : i32 from vector<1xi32>
    %add3A_834 = arith.addi %add3A_825, %squeeze3A_833 : i32
    %slice3A_835 = vector.extract_strided_slice %scan3A_710#1 {offsets = [13], sizes = [1], strides = [1]} : vector<16xi32> to vector<1xi32>
    %squeeze3A_836 = vector.extract %slice3A_835[0] : i32 from vector<1xi32>
    %add3A_837 = arith.addi %add3A_828, %squeeze3A_836 : i32
    %slice3A_838 = vector.extract_strided_slice %scan3A_710#2 {offsets = [13], sizes = [1], strides = [1]} : vector<16xi32> to vector<1xi32>
    %squeeze3A_839 = vector.extract %slice3A_838[0] : i32 from vector<1xi32>
    %add3A_840 = arith.addi %add3A_831, %squeeze3A_839 : i32
    %slice3A_841 = vector.extract_strided_slice %scan3A_710#0 {offsets = [14], sizes = [1], strides = [1]} : vector<16xi32> to vector<1xi32>
    %squeeze3A_842 = vector.extract %slice3A_841[0] : i32 from vector<1xi32>
    %add3A_843 = arith.addi %add3A_834, %squeeze3A_842 : i32
    %slice3A_844 = vector.extract_strided_slice %scan3A_710#1 {offsets = [14], sizes = [1], strides = [1]} : vector<16xi32> to vector<1xi32>
    %squeeze3A_845 = vector.extract %slice3A_844[0] : i32 from vector<1xi32>
    %add3A_846 = arith.addi %add3A_837, %squeeze3A_845 : i32
    %slice3A_847 = vector.extract_strided_slice %scan3A_710#2 {offsets = [14], sizes = [1], strides = [1]} : vector<16xi32> to vector<1xi32>
    %squeeze3A_848 = vector.extract %slice3A_847[0] : i32 from vector<1xi32>
    %add3A_849 = arith.addi %add3A_840, %squeeze3A_848 : i32
    %slice3A_850 = vector.extract_strided_slice %scan3A_710#0 {offsets = [15], sizes = [1], strides = [1]} : vector<16xi32> to vector<1xi32>
    %squeeze3A_851 = vector.extract %slice3A_850[0] : i32 from vector<1xi32>
    %add3A_852 = arith.addi %add3A_843, %squeeze3A_851 : i32
    %slice3A_853 = vector.extract_strided_slice %scan3A_710#1 {offsets = [15], sizes = [1], strides = [1]} : vector<16xi32> to vector<1xi32>
    %squeeze3A_854 = vector.extract %slice3A_853[0] : i32 from vector<1xi32>
    %add3A_855 = arith.addi %add3A_846, %squeeze3A_854 : i32
    %slice3A_856 = vector.extract_strided_slice %scan3A_710#2 {offsets = [15], sizes = [1], strides = [1]} : vector<16xi32> to vector<1xi32>
    %squeeze3A_857 = vector.extract %slice3A_856[0] : i32 from vector<1xi32>
    %add3A_858 = arith.addi %add3A_849, %squeeze3A_857 : i32
    %ge3A_859 = arith.constant 4096 : i32
    %ge3A_860 = arith.cmpi sge, %add3A_852, %ge3A_859 : i32
    %ge3A_861 = arith.constant 4096 : i32
    %ge3A_862 = arith.cmpi sge, %add3A_858, %ge3A_861 : i32
    %select_n3A_863 = arith.select %ge3A_862, %or3A_701, %or3A_699 : i32
    %ge3A_864 = arith.constant 4096 : i32
    %ge3A_865 = arith.cmpi sge, %add3A_855, %ge3A_864 : i32
    %select_n3A_866 = arith.select %ge3A_865, %or3A_700, %select_n3A_692 : i32
    %select_n3A_867 = arith.select %ge3A_860, %select_n3A_863, %select_n3A_866 : i32
    %shift_left3A_868 = arith.constant 1 : i32
    %shift_left3A_869 = arith.constant 20 : i32
    %shift_left3A_870 = arith.shli %shift_left3A_868, %shift_left3A_869 : i32
    %shift_left3A_871 = arith.constant 1 : i32
    %shift_left3A_872 = arith.constant 21 : i32
    %shift_left3A_873 = arith.shli %shift_left3A_871, %shift_left3A_872 : i32
    %or3A_874 = arith.ori %select_n3A_867, %shift_left3A_873 : i32
    %or3A_875 = arith.ori %select_n3A_867, %shift_left3A_870 : i32
    %or3A_876 = arith.ori %or3A_874, %shift_left3A_870 : i32
    %broadcast_in_dim3A_877 = arith.constant 0 : i32
    %broadcast_in_dim3A_878 = vector.broadcast %broadcast_in_dim3A_877 : i32 to vector<16xi32>
    %scan3A_879 = arith.constant 1 : i32
    %scan3A_880 = arith.constant 0 : i32
    %scan3A_881 = arith.constant 0 : i32
    %scan3A_882 = arith.constant 256 : i32
    %scan3A_883 = arith.addi %scan3A_881, %scan3A_882 : i32
    %scan3A_884 = arith.constant 1 : i32
    %scan3A_885:3 = scf.for %scan3A_2800 = %scan3A_881 to %scan3A_883 step %scan3A_884 iter_args(%scan3A_2801 = %broadcast_in_dim3A_878, %scan3A_2802 = %broadcast_in_dim3A_878, %scan3A_2803 = %broadcast_in_dim3A_878) -> (vector<16xi32>, vector<16xi32>, vector<16xi32>)  : i32 {
      %mul3A_2804 = arith.constant 2 : i32
      %mul3A_2805 = arith.muli %scan3A_2800, %mul3A_2804 : i32
      %add3A_2806 = arith.constant 0 : i32
      %add3A_2807 = arith.addi %mul3A_2805, %add3A_2806 : i32
      %mul3A_2808 = arith.constant 16 : i32
      %mul3A_2809 = arith.muli %add3A_2807, %mul3A_2808 : i32
      %get3A = arith.index_cast %mul3A_2809 : i32 to index
      %get3A_2810 = tpu.vector_load %arg4[%get3A] {strides = array<i32>} : memref<8192xi32, #tpu.memory_space<vmem>>, vector<16xi32>,
      %get3A_2811 = vector.shape_cast %get3A_2810 : vector<16xi32> to vector<16xi32>
      %ge3A_2812 = vector.broadcast %or3A_874 : i32 to vector<16xi32>
      %ge3A_2813 = arith.cmpi sge, %get3A_2811, %ge3A_2812 : vector<16xi32>
      %broadcast_in_dim3A_2814 = vector.broadcast %scan3A_879 : i32 to vector<16xi32>
      %broadcast_in_dim3A_2815 = vector.broadcast %scan3A_880 : i32 to vector<16xi32>
      %select_n3A_2816 = arith.select %ge3A_2813, %broadcast_in_dim3A_2814, %broadcast_in_dim3A_2815 : vector<16xi1>, vector<16xi32>
      %add3A_2817 = arith.addi %scan3A_2801, %select_n3A_2816 : vector<16xi32>
      %ge3A_2818 = vector.broadcast %or3A_875 : i32 to vector<16xi32>
      %ge3A_2819 = arith.cmpi sge, %get3A_2811, %ge3A_2818 : vector<16xi32>
      %broadcast_in_dim3A_2820 = vector.broadcast %scan3A_879 : i32 to vector<16xi32>
      %broadcast_in_dim3A_2821 = vector.broadcast %scan3A_880 : i32 to vector<16xi32>
      %select_n3A_2822 = arith.select %ge3A_2819, %broadcast_in_dim3A_2820, %broadcast_in_dim3A_2821 : vector<16xi1>, vector<16xi32>
      %add3A_2823 = arith.addi %scan3A_2802, %select_n3A_2822 : vector<16xi32>
      %ge3A_2824 = vector.broadcast %or3A_876 : i32 to vector<16xi32>
      %ge3A_2825 = arith.cmpi sge, %get3A_2811, %ge3A_2824 : vector<16xi32>
      %broadcast_in_dim3A_2826 = vector.broadcast %scan3A_879 : i32 to vector<16xi32>
      %broadcast_in_dim3A_2827 = vector.broadcast %scan3A_880 : i32 to vector<16xi32>
      %select_n3A_2828 = arith.select %ge3A_2825, %broadcast_in_dim3A_2826, %broadcast_in_dim3A_2827 : vector<16xi1>, vector<16xi32>
      %add3A_2829 = arith.addi %scan3A_2803, %select_n3A_2828 : vector<16xi32>
      %mul3A_2830 = arith.constant 2 : i32
      %mul3A_2831 = arith.muli %scan3A_2800, %mul3A_2830 : i32
      %add3A_2832 = arith.constant 1 : i32
      %add3A_2833 = arith.addi %mul3A_2831, %add3A_2832 : i32
      %mul3A_2834 = arith.constant 16 : i32
      %mul3A_2835 = arith.muli %add3A_2833, %mul3A_2834 : i32
      %get3A_2836 = arith.index_cast %mul3A_2835 : i32 to index
      %get3A_2837 = tpu.vector_load %arg4[%get3A_2836] {strides = array<i32>} : memref<8192xi32, #tpu.memory_space<vmem>>, vector<16xi32>,
      %get3A_2838 = vector.shape_cast %get3A_2837 : vector<16xi32> to vector<16xi32>
      %ge3A_2839 = vector.broadcast %or3A_874 : i32 to vector<16xi32>
      %ge3A_2840 = arith.cmpi sge, %get3A_2838, %ge3A_2839 : vector<16xi32>
      %broadcast_in_dim3A_2841 = vector.broadcast %scan3A_879 : i32 to vector<16xi32>
      %broadcast_in_dim3A_2842 = vector.broadcast %scan3A_880 : i32 to vector<16xi32>
      %select_n3A_2843 = arith.select %ge3A_2840, %broadcast_in_dim3A_2841, %broadcast_in_dim3A_2842 : vector<16xi1>, vector<16xi32>
      %add3A_2844 = arith.addi %add3A_2817, %select_n3A_2843 : vector<16xi32>
      %ge3A_2845 = vector.broadcast %or3A_875 : i32 to vector<16xi32>
      %ge3A_2846 = arith.cmpi sge, %get3A_2838, %ge3A_2845 : vector<16xi32>
      %broadcast_in_dim3A_2847 = vector.broadcast %scan3A_879 : i32 to vector<16xi32>
      %broadcast_in_dim3A_2848 = vector.broadcast %scan3A_880 : i32 to vector<16xi32>
      %select_n3A_2849 = arith.select %ge3A_2846, %broadcast_in_dim3A_2847, %broadcast_in_dim3A_2848 : vector<16xi1>, vector<16xi32>
      %add3A_2850 = arith.addi %add3A_2823, %select_n3A_2849 : vector<16xi32>
      %ge3A_2851 = vector.broadcast %or3A_876 : i32 to vector<16xi32>
      %ge3A_2852 = arith.cmpi sge, %get3A_2838, %ge3A_2851 : vector<16xi32>
      %broadcast_in_dim3A_2853 = vector.broadcast %scan3A_879 : i32 to vector<16xi32>
      %broadcast_in_dim3A_2854 = vector.broadcast %scan3A_880 : i32 to vector<16xi32>
      %select_n3A_2855 = arith.select %ge3A_2852, %broadcast_in_dim3A_2853, %broadcast_in_dim3A_2854 : vector<16xi1>, vector<16xi32>
      %add3A_2856 = arith.addi %add3A_2829, %select_n3A_2855 : vector<16xi32>
      scf.yield %add3A_2844, %add3A_2850, %add3A_2856 : vector<16xi32>, vector<16xi32>, vector<16xi32>
    }
    %scan3A_886 = arith.constant 256 : i32
    %slice3A_887 = vector.extract_strided_slice %scan3A_885#0 {offsets = [0], sizes = [1], strides = [1]} : vector<16xi32> to vector<1xi32>
    %squeeze3A_888 = vector.extract %slice3A_887[0] : i32 from vector<1xi32>
    %add3A_889 = arith.constant 0 : i32
    %add3A_890 = arith.addi %add3A_889, %squeeze3A_888 : i32
    %slice3A_891 = vector.extract_strided_slice %scan3A_885#1 {offsets = [0], sizes = [1], strides = [1]} : vector<16xi32> to vector<1xi32>
    %squeeze3A_892 = vector.extract %slice3A_891[0] : i32 from vector<1xi32>
    %add3A_893 = arith.constant 0 : i32
    %add3A_894 = arith.addi %add3A_893, %squeeze3A_892 : i32
    %slice3A_895 = vector.extract_strided_slice %scan3A_885#2 {offsets = [0], sizes = [1], strides = [1]} : vector<16xi32> to vector<1xi32>
    %squeeze3A_896 = vector.extract %slice3A_895[0] : i32 from vector<1xi32>
    %add3A_897 = arith.constant 0 : i32
    %add3A_898 = arith.addi %add3A_897, %squeeze3A_896 : i32
    %slice3A_899 = vector.extract_strided_slice %scan3A_885#0 {offsets = [1], sizes = [1], strides = [1]} : vector<16xi32> to vector<1xi32>
    %squeeze3A_900 = vector.extract %slice3A_899[0] : i32 from vector<1xi32>
    %add3A_901 = arith.addi %add3A_890, %squeeze3A_900 : i32
    %slice3A_902 = vector.extract_strided_slice %scan3A_885#1 {offsets = [1], sizes = [1], strides = [1]} : vector<16xi32> to vector<1xi32>
    %squeeze3A_903 = vector.extract %slice3A_902[0] : i32 from vector<1xi32>
    %add3A_904 = arith.addi %add3A_894, %squeeze3A_903 : i32
    %slice3A_905 = vector.extract_strided_slice %scan3A_885#2 {offsets = [1], sizes = [1], strides = [1]} : vector<16xi32> to vector<1xi32>
    %squeeze3A_906 = vector.extract %slice3A_905[0] : i32 from vector<1xi32>
    %add3A_907 = arith.addi %add3A_898, %squeeze3A_906 : i32
    %slice3A_908 = vector.extract_strided_slice %scan3A_885#0 {offsets = [2], sizes = [1], strides = [1]} : vector<16xi32> to vector<1xi32>
    %squeeze3A_909 = vector.extract %slice3A_908[0] : i32 from vector<1xi32>
    %add3A_910 = arith.addi %add3A_901, %squeeze3A_909 : i32
    %slice3A_911 = vector.extract_strided_slice %scan3A_885#1 {offsets = [2], sizes = [1], strides = [1]} : vector<16xi32> to vector<1xi32>
    %squeeze3A_912 = vector.extract %slice3A_911[0] : i32 from vector<1xi32>
    %add3A_913 = arith.addi %add3A_904, %squeeze3A_912 : i32
    %slice3A_914 = vector.extract_strided_slice %scan3A_885#2 {offsets = [2], sizes = [1], strides = [1]} : vector<16xi32> to vector<1xi32>
    %squeeze3A_915 = vector.extract %slice3A_914[0] : i32 from vector<1xi32>
    %add3A_916 = arith.addi %add3A_907, %squeeze3A_915 : i32
    %slice3A_917 = vector.extract_strided_slice %scan3A_885#0 {offsets = [3], sizes = [1], strides = [1]} : vector<16xi32> to vector<1xi32>
    %squeeze3A_918 = vector.extract %slice3A_917[0] : i32 from vector<1xi32>
    %add3A_919 = arith.addi %add3A_910, %squeeze3A_918 : i32
    %slice3A_920 = vector.extract_strided_slice %scan3A_885#1 {offsets = [3], sizes = [1], strides = [1]} : vector<16xi32> to vector<1xi32>
    %squeeze3A_921 = vector.extract %slice3A_920[0] : i32 from vector<1xi32>
    %add3A_922 = arith.addi %add3A_913, %squeeze3A_921 : i32
    %slice3A_923 = vector.extract_strided_slice %scan3A_885#2 {offsets = [3], sizes = [1], strides = [1]} : vector<16xi32> to vector<1xi32>
    %squeeze3A_924 = vector.extract %slice3A_923[0] : i32 from vector<1xi32>
    %add3A_925 = arith.addi %add3A_916, %squeeze3A_924 : i32
    %slice3A_926 = vector.extract_strided_slice %scan3A_885#0 {offsets = [4], sizes = [1], strides = [1]} : vector<16xi32> to vector<1xi32>
    %squeeze3A_927 = vector.extract %slice3A_926[0] : i32 from vector<1xi32>
    %add3A_928 = arith.addi %add3A_919, %squeeze3A_927 : i32
    %slice3A_929 = vector.extract_strided_slice %scan3A_885#1 {offsets = [4], sizes = [1], strides = [1]} : vector<16xi32> to vector<1xi32>
    %squeeze3A_930 = vector.extract %slice3A_929[0] : i32 from vector<1xi32>
    %add3A_931 = arith.addi %add3A_922, %squeeze3A_930 : i32
    %slice3A_932 = vector.extract_strided_slice %scan3A_885#2 {offsets = [4], sizes = [1], strides = [1]} : vector<16xi32> to vector<1xi32>
    %squeeze3A_933 = vector.extract %slice3A_932[0] : i32 from vector<1xi32>
    %add3A_934 = arith.addi %add3A_925, %squeeze3A_933 : i32
    %slice3A_935 = vector.extract_strided_slice %scan3A_885#0 {offsets = [5], sizes = [1], strides = [1]} : vector<16xi32> to vector<1xi32>
    %squeeze3A_936 = vector.extract %slice3A_935[0] : i32 from vector<1xi32>
    %add3A_937 = arith.addi %add3A_928, %squeeze3A_936 : i32
    %slice3A_938 = vector.extract_strided_slice %scan3A_885#1 {offsets = [5], sizes = [1], strides = [1]} : vector<16xi32> to vector<1xi32>
    %squeeze3A_939 = vector.extract %slice3A_938[0] : i32 from vector<1xi32>
    %add3A_940 = arith.addi %add3A_931, %squeeze3A_939 : i32
    %slice3A_941 = vector.extract_strided_slice %scan3A_885#2 {offsets = [5], sizes = [1], strides = [1]} : vector<16xi32> to vector<1xi32>
    %squeeze3A_942 = vector.extract %slice3A_941[0] : i32 from vector<1xi32>
    %add3A_943 = arith.addi %add3A_934, %squeeze3A_942 : i32
    %slice3A_944 = vector.extract_strided_slice %scan3A_885#0 {offsets = [6], sizes = [1], strides = [1]} : vector<16xi32> to vector<1xi32>
    %squeeze3A_945 = vector.extract %slice3A_944[0] : i32 from vector<1xi32>
    %add3A_946 = arith.addi %add3A_937, %squeeze3A_945 : i32
    %slice3A_947 = vector.extract_strided_slice %scan3A_885#1 {offsets = [6], sizes = [1], strides = [1]} : vector<16xi32> to vector<1xi32>
    %squeeze3A_948 = vector.extract %slice3A_947[0] : i32 from vector<1xi32>
    %add3A_949 = arith.addi %add3A_940, %squeeze3A_948 : i32
    %slice3A_950 = vector.extract_strided_slice %scan3A_885#2 {offsets = [6], sizes = [1], strides = [1]} : vector<16xi32> to vector<1xi32>
    %squeeze3A_951 = vector.extract %slice3A_950[0] : i32 from vector<1xi32>
    %add3A_952 = arith.addi %add3A_943, %squeeze3A_951 : i32
    %slice3A_953 = vector.extract_strided_slice %scan3A_885#0 {offsets = [7], sizes = [1], strides = [1]} : vector<16xi32> to vector<1xi32>
    %squeeze3A_954 = vector.extract %slice3A_953[0] : i32 from vector<1xi32>
    %add3A_955 = arith.addi %add3A_946, %squeeze3A_954 : i32
    %slice3A_956 = vector.extract_strided_slice %scan3A_885#1 {offsets = [7], sizes = [1], strides = [1]} : vector<16xi32> to vector<1xi32>
    %squeeze3A_957 = vector.extract %slice3A_956[0] : i32 from vector<1xi32>
    %add3A_958 = arith.addi %add3A_949, %squeeze3A_957 : i32
    %slice3A_959 = vector.extract_strided_slice %scan3A_885#2 {offsets = [7], sizes = [1], strides = [1]} : vector<16xi32> to vector<1xi32>
    %squeeze3A_960 = vector.extract %slice3A_959[0] : i32 from vector<1xi32>
    %add3A_961 = arith.addi %add3A_952, %squeeze3A_960 : i32
    %slice3A_962 = vector.extract_strided_slice %scan3A_885#0 {offsets = [8], sizes = [1], strides = [1]} : vector<16xi32> to vector<1xi32>
    %squeeze3A_963 = vector.extract %slice3A_962[0] : i32 from vector<1xi32>
    %add3A_964 = arith.addi %add3A_955, %squeeze3A_963 : i32
    %slice3A_965 = vector.extract_strided_slice %scan3A_885#1 {offsets = [8], sizes = [1], strides = [1]} : vector<16xi32> to vector<1xi32>
    %squeeze3A_966 = vector.extract %slice3A_965[0] : i32 from vector<1xi32>
    %add3A_967 = arith.addi %add3A_958, %squeeze3A_966 : i32
    %slice3A_968 = vector.extract_strided_slice %scan3A_885#2 {offsets = [8], sizes = [1], strides = [1]} : vector<16xi32> to vector<1xi32>
    %squeeze3A_969 = vector.extract %slice3A_968[0] : i32 from vector<1xi32>
    %add3A_970 = arith.addi %add3A_961, %squeeze3A_969 : i32
    %slice3A_971 = vector.extract_strided_slice %scan3A_885#0 {offsets = [9], sizes = [1], strides = [1]} : vector<16xi32> to vector<1xi32>
    %squeeze3A_972 = vector.extract %slice3A_971[0] : i32 from vector<1xi32>
    %add3A_973 = arith.addi %add3A_964, %squeeze3A_972 : i32
    %slice3A_974 = vector.extract_strided_slice %scan3A_885#1 {offsets = [9], sizes = [1], strides = [1]} : vector<16xi32> to vector<1xi32>
    %squeeze3A_975 = vector.extract %slice3A_974[0] : i32 from vector<1xi32>
    %add3A_976 = arith.addi %add3A_967, %squeeze3A_975 : i32
    %slice3A_977 = vector.extract_strided_slice %scan3A_885#2 {offsets = [9], sizes = [1], strides = [1]} : vector<16xi32> to vector<1xi32>
    %squeeze3A_978 = vector.extract %slice3A_977[0] : i32 from vector<1xi32>
    %add3A_979 = arith.addi %add3A_970, %squeeze3A_978 : i32
    %slice3A_980 = vector.extract_strided_slice %scan3A_885#0 {offsets = [10], sizes = [1], strides = [1]} : vector<16xi32> to vector<1xi32>
    %squeeze3A_981 = vector.extract %slice3A_980[0] : i32 from vector<1xi32>
    %add3A_982 = arith.addi %add3A_973, %squeeze3A_981 : i32
    %slice3A_983 = vector.extract_strided_slice %scan3A_885#1 {offsets = [10], sizes = [1], strides = [1]} : vector<16xi32> to vector<1xi32>
    %squeeze3A_984 = vector.extract %slice3A_983[0] : i32 from vector<1xi32>
    %add3A_985 = arith.addi %add3A_976, %squeeze3A_984 : i32
    %slice3A_986 = vector.extract_strided_slice %scan3A_885#2 {offsets = [10], sizes = [1], strides = [1]} : vector<16xi32> to vector<1xi32>
    %squeeze3A_987 = vector.extract %slice3A_986[0] : i32 from vector<1xi32>
    %add3A_988 = arith.addi %add3A_979, %squeeze3A_987 : i32
    %slice3A_989 = vector.extract_strided_slice %scan3A_885#0 {offsets = [11], sizes = [1], strides = [1]} : vector<16xi32> to vector<1xi32>
    %squeeze3A_990 = vector.extract %slice3A_989[0] : i32 from vector<1xi32>
    %add3A_991 = arith.addi %add3A_982, %squeeze3A_990 : i32
    %slice3A_992 = vector.extract_strided_slice %scan3A_885#1 {offsets = [11], sizes = [1], strides = [1]} : vector<16xi32> to vector<1xi32>
    %squeeze3A_993 = vector.extract %slice3A_992[0] : i32 from vector<1xi32>
    %add3A_994 = arith.addi %add3A_985, %squeeze3A_993 : i32
    %slice3A_995 = vector.extract_strided_slice %scan3A_885#2 {offsets = [11], sizes = [1], strides = [1]} : vector<16xi32> to vector<1xi32>
    %squeeze3A_996 = vector.extract %slice3A_995[0] : i32 from vector<1xi32>
    %add3A_997 = arith.addi %add3A_988, %squeeze3A_996 : i32
    %slice3A_998 = vector.extract_strided_slice %scan3A_885#0 {offsets = [12], sizes = [1], strides = [1]} : vector<16xi32> to vector<1xi32>
    %squeeze3A_999 = vector.extract %slice3A_998[0] : i32 from vector<1xi32>
    %add3A_1000 = arith.addi %add3A_991, %squeeze3A_999 : i32
    %slice3A_1001 = vector.extract_strided_slice %scan3A_885#1 {offsets = [12], sizes = [1], strides = [1]} : vector<16xi32> to vector<1xi32>
    %squeeze3A_1002 = vector.extract %slice3A_1001[0] : i32 from vector<1xi32>
    %add3A_1003 = arith.addi %add3A_994, %squeeze3A_1002 : i32
    %slice3A_1004 = vector.extract_strided_slice %scan3A_885#2 {offsets = [12], sizes = [1], strides = [1]} : vector<16xi32> to vector<1xi32>
    %squeeze3A_1005 = vector.extract %slice3A_1004[0] : i32 from vector<1xi32>
    %add3A_1006 = arith.addi %add3A_997, %squeeze3A_1005 : i32
    %slice3A_1007 = vector.extract_strided_slice %scan3A_885#0 {offsets = [13], sizes = [1], strides = [1]} : vector<16xi32> to vector<1xi32>
    %squeeze3A_1008 = vector.extract %slice3A_1007[0] : i32 from vector<1xi32>
    %add3A_1009 = arith.addi %add3A_1000, %squeeze3A_1008 : i32
    %slice3A_1010 = vector.extract_strided_slice %scan3A_885#1 {offsets = [13], sizes = [1], strides = [1]} : vector<16xi32> to vector<1xi32>
    %squeeze3A_1011 = vector.extract %slice3A_1010[0] : i32 from vector<1xi32>
    %add3A_1012 = arith.addi %add3A_1003, %squeeze3A_1011 : i32
    %slice3A_1013 = vector.extract_strided_slice %scan3A_885#2 {offsets = [13], sizes = [1], strides = [1]} : vector<16xi32> to vector<1xi32>
    %squeeze3A_1014 = vector.extract %slice3A_1013[0] : i32 from vector<1xi32>
    %add3A_1015 = arith.addi %add3A_1006, %squeeze3A_1014 : i32
    %slice3A_1016 = vector.extract_strided_slice %scan3A_885#0 {offsets = [14], sizes = [1], strides = [1]} : vector<16xi32> to vector<1xi32>
    %squeeze3A_1017 = vector.extract %slice3A_1016[0] : i32 from vector<1xi32>
    %add3A_1018 = arith.addi %add3A_1009, %squeeze3A_1017 : i32
    %slice3A_1019 = vector.extract_strided_slice %scan3A_885#1 {offsets = [14], sizes = [1], strides = [1]} : vector<16xi32> to vector<1xi32>
    %squeeze3A_1020 = vector.extract %slice3A_1019[0] : i32 from vector<1xi32>
    %add3A_1021 = arith.addi %add3A_1012, %squeeze3A_1020 : i32
    %slice3A_1022 = vector.extract_strided_slice %scan3A_885#2 {offsets = [14], sizes = [1], strides = [1]} : vector<16xi32> to vector<1xi32>
    %squeeze3A_1023 = vector.extract %slice3A_1022[0] : i32 from vector<1xi32>
    %add3A_1024 = arith.addi %add3A_1015, %squeeze3A_1023 : i32
    %slice3A_1025 = vector.extract_strided_slice %scan3A_885#0 {offsets = [15], sizes = [1], strides = [1]} : vector<16xi32> to vector<1xi32>
    %squeeze3A_1026 = vector.extract %slice3A_1025[0] : i32 from vector<1xi32>
    %add3A_1027 = arith.addi %add3A_1018, %squeeze3A_1026 : i32
    %slice3A_1028 = vector.extract_strided_slice %scan3A_885#1 {offsets = [15], sizes = [1], strides = [1]} : vector<16xi32> to vector<1xi32>
    %squeeze3A_1029 = vector.extract %slice3A_1028[0] : i32 from vector<1xi32>
    %add3A_1030 = arith.addi %add3A_1021, %squeeze3A_1029 : i32
    %slice3A_1031 = vector.extract_strided_slice %scan3A_885#2 {offsets = [15], sizes = [1], strides = [1]} : vector<16xi32> to vector<1xi32>
    %squeeze3A_1032 = vector.extract %slice3A_1031[0] : i32 from vector<1xi32>
    %add3A_1033 = arith.addi %add3A_1024, %squeeze3A_1032 : i32
    %ge3A_1034 = arith.constant 4096 : i32
    %ge3A_1035 = arith.cmpi sge, %add3A_1027, %ge3A_1034 : i32
    %ge3A_1036 = arith.constant 4096 : i32
    %ge3A_1037 = arith.cmpi sge, %add3A_1033, %ge3A_1036 : i32
    %select_n3A_1038 = arith.select %ge3A_1037, %or3A_876, %or3A_874 : i32
    %ge3A_1039 = arith.constant 4096 : i32
    %ge3A_1040 = arith.cmpi sge, %add3A_1030, %ge3A_1039 : i32
    %select_n3A_1041 = arith.select %ge3A_1040, %or3A_875, %select_n3A_867 : i32
    %select_n3A_1042 = arith.select %ge3A_1035, %select_n3A_1038, %select_n3A_1041 : i32
    %shift_left3A_1043 = arith.constant 1 : i32
    %shift_left3A_1044 = arith.constant 18 : i32
    %shift_left3A_1045 = arith.shli %shift_left3A_1043, %shift_left3A_1044 : i32
    %shift_left3A_1046 = arith.constant 1 : i32
    %shift_left3A_1047 = arith.constant 19 : i32
    %shift_left3A_1048 = arith.shli %shift_left3A_1046, %shift_left3A_1047 : i32
    %or3A_1049 = arith.ori %select_n3A_1042, %shift_left3A_1048 : i32
    %or3A_1050 = arith.ori %select_n3A_1042, %shift_left3A_1045 : i32
    %or3A_1051 = arith.ori %or3A_1049, %shift_left3A_1045 : i32
    %broadcast_in_dim3A_1052 = arith.constant 0 : i32
    %broadcast_in_dim3A_1053 = vector.broadcast %broadcast_in_dim3A_1052 : i32 to vector<16xi32>
    %scan3A_1054 = arith.constant 1 : i32
    %scan3A_1055 = arith.constant 0 : i32
    %scan3A_1056 = arith.constant 0 : i32
    %scan3A_1057 = arith.constant 256 : i32
    %scan3A_1058 = arith.addi %scan3A_1056, %scan3A_1057 : i32
    %scan3A_1059 = arith.constant 1 : i32
    %scan3A_1060:3 = scf.for %scan3A_2800 = %scan3A_1056 to %scan3A_1058 step %scan3A_1059 iter_args(%scan3A_2801 = %broadcast_in_dim3A_1053, %scan3A_2802 = %broadcast_in_dim3A_1053, %scan3A_2803 = %broadcast_in_dim3A_1053) -> (vector<16xi32>, vector<16xi32>, vector<16xi32>)  : i32 {
      %mul3A_2804 = arith.constant 2 : i32
      %mul3A_2805 = arith.muli %scan3A_2800, %mul3A_2804 : i32
      %add3A_2806 = arith.constant 0 : i32
      %add3A_2807 = arith.addi %mul3A_2805, %add3A_2806 : i32
      %mul3A_2808 = arith.constant 16 : i32
      %mul3A_2809 = arith.muli %add3A_2807, %mul3A_2808 : i32
      %get3A = arith.index_cast %mul3A_2809 : i32 to index
      %get3A_2810 = tpu.vector_load %arg4[%get3A] {strides = array<i32>} : memref<8192xi32, #tpu.memory_space<vmem>>, vector<16xi32>,
      %get3A_2811 = vector.shape_cast %get3A_2810 : vector<16xi32> to vector<16xi32>
      %ge3A_2812 = vector.broadcast %or3A_1049 : i32 to vector<16xi32>
      %ge3A_2813 = arith.cmpi sge, %get3A_2811, %ge3A_2812 : vector<16xi32>
      %broadcast_in_dim3A_2814 = vector.broadcast %scan3A_1054 : i32 to vector<16xi32>
      %broadcast_in_dim3A_2815 = vector.broadcast %scan3A_1055 : i32 to vector<16xi32>
      %select_n3A_2816 = arith.select %ge3A_2813, %broadcast_in_dim3A_2814, %broadcast_in_dim3A_2815 : vector<16xi1>, vector<16xi32>
      %add3A_2817 = arith.addi %scan3A_2801, %select_n3A_2816 : vector<16xi32>
      %ge3A_2818 = vector.broadcast %or3A_1050 : i32 to vector<16xi32>
      %ge3A_2819 = arith.cmpi sge, %get3A_2811, %ge3A_2818 : vector<16xi32>
      %broadcast_in_dim3A_2820 = vector.broadcast %scan3A_1054 : i32 to vector<16xi32>
      %broadcast_in_dim3A_2821 = vector.broadcast %scan3A_1055 : i32 to vector<16xi32>
      %select_n3A_2822 = arith.select %ge3A_2819, %broadcast_in_dim3A_2820, %broadcast_in_dim3A_2821 : vector<16xi1>, vector<16xi32>
      %add3A_2823 = arith.addi %scan3A_2802, %select_n3A_2822 : vector<16xi32>
      %ge3A_2824 = vector.broadcast %or3A_1051 : i32 to vector<16xi32>
      %ge3A_2825 = arith.cmpi sge, %get3A_2811, %ge3A_2824 : vector<16xi32>
      %broadcast_in_dim3A_2826 = vector.broadcast %scan3A_1054 : i32 to vector<16xi32>
      %broadcast_in_dim3A_2827 = vector.broadcast %scan3A_1055 : i32 to vector<16xi32>
      %select_n3A_2828 = arith.select %ge3A_2825, %broadcast_in_dim3A_2826, %broadcast_in_dim3A_2827 : vector<16xi1>, vector<16xi32>
      %add3A_2829 = arith.addi %scan3A_2803, %select_n3A_2828 : vector<16xi32>
      %mul3A_2830 = arith.constant 2 : i32
      %mul3A_2831 = arith.muli %scan3A_2800, %mul3A_2830 : i32
      %add3A_2832 = arith.constant 1 : i32
      %add3A_2833 = arith.addi %mul3A_2831, %add3A_2832 : i32
      %mul3A_2834 = arith.constant 16 : i32
      %mul3A_2835 = arith.muli %add3A_2833, %mul3A_2834 : i32
      %get3A_2836 = arith.index_cast %mul3A_2835 : i32 to index
      %get3A_2837 = tpu.vector_load %arg4[%get3A_2836] {strides = array<i32>} : memref<8192xi32, #tpu.memory_space<vmem>>, vector<16xi32>,
      %get3A_2838 = vector.shape_cast %get3A_2837 : vector<16xi32> to vector<16xi32>
      %ge3A_2839 = vector.broadcast %or3A_1049 : i32 to vector<16xi32>
      %ge3A_2840 = arith.cmpi sge, %get3A_2838, %ge3A_2839 : vector<16xi32>
      %broadcast_in_dim3A_2841 = vector.broadcast %scan3A_1054 : i32 to vector<16xi32>
      %broadcast_in_dim3A_2842 = vector.broadcast %scan3A_1055 : i32 to vector<16xi32>
      %select_n3A_2843 = arith.select %ge3A_2840, %broadcast_in_dim3A_2841, %broadcast_in_dim3A_2842 : vector<16xi1>, vector<16xi32>
      %add3A_2844 = arith.addi %add3A_2817, %select_n3A_2843 : vector<16xi32>
      %ge3A_2845 = vector.broadcast %or3A_1050 : i32 to vector<16xi32>
      %ge3A_2846 = arith.cmpi sge, %get3A_2838, %ge3A_2845 : vector<16xi32>
      %broadcast_in_dim3A_2847 = vector.broadcast %scan3A_1054 : i32 to vector<16xi32>
      %broadcast_in_dim3A_2848 = vector.broadcast %scan3A_1055 : i32 to vector<16xi32>
      %select_n3A_2849 = arith.select %ge3A_2846, %broadcast_in_dim3A_2847, %broadcast_in_dim3A_2848 : vector<16xi1>, vector<16xi32>
      %add3A_2850 = arith.addi %add3A_2823, %select_n3A_2849 : vector<16xi32>
      %ge3A_2851 = vector.broadcast %or3A_1051 : i32 to vector<16xi32>
      %ge3A_2852 = arith.cmpi sge, %get3A_2838, %ge3A_2851 : vector<16xi32>
      %broadcast_in_dim3A_2853 = vector.broadcast %scan3A_1054 : i32 to vector<16xi32>
      %broadcast_in_dim3A_2854 = vector.broadcast %scan3A_1055 : i32 to vector<16xi32>
      %select_n3A_2855 = arith.select %ge3A_2852, %broadcast_in_dim3A_2853, %broadcast_in_dim3A_2854 : vector<16xi1>, vector<16xi32>
      %add3A_2856 = arith.addi %add3A_2829, %select_n3A_2855 : vector<16xi32>
      scf.yield %add3A_2844, %add3A_2850, %add3A_2856 : vector<16xi32>, vector<16xi32>, vector<16xi32>
    }
    %scan3A_1061 = arith.constant 256 : i32
    %slice3A_1062 = vector.extract_strided_slice %scan3A_1060#0 {offsets = [0], sizes = [1], strides = [1]} : vector<16xi32> to vector<1xi32>
    %squeeze3A_1063 = vector.extract %slice3A_1062[0] : i32 from vector<1xi32>
    %add3A_1064 = arith.constant 0 : i32
    %add3A_1065 = arith.addi %add3A_1064, %squeeze3A_1063 : i32
    %slice3A_1066 = vector.extract_strided_slice %scan3A_1060#1 {offsets = [0], sizes = [1], strides = [1]} : vector<16xi32> to vector<1xi32>
    %squeeze3A_1067 = vector.extract %slice3A_1066[0] : i32 from vector<1xi32>
    %add3A_1068 = arith.constant 0 : i32
    %add3A_1069 = arith.addi %add3A_1068, %squeeze3A_1067 : i32
    %slice3A_1070 = vector.extract_strided_slice %scan3A_1060#2 {offsets = [0], sizes = [1], strides = [1]} : vector<16xi32> to vector<1xi32>
    %squeeze3A_1071 = vector.extract %slice3A_1070[0] : i32 from vector<1xi32>
    %add3A_1072 = arith.constant 0 : i32
    %add3A_1073 = arith.addi %add3A_1072, %squeeze3A_1071 : i32
    %slice3A_1074 = vector.extract_strided_slice %scan3A_1060#0 {offsets = [1], sizes = [1], strides = [1]} : vector<16xi32> to vector<1xi32>
    %squeeze3A_1075 = vector.extract %slice3A_1074[0] : i32 from vector<1xi32>
    %add3A_1076 = arith.addi %add3A_1065, %squeeze3A_1075 : i32
    %slice3A_1077 = vector.extract_strided_slice %scan3A_1060#1 {offsets = [1], sizes = [1], strides = [1]} : vector<16xi32> to vector<1xi32>
    %squeeze3A_1078 = vector.extract %slice3A_1077[0] : i32 from vector<1xi32>
    %add3A_1079 = arith.addi %add3A_1069, %squeeze3A_1078 : i32
    %slice3A_1080 = vector.extract_strided_slice %scan3A_1060#2 {offsets = [1], sizes = [1], strides = [1]} : vector<16xi32> to vector<1xi32>
    %squeeze3A_1081 = vector.extract %slice3A_1080[0] : i32 from vector<1xi32>
    %add3A_1082 = arith.addi %add3A_1073, %squeeze3A_1081 : i32
    %slice3A_1083 = vector.extract_strided_slice %scan3A_1060#0 {offsets = [2], sizes = [1], strides = [1]} : vector<16xi32> to vector<1xi32>
    %squeeze3A_1084 = vector.extract %slice3A_1083[0] : i32 from vector<1xi32>
    %add3A_1085 = arith.addi %add3A_1076, %squeeze3A_1084 : i32
    %slice3A_1086 = vector.extract_strided_slice %scan3A_1060#1 {offsets = [2], sizes = [1], strides = [1]} : vector<16xi32> to vector<1xi32>
    %squeeze3A_1087 = vector.extract %slice3A_1086[0] : i32 from vector<1xi32>
    %add3A_1088 = arith.addi %add3A_1079, %squeeze3A_1087 : i32
    %slice3A_1089 = vector.extract_strided_slice %scan3A_1060#2 {offsets = [2], sizes = [1], strides = [1]} : vector<16xi32> to vector<1xi32>
    %squeeze3A_1090 = vector.extract %slice3A_1089[0] : i32 from vector<1xi32>
    %add3A_1091 = arith.addi %add3A_1082, %squeeze3A_1090 : i32
    %slice3A_1092 = vector.extract_strided_slice %scan3A_1060#0 {offsets = [3], sizes = [1], strides = [1]} : vector<16xi32> to vector<1xi32>
    %squeeze3A_1093 = vector.extract %slice3A_1092[0] : i32 from vector<1xi32>
    %add3A_1094 = arith.addi %add3A_1085, %squeeze3A_1093 : i32
    %slice3A_1095 = vector.extract_strided_slice %scan3A_1060#1 {offsets = [3], sizes = [1], strides = [1]} : vector<16xi32> to vector<1xi32>
    %squeeze3A_1096 = vector.extract %slice3A_1095[0] : i32 from vector<1xi32>
    %add3A_1097 = arith.addi %add3A_1088, %squeeze3A_1096 : i32
    %slice3A_1098 = vector.extract_strided_slice %scan3A_1060#2 {offsets = [3], sizes = [1], strides = [1]} : vector<16xi32> to vector<1xi32>
    %squeeze3A_1099 = vector.extract %slice3A_1098[0] : i32 from vector<1xi32>
    %add3A_1100 = arith.addi %add3A_1091, %squeeze3A_1099 : i32
    %slice3A_1101 = vector.extract_strided_slice %scan3A_1060#0 {offsets = [4], sizes = [1], strides = [1]} : vector<16xi32> to vector<1xi32>
    %squeeze3A_1102 = vector.extract %slice3A_1101[0] : i32 from vector<1xi32>
    %add3A_1103 = arith.addi %add3A_1094, %squeeze3A_1102 : i32
    %slice3A_1104 = vector.extract_strided_slice %scan3A_1060#1 {offsets = [4], sizes = [1], strides = [1]} : vector<16xi32> to vector<1xi32>
    %squeeze3A_1105 = vector.extract %slice3A_1104[0] : i32 from vector<1xi32>
    %add3A_1106 = arith.addi %add3A_1097, %squeeze3A_1105 : i32
    %slice3A_1107 = vector.extract_strided_slice %scan3A_1060#2 {offsets = [4], sizes = [1], strides = [1]} : vector<16xi32> to vector<1xi32>
    %squeeze3A_1108 = vector.extract %slice3A_1107[0] : i32 from vector<1xi32>
    %add3A_1109 = arith.addi %add3A_1100, %squeeze3A_1108 : i32
    %slice3A_1110 = vector.extract_strided_slice %scan3A_1060#0 {offsets = [5], sizes = [1], strides = [1]} : vector<16xi32> to vector<1xi32>
    %squeeze3A_1111 = vector.extract %slice3A_1110[0] : i32 from vector<1xi32>
    %add3A_1112 = arith.addi %add3A_1103, %squeeze3A_1111 : i32
    %slice3A_1113 = vector.extract_strided_slice %scan3A_1060#1 {offsets = [5], sizes = [1], strides = [1]} : vector<16xi32> to vector<1xi32>
    %squeeze3A_1114 = vector.extract %slice3A_1113[0] : i32 from vector<1xi32>
    %add3A_1115 = arith.addi %add3A_1106, %squeeze3A_1114 : i32
    %slice3A_1116 = vector.extract_strided_slice %scan3A_1060#2 {offsets = [5], sizes = [1], strides = [1]} : vector<16xi32> to vector<1xi32>
    %squeeze3A_1117 = vector.extract %slice3A_1116[0] : i32 from vector<1xi32>
    %add3A_1118 = arith.addi %add3A_1109, %squeeze3A_1117 : i32
    %slice3A_1119 = vector.extract_strided_slice %scan3A_1060#0 {offsets = [6], sizes = [1], strides = [1]} : vector<16xi32> to vector<1xi32>
    %squeeze3A_1120 = vector.extract %slice3A_1119[0] : i32 from vector<1xi32>
    %add3A_1121 = arith.addi %add3A_1112, %squeeze3A_1120 : i32
    %slice3A_1122 = vector.extract_strided_slice %scan3A_1060#1 {offsets = [6], sizes = [1], strides = [1]} : vector<16xi32> to vector<1xi32>
    %squeeze3A_1123 = vector.extract %slice3A_1122[0] : i32 from vector<1xi32>
    %add3A_1124 = arith.addi %add3A_1115, %squeeze3A_1123 : i32
    %slice3A_1125 = vector.extract_strided_slice %scan3A_1060#2 {offsets = [6], sizes = [1], strides = [1]} : vector<16xi32> to vector<1xi32>
    %squeeze3A_1126 = vector.extract %slice3A_1125[0] : i32 from vector<1xi32>
    %add3A_1127 = arith.addi %add3A_1118, %squeeze3A_1126 : i32
    %slice3A_1128 = vector.extract_strided_slice %scan3A_1060#0 {offsets = [7], sizes = [1], strides = [1]} : vector<16xi32> to vector<1xi32>
    %squeeze3A_1129 = vector.extract %slice3A_1128[0] : i32 from vector<1xi32>
    %add3A_1130 = arith.addi %add3A_1121, %squeeze3A_1129 : i32
    %slice3A_1131 = vector.extract_strided_slice %scan3A_1060#1 {offsets = [7], sizes = [1], strides = [1]} : vector<16xi32> to vector<1xi32>
    %squeeze3A_1132 = vector.extract %slice3A_1131[0] : i32 from vector<1xi32>
    %add3A_1133 = arith.addi %add3A_1124, %squeeze3A_1132 : i32
    %slice3A_1134 = vector.extract_strided_slice %scan3A_1060#2 {offsets = [7], sizes = [1], strides = [1]} : vector<16xi32> to vector<1xi32>
    %squeeze3A_1135 = vector.extract %slice3A_1134[0] : i32 from vector<1xi32>
    %add3A_1136 = arith.addi %add3A_1127, %squeeze3A_1135 : i32
    %slice3A_1137 = vector.extract_strided_slice %scan3A_1060#0 {offsets = [8], sizes = [1], strides = [1]} : vector<16xi32> to vector<1xi32>
    %squeeze3A_1138 = vector.extract %slice3A_1137[0] : i32 from vector<1xi32>
    %add3A_1139 = arith.addi %add3A_1130, %squeeze3A_1138 : i32
    %slice3A_1140 = vector.extract_strided_slice %scan3A_1060#1 {offsets = [8], sizes = [1], strides = [1]} : vector<16xi32> to vector<1xi32>
    %squeeze3A_1141 = vector.extract %slice3A_1140[0] : i32 from vector<1xi32>
    %add3A_1142 = arith.addi %add3A_1133, %squeeze3A_1141 : i32
    %slice3A_1143 = vector.extract_strided_slice %scan3A_1060#2 {offsets = [8], sizes = [1], strides = [1]} : vector<16xi32> to vector<1xi32>
    %squeeze3A_1144 = vector.extract %slice3A_1143[0] : i32 from vector<1xi32>
    %add3A_1145 = arith.addi %add3A_1136, %squeeze3A_1144 : i32
    %slice3A_1146 = vector.extract_strided_slice %scan3A_1060#0 {offsets = [9], sizes = [1], strides = [1]} : vector<16xi32> to vector<1xi32>
    %squeeze3A_1147 = vector.extract %slice3A_1146[0] : i32 from vector<1xi32>
    %add3A_1148 = arith.addi %add3A_1139, %squeeze3A_1147 : i32
    %slice3A_1149 = vector.extract_strided_slice %scan3A_1060#1 {offsets = [9], sizes = [1], strides = [1]} : vector<16xi32> to vector<1xi32>
    %squeeze3A_1150 = vector.extract %slice3A_1149[0] : i32 from vector<1xi32>
    %add3A_1151 = arith.addi %add3A_1142, %squeeze3A_1150 : i32
    %slice3A_1152 = vector.extract_strided_slice %scan3A_1060#2 {offsets = [9], sizes = [1], strides = [1]} : vector<16xi32> to vector<1xi32>
    %squeeze3A_1153 = vector.extract %slice3A_1152[0] : i32 from vector<1xi32>
    %add3A_1154 = arith.addi %add3A_1145, %squeeze3A_1153 : i32
    %slice3A_1155 = vector.extract_strided_slice %scan3A_1060#0 {offsets = [10], sizes = [1], strides = [1]} : vector<16xi32> to vector<1xi32>
    %squeeze3A_1156 = vector.extract %slice3A_1155[0] : i32 from vector<1xi32>
    %add3A_1157 = arith.addi %add3A_1148, %squeeze3A_1156 : i32
    %slice3A_1158 = vector.extract_strided_slice %scan3A_1060#1 {offsets = [10], sizes = [1], strides = [1]} : vector<16xi32> to vector<1xi32>
    %squeeze3A_1159 = vector.extract %slice3A_1158[0] : i32 from vector<1xi32>
    %add3A_1160 = arith.addi %add3A_1151, %squeeze3A_1159 : i32
    %slice3A_1161 = vector.extract_strided_slice %scan3A_1060#2 {offsets = [10], sizes = [1], strides = [1]} : vector<16xi32> to vector<1xi32>
    %squeeze3A_1162 = vector.extract %slice3A_1161[0] : i32 from vector<1xi32>
    %add3A_1163 = arith.addi %add3A_1154, %squeeze3A_1162 : i32
    %slice3A_1164 = vector.extract_strided_slice %scan3A_1060#0 {offsets = [11], sizes = [1], strides = [1]} : vector<16xi32> to vector<1xi32>
    %squeeze3A_1165 = vector.extract %slice3A_1164[0] : i32 from vector<1xi32>
    %add3A_1166 = arith.addi %add3A_1157, %squeeze3A_1165 : i32
    %slice3A_1167 = vector.extract_strided_slice %scan3A_1060#1 {offsets = [11], sizes = [1], strides = [1]} : vector<16xi32> to vector<1xi32>
    %squeeze3A_1168 = vector.extract %slice3A_1167[0] : i32 from vector<1xi32>
    %add3A_1169 = arith.addi %add3A_1160, %squeeze3A_1168 : i32
    %slice3A_1170 = vector.extract_strided_slice %scan3A_1060#2 {offsets = [11], sizes = [1], strides = [1]} : vector<16xi32> to vector<1xi32>
    %squeeze3A_1171 = vector.extract %slice3A_1170[0] : i32 from vector<1xi32>
    %add3A_1172 = arith.addi %add3A_1163, %squeeze3A_1171 : i32
    %slice3A_1173 = vector.extract_strided_slice %scan3A_1060#0 {offsets = [12], sizes = [1], strides = [1]} : vector<16xi32> to vector<1xi32>
    %squeeze3A_1174 = vector.extract %slice3A_1173[0] : i32 from vector<1xi32>
    %add3A_1175 = arith.addi %add3A_1166, %squeeze3A_1174 : i32
    %slice3A_1176 = vector.extract_strided_slice %scan3A_1060#1 {offsets = [12], sizes = [1], strides = [1]} : vector<16xi32> to vector<1xi32>
    %squeeze3A_1177 = vector.extract %slice3A_1176[0] : i32 from vector<1xi32>
    %add3A_1178 = arith.addi %add3A_1169, %squeeze3A_1177 : i32
    %slice3A_1179 = vector.extract_strided_slice %scan3A_1060#2 {offsets = [12], sizes = [1], strides = [1]} : vector<16xi32> to vector<1xi32>
    %squeeze3A_1180 = vector.extract %slice3A_1179[0] : i32 from vector<1xi32>
    %add3A_1181 = arith.addi %add3A_1172, %squeeze3A_1180 : i32
    %slice3A_1182 = vector.extract_strided_slice %scan3A_1060#0 {offsets = [13], sizes = [1], strides = [1]} : vector<16xi32> to vector<1xi32>
    %squeeze3A_1183 = vector.extract %slice3A_1182[0] : i32 from vector<1xi32>
    %add3A_1184 = arith.addi %add3A_1175, %squeeze3A_1183 : i32
    %slice3A_1185 = vector.extract_strided_slice %scan3A_1060#1 {offsets = [13], sizes = [1], strides = [1]} : vector<16xi32> to vector<1xi32>
    %squeeze3A_1186 = vector.extract %slice3A_1185[0] : i32 from vector<1xi32>
    %add3A_1187 = arith.addi %add3A_1178, %squeeze3A_1186 : i32
    %slice3A_1188 = vector.extract_strided_slice %scan3A_1060#2 {offsets = [13], sizes = [1], strides = [1]} : vector<16xi32> to vector<1xi32>
    %squeeze3A_1189 = vector.extract %slice3A_1188[0] : i32 from vector<1xi32>
    %add3A_1190 = arith.addi %add3A_1181, %squeeze3A_1189 : i32
    %slice3A_1191 = vector.extract_strided_slice %scan3A_1060#0 {offsets = [14], sizes = [1], strides = [1]} : vector<16xi32> to vector<1xi32>
    %squeeze3A_1192 = vector.extract %slice3A_1191[0] : i32 from vector<1xi32>
    %add3A_1193 = arith.addi %add3A_1184, %squeeze3A_1192 : i32
    %slice3A_1194 = vector.extract_strided_slice %scan3A_1060#1 {offsets = [14], sizes = [1], strides = [1]} : vector<16xi32> to vector<1xi32>
    %squeeze3A_1195 = vector.extract %slice3A_1194[0] : i32 from vector<1xi32>
    %add3A_1196 = arith.addi %add3A_1187, %squeeze3A_1195 : i32
    %slice3A_1197 = vector.extract_strided_slice %scan3A_1060#2 {offsets = [14], sizes = [1], strides = [1]} : vector<16xi32> to vector<1xi32>
    %squeeze3A_1198 = vector.extract %slice3A_1197[0] : i32 from vector<1xi32>
    %add3A_1199 = arith.addi %add3A_1190, %squeeze3A_1198 : i32
    %slice3A_1200 = vector.extract_strided_slice %scan3A_1060#0 {offsets = [15], sizes = [1], strides = [1]} : vector<16xi32> to vector<1xi32>
    %squeeze3A_1201 = vector.extract %slice3A_1200[0] : i32 from vector<1xi32>
    %add3A_1202 = arith.addi %add3A_1193, %squeeze3A_1201 : i32
    %slice3A_1203 = vector.extract_strided_slice %scan3A_1060#1 {offsets = [15], sizes = [1], strides = [1]} : vector<16xi32> to vector<1xi32>
    %squeeze3A_1204 = vector.extract %slice3A_1203[0] : i32 from vector<1xi32>
    %add3A_1205 = arith.addi %add3A_1196, %squeeze3A_1204 : i32
    %slice3A_1206 = vector.extract_strided_slice %scan3A_1060#2 {offsets = [15], sizes = [1], strides = [1]} : vector<16xi32> to vector<1xi32>
    %squeeze3A_1207 = vector.extract %slice3A_1206[0] : i32 from vector<1xi32>
    %add3A_1208 = arith.addi %add3A_1199, %squeeze3A_1207 : i32
    %ge3A_1209 = arith.constant 4096 : i32
    %ge3A_1210 = arith.cmpi sge, %add3A_1202, %ge3A_1209 : i32
    %ge3A_1211 = arith.constant 4096 : i32
    %ge3A_1212 = arith.cmpi sge, %add3A_1208, %ge3A_1211 : i32
    %select_n3A_1213 = arith.select %ge3A_1212, %or3A_1051, %or3A_1049 : i32
    %ge3A_1214 = arith.constant 4096 : i32
    %ge3A_1215 = arith.cmpi sge, %add3A_1205, %ge3A_1214 : i32
    %select_n3A_1216 = arith.select %ge3A_1215, %or3A_1050, %select_n3A_1042 : i32
    %select_n3A_1217 = arith.select %ge3A_1210, %select_n3A_1213, %select_n3A_1216 : i32
    %shift_left3A_1218 = arith.constant 1 : i32
    %shift_left3A_1219 = arith.constant 16 : i32
    %shift_left3A_1220 = arith.shli %shift_left3A_1218, %shift_left3A_1219 : i32
    %shift_left3A_1221 = arith.constant 1 : i32
    %shift_left3A_1222 = arith.constant 17 : i32
    %shift_left3A_1223 = arith.shli %shift_left3A_1221, %shift_left3A_1222 : i32
    %or3A_1224 = arith.ori %select_n3A_1217, %shift_left3A_1223 : i32
    %or3A_1225 = arith.ori %select_n3A_1217, %shift_left3A_1220 : i32
    %or3A_1226 = arith.ori %or3A_1224, %shift_left3A_1220 : i32
    %broadcast_in_dim3A_1227 = arith.constant 0 : i32
    %broadcast_in_dim3A_1228 = vector.broadcast %broadcast_in_dim3A_1227 : i32 to vector<16xi32>
    %scan3A_1229 = arith.constant 1 : i32
    %scan3A_1230 = arith.constant 0 : i32
    %scan3A_1231 = arith.constant 0 : i32
    %scan3A_1232 = arith.constant 256 : i32
    %scan3A_1233 = arith.addi %scan3A_1231, %scan3A_1232 : i32
    %scan3A_1234 = arith.constant 1 : i32
    %scan3A_1235:3 = scf.for %scan3A_2800 = %scan3A_1231 to %scan3A_1233 step %scan3A_1234 iter_args(%scan3A_2801 = %broadcast_in_dim3A_1228, %scan3A_2802 = %broadcast_in_dim3A_1228, %scan3A_2803 = %broadcast_in_dim3A_1228) -> (vector<16xi32>, vector<16xi32>, vector<16xi32>)  : i32 {
      %mul3A_2804 = arith.constant 2 : i32
      %mul3A_2805 = arith.muli %scan3A_2800, %mul3A_2804 : i32
      %add3A_2806 = arith.constant 0 : i32
      %add3A_2807 = arith.addi %mul3A_2805, %add3A_2806 : i32
      %mul3A_2808 = arith.constant 16 : i32
      %mul3A_2809 = arith.muli %add3A_2807, %mul3A_2808 : i32
      %get3A = arith.index_cast %mul3A_2809 : i32 to index
      %get3A_2810 = tpu.vector_load %arg4[%get3A] {strides = array<i32>} : memref<8192xi32, #tpu.memory_space<vmem>>, vector<16xi32>,
      %get3A_2811 = vector.shape_cast %get3A_2810 : vector<16xi32> to vector<16xi32>
      %ge3A_2812 = vector.broadcast %or3A_1224 : i32 to vector<16xi32>
      %ge3A_2813 = arith.cmpi sge, %get3A_2811, %ge3A_2812 : vector<16xi32>
      %broadcast_in_dim3A_2814 = vector.broadcast %scan3A_1229 : i32 to vector<16xi32>
      %broadcast_in_dim3A_2815 = vector.broadcast %scan3A_1230 : i32 to vector<16xi32>
      %select_n3A_2816 = arith.select %ge3A_2813, %broadcast_in_dim3A_2814, %broadcast_in_dim3A_2815 : vector<16xi1>, vector<16xi32>
      %add3A_2817 = arith.addi %scan3A_2801, %select_n3A_2816 : vector<16xi32>
      %ge3A_2818 = vector.broadcast %or3A_1225 : i32 to vector<16xi32>
      %ge3A_2819 = arith.cmpi sge, %get3A_2811, %ge3A_2818 : vector<16xi32>
      %broadcast_in_dim3A_2820 = vector.broadcast %scan3A_1229 : i32 to vector<16xi32>
      %broadcast_in_dim3A_2821 = vector.broadcast %scan3A_1230 : i32 to vector<16xi32>
      %select_n3A_2822 = arith.select %ge3A_2819, %broadcast_in_dim3A_2820, %broadcast_in_dim3A_2821 : vector<16xi1>, vector<16xi32>
      %add3A_2823 = arith.addi %scan3A_2802, %select_n3A_2822 : vector<16xi32>
      %ge3A_2824 = vector.broadcast %or3A_1226 : i32 to vector<16xi32>
      %ge3A_2825 = arith.cmpi sge, %get3A_2811, %ge3A_2824 : vector<16xi32>
      %broadcast_in_dim3A_2826 = vector.broadcast %scan3A_1229 : i32 to vector<16xi32>
      %broadcast_in_dim3A_2827 = vector.broadcast %scan3A_1230 : i32 to vector<16xi32>
      %select_n3A_2828 = arith.select %ge3A_2825, %broadcast_in_dim3A_2826, %broadcast_in_dim3A_2827 : vector<16xi1>, vector<16xi32>
      %add3A_2829 = arith.addi %scan3A_2803, %select_n3A_2828 : vector<16xi32>
      %mul3A_2830 = arith.constant 2 : i32
      %mul3A_2831 = arith.muli %scan3A_2800, %mul3A_2830 : i32
      %add3A_2832 = arith.constant 1 : i32
      %add3A_2833 = arith.addi %mul3A_2831, %add3A_2832 : i32
      %mul3A_2834 = arith.constant 16 : i32
      %mul3A_2835 = arith.muli %add3A_2833, %mul3A_2834 : i32
      %get3A_2836 = arith.index_cast %mul3A_2835 : i32 to index
      %get3A_2837 = tpu.vector_load %arg4[%get3A_2836] {strides = array<i32>} : memref<8192xi32, #tpu.memory_space<vmem>>, vector<16xi32>,
      %get3A_2838 = vector.shape_cast %get3A_2837 : vector<16xi32> to vector<16xi32>
      %ge3A_2839 = vector.broadcast %or3A_1224 : i32 to vector<16xi32>
      %ge3A_2840 = arith.cmpi sge, %get3A_2838, %ge3A_2839 : vector<16xi32>
      %broadcast_in_dim3A_2841 = vector.broadcast %scan3A_1229 : i32 to vector<16xi32>
      %broadcast_in_dim3A_2842 = vector.broadcast %scan3A_1230 : i32 to vector<16xi32>
      %select_n3A_2843 = arith.select %ge3A_2840, %broadcast_in_dim3A_2841, %broadcast_in_dim3A_2842 : vector<16xi1>, vector<16xi32>
      %add3A_2844 = arith.addi %add3A_2817, %select_n3A_2843 : vector<16xi32>
      %ge3A_2845 = vector.broadcast %or3A_1225 : i32 to vector<16xi32>
      %ge3A_2846 = arith.cmpi sge, %get3A_2838, %ge3A_2845 : vector<16xi32>
      %broadcast_in_dim3A_2847 = vector.broadcast %scan3A_1229 : i32 to vector<16xi32>
      %broadcast_in_dim3A_2848 = vector.broadcast %scan3A_1230 : i32 to vector<16xi32>
      %select_n3A_2849 = arith.select %ge3A_2846, %broadcast_in_dim3A_2847, %broadcast_in_dim3A_2848 : vector<16xi1>, vector<16xi32>
      %add3A_2850 = arith.addi %add3A_2823, %select_n3A_2849 : vector<16xi32>
      %ge3A_2851 = vector.broadcast %or3A_1226 : i32 to vector<16xi32>
      %ge3A_2852 = arith.cmpi sge, %get3A_2838, %ge3A_2851 : vector<16xi32>
      %broadcast_in_dim3A_2853 = vector.broadcast %scan3A_1229 : i32 to vector<16xi32>
      %broadcast_in_dim3A_2854 = vector.broadcast %scan3A_1230 : i32 to vector<16xi32>
      %select_n3A_2855 = arith.select %ge3A_2852, %broadcast_in_dim3A_2853, %broadcast_in_dim3A_2854 : vector<16xi1>, vector<16xi32>
      %add3A_2856 = arith.addi %add3A_2829, %select_n3A_2855 : vector<16xi32>
      scf.yield %add3A_2844, %add3A_2850, %add3A_2856 : vector<16xi32>, vector<16xi32>, vector<16xi32>
    }
    %scan3A_1236 = arith.constant 256 : i32
    %slice3A_1237 = vector.extract_strided_slice %scan3A_1235#0 {offsets = [0], sizes = [1], strides = [1]} : vector<16xi32> to vector<1xi32>
    %squeeze3A_1238 = vector.extract %slice3A_1237[0] : i32 from vector<1xi32>
    %add3A_1239 = arith.constant 0 : i32
    %add3A_1240 = arith.addi %add3A_1239, %squeeze3A_1238 : i32
    %slice3A_1241 = vector.extract_strided_slice %scan3A_1235#1 {offsets = [0], sizes = [1], strides = [1]} : vector<16xi32> to vector<1xi32>
    %squeeze3A_1242 = vector.extract %slice3A_1241[0] : i32 from vector<1xi32>
    %add3A_1243 = arith.constant 0 : i32
    %add3A_1244 = arith.addi %add3A_1243, %squeeze3A_1242 : i32
    %slice3A_1245 = vector.extract_strided_slice %scan3A_1235#2 {offsets = [0], sizes = [1], strides = [1]} : vector<16xi32> to vector<1xi32>
    %squeeze3A_1246 = vector.extract %slice3A_1245[0] : i32 from vector<1xi32>
    %add3A_1247 = arith.constant 0 : i32
    %add3A_1248 = arith.addi %add3A_1247, %squeeze3A_1246 : i32
    %slice3A_1249 = vector.extract_strided_slice %scan3A_1235#0 {offsets = [1], sizes = [1], strides = [1]} : vector<16xi32> to vector<1xi32>
    %squeeze3A_1250 = vector.extract %slice3A_1249[0] : i32 from vector<1xi32>
    %add3A_1251 = arith.addi %add3A_1240, %squeeze3A_1250 : i32
    %slice3A_1252 = vector.extract_strided_slice %scan3A_1235#1 {offsets = [1], sizes = [1], strides = [1]} : vector<16xi32> to vector<1xi32>
    %squeeze3A_1253 = vector.extract %slice3A_1252[0] : i32 from vector<1xi32>
    %add3A_1254 = arith.addi %add3A_1244, %squeeze3A_1253 : i32
    %slice3A_1255 = vector.extract_strided_slice %scan3A_1235#2 {offsets = [1], sizes = [1], strides = [1]} : vector<16xi32> to vector<1xi32>
    %squeeze3A_1256 = vector.extract %slice3A_1255[0] : i32 from vector<1xi32>
    %add3A_1257 = arith.addi %add3A_1248, %squeeze3A_1256 : i32
    %slice3A_1258 = vector.extract_strided_slice %scan3A_1235#0 {offsets = [2], sizes = [1], strides = [1]} : vector<16xi32> to vector<1xi32>
    %squeeze3A_1259 = vector.extract %slice3A_1258[0] : i32 from vector<1xi32>
    %add3A_1260 = arith.addi %add3A_1251, %squeeze3A_1259 : i32
    %slice3A_1261 = vector.extract_strided_slice %scan3A_1235#1 {offsets = [2], sizes = [1], strides = [1]} : vector<16xi32> to vector<1xi32>
    %squeeze3A_1262 = vector.extract %slice3A_1261[0] : i32 from vector<1xi32>
    %add3A_1263 = arith.addi %add3A_1254, %squeeze3A_1262 : i32
    %slice3A_1264 = vector.extract_strided_slice %scan3A_1235#2 {offsets = [2], sizes = [1], strides = [1]} : vector<16xi32> to vector<1xi32>
    %squeeze3A_1265 = vector.extract %slice3A_1264[0] : i32 from vector<1xi32>
    %add3A_1266 = arith.addi %add3A_1257, %squeeze3A_1265 : i32
    %slice3A_1267 = vector.extract_strided_slice %scan3A_1235#0 {offsets = [3], sizes = [1], strides = [1]} : vector<16xi32> to vector<1xi32>
    %squeeze3A_1268 = vector.extract %slice3A_1267[0] : i32 from vector<1xi32>
    %add3A_1269 = arith.addi %add3A_1260, %squeeze3A_1268 : i32
    %slice3A_1270 = vector.extract_strided_slice %scan3A_1235#1 {offsets = [3], sizes = [1], strides = [1]} : vector<16xi32> to vector<1xi32>
    %squeeze3A_1271 = vector.extract %slice3A_1270[0] : i32 from vector<1xi32>
    %add3A_1272 = arith.addi %add3A_1263, %squeeze3A_1271 : i32
    %slice3A_1273 = vector.extract_strided_slice %scan3A_1235#2 {offsets = [3], sizes = [1], strides = [1]} : vector<16xi32> to vector<1xi32>
    %squeeze3A_1274 = vector.extract %slice3A_1273[0] : i32 from vector<1xi32>
    %add3A_1275 = arith.addi %add3A_1266, %squeeze3A_1274 : i32
    %slice3A_1276 = vector.extract_strided_slice %scan3A_1235#0 {offsets = [4], sizes = [1], strides = [1]} : vector<16xi32> to vector<1xi32>
    %squeeze3A_1277 = vector.extract %slice3A_1276[0] : i32 from vector<1xi32>
    %add3A_1278 = arith.addi %add3A_1269, %squeeze3A_1277 : i32
    %slice3A_1279 = vector.extract_strided_slice %scan3A_1235#1 {offsets = [4], sizes = [1], strides = [1]} : vector<16xi32> to vector<1xi32>
    %squeeze3A_1280 = vector.extract %slice3A_1279[0] : i32 from vector<1xi32>
    %add3A_1281 = arith.addi %add3A_1272, %squeeze3A_1280 : i32
    %slice3A_1282 = vector.extract_strided_slice %scan3A_1235#2 {offsets = [4], sizes = [1], strides = [1]} : vector<16xi32> to vector<1xi32>
    %squeeze3A_1283 = vector.extract %slice3A_1282[0] : i32 from vector<1xi32>
    %add3A_1284 = arith.addi %add3A_1275, %squeeze3A_1283 : i32
    %slice3A_1285 = vector.extract_strided_slice %scan3A_1235#0 {offsets = [5], sizes = [1], strides = [1]} : vector<16xi32> to vector<1xi32>
    %squeeze3A_1286 = vector.extract %slice3A_1285[0] : i32 from vector<1xi32>
    %add3A_1287 = arith.addi %add3A_1278, %squeeze3A_1286 : i32
    %slice3A_1288 = vector.extract_strided_slice %scan3A_1235#1 {offsets = [5], sizes = [1], strides = [1]} : vector<16xi32> to vector<1xi32>
    %squeeze3A_1289 = vector.extract %slice3A_1288[0] : i32 from vector<1xi32>
    %add3A_1290 = arith.addi %add3A_1281, %squeeze3A_1289 : i32
    %slice3A_1291 = vector.extract_strided_slice %scan3A_1235#2 {offsets = [5], sizes = [1], strides = [1]} : vector<16xi32> to vector<1xi32>
    %squeeze3A_1292 = vector.extract %slice3A_1291[0] : i32 from vector<1xi32>
    %add3A_1293 = arith.addi %add3A_1284, %squeeze3A_1292 : i32
    %slice3A_1294 = vector.extract_strided_slice %scan3A_1235#0 {offsets = [6], sizes = [1], strides = [1]} : vector<16xi32> to vector<1xi32>
    %squeeze3A_1295 = vector.extract %slice3A_1294[0] : i32 from vector<1xi32>
    %add3A_1296 = arith.addi %add3A_1287, %squeeze3A_1295 : i32
    %slice3A_1297 = vector.extract_strided_slice %scan3A_1235#1 {offsets = [6], sizes = [1], strides = [1]} : vector<16xi32> to vector<1xi32>
    %squeeze3A_1298 = vector.extract %slice3A_1297[0] : i32 from vector<1xi32>
    %add3A_1299 = arith.addi %add3A_1290, %squeeze3A_1298 : i32
    %slice3A_1300 = vector.extract_strided_slice %scan3A_1235#2 {offsets = [6], sizes = [1], strides = [1]} : vector<16xi32> to vector<1xi32>
    %squeeze3A_1301 = vector.extract %slice3A_1300[0] : i32 from vector<1xi32>
    %add3A_1302 = arith.addi %add3A_1293, %squeeze3A_1301 : i32
    %slice3A_1303 = vector.extract_strided_slice %scan3A_1235#0 {offsets = [7], sizes = [1], strides = [1]} : vector<16xi32> to vector<1xi32>
    %squeeze3A_1304 = vector.extract %slice3A_1303[0] : i32 from vector<1xi32>
    %add3A_1305 = arith.addi %add3A_1296, %squeeze3A_1304 : i32
    %slice3A_1306 = vector.extract_strided_slice %scan3A_1235#1 {offsets = [7], sizes = [1], strides = [1]} : vector<16xi32> to vector<1xi32>
    %squeeze3A_1307 = vector.extract %slice3A_1306[0] : i32 from vector<1xi32>
    %add3A_1308 = arith.addi %add3A_1299, %squeeze3A_1307 : i32
    %slice3A_1309 = vector.extract_strided_slice %scan3A_1235#2 {offsets = [7], sizes = [1], strides = [1]} : vector<16xi32> to vector<1xi32>
    %squeeze3A_1310 = vector.extract %slice3A_1309[0] : i32 from vector<1xi32>
    %add3A_1311 = arith.addi %add3A_1302, %squeeze3A_1310 : i32
    %slice3A_1312 = vector.extract_strided_slice %scan3A_1235#0 {offsets = [8], sizes = [1], strides = [1]} : vector<16xi32> to vector<1xi32>
    %squeeze3A_1313 = vector.extract %slice3A_1312[0] : i32 from vector<1xi32>
    %add3A_1314 = arith.addi %add3A_1305, %squeeze3A_1313 : i32
    %slice3A_1315 = vector.extract_strided_slice %scan3A_1235#1 {offsets = [8], sizes = [1], strides = [1]} : vector<16xi32> to vector<1xi32>
    %squeeze3A_1316 = vector.extract %slice3A_1315[0] : i32 from vector<1xi32>
    %add3A_1317 = arith.addi %add3A_1308, %squeeze3A_1316 : i32
    %slice3A_1318 = vector.extract_strided_slice %scan3A_1235#2 {offsets = [8], sizes = [1], strides = [1]} : vector<16xi32> to vector<1xi32>
    %squeeze3A_1319 = vector.extract %slice3A_1318[0] : i32 from vector<1xi32>
    %add3A_1320 = arith.addi %add3A_1311, %squeeze3A_1319 : i32
    %slice3A_1321 = vector.extract_strided_slice %scan3A_1235#0 {offsets = [9], sizes = [1], strides = [1]} : vector<16xi32> to vector<1xi32>
    %squeeze3A_1322 = vector.extract %slice3A_1321[0] : i32 from vector<1xi32>
    %add3A_1323 = arith.addi %add3A_1314, %squeeze3A_1322 : i32
    %slice3A_1324 = vector.extract_strided_slice %scan3A_1235#1 {offsets = [9], sizes = [1], strides = [1]} : vector<16xi32> to vector<1xi32>
    %squeeze3A_1325 = vector.extract %slice3A_1324[0] : i32 from vector<1xi32>
    %add3A_1326 = arith.addi %add3A_1317, %squeeze3A_1325 : i32
    %slice3A_1327 = vector.extract_strided_slice %scan3A_1235#2 {offsets = [9], sizes = [1], strides = [1]} : vector<16xi32> to vector<1xi32>
    %squeeze3A_1328 = vector.extract %slice3A_1327[0] : i32 from vector<1xi32>
    %add3A_1329 = arith.addi %add3A_1320, %squeeze3A_1328 : i32
    %slice3A_1330 = vector.extract_strided_slice %scan3A_1235#0 {offsets = [10], sizes = [1], strides = [1]} : vector<16xi32> to vector<1xi32>
    %squeeze3A_1331 = vector.extract %slice3A_1330[0] : i32 from vector<1xi32>
    %add3A_1332 = arith.addi %add3A_1323, %squeeze3A_1331 : i32
    %slice3A_1333 = vector.extract_strided_slice %scan3A_1235#1 {offsets = [10], sizes = [1], strides = [1]} : vector<16xi32> to vector<1xi32>
    %squeeze3A_1334 = vector.extract %slice3A_1333[0] : i32 from vector<1xi32>
    %add3A_1335 = arith.addi %add3A_1326, %squeeze3A_1334 : i32
    %slice3A_1336 = vector.extract_strided_slice %scan3A_1235#2 {offsets = [10], sizes = [1], strides = [1]} : vector<16xi32> to vector<1xi32>
    %squeeze3A_1337 = vector.extract %slice3A_1336[0] : i32 from vector<1xi32>
    %add3A_1338 = arith.addi %add3A_1329, %squeeze3A_1337 : i32
    %slice3A_1339 = vector.extract_strided_slice %scan3A_1235#0 {offsets = [11], sizes = [1], strides = [1]} : vector<16xi32> to vector<1xi32>
    %squeeze3A_1340 = vector.extract %slice3A_1339[0] : i32 from vector<1xi32>
    %add3A_1341 = arith.addi %add3A_1332, %squeeze3A_1340 : i32
    %slice3A_1342 = vector.extract_strided_slice %scan3A_1235#1 {offsets = [11], sizes = [1], strides = [1]} : vector<16xi32> to vector<1xi32>
    %squeeze3A_1343 = vector.extract %slice3A_1342[0] : i32 from vector<1xi32>
    %add3A_1344 = arith.addi %add3A_1335, %squeeze3A_1343 : i32
    %slice3A_1345 = vector.extract_strided_slice %scan3A_1235#2 {offsets = [11], sizes = [1], strides = [1]} : vector<16xi32> to vector<1xi32>
    %squeeze3A_1346 = vector.extract %slice3A_1345[0] : i32 from vector<1xi32>
    %add3A_1347 = arith.addi %add3A_1338, %squeeze3A_1346 : i32
    %slice3A_1348 = vector.extract_strided_slice %scan3A_1235#0 {offsets = [12], sizes = [1], strides = [1]} : vector<16xi32> to vector<1xi32>
    %squeeze3A_1349 = vector.extract %slice3A_1348[0] : i32 from vector<1xi32>
    %add3A_1350 = arith.addi %add3A_1341, %squeeze3A_1349 : i32
    %slice3A_1351 = vector.extract_strided_slice %scan3A_1235#1 {offsets = [12], sizes = [1], strides = [1]} : vector<16xi32> to vector<1xi32>
    %squeeze3A_1352 = vector.extract %slice3A_1351[0] : i32 from vector<1xi32>
    %add3A_1353 = arith.addi %add3A_1344, %squeeze3A_1352 : i32
    %slice3A_1354 = vector.extract_strided_slice %scan3A_1235#2 {offsets = [12], sizes = [1], strides = [1]} : vector<16xi32> to vector<1xi32>
    %squeeze3A_1355 = vector.extract %slice3A_1354[0] : i32 from vector<1xi32>
    %add3A_1356 = arith.addi %add3A_1347, %squeeze3A_1355 : i32
    %slice3A_1357 = vector.extract_strided_slice %scan3A_1235#0 {offsets = [13], sizes = [1], strides = [1]} : vector<16xi32> to vector<1xi32>
    %squeeze3A_1358 = vector.extract %slice3A_1357[0] : i32 from vector<1xi32>
    %add3A_1359 = arith.addi %add3A_1350, %squeeze3A_1358 : i32
    %slice3A_1360 = vector.extract_strided_slice %scan3A_1235#1 {offsets = [13], sizes = [1], strides = [1]} : vector<16xi32> to vector<1xi32>
    %squeeze3A_1361 = vector.extract %slice3A_1360[0] : i32 from vector<1xi32>
    %add3A_1362 = arith.addi %add3A_1353, %squeeze3A_1361 : i32
    %slice3A_1363 = vector.extract_strided_slice %scan3A_1235#2 {offsets = [13], sizes = [1], strides = [1]} : vector<16xi32> to vector<1xi32>
    %squeeze3A_1364 = vector.extract %slice3A_1363[0] : i32 from vector<1xi32>
    %add3A_1365 = arith.addi %add3A_1356, %squeeze3A_1364 : i32
    %slice3A_1366 = vector.extract_strided_slice %scan3A_1235#0 {offsets = [14], sizes = [1], strides = [1]} : vector<16xi32> to vector<1xi32>
    %squeeze3A_1367 = vector.extract %slice3A_1366[0] : i32 from vector<1xi32>
    %add3A_1368 = arith.addi %add3A_1359, %squeeze3A_1367 : i32
    %slice3A_1369 = vector.extract_strided_slice %scan3A_1235#1 {offsets = [14], sizes = [1], strides = [1]} : vector<16xi32> to vector<1xi32>
    %squeeze3A_1370 = vector.extract %slice3A_1369[0] : i32 from vector<1xi32>
    %add3A_1371 = arith.addi %add3A_1362, %squeeze3A_1370 : i32
    %slice3A_1372 = vector.extract_strided_slice %scan3A_1235#2 {offsets = [14], sizes = [1], strides = [1]} : vector<16xi32> to vector<1xi32>
    %squeeze3A_1373 = vector.extract %slice3A_1372[0] : i32 from vector<1xi32>
    %add3A_1374 = arith.addi %add3A_1365, %squeeze3A_1373 : i32
    %slice3A_1375 = vector.extract_strided_slice %scan3A_1235#0 {offsets = [15], sizes = [1], strides = [1]} : vector<16xi32> to vector<1xi32>
    %squeeze3A_1376 = vector.extract %slice3A_1375[0] : i32 from vector<1xi32>
    %add3A_1377 = arith.addi %add3A_1368, %squeeze3A_1376 : i32
    %slice3A_1378 = vector.extract_strided_slice %scan3A_1235#1 {offsets = [15], sizes = [1], strides = [1]} : vector<16xi32> to vector<1xi32>
    %squeeze3A_1379 = vector.extract %slice3A_1378[0] : i32 from vector<1xi32>
    %add3A_1380 = arith.addi %add3A_1371, %squeeze3A_1379 : i32
    %slice3A_1381 = vector.extract_strided_slice %scan3A_1235#2 {offsets = [15], sizes = [1], strides = [1]} : vector<16xi32> to vector<1xi32>
    %squeeze3A_1382 = vector.extract %slice3A_1381[0] : i32 from vector<1xi32>
    %add3A_1383 = arith.addi %add3A_1374, %squeeze3A_1382 : i32
    %ge3A_1384 = arith.constant 4096 : i32
    %ge3A_1385 = arith.cmpi sge, %add3A_1377, %ge3A_1384 : i32
    %ge3A_1386 = arith.constant 4096 : i32
    %ge3A_1387 = arith.cmpi sge, %add3A_1383, %ge3A_1386 : i32
    %select_n3A_1388 = arith.select %ge3A_1387, %or3A_1226, %or3A_1224 : i32
    %ge3A_1389 = arith.constant 4096 : i32
    %ge3A_1390 = arith.cmpi sge, %add3A_1380, %ge3A_1389 : i32
    %select_n3A_1391 = arith.select %ge3A_1390, %or3A_1225, %select_n3A_1217 : i32
    %select_n3A_1392 = arith.select %ge3A_1385, %select_n3A_1388, %select_n3A_1391 : i32
    %shift_left3A_1393 = arith.constant 1 : i32
    %shift_left3A_1394 = arith.constant 14 : i32
    %shift_left3A_1395 = arith.shli %shift_left3A_1393, %shift_left3A_1394 : i32
    %shift_left3A_1396 = arith.constant 1 : i32
    %shift_left3A_1397 = arith.constant 15 : i32
    %shift_left3A_1398 = arith.shli %shift_left3A_1396, %shift_left3A_1397 : i32
    %or3A_1399 = arith.ori %select_n3A_1392, %shift_left3A_1398 : i32
    %or3A_1400 = arith.ori %select_n3A_1392, %shift_left3A_1395 : i32
    %or3A_1401 = arith.ori %or3A_1399, %shift_left3A_1395 : i32
    %broadcast_in_dim3A_1402 = arith.constant 0 : i32
    %broadcast_in_dim3A_1403 = vector.broadcast %broadcast_in_dim3A_1402 : i32 to vector<16xi32>
    %scan3A_1404 = arith.constant 1 : i32
    %scan3A_1405 = arith.constant 0 : i32
    %scan3A_1406 = arith.constant 0 : i32
    %scan3A_1407 = arith.constant 256 : i32
    %scan3A_1408 = arith.addi %scan3A_1406, %scan3A_1407 : i32
    %scan3A_1409 = arith.constant 1 : i32
    %scan3A_1410:3 = scf.for %scan3A_2800 = %scan3A_1406 to %scan3A_1408 step %scan3A_1409 iter_args(%scan3A_2801 = %broadcast_in_dim3A_1403, %scan3A_2802 = %broadcast_in_dim3A_1403, %scan3A_2803 = %broadcast_in_dim3A_1403) -> (vector<16xi32>, vector<16xi32>, vector<16xi32>)  : i32 {
      %mul3A_2804 = arith.constant 2 : i32
      %mul3A_2805 = arith.muli %scan3A_2800, %mul3A_2804 : i32
      %add3A_2806 = arith.constant 0 : i32
      %add3A_2807 = arith.addi %mul3A_2805, %add3A_2806 : i32
      %mul3A_2808 = arith.constant 16 : i32
      %mul3A_2809 = arith.muli %add3A_2807, %mul3A_2808 : i32
      %get3A = arith.index_cast %mul3A_2809 : i32 to index
      %get3A_2810 = tpu.vector_load %arg4[%get3A] {strides = array<i32>} : memref<8192xi32, #tpu.memory_space<vmem>>, vector<16xi32>,
      %get3A_2811 = vector.shape_cast %get3A_2810 : vector<16xi32> to vector<16xi32>
      %ge3A_2812 = vector.broadcast %or3A_1399 : i32 to vector<16xi32>
      %ge3A_2813 = arith.cmpi sge, %get3A_2811, %ge3A_2812 : vector<16xi32>
      %broadcast_in_dim3A_2814 = vector.broadcast %scan3A_1404 : i32 to vector<16xi32>
      %broadcast_in_dim3A_2815 = vector.broadcast %scan3A_1405 : i32 to vector<16xi32>
      %select_n3A_2816 = arith.select %ge3A_2813, %broadcast_in_dim3A_2814, %broadcast_in_dim3A_2815 : vector<16xi1>, vector<16xi32>
      %add3A_2817 = arith.addi %scan3A_2801, %select_n3A_2816 : vector<16xi32>
      %ge3A_2818 = vector.broadcast %or3A_1400 : i32 to vector<16xi32>
      %ge3A_2819 = arith.cmpi sge, %get3A_2811, %ge3A_2818 : vector<16xi32>
      %broadcast_in_dim3A_2820 = vector.broadcast %scan3A_1404 : i32 to vector<16xi32>
      %broadcast_in_dim3A_2821 = vector.broadcast %scan3A_1405 : i32 to vector<16xi32>
      %select_n3A_2822 = arith.select %ge3A_2819, %broadcast_in_dim3A_2820, %broadcast_in_dim3A_2821 : vector<16xi1>, vector<16xi32>
      %add3A_2823 = arith.addi %scan3A_2802, %select_n3A_2822 : vector<16xi32>
      %ge3A_2824 = vector.broadcast %or3A_1401 : i32 to vector<16xi32>
      %ge3A_2825 = arith.cmpi sge, %get3A_2811, %ge3A_2824 : vector<16xi32>
      %broadcast_in_dim3A_2826 = vector.broadcast %scan3A_1404 : i32 to vector<16xi32>
      %broadcast_in_dim3A_2827 = vector.broadcast %scan3A_1405 : i32 to vector<16xi32>
      %select_n3A_2828 = arith.select %ge3A_2825, %broadcast_in_dim3A_2826, %broadcast_in_dim3A_2827 : vector<16xi1>, vector<16xi32>
      %add3A_2829 = arith.addi %scan3A_2803, %select_n3A_2828 : vector<16xi32>
      %mul3A_2830 = arith.constant 2 : i32
      %mul3A_2831 = arith.muli %scan3A_2800, %mul3A_2830 : i32
      %add3A_2832 = arith.constant 1 : i32
      %add3A_2833 = arith.addi %mul3A_2831, %add3A_2832 : i32
      %mul3A_2834 = arith.constant 16 : i32
      %mul3A_2835 = arith.muli %add3A_2833, %mul3A_2834 : i32
      %get3A_2836 = arith.index_cast %mul3A_2835 : i32 to index
      %get3A_2837 = tpu.vector_load %arg4[%get3A_2836] {strides = array<i32>} : memref<8192xi32, #tpu.memory_space<vmem>>, vector<16xi32>,
      %get3A_2838 = vector.shape_cast %get3A_2837 : vector<16xi32> to vector<16xi32>
      %ge3A_2839 = vector.broadcast %or3A_1399 : i32 to vector<16xi32>
      %ge3A_2840 = arith.cmpi sge, %get3A_2838, %ge3A_2839 : vector<16xi32>
      %broadcast_in_dim3A_2841 = vector.broadcast %scan3A_1404 : i32 to vector<16xi32>
      %broadcast_in_dim3A_2842 = vector.broadcast %scan3A_1405 : i32 to vector<16xi32>
      %select_n3A_2843 = arith.select %ge3A_2840, %broadcast_in_dim3A_2841, %broadcast_in_dim3A_2842 : vector<16xi1>, vector<16xi32>
      %add3A_2844 = arith.addi %add3A_2817, %select_n3A_2843 : vector<16xi32>
      %ge3A_2845 = vector.broadcast %or3A_1400 : i32 to vector<16xi32>
      %ge3A_2846 = arith.cmpi sge, %get3A_2838, %ge3A_2845 : vector<16xi32>
      %broadcast_in_dim3A_2847 = vector.broadcast %scan3A_1404 : i32 to vector<16xi32>
      %broadcast_in_dim3A_2848 = vector.broadcast %scan3A_1405 : i32 to vector<16xi32>
      %select_n3A_2849 = arith.select %ge3A_2846, %broadcast_in_dim3A_2847, %broadcast_in_dim3A_2848 : vector<16xi1>, vector<16xi32>
      %add3A_2850 = arith.addi %add3A_2823, %select_n3A_2849 : vector<16xi32>
      %ge3A_2851 = vector.broadcast %or3A_1401 : i32 to vector<16xi32>
      %ge3A_2852 = arith.cmpi sge, %get3A_2838, %ge3A_2851 : vector<16xi32>
      %broadcast_in_dim3A_2853 = vector.broadcast %scan3A_1404 : i32 to vector<16xi32>
      %broadcast_in_dim3A_2854 = vector.broadcast %scan3A_1405 : i32 to vector<16xi32>
      %select_n3A_2855 = arith.select %ge3A_2852, %broadcast_in_dim3A_2853, %broadcast_in_dim3A_2854 : vector<16xi1>, vector<16xi32>
      %add3A_2856 = arith.addi %add3A_2829, %select_n3A_2855 : vector<16xi32>
      scf.yield %add3A_2844, %add3A_2850, %add3A_2856 : vector<16xi32>, vector<16xi32>, vector<16xi32>
    }
    %scan3A_1411 = arith.constant 256 : i32
    %slice3A_1412 = vector.extract_strided_slice %scan3A_1410#0 {offsets = [0], sizes = [1], strides = [1]} : vector<16xi32> to vector<1xi32>
    %squeeze3A_1413 = vector.extract %slice3A_1412[0] : i32 from vector<1xi32>
    %add3A_1414 = arith.constant 0 : i32
    %add3A_1415 = arith.addi %add3A_1414, %squeeze3A_1413 : i32
    %slice3A_1416 = vector.extract_strided_slice %scan3A_1410#1 {offsets = [0], sizes = [1], strides = [1]} : vector<16xi32> to vector<1xi32>
    %squeeze3A_1417 = vector.extract %slice3A_1416[0] : i32 from vector<1xi32>
    %add3A_1418 = arith.constant 0 : i32
    %add3A_1419 = arith.addi %add3A_1418, %squeeze3A_1417 : i32
    %slice3A_1420 = vector.extract_strided_slice %scan3A_1410#2 {offsets = [0], sizes = [1], strides = [1]} : vector<16xi32> to vector<1xi32>
    %squeeze3A_1421 = vector.extract %slice3A_1420[0] : i32 from vector<1xi32>
    %add3A_1422 = arith.constant 0 : i32
    %add3A_1423 = arith.addi %add3A_1422, %squeeze3A_1421 : i32
    %slice3A_1424 = vector.extract_strided_slice %scan3A_1410#0 {offsets = [1], sizes = [1], strides = [1]} : vector<16xi32> to vector<1xi32>
    %squeeze3A_1425 = vector.extract %slice3A_1424[0] : i32 from vector<1xi32>
    %add3A_1426 = arith.addi %add3A_1415, %squeeze3A_1425 : i32
    %slice3A_1427 = vector.extract_strided_slice %scan3A_1410#1 {offsets = [1], sizes = [1], strides = [1]} : vector<16xi32> to vector<1xi32>
    %squeeze3A_1428 = vector.extract %slice3A_1427[0] : i32 from vector<1xi32>
    %add3A_1429 = arith.addi %add3A_1419, %squeeze3A_1428 : i32
    %slice3A_1430 = vector.extract_strided_slice %scan3A_1410#2 {offsets = [1], sizes = [1], strides = [1]} : vector<16xi32> to vector<1xi32>
    %squeeze3A_1431 = vector.extract %slice3A_1430[0] : i32 from vector<1xi32>
    %add3A_1432 = arith.addi %add3A_1423, %squeeze3A_1431 : i32
    %slice3A_1433 = vector.extract_strided_slice %scan3A_1410#0 {offsets = [2], sizes = [1], strides = [1]} : vector<16xi32> to vector<1xi32>
    %squeeze3A_1434 = vector.extract %slice3A_1433[0] : i32 from vector<1xi32>
    %add3A_1435 = arith.addi %add3A_1426, %squeeze3A_1434 : i32
    %slice3A_1436 = vector.extract_strided_slice %scan3A_1410#1 {offsets = [2], sizes = [1], strides = [1]} : vector<16xi32> to vector<1xi32>
    %squeeze3A_1437 = vector.extract %slice3A_1436[0] : i32 from vector<1xi32>
    %add3A_1438 = arith.addi %add3A_1429, %squeeze3A_1437 : i32
    %slice3A_1439 = vector.extract_strided_slice %scan3A_1410#2 {offsets = [2], sizes = [1], strides = [1]} : vector<16xi32> to vector<1xi32>
    %squeeze3A_1440 = vector.extract %slice3A_1439[0] : i32 from vector<1xi32>
    %add3A_1441 = arith.addi %add3A_1432, %squeeze3A_1440 : i32
    %slice3A_1442 = vector.extract_strided_slice %scan3A_1410#0 {offsets = [3], sizes = [1], strides = [1]} : vector<16xi32> to vector<1xi32>
    %squeeze3A_1443 = vector.extract %slice3A_1442[0] : i32 from vector<1xi32>
    %add3A_1444 = arith.addi %add3A_1435, %squeeze3A_1443 : i32
    %slice3A_1445 = vector.extract_strided_slice %scan3A_1410#1 {offsets = [3], sizes = [1], strides = [1]} : vector<16xi32> to vector<1xi32>
    %squeeze3A_1446 = vector.extract %slice3A_1445[0] : i32 from vector<1xi32>
    %add3A_1447 = arith.addi %add3A_1438, %squeeze3A_1446 : i32
    %slice3A_1448 = vector.extract_strided_slice %scan3A_1410#2 {offsets = [3], sizes = [1], strides = [1]} : vector<16xi32> to vector<1xi32>
    %squeeze3A_1449 = vector.extract %slice3A_1448[0] : i32 from vector<1xi32>
    %add3A_1450 = arith.addi %add3A_1441, %squeeze3A_1449 : i32
    %slice3A_1451 = vector.extract_strided_slice %scan3A_1410#0 {offsets = [4], sizes = [1], strides = [1]} : vector<16xi32> to vector<1xi32>
    %squeeze3A_1452 = vector.extract %slice3A_1451[0] : i32 from vector<1xi32>
    %add3A_1453 = arith.addi %add3A_1444, %squeeze3A_1452 : i32
    %slice3A_1454 = vector.extract_strided_slice %scan3A_1410#1 {offsets = [4], sizes = [1], strides = [1]} : vector<16xi32> to vector<1xi32>
    %squeeze3A_1455 = vector.extract %slice3A_1454[0] : i32 from vector<1xi32>
    %add3A_1456 = arith.addi %add3A_1447, %squeeze3A_1455 : i32
    %slice3A_1457 = vector.extract_strided_slice %scan3A_1410#2 {offsets = [4], sizes = [1], strides = [1]} : vector<16xi32> to vector<1xi32>
    %squeeze3A_1458 = vector.extract %slice3A_1457[0] : i32 from vector<1xi32>
    %add3A_1459 = arith.addi %add3A_1450, %squeeze3A_1458 : i32
    %slice3A_1460 = vector.extract_strided_slice %scan3A_1410#0 {offsets = [5], sizes = [1], strides = [1]} : vector<16xi32> to vector<1xi32>
    %squeeze3A_1461 = vector.extract %slice3A_1460[0] : i32 from vector<1xi32>
    %add3A_1462 = arith.addi %add3A_1453, %squeeze3A_1461 : i32
    %slice3A_1463 = vector.extract_strided_slice %scan3A_1410#1 {offsets = [5], sizes = [1], strides = [1]} : vector<16xi32> to vector<1xi32>
    %squeeze3A_1464 = vector.extract %slice3A_1463[0] : i32 from vector<1xi32>
    %add3A_1465 = arith.addi %add3A_1456, %squeeze3A_1464 : i32
    %slice3A_1466 = vector.extract_strided_slice %scan3A_1410#2 {offsets = [5], sizes = [1], strides = [1]} : vector<16xi32> to vector<1xi32>
    %squeeze3A_1467 = vector.extract %slice3A_1466[0] : i32 from vector<1xi32>
    %add3A_1468 = arith.addi %add3A_1459, %squeeze3A_1467 : i32
    %slice3A_1469 = vector.extract_strided_slice %scan3A_1410#0 {offsets = [6], sizes = [1], strides = [1]} : vector<16xi32> to vector<1xi32>
    %squeeze3A_1470 = vector.extract %slice3A_1469[0] : i32 from vector<1xi32>
    %add3A_1471 = arith.addi %add3A_1462, %squeeze3A_1470 : i32
    %slice3A_1472 = vector.extract_strided_slice %scan3A_1410#1 {offsets = [6], sizes = [1], strides = [1]} : vector<16xi32> to vector<1xi32>
    %squeeze3A_1473 = vector.extract %slice3A_1472[0] : i32 from vector<1xi32>
    %add3A_1474 = arith.addi %add3A_1465, %squeeze3A_1473 : i32
    %slice3A_1475 = vector.extract_strided_slice %scan3A_1410#2 {offsets = [6], sizes = [1], strides = [1]} : vector<16xi32> to vector<1xi32>
    %squeeze3A_1476 = vector.extract %slice3A_1475[0] : i32 from vector<1xi32>
    %add3A_1477 = arith.addi %add3A_1468, %squeeze3A_1476 : i32
    %slice3A_1478 = vector.extract_strided_slice %scan3A_1410#0 {offsets = [7], sizes = [1], strides = [1]} : vector<16xi32> to vector<1xi32>
    %squeeze3A_1479 = vector.extract %slice3A_1478[0] : i32 from vector<1xi32>
    %add3A_1480 = arith.addi %add3A_1471, %squeeze3A_1479 : i32
    %slice3A_1481 = vector.extract_strided_slice %scan3A_1410#1 {offsets = [7], sizes = [1], strides = [1]} : vector<16xi32> to vector<1xi32>
    %squeeze3A_1482 = vector.extract %slice3A_1481[0] : i32 from vector<1xi32>
    %add3A_1483 = arith.addi %add3A_1474, %squeeze3A_1482 : i32
    %slice3A_1484 = vector.extract_strided_slice %scan3A_1410#2 {offsets = [7], sizes = [1], strides = [1]} : vector<16xi32> to vector<1xi32>
    %squeeze3A_1485 = vector.extract %slice3A_1484[0] : i32 from vector<1xi32>
    %add3A_1486 = arith.addi %add3A_1477, %squeeze3A_1485 : i32
    %slice3A_1487 = vector.extract_strided_slice %scan3A_1410#0 {offsets = [8], sizes = [1], strides = [1]} : vector<16xi32> to vector<1xi32>
    %squeeze3A_1488 = vector.extract %slice3A_1487[0] : i32 from vector<1xi32>
    %add3A_1489 = arith.addi %add3A_1480, %squeeze3A_1488 : i32
    %slice3A_1490 = vector.extract_strided_slice %scan3A_1410#1 {offsets = [8], sizes = [1], strides = [1]} : vector<16xi32> to vector<1xi32>
    %squeeze3A_1491 = vector.extract %slice3A_1490[0] : i32 from vector<1xi32>
    %add3A_1492 = arith.addi %add3A_1483, %squeeze3A_1491 : i32
    %slice3A_1493 = vector.extract_strided_slice %scan3A_1410#2 {offsets = [8], sizes = [1], strides = [1]} : vector<16xi32> to vector<1xi32>
    %squeeze3A_1494 = vector.extract %slice3A_1493[0] : i32 from vector<1xi32>
    %add3A_1495 = arith.addi %add3A_1486, %squeeze3A_1494 : i32
    %slice3A_1496 = vector.extract_strided_slice %scan3A_1410#0 {offsets = [9], sizes = [1], strides = [1]} : vector<16xi32> to vector<1xi32>
    %squeeze3A_1497 = vector.extract %slice3A_1496[0] : i32 from vector<1xi32>
    %add3A_1498 = arith.addi %add3A_1489, %squeeze3A_1497 : i32
    %slice3A_1499 = vector.extract_strided_slice %scan3A_1410#1 {offsets = [9], sizes = [1], strides = [1]} : vector<16xi32> to vector<1xi32>
    %squeeze3A_1500 = vector.extract %slice3A_1499[0] : i32 from vector<1xi32>
    %add3A_1501 = arith.addi %add3A_1492, %squeeze3A_1500 : i32
    %slice3A_1502 = vector.extract_strided_slice %scan3A_1410#2 {offsets = [9], sizes = [1], strides = [1]} : vector<16xi32> to vector<1xi32>
    %squeeze3A_1503 = vector.extract %slice3A_1502[0] : i32 from vector<1xi32>
    %add3A_1504 = arith.addi %add3A_1495, %squeeze3A_1503 : i32
    %slice3A_1505 = vector.extract_strided_slice %scan3A_1410#0 {offsets = [10], sizes = [1], strides = [1]} : vector<16xi32> to vector<1xi32>
    %squeeze3A_1506 = vector.extract %slice3A_1505[0] : i32 from vector<1xi32>
    %add3A_1507 = arith.addi %add3A_1498, %squeeze3A_1506 : i32
    %slice3A_1508 = vector.extract_strided_slice %scan3A_1410#1 {offsets = [10], sizes = [1], strides = [1]} : vector<16xi32> to vector<1xi32>
    %squeeze3A_1509 = vector.extract %slice3A_1508[0] : i32 from vector<1xi32>
    %add3A_1510 = arith.addi %add3A_1501, %squeeze3A_1509 : i32
    %slice3A_1511 = vector.extract_strided_slice %scan3A_1410#2 {offsets = [10], sizes = [1], strides = [1]} : vector<16xi32> to vector<1xi32>
    %squeeze3A_1512 = vector.extract %slice3A_1511[0] : i32 from vector<1xi32>
    %add3A_1513 = arith.addi %add3A_1504, %squeeze3A_1512 : i32
    %slice3A_1514 = vector.extract_strided_slice %scan3A_1410#0 {offsets = [11], sizes = [1], strides = [1]} : vector<16xi32> to vector<1xi32>
    %squeeze3A_1515 = vector.extract %slice3A_1514[0] : i32 from vector<1xi32>
    %add3A_1516 = arith.addi %add3A_1507, %squeeze3A_1515 : i32
    %slice3A_1517 = vector.extract_strided_slice %scan3A_1410#1 {offsets = [11], sizes = [1], strides = [1]} : vector<16xi32> to vector<1xi32>
    %squeeze3A_1518 = vector.extract %slice3A_1517[0] : i32 from vector<1xi32>
    %add3A_1519 = arith.addi %add3A_1510, %squeeze3A_1518 : i32
    %slice3A_1520 = vector.extract_strided_slice %scan3A_1410#2 {offsets = [11], sizes = [1], strides = [1]} : vector<16xi32> to vector<1xi32>
    %squeeze3A_1521 = vector.extract %slice3A_1520[0] : i32 from vector<1xi32>
    %add3A_1522 = arith.addi %add3A_1513, %squeeze3A_1521 : i32
    %slice3A_1523 = vector.extract_strided_slice %scan3A_1410#0 {offsets = [12], sizes = [1], strides = [1]} : vector<16xi32> to vector<1xi32>
    %squeeze3A_1524 = vector.extract %slice3A_1523[0] : i32 from vector<1xi32>
    %add3A_1525 = arith.addi %add3A_1516, %squeeze3A_1524 : i32
    %slice3A_1526 = vector.extract_strided_slice %scan3A_1410#1 {offsets = [12], sizes = [1], strides = [1]} : vector<16xi32> to vector<1xi32>
    %squeeze3A_1527 = vector.extract %slice3A_1526[0] : i32 from vector<1xi32>
    %add3A_1528 = arith.addi %add3A_1519, %squeeze3A_1527 : i32
    %slice3A_1529 = vector.extract_strided_slice %scan3A_1410#2 {offsets = [12], sizes = [1], strides = [1]} : vector<16xi32> to vector<1xi32>
    %squeeze3A_1530 = vector.extract %slice3A_1529[0] : i32 from vector<1xi32>
    %add3A_1531 = arith.addi %add3A_1522, %squeeze3A_1530 : i32
    %slice3A_1532 = vector.extract_strided_slice %scan3A_1410#0 {offsets = [13], sizes = [1], strides = [1]} : vector<16xi32> to vector<1xi32>
    %squeeze3A_1533 = vector.extract %slice3A_1532[0] : i32 from vector<1xi32>
    %add3A_1534 = arith.addi %add3A_1525, %squeeze3A_1533 : i32
    %slice3A_1535 = vector.extract_strided_slice %scan3A_1410#1 {offsets = [13], sizes = [1], strides = [1]} : vector<16xi32> to vector<1xi32>
    %squeeze3A_1536 = vector.extract %slice3A_1535[0] : i32 from vector<1xi32>
    %add3A_1537 = arith.addi %add3A_1528, %squeeze3A_1536 : i32
    %slice3A_1538 = vector.extract_strided_slice %scan3A_1410#2 {offsets = [13], sizes = [1], strides = [1]} : vector<16xi32> to vector<1xi32>
    %squeeze3A_1539 = vector.extract %slice3A_1538[0] : i32 from vector<1xi32>
    %add3A_1540 = arith.addi %add3A_1531, %squeeze3A_1539 : i32
    %slice3A_1541 = vector.extract_strided_slice %scan3A_1410#0 {offsets = [14], sizes = [1], strides = [1]} : vector<16xi32> to vector<1xi32>
    %squeeze3A_1542 = vector.extract %slice3A_1541[0] : i32 from vector<1xi32>
    %add3A_1543 = arith.addi %add3A_1534, %squeeze3A_1542 : i32
    %slice3A_1544 = vector.extract_strided_slice %scan3A_1410#1 {offsets = [14], sizes = [1], strides = [1]} : vector<16xi32> to vector<1xi32>
    %squeeze3A_1545 = vector.extract %slice3A_1544[0] : i32 from vector<1xi32>
    %add3A_1546 = arith.addi %add3A_1537, %squeeze3A_1545 : i32
    %slice3A_1547 = vector.extract_strided_slice %scan3A_1410#2 {offsets = [14], sizes = [1], strides = [1]} : vector<16xi32> to vector<1xi32>
    %squeeze3A_1548 = vector.extract %slice3A_1547[0] : i32 from vector<1xi32>
    %add3A_1549 = arith.addi %add3A_1540, %squeeze3A_1548 : i32
    %slice3A_1550 = vector.extract_strided_slice %scan3A_1410#0 {offsets = [15], sizes = [1], strides = [1]} : vector<16xi32> to vector<1xi32>
    %squeeze3A_1551 = vector.extract %slice3A_1550[0] : i32 from vector<1xi32>
    %add3A_1552 = arith.addi %add3A_1543, %squeeze3A_1551 : i32
    %slice3A_1553 = vector.extract_strided_slice %scan3A_1410#1 {offsets = [15], sizes = [1], strides = [1]} : vector<16xi32> to vector<1xi32>
    %squeeze3A_1554 = vector.extract %slice3A_1553[0] : i32 from vector<1xi32>
    %add3A_1555 = arith.addi %add3A_1546, %squeeze3A_1554 : i32
    %slice3A_1556 = vector.extract_strided_slice %scan3A_1410#2 {offsets = [15], sizes = [1], strides = [1]} : vector<16xi32> to vector<1xi32>
    %squeeze3A_1557 = vector.extract %slice3A_1556[0] : i32 from vector<1xi32>
    %add3A_1558 = arith.addi %add3A_1549, %squeeze3A_1557 : i32
    %ge3A_1559 = arith.constant 4096 : i32
    %ge3A_1560 = arith.cmpi sge, %add3A_1552, %ge3A_1559 : i32
    %ge3A_1561 = arith.constant 4096 : i32
    %ge3A_1562 = arith.cmpi sge, %add3A_1558, %ge3A_1561 : i32
    %select_n3A_1563 = arith.select %ge3A_1562, %or3A_1401, %or3A_1399 : i32
    %ge3A_1564 = arith.constant 4096 : i32
    %ge3A_1565 = arith.cmpi sge, %add3A_1555, %ge3A_1564 : i32
    %select_n3A_1566 = arith.select %ge3A_1565, %or3A_1400, %select_n3A_1392 : i32
    %select_n3A_1567 = arith.select %ge3A_1560, %select_n3A_1563, %select_n3A_1566 : i32
    %shift_left3A_1568 = arith.constant 1 : i32
    %shift_left3A_1569 = arith.constant 12 : i32
    %shift_left3A_1570 = arith.shli %shift_left3A_1568, %shift_left3A_1569 : i32
    %shift_left3A_1571 = arith.constant 1 : i32
    %shift_left3A_1572 = arith.constant 13 : i32
    %shift_left3A_1573 = arith.shli %shift_left3A_1571, %shift_left3A_1572 : i32
    %or3A_1574 = arith.ori %select_n3A_1567, %shift_left3A_1573 : i32
    %or3A_1575 = arith.ori %select_n3A_1567, %shift_left3A_1570 : i32
    %or3A_1576 = arith.ori %or3A_1574, %shift_left3A_1570 : i32
    %broadcast_in_dim3A_1577 = arith.constant 0 : i32
    %broadcast_in_dim3A_1578 = vector.broadcast %broadcast_in_dim3A_1577 : i32 to vector<16xi32>
    %scan3A_1579 = arith.constant 1 : i32
    %scan3A_1580 = arith.constant 0 : i32
    %scan3A_1581 = arith.constant 0 : i32
    %scan3A_1582 = arith.constant 256 : i32
    %scan3A_1583 = arith.addi %scan3A_1581, %scan3A_1582 : i32
    %scan3A_1584 = arith.constant 1 : i32
    %scan3A_1585:3 = scf.for %scan3A_2800 = %scan3A_1581 to %scan3A_1583 step %scan3A_1584 iter_args(%scan3A_2801 = %broadcast_in_dim3A_1578, %scan3A_2802 = %broadcast_in_dim3A_1578, %scan3A_2803 = %broadcast_in_dim3A_1578) -> (vector<16xi32>, vector<16xi32>, vector<16xi32>)  : i32 {
      %mul3A_2804 = arith.constant 2 : i32
      %mul3A_2805 = arith.muli %scan3A_2800, %mul3A_2804 : i32
      %add3A_2806 = arith.constant 0 : i32
      %add3A_2807 = arith.addi %mul3A_2805, %add3A_2806 : i32
      %mul3A_2808 = arith.constant 16 : i32
      %mul3A_2809 = arith.muli %add3A_2807, %mul3A_2808 : i32
      %get3A = arith.index_cast %mul3A_2809 : i32 to index
      %get3A_2810 = tpu.vector_load %arg4[%get3A] {strides = array<i32>} : memref<8192xi32, #tpu.memory_space<vmem>>, vector<16xi32>,
      %get3A_2811 = vector.shape_cast %get3A_2810 : vector<16xi32> to vector<16xi32>
      %ge3A_2812 = vector.broadcast %or3A_1574 : i32 to vector<16xi32>
      %ge3A_2813 = arith.cmpi sge, %get3A_2811, %ge3A_2812 : vector<16xi32>
      %broadcast_in_dim3A_2814 = vector.broadcast %scan3A_1579 : i32 to vector<16xi32>
      %broadcast_in_dim3A_2815 = vector.broadcast %scan3A_1580 : i32 to vector<16xi32>
      %select_n3A_2816 = arith.select %ge3A_2813, %broadcast_in_dim3A_2814, %broadcast_in_dim3A_2815 : vector<16xi1>, vector<16xi32>
      %add3A_2817 = arith.addi %scan3A_2801, %select_n3A_2816 : vector<16xi32>
      %ge3A_2818 = vector.broadcast %or3A_1575 : i32 to vector<16xi32>
      %ge3A_2819 = arith.cmpi sge, %get3A_2811, %ge3A_2818 : vector<16xi32>
      %broadcast_in_dim3A_2820 = vector.broadcast %scan3A_1579 : i32 to vector<16xi32>
      %broadcast_in_dim3A_2821 = vector.broadcast %scan3A_1580 : i32 to vector<16xi32>
      %select_n3A_2822 = arith.select %ge3A_2819, %broadcast_in_dim3A_2820, %broadcast_in_dim3A_2821 : vector<16xi1>, vector<16xi32>
      %add3A_2823 = arith.addi %scan3A_2802, %select_n3A_2822 : vector<16xi32>
      %ge3A_2824 = vector.broadcast %or3A_1576 : i32 to vector<16xi32>
      %ge3A_2825 = arith.cmpi sge, %get3A_2811, %ge3A_2824 : vector<16xi32>
      %broadcast_in_dim3A_2826 = vector.broadcast %scan3A_1579 : i32 to vector<16xi32>
      %broadcast_in_dim3A_2827 = vector.broadcast %scan3A_1580 : i32 to vector<16xi32>
      %select_n3A_2828 = arith.select %ge3A_2825, %broadcast_in_dim3A_2826, %broadcast_in_dim3A_2827 : vector<16xi1>, vector<16xi32>
      %add3A_2829 = arith.addi %scan3A_2803, %select_n3A_2828 : vector<16xi32>
      %mul3A_2830 = arith.constant 2 : i32
      %mul3A_2831 = arith.muli %scan3A_2800, %mul3A_2830 : i32
      %add3A_2832 = arith.constant 1 : i32
      %add3A_2833 = arith.addi %mul3A_2831, %add3A_2832 : i32
      %mul3A_2834 = arith.constant 16 : i32
      %mul3A_2835 = arith.muli %add3A_2833, %mul3A_2834 : i32
      %get3A_2836 = arith.index_cast %mul3A_2835 : i32 to index
      %get3A_2837 = tpu.vector_load %arg4[%get3A_2836] {strides = array<i32>} : memref<8192xi32, #tpu.memory_space<vmem>>, vector<16xi32>,
      %get3A_2838 = vector.shape_cast %get3A_2837 : vector<16xi32> to vector<16xi32>
      %ge3A_2839 = vector.broadcast %or3A_1574 : i32 to vector<16xi32>
      %ge3A_2840 = arith.cmpi sge, %get3A_2838, %ge3A_2839 : vector<16xi32>
      %broadcast_in_dim3A_2841 = vector.broadcast %scan3A_1579 : i32 to vector<16xi32>
      %broadcast_in_dim3A_2842 = vector.broadcast %scan3A_1580 : i32 to vector<16xi32>
      %select_n3A_2843 = arith.select %ge3A_2840, %broadcast_in_dim3A_2841, %broadcast_in_dim3A_2842 : vector<16xi1>, vector<16xi32>
      %add3A_2844 = arith.addi %add3A_2817, %select_n3A_2843 : vector<16xi32>
      %ge3A_2845 = vector.broadcast %or3A_1575 : i32 to vector<16xi32>
      %ge3A_2846 = arith.cmpi sge, %get3A_2838, %ge3A_2845 : vector<16xi32>
      %broadcast_in_dim3A_2847 = vector.broadcast %scan3A_1579 : i32 to vector<16xi32>
      %broadcast_in_dim3A_2848 = vector.broadcast %scan3A_1580 : i32 to vector<16xi32>
      %select_n3A_2849 = arith.select %ge3A_2846, %broadcast_in_dim3A_2847, %broadcast_in_dim3A_2848 : vector<16xi1>, vector<16xi32>
      %add3A_2850 = arith.addi %add3A_2823, %select_n3A_2849 : vector<16xi32>
      %ge3A_2851 = vector.broadcast %or3A_1576 : i32 to vector<16xi32>
      %ge3A_2852 = arith.cmpi sge, %get3A_2838, %ge3A_2851 : vector<16xi32>
      %broadcast_in_dim3A_2853 = vector.broadcast %scan3A_1579 : i32 to vector<16xi32>
      %broadcast_in_dim3A_2854 = vector.broadcast %scan3A_1580 : i32 to vector<16xi32>
      %select_n3A_2855 = arith.select %ge3A_2852, %broadcast_in_dim3A_2853, %broadcast_in_dim3A_2854 : vector<16xi1>, vector<16xi32>
      %add3A_2856 = arith.addi %add3A_2829, %select_n3A_2855 : vector<16xi32>
      scf.yield %add3A_2844, %add3A_2850, %add3A_2856 : vector<16xi32>, vector<16xi32>, vector<16xi32>
    }
    %scan3A_1586 = arith.constant 256 : i32
    %slice3A_1587 = vector.extract_strided_slice %scan3A_1585#0 {offsets = [0], sizes = [1], strides = [1]} : vector<16xi32> to vector<1xi32>
    %squeeze3A_1588 = vector.extract %slice3A_1587[0] : i32 from vector<1xi32>
    %add3A_1589 = arith.constant 0 : i32
    %add3A_1590 = arith.addi %add3A_1589, %squeeze3A_1588 : i32
    %slice3A_1591 = vector.extract_strided_slice %scan3A_1585#1 {offsets = [0], sizes = [1], strides = [1]} : vector<16xi32> to vector<1xi32>
    %squeeze3A_1592 = vector.extract %slice3A_1591[0] : i32 from vector<1xi32>
    %add3A_1593 = arith.constant 0 : i32
    %add3A_1594 = arith.addi %add3A_1593, %squeeze3A_1592 : i32
    %slice3A_1595 = vector.extract_strided_slice %scan3A_1585#2 {offsets = [0], sizes = [1], strides = [1]} : vector<16xi32> to vector<1xi32>
    %squeeze3A_1596 = vector.extract %slice3A_1595[0] : i32 from vector<1xi32>
    %add3A_1597 = arith.constant 0 : i32
    %add3A_1598 = arith.addi %add3A_1597, %squeeze3A_1596 : i32
    %slice3A_1599 = vector.extract_strided_slice %scan3A_1585#0 {offsets = [1], sizes = [1], strides = [1]} : vector<16xi32> to vector<1xi32>
    %squeeze3A_1600 = vector.extract %slice3A_1599[0] : i32 from vector<1xi32>
    %add3A_1601 = arith.addi %add3A_1590, %squeeze3A_1600 : i32
    %slice3A_1602 = vector.extract_strided_slice %scan3A_1585#1 {offsets = [1], sizes = [1], strides = [1]} : vector<16xi32> to vector<1xi32>
    %squeeze3A_1603 = vector.extract %slice3A_1602[0] : i32 from vector<1xi32>
    %add3A_1604 = arith.addi %add3A_1594, %squeeze3A_1603 : i32
    %slice3A_1605 = vector.extract_strided_slice %scan3A_1585#2 {offsets = [1], sizes = [1], strides = [1]} : vector<16xi32> to vector<1xi32>
    %squeeze3A_1606 = vector.extract %slice3A_1605[0] : i32 from vector<1xi32>
    %add3A_1607 = arith.addi %add3A_1598, %squeeze3A_1606 : i32
    %slice3A_1608 = vector.extract_strided_slice %scan3A_1585#0 {offsets = [2], sizes = [1], strides = [1]} : vector<16xi32> to vector<1xi32>
    %squeeze3A_1609 = vector.extract %slice3A_1608[0] : i32 from vector<1xi32>
    %add3A_1610 = arith.addi %add3A_1601, %squeeze3A_1609 : i32
    %slice3A_1611 = vector.extract_strided_slice %scan3A_1585#1 {offsets = [2], sizes = [1], strides = [1]} : vector<16xi32> to vector<1xi32>
    %squeeze3A_1612 = vector.extract %slice3A_1611[0] : i32 from vector<1xi32>
    %add3A_1613 = arith.addi %add3A_1604, %squeeze3A_1612 : i32
    %slice3A_1614 = vector.extract_strided_slice %scan3A_1585#2 {offsets = [2], sizes = [1], strides = [1]} : vector<16xi32> to vector<1xi32>
    %squeeze3A_1615 = vector.extract %slice3A_1614[0] : i32 from vector<1xi32>
    %add3A_1616 = arith.addi %add3A_1607, %squeeze3A_1615 : i32
    %slice3A_1617 = vector.extract_strided_slice %scan3A_1585#0 {offsets = [3], sizes = [1], strides = [1]} : vector<16xi32> to vector<1xi32>
    %squeeze3A_1618 = vector.extract %slice3A_1617[0] : i32 from vector<1xi32>
    %add3A_1619 = arith.addi %add3A_1610, %squeeze3A_1618 : i32
    %slice3A_1620 = vector.extract_strided_slice %scan3A_1585#1 {offsets = [3], sizes = [1], strides = [1]} : vector<16xi32> to vector<1xi32>
    %squeeze3A_1621 = vector.extract %slice3A_1620[0] : i32 from vector<1xi32>
    %add3A_1622 = arith.addi %add3A_1613, %squeeze3A_1621 : i32
    %slice3A_1623 = vector.extract_strided_slice %scan3A_1585#2 {offsets = [3], sizes = [1], strides = [1]} : vector<16xi32> to vector<1xi32>
    %squeeze3A_1624 = vector.extract %slice3A_1623[0] : i32 from vector<1xi32>
    %add3A_1625 = arith.addi %add3A_1616, %squeeze3A_1624 : i32
    %slice3A_1626 = vector.extract_strided_slice %scan3A_1585#0 {offsets = [4], sizes = [1], strides = [1]} : vector<16xi32> to vector<1xi32>
    %squeeze3A_1627 = vector.extract %slice3A_1626[0] : i32 from vector<1xi32>
    %add3A_1628 = arith.addi %add3A_1619, %squeeze3A_1627 : i32
    %slice3A_1629 = vector.extract_strided_slice %scan3A_1585#1 {offsets = [4], sizes = [1], strides = [1]} : vector<16xi32> to vector<1xi32>
    %squeeze3A_1630 = vector.extract %slice3A_1629[0] : i32 from vector<1xi32>
    %add3A_1631 = arith.addi %add3A_1622, %squeeze3A_1630 : i32
    %slice3A_1632 = vector.extract_strided_slice %scan3A_1585#2 {offsets = [4], sizes = [1], strides = [1]} : vector<16xi32> to vector<1xi32>
    %squeeze3A_1633 = vector.extract %slice3A_1632[0] : i32 from vector<1xi32>
    %add3A_1634 = arith.addi %add3A_1625, %squeeze3A_1633 : i32
    %slice3A_1635 = vector.extract_strided_slice %scan3A_1585#0 {offsets = [5], sizes = [1], strides = [1]} : vector<16xi32> to vector<1xi32>
    %squeeze3A_1636 = vector.extract %slice3A_1635[0] : i32 from vector<1xi32>
    %add3A_1637 = arith.addi %add3A_1628, %squeeze3A_1636 : i32
    %slice3A_1638 = vector.extract_strided_slice %scan3A_1585#1 {offsets = [5], sizes = [1], strides = [1]} : vector<16xi32> to vector<1xi32>
    %squeeze3A_1639 = vector.extract %slice3A_1638[0] : i32 from vector<1xi32>
    %add3A_1640 = arith.addi %add3A_1631, %squeeze3A_1639 : i32
    %slice3A_1641 = vector.extract_strided_slice %scan3A_1585#2 {offsets = [5], sizes = [1], strides = [1]} : vector<16xi32> to vector<1xi32>
    %squeeze3A_1642 = vector.extract %slice3A_1641[0] : i32 from vector<1xi32>
    %add3A_1643 = arith.addi %add3A_1634, %squeeze3A_1642 : i32
    %slice3A_1644 = vector.extract_strided_slice %scan3A_1585#0 {offsets = [6], sizes = [1], strides = [1]} : vector<16xi32> to vector<1xi32>
    %squeeze3A_1645 = vector.extract %slice3A_1644[0] : i32 from vector<1xi32>
    %add3A_1646 = arith.addi %add3A_1637, %squeeze3A_1645 : i32
    %slice3A_1647 = vector.extract_strided_slice %scan3A_1585#1 {offsets = [6], sizes = [1], strides = [1]} : vector<16xi32> to vector<1xi32>
    %squeeze3A_1648 = vector.extract %slice3A_1647[0] : i32 from vector<1xi32>
    %add3A_1649 = arith.addi %add3A_1640, %squeeze3A_1648 : i32
    %slice3A_1650 = vector.extract_strided_slice %scan3A_1585#2 {offsets = [6], sizes = [1], strides = [1]} : vector<16xi32> to vector<1xi32>
    %squeeze3A_1651 = vector.extract %slice3A_1650[0] : i32 from vector<1xi32>
    %add3A_1652 = arith.addi %add3A_1643, %squeeze3A_1651 : i32
    %slice3A_1653 = vector.extract_strided_slice %scan3A_1585#0 {offsets = [7], sizes = [1], strides = [1]} : vector<16xi32> to vector<1xi32>
    %squeeze3A_1654 = vector.extract %slice3A_1653[0] : i32 from vector<1xi32>
    %add3A_1655 = arith.addi %add3A_1646, %squeeze3A_1654 : i32
    %slice3A_1656 = vector.extract_strided_slice %scan3A_1585#1 {offsets = [7], sizes = [1], strides = [1]} : vector<16xi32> to vector<1xi32>
    %squeeze3A_1657 = vector.extract %slice3A_1656[0] : i32 from vector<1xi32>
    %add3A_1658 = arith.addi %add3A_1649, %squeeze3A_1657 : i32
    %slice3A_1659 = vector.extract_strided_slice %scan3A_1585#2 {offsets = [7], sizes = [1], strides = [1]} : vector<16xi32> to vector<1xi32>
    %squeeze3A_1660 = vector.extract %slice3A_1659[0] : i32 from vector<1xi32>
    %add3A_1661 = arith.addi %add3A_1652, %squeeze3A_1660 : i32
    %slice3A_1662 = vector.extract_strided_slice %scan3A_1585#0 {offsets = [8], sizes = [1], strides = [1]} : vector<16xi32> to vector<1xi32>
    %squeeze3A_1663 = vector.extract %slice3A_1662[0] : i32 from vector<1xi32>
    %add3A_1664 = arith.addi %add3A_1655, %squeeze3A_1663 : i32
    %slice3A_1665 = vector.extract_strided_slice %scan3A_1585#1 {offsets = [8], sizes = [1], strides = [1]} : vector<16xi32> to vector<1xi32>
    %squeeze3A_1666 = vector.extract %slice3A_1665[0] : i32 from vector<1xi32>
    %add3A_1667 = arith.addi %add3A_1658, %squeeze3A_1666 : i32
    %slice3A_1668 = vector.extract_strided_slice %scan3A_1585#2 {offsets = [8], sizes = [1], strides = [1]} : vector<16xi32> to vector<1xi32>
    %squeeze3A_1669 = vector.extract %slice3A_1668[0] : i32 from vector<1xi32>
    %add3A_1670 = arith.addi %add3A_1661, %squeeze3A_1669 : i32
    %slice3A_1671 = vector.extract_strided_slice %scan3A_1585#0 {offsets = [9], sizes = [1], strides = [1]} : vector<16xi32> to vector<1xi32>
    %squeeze3A_1672 = vector.extract %slice3A_1671[0] : i32 from vector<1xi32>
    %add3A_1673 = arith.addi %add3A_1664, %squeeze3A_1672 : i32
    %slice3A_1674 = vector.extract_strided_slice %scan3A_1585#1 {offsets = [9], sizes = [1], strides = [1]} : vector<16xi32> to vector<1xi32>
    %squeeze3A_1675 = vector.extract %slice3A_1674[0] : i32 from vector<1xi32>
    %add3A_1676 = arith.addi %add3A_1667, %squeeze3A_1675 : i32
    %slice3A_1677 = vector.extract_strided_slice %scan3A_1585#2 {offsets = [9], sizes = [1], strides = [1]} : vector<16xi32> to vector<1xi32>
    %squeeze3A_1678 = vector.extract %slice3A_1677[0] : i32 from vector<1xi32>
    %add3A_1679 = arith.addi %add3A_1670, %squeeze3A_1678 : i32
    %slice3A_1680 = vector.extract_strided_slice %scan3A_1585#0 {offsets = [10], sizes = [1], strides = [1]} : vector<16xi32> to vector<1xi32>
    %squeeze3A_1681 = vector.extract %slice3A_1680[0] : i32 from vector<1xi32>
    %add3A_1682 = arith.addi %add3A_1673, %squeeze3A_1681 : i32
    %slice3A_1683 = vector.extract_strided_slice %scan3A_1585#1 {offsets = [10], sizes = [1], strides = [1]} : vector<16xi32> to vector<1xi32>
    %squeeze3A_1684 = vector.extract %slice3A_1683[0] : i32 from vector<1xi32>
    %add3A_1685 = arith.addi %add3A_1676, %squeeze3A_1684 : i32
    %slice3A_1686 = vector.extract_strided_slice %scan3A_1585#2 {offsets = [10], sizes = [1], strides = [1]} : vector<16xi32> to vector<1xi32>
    %squeeze3A_1687 = vector.extract %slice3A_1686[0] : i32 from vector<1xi32>
    %add3A_1688 = arith.addi %add3A_1679, %squeeze3A_1687 : i32
    %slice3A_1689 = vector.extract_strided_slice %scan3A_1585#0 {offsets = [11], sizes = [1], strides = [1]} : vector<16xi32> to vector<1xi32>
    %squeeze3A_1690 = vector.extract %slice3A_1689[0] : i32 from vector<1xi32>
    %add3A_1691 = arith.addi %add3A_1682, %squeeze3A_1690 : i32
    %slice3A_1692 = vector.extract_strided_slice %scan3A_1585#1 {offsets = [11], sizes = [1], strides = [1]} : vector<16xi32> to vector<1xi32>
    %squeeze3A_1693 = vector.extract %slice3A_1692[0] : i32 from vector<1xi32>
    %add3A_1694 = arith.addi %add3A_1685, %squeeze3A_1693 : i32
    %slice3A_1695 = vector.extract_strided_slice %scan3A_1585#2 {offsets = [11], sizes = [1], strides = [1]} : vector<16xi32> to vector<1xi32>
    %squeeze3A_1696 = vector.extract %slice3A_1695[0] : i32 from vector<1xi32>
    %add3A_1697 = arith.addi %add3A_1688, %squeeze3A_1696 : i32
    %slice3A_1698 = vector.extract_strided_slice %scan3A_1585#0 {offsets = [12], sizes = [1], strides = [1]} : vector<16xi32> to vector<1xi32>
    %squeeze3A_1699 = vector.extract %slice3A_1698[0] : i32 from vector<1xi32>
    %add3A_1700 = arith.addi %add3A_1691, %squeeze3A_1699 : i32
    %slice3A_1701 = vector.extract_strided_slice %scan3A_1585#1 {offsets = [12], sizes = [1], strides = [1]} : vector<16xi32> to vector<1xi32>
    %squeeze3A_1702 = vector.extract %slice3A_1701[0] : i32 from vector<1xi32>
    %add3A_1703 = arith.addi %add3A_1694, %squeeze3A_1702 : i32
    %slice3A_1704 = vector.extract_strided_slice %scan3A_1585#2 {offsets = [12], sizes = [1], strides = [1]} : vector<16xi32> to vector<1xi32>
    %squeeze3A_1705 = vector.extract %slice3A_1704[0] : i32 from vector<1xi32>
    %add3A_1706 = arith.addi %add3A_1697, %squeeze3A_1705 : i32
    %slice3A_1707 = vector.extract_strided_slice %scan3A_1585#0 {offsets = [13], sizes = [1], strides = [1]} : vector<16xi32> to vector<1xi32>
    %squeeze3A_1708 = vector.extract %slice3A_1707[0] : i32 from vector<1xi32>
    %add3A_1709 = arith.addi %add3A_1700, %squeeze3A_1708 : i32
    %slice3A_1710 = vector.extract_strided_slice %scan3A_1585#1 {offsets = [13], sizes = [1], strides = [1]} : vector<16xi32> to vector<1xi32>
    %squeeze3A_1711 = vector.extract %slice3A_1710[0] : i32 from vector<1xi32>
    %add3A_1712 = arith.addi %add3A_1703, %squeeze3A_1711 : i32
    %slice3A_1713 = vector.extract_strided_slice %scan3A_1585#2 {offsets = [13], sizes = [1], strides = [1]} : vector<16xi32> to vector<1xi32>
    %squeeze3A_1714 = vector.extract %slice3A_1713[0] : i32 from vector<1xi32>
    %add3A_1715 = arith.addi %add3A_1706, %squeeze3A_1714 : i32
    %slice3A_1716 = vector.extract_strided_slice %scan3A_1585#0 {offsets = [14], sizes = [1], strides = [1]} : vector<16xi32> to vector<1xi32>
    %squeeze3A_1717 = vector.extract %slice3A_1716[0] : i32 from vector<1xi32>
    %add3A_1718 = arith.addi %add3A_1709, %squeeze3A_1717 : i32
    %slice3A_1719 = vector.extract_strided_slice %scan3A_1585#1 {offsets = [14], sizes = [1], strides = [1]} : vector<16xi32> to vector<1xi32>
    %squeeze3A_1720 = vector.extract %slice3A_1719[0] : i32 from vector<1xi32>
    %add3A_1721 = arith.addi %add3A_1712, %squeeze3A_1720 : i32
    %slice3A_1722 = vector.extract_strided_slice %scan3A_1585#2 {offsets = [14], sizes = [1], strides = [1]} : vector<16xi32> to vector<1xi32>
    %squeeze3A_1723 = vector.extract %slice3A_1722[0] : i32 from vector<1xi32>
    %add3A_1724 = arith.addi %add3A_1715, %squeeze3A_1723 : i32
    %slice3A_1725 = vector.extract_strided_slice %scan3A_1585#0 {offsets = [15], sizes = [1], strides = [1]} : vector<16xi32> to vector<1xi32>
    %squeeze3A_1726 = vector.extract %slice3A_1725[0] : i32 from vector<1xi32>
    %add3A_1727 = arith.addi %add3A_1718, %squeeze3A_1726 : i32
    %slice3A_1728 = vector.extract_strided_slice %scan3A_1585#1 {offsets = [15], sizes = [1], strides = [1]} : vector<16xi32> to vector<1xi32>
    %squeeze3A_1729 = vector.extract %slice3A_1728[0] : i32 from vector<1xi32>
    %add3A_1730 = arith.addi %add3A_1721, %squeeze3A_1729 : i32
    %slice3A_1731 = vector.extract_strided_slice %scan3A_1585#2 {offsets = [15], sizes = [1], strides = [1]} : vector<16xi32> to vector<1xi32>
    %squeeze3A_1732 = vector.extract %slice3A_1731[0] : i32 from vector<1xi32>
    %add3A_1733 = arith.addi %add3A_1724, %squeeze3A_1732 : i32
    %ge3A_1734 = arith.constant 4096 : i32
    %ge3A_1735 = arith.cmpi sge, %add3A_1727, %ge3A_1734 : i32
    %ge3A_1736 = arith.constant 4096 : i32
    %ge3A_1737 = arith.cmpi sge, %add3A_1733, %ge3A_1736 : i32
    %select_n3A_1738 = arith.select %ge3A_1737, %or3A_1576, %or3A_1574 : i32
    %ge3A_1739 = arith.constant 4096 : i32
    %ge3A_1740 = arith.cmpi sge, %add3A_1730, %ge3A_1739 : i32
    %select_n3A_1741 = arith.select %ge3A_1740, %or3A_1575, %select_n3A_1567 : i32
    %select_n3A_1742 = arith.select %ge3A_1735, %select_n3A_1738, %select_n3A_1741 : i32
    %shift_left3A_1743 = arith.constant 1 : i32
    %shift_left3A_1744 = arith.constant 10 : i32
    %shift_left3A_1745 = arith.shli %shift_left3A_1743, %shift_left3A_1744 : i32
    %shift_left3A_1746 = arith.constant 1 : i32
    %shift_left3A_1747 = arith.constant 11 : i32
    %shift_left3A_1748 = arith.shli %shift_left3A_1746, %shift_left3A_1747 : i32
    %or3A_1749 = arith.ori %select_n3A_1742, %shift_left3A_1748 : i32
    %or3A_1750 = arith.ori %select_n3A_1742, %shift_left3A_1745 : i32
    %or3A_1751 = arith.ori %or3A_1749, %shift_left3A_1745 : i32
    %broadcast_in_dim3A_1752 = arith.constant 0 : i32
    %broadcast_in_dim3A_1753 = vector.broadcast %broadcast_in_dim3A_1752 : i32 to vector<16xi32>
    %scan3A_1754 = arith.constant 1 : i32
    %scan3A_1755 = arith.constant 0 : i32
    %scan3A_1756 = arith.constant 0 : i32
    %scan3A_1757 = arith.constant 256 : i32
    %scan3A_1758 = arith.addi %scan3A_1756, %scan3A_1757 : i32
    %scan3A_1759 = arith.constant 1 : i32
    %scan3A_1760:3 = scf.for %scan3A_2800 = %scan3A_1756 to %scan3A_1758 step %scan3A_1759 iter_args(%scan3A_2801 = %broadcast_in_dim3A_1753, %scan3A_2802 = %broadcast_in_dim3A_1753, %scan3A_2803 = %broadcast_in_dim3A_1753) -> (vector<16xi32>, vector<16xi32>, vector<16xi32>)  : i32 {
      %mul3A_2804 = arith.constant 2 : i32
      %mul3A_2805 = arith.muli %scan3A_2800, %mul3A_2804 : i32
      %add3A_2806 = arith.constant 0 : i32
      %add3A_2807 = arith.addi %mul3A_2805, %add3A_2806 : i32
      %mul3A_2808 = arith.constant 16 : i32
      %mul3A_2809 = arith.muli %add3A_2807, %mul3A_2808 : i32
      %get3A = arith.index_cast %mul3A_2809 : i32 to index
      %get3A_2810 = tpu.vector_load %arg4[%get3A] {strides = array<i32>} : memref<8192xi32, #tpu.memory_space<vmem>>, vector<16xi32>,
      %get3A_2811 = vector.shape_cast %get3A_2810 : vector<16xi32> to vector<16xi32>
      %ge3A_2812 = vector.broadcast %or3A_1749 : i32 to vector<16xi32>
      %ge3A_2813 = arith.cmpi sge, %get3A_2811, %ge3A_2812 : vector<16xi32>
      %broadcast_in_dim3A_2814 = vector.broadcast %scan3A_1754 : i32 to vector<16xi32>
      %broadcast_in_dim3A_2815 = vector.broadcast %scan3A_1755 : i32 to vector<16xi32>
      %select_n3A_2816 = arith.select %ge3A_2813, %broadcast_in_dim3A_2814, %broadcast_in_dim3A_2815 : vector<16xi1>, vector<16xi32>
      %add3A_2817 = arith.addi %scan3A_2801, %select_n3A_2816 : vector<16xi32>
      %ge3A_2818 = vector.broadcast %or3A_1750 : i32 to vector<16xi32>
      %ge3A_2819 = arith.cmpi sge, %get3A_2811, %ge3A_2818 : vector<16xi32>
      %broadcast_in_dim3A_2820 = vector.broadcast %scan3A_1754 : i32 to vector<16xi32>
      %broadcast_in_dim3A_2821 = vector.broadcast %scan3A_1755 : i32 to vector<16xi32>
      %select_n3A_2822 = arith.select %ge3A_2819, %broadcast_in_dim3A_2820, %broadcast_in_dim3A_2821 : vector<16xi1>, vector<16xi32>
      %add3A_2823 = arith.addi %scan3A_2802, %select_n3A_2822 : vector<16xi32>
      %ge3A_2824 = vector.broadcast %or3A_1751 : i32 to vector<16xi32>
      %ge3A_2825 = arith.cmpi sge, %get3A_2811, %ge3A_2824 : vector<16xi32>
      %broadcast_in_dim3A_2826 = vector.broadcast %scan3A_1754 : i32 to vector<16xi32>
      %broadcast_in_dim3A_2827 = vector.broadcast %scan3A_1755 : i32 to vector<16xi32>
      %select_n3A_2828 = arith.select %ge3A_2825, %broadcast_in_dim3A_2826, %broadcast_in_dim3A_2827 : vector<16xi1>, vector<16xi32>
      %add3A_2829 = arith.addi %scan3A_2803, %select_n3A_2828 : vector<16xi32>
      %mul3A_2830 = arith.constant 2 : i32
      %mul3A_2831 = arith.muli %scan3A_2800, %mul3A_2830 : i32
      %add3A_2832 = arith.constant 1 : i32
      %add3A_2833 = arith.addi %mul3A_2831, %add3A_2832 : i32
      %mul3A_2834 = arith.constant 16 : i32
      %mul3A_2835 = arith.muli %add3A_2833, %mul3A_2834 : i32
      %get3A_2836 = arith.index_cast %mul3A_2835 : i32 to index
      %get3A_2837 = tpu.vector_load %arg4[%get3A_2836] {strides = array<i32>} : memref<8192xi32, #tpu.memory_space<vmem>>, vector<16xi32>,
      %get3A_2838 = vector.shape_cast %get3A_2837 : vector<16xi32> to vector<16xi32>
      %ge3A_2839 = vector.broadcast %or3A_1749 : i32 to vector<16xi32>
      %ge3A_2840 = arith.cmpi sge, %get3A_2838, %ge3A_2839 : vector<16xi32>
      %broadcast_in_dim3A_2841 = vector.broadcast %scan3A_1754 : i32 to vector<16xi32>
      %broadcast_in_dim3A_2842 = vector.broadcast %scan3A_1755 : i32 to vector<16xi32>
      %select_n3A_2843 = arith.select %ge3A_2840, %broadcast_in_dim3A_2841, %broadcast_in_dim3A_2842 : vector<16xi1>, vector<16xi32>
      %add3A_2844 = arith.addi %add3A_2817, %select_n3A_2843 : vector<16xi32>
      %ge3A_2845 = vector.broadcast %or3A_1750 : i32 to vector<16xi32>
      %ge3A_2846 = arith.cmpi sge, %get3A_2838, %ge3A_2845 : vector<16xi32>
      %broadcast_in_dim3A_2847 = vector.broadcast %scan3A_1754 : i32 to vector<16xi32>
      %broadcast_in_dim3A_2848 = vector.broadcast %scan3A_1755 : i32 to vector<16xi32>
      %select_n3A_2849 = arith.select %ge3A_2846, %broadcast_in_dim3A_2847, %broadcast_in_dim3A_2848 : vector<16xi1>, vector<16xi32>
      %add3A_2850 = arith.addi %add3A_2823, %select_n3A_2849 : vector<16xi32>
      %ge3A_2851 = vector.broadcast %or3A_1751 : i32 to vector<16xi32>
      %ge3A_2852 = arith.cmpi sge, %get3A_2838, %ge3A_2851 : vector<16xi32>
      %broadcast_in_dim3A_2853 = vector.broadcast %scan3A_1754 : i32 to vector<16xi32>
      %broadcast_in_dim3A_2854 = vector.broadcast %scan3A_1755 : i32 to vector<16xi32>
      %select_n3A_2855 = arith.select %ge3A_2852, %broadcast_in_dim3A_2853, %broadcast_in_dim3A_2854 : vector<16xi1>, vector<16xi32>
      %add3A_2856 = arith.addi %add3A_2829, %select_n3A_2855 : vector<16xi32>
      scf.yield %add3A_2844, %add3A_2850, %add3A_2856 : vector<16xi32>, vector<16xi32>, vector<16xi32>
    }
    %scan3A_1761 = arith.constant 256 : i32
    %slice3A_1762 = vector.extract_strided_slice %scan3A_1760#0 {offsets = [0], sizes = [1], strides = [1]} : vector<16xi32> to vector<1xi32>
    %squeeze3A_1763 = vector.extract %slice3A_1762[0] : i32 from vector<1xi32>
    %add3A_1764 = arith.constant 0 : i32
    %add3A_1765 = arith.addi %add3A_1764, %squeeze3A_1763 : i32
    %slice3A_1766 = vector.extract_strided_slice %scan3A_1760#1 {offsets = [0], sizes = [1], strides = [1]} : vector<16xi32> to vector<1xi32>
    %squeeze3A_1767 = vector.extract %slice3A_1766[0] : i32 from vector<1xi32>
    %add3A_1768 = arith.constant 0 : i32
    %add3A_1769 = arith.addi %add3A_1768, %squeeze3A_1767 : i32
    %slice3A_1770 = vector.extract_strided_slice %scan3A_1760#2 {offsets = [0], sizes = [1], strides = [1]} : vector<16xi32> to vector<1xi32>
    %squeeze3A_1771 = vector.extract %slice3A_1770[0] : i32 from vector<1xi32>
    %add3A_1772 = arith.constant 0 : i32
    %add3A_1773 = arith.addi %add3A_1772, %squeeze3A_1771 : i32
    %slice3A_1774 = vector.extract_strided_slice %scan3A_1760#0 {offsets = [1], sizes = [1], strides = [1]} : vector<16xi32> to vector<1xi32>
    %squeeze3A_1775 = vector.extract %slice3A_1774[0] : i32 from vector<1xi32>
    %add3A_1776 = arith.addi %add3A_1765, %squeeze3A_1775 : i32
    %slice3A_1777 = vector.extract_strided_slice %scan3A_1760#1 {offsets = [1], sizes = [1], strides = [1]} : vector<16xi32> to vector<1xi32>
    %squeeze3A_1778 = vector.extract %slice3A_1777[0] : i32 from vector<1xi32>
    %add3A_1779 = arith.addi %add3A_1769, %squeeze3A_1778 : i32
    %slice3A_1780 = vector.extract_strided_slice %scan3A_1760#2 {offsets = [1], sizes = [1], strides = [1]} : vector<16xi32> to vector<1xi32>
    %squeeze3A_1781 = vector.extract %slice3A_1780[0] : i32 from vector<1xi32>
    %add3A_1782 = arith.addi %add3A_1773, %squeeze3A_1781 : i32
    %slice3A_1783 = vector.extract_strided_slice %scan3A_1760#0 {offsets = [2], sizes = [1], strides = [1]} : vector<16xi32> to vector<1xi32>
    %squeeze3A_1784 = vector.extract %slice3A_1783[0] : i32 from vector<1xi32>
    %add3A_1785 = arith.addi %add3A_1776, %squeeze3A_1784 : i32
    %slice3A_1786 = vector.extract_strided_slice %scan3A_1760#1 {offsets = [2], sizes = [1], strides = [1]} : vector<16xi32> to vector<1xi32>
    %squeeze3A_1787 = vector.extract %slice3A_1786[0] : i32 from vector<1xi32>
    %add3A_1788 = arith.addi %add3A_1779, %squeeze3A_1787 : i32
    %slice3A_1789 = vector.extract_strided_slice %scan3A_1760#2 {offsets = [2], sizes = [1], strides = [1]} : vector<16xi32> to vector<1xi32>
    %squeeze3A_1790 = vector.extract %slice3A_1789[0] : i32 from vector<1xi32>
    %add3A_1791 = arith.addi %add3A_1782, %squeeze3A_1790 : i32
    %slice3A_1792 = vector.extract_strided_slice %scan3A_1760#0 {offsets = [3], sizes = [1], strides = [1]} : vector<16xi32> to vector<1xi32>
    %squeeze3A_1793 = vector.extract %slice3A_1792[0] : i32 from vector<1xi32>
    %add3A_1794 = arith.addi %add3A_1785, %squeeze3A_1793 : i32
    %slice3A_1795 = vector.extract_strided_slice %scan3A_1760#1 {offsets = [3], sizes = [1], strides = [1]} : vector<16xi32> to vector<1xi32>
    %squeeze3A_1796 = vector.extract %slice3A_1795[0] : i32 from vector<1xi32>
    %add3A_1797 = arith.addi %add3A_1788, %squeeze3A_1796 : i32
    %slice3A_1798 = vector.extract_strided_slice %scan3A_1760#2 {offsets = [3], sizes = [1], strides = [1]} : vector<16xi32> to vector<1xi32>
    %squeeze3A_1799 = vector.extract %slice3A_1798[0] : i32 from vector<1xi32>
    %add3A_1800 = arith.addi %add3A_1791, %squeeze3A_1799 : i32
    %slice3A_1801 = vector.extract_strided_slice %scan3A_1760#0 {offsets = [4], sizes = [1], strides = [1]} : vector<16xi32> to vector<1xi32>
    %squeeze3A_1802 = vector.extract %slice3A_1801[0] : i32 from vector<1xi32>
    %add3A_1803 = arith.addi %add3A_1794, %squeeze3A_1802 : i32
    %slice3A_1804 = vector.extract_strided_slice %scan3A_1760#1 {offsets = [4], sizes = [1], strides = [1]} : vector<16xi32> to vector<1xi32>
    %squeeze3A_1805 = vector.extract %slice3A_1804[0] : i32 from vector<1xi32>
    %add3A_1806 = arith.addi %add3A_1797, %squeeze3A_1805 : i32
    %slice3A_1807 = vector.extract_strided_slice %scan3A_1760#2 {offsets = [4], sizes = [1], strides = [1]} : vector<16xi32> to vector<1xi32>
    %squeeze3A_1808 = vector.extract %slice3A_1807[0] : i32 from vector<1xi32>
    %add3A_1809 = arith.addi %add3A_1800, %squeeze3A_1808 : i32
    %slice3A_1810 = vector.extract_strided_slice %scan3A_1760#0 {offsets = [5], sizes = [1], strides = [1]} : vector<16xi32> to vector<1xi32>
    %squeeze3A_1811 = vector.extract %slice3A_1810[0] : i32 from vector<1xi32>
    %add3A_1812 = arith.addi %add3A_1803, %squeeze3A_1811 : i32
    %slice3A_1813 = vector.extract_strided_slice %scan3A_1760#1 {offsets = [5], sizes = [1], strides = [1]} : vector<16xi32> to vector<1xi32>
    %squeeze3A_1814 = vector.extract %slice3A_1813[0] : i32 from vector<1xi32>
    %add3A_1815 = arith.addi %add3A_1806, %squeeze3A_1814 : i32
    %slice3A_1816 = vector.extract_strided_slice %scan3A_1760#2 {offsets = [5], sizes = [1], strides = [1]} : vector<16xi32> to vector<1xi32>
    %squeeze3A_1817 = vector.extract %slice3A_1816[0] : i32 from vector<1xi32>
    %add3A_1818 = arith.addi %add3A_1809, %squeeze3A_1817 : i32
    %slice3A_1819 = vector.extract_strided_slice %scan3A_1760#0 {offsets = [6], sizes = [1], strides = [1]} : vector<16xi32> to vector<1xi32>
    %squeeze3A_1820 = vector.extract %slice3A_1819[0] : i32 from vector<1xi32>
    %add3A_1821 = arith.addi %add3A_1812, %squeeze3A_1820 : i32
    %slice3A_1822 = vector.extract_strided_slice %scan3A_1760#1 {offsets = [6], sizes = [1], strides = [1]} : vector<16xi32> to vector<1xi32>
    %squeeze3A_1823 = vector.extract %slice3A_1822[0] : i32 from vector<1xi32>
    %add3A_1824 = arith.addi %add3A_1815, %squeeze3A_1823 : i32
    %slice3A_1825 = vector.extract_strided_slice %scan3A_1760#2 {offsets = [6], sizes = [1], strides = [1]} : vector<16xi32> to vector<1xi32>
    %squeeze3A_1826 = vector.extract %slice3A_1825[0] : i32 from vector<1xi32>
    %add3A_1827 = arith.addi %add3A_1818, %squeeze3A_1826 : i32
    %slice3A_1828 = vector.extract_strided_slice %scan3A_1760#0 {offsets = [7], sizes = [1], strides = [1]} : vector<16xi32> to vector<1xi32>
    %squeeze3A_1829 = vector.extract %slice3A_1828[0] : i32 from vector<1xi32>
    %add3A_1830 = arith.addi %add3A_1821, %squeeze3A_1829 : i32
    %slice3A_1831 = vector.extract_strided_slice %scan3A_1760#1 {offsets = [7], sizes = [1], strides = [1]} : vector<16xi32> to vector<1xi32>
    %squeeze3A_1832 = vector.extract %slice3A_1831[0] : i32 from vector<1xi32>
    %add3A_1833 = arith.addi %add3A_1824, %squeeze3A_1832 : i32
    %slice3A_1834 = vector.extract_strided_slice %scan3A_1760#2 {offsets = [7], sizes = [1], strides = [1]} : vector<16xi32> to vector<1xi32>
    %squeeze3A_1835 = vector.extract %slice3A_1834[0] : i32 from vector<1xi32>
    %add3A_1836 = arith.addi %add3A_1827, %squeeze3A_1835 : i32
    %slice3A_1837 = vector.extract_strided_slice %scan3A_1760#0 {offsets = [8], sizes = [1], strides = [1]} : vector<16xi32> to vector<1xi32>
    %squeeze3A_1838 = vector.extract %slice3A_1837[0] : i32 from vector<1xi32>
    %add3A_1839 = arith.addi %add3A_1830, %squeeze3A_1838 : i32
    %slice3A_1840 = vector.extract_strided_slice %scan3A_1760#1 {offsets = [8], sizes = [1], strides = [1]} : vector<16xi32> to vector<1xi32>
    %squeeze3A_1841 = vector.extract %slice3A_1840[0] : i32 from vector<1xi32>
    %add3A_1842 = arith.addi %add3A_1833, %squeeze3A_1841 : i32
    %slice3A_1843 = vector.extract_strided_slice %scan3A_1760#2 {offsets = [8], sizes = [1], strides = [1]} : vector<16xi32> to vector<1xi32>
    %squeeze3A_1844 = vector.extract %slice3A_1843[0] : i32 from vector<1xi32>
    %add3A_1845 = arith.addi %add3A_1836, %squeeze3A_1844 : i32
    %slice3A_1846 = vector.extract_strided_slice %scan3A_1760#0 {offsets = [9], sizes = [1], strides = [1]} : vector<16xi32> to vector<1xi32>
    %squeeze3A_1847 = vector.extract %slice3A_1846[0] : i32 from vector<1xi32>
    %add3A_1848 = arith.addi %add3A_1839, %squeeze3A_1847 : i32
    %slice3A_1849 = vector.extract_strided_slice %scan3A_1760#1 {offsets = [9], sizes = [1], strides = [1]} : vector<16xi32> to vector<1xi32>
    %squeeze3A_1850 = vector.extract %slice3A_1849[0] : i32 from vector<1xi32>
    %add3A_1851 = arith.addi %add3A_1842, %squeeze3A_1850 : i32
    %slice3A_1852 = vector.extract_strided_slice %scan3A_1760#2 {offsets = [9], sizes = [1], strides = [1]} : vector<16xi32> to vector<1xi32>
    %squeeze3A_1853 = vector.extract %slice3A_1852[0] : i32 from vector<1xi32>
    %add3A_1854 = arith.addi %add3A_1845, %squeeze3A_1853 : i32
    %slice3A_1855 = vector.extract_strided_slice %scan3A_1760#0 {offsets = [10], sizes = [1], strides = [1]} : vector<16xi32> to vector<1xi32>
    %squeeze3A_1856 = vector.extract %slice3A_1855[0] : i32 from vector<1xi32>
    %add3A_1857 = arith.addi %add3A_1848, %squeeze3A_1856 : i32
    %slice3A_1858 = vector.extract_strided_slice %scan3A_1760#1 {offsets = [10], sizes = [1], strides = [1]} : vector<16xi32> to vector<1xi32>
    %squeeze3A_1859 = vector.extract %slice3A_1858[0] : i32 from vector<1xi32>
    %add3A_1860 = arith.addi %add3A_1851, %squeeze3A_1859 : i32
    %slice3A_1861 = vector.extract_strided_slice %scan3A_1760#2 {offsets = [10], sizes = [1], strides = [1]} : vector<16xi32> to vector<1xi32>
    %squeeze3A_1862 = vector.extract %slice3A_1861[0] : i32 from vector<1xi32>
    %add3A_1863 = arith.addi %add3A_1854, %squeeze3A_1862 : i32
    %slice3A_1864 = vector.extract_strided_slice %scan3A_1760#0 {offsets = [11], sizes = [1], strides = [1]} : vector<16xi32> to vector<1xi32>
    %squeeze3A_1865 = vector.extract %slice3A_1864[0] : i32 from vector<1xi32>
    %add3A_1866 = arith.addi %add3A_1857, %squeeze3A_1865 : i32
    %slice3A_1867 = vector.extract_strided_slice %scan3A_1760#1 {offsets = [11], sizes = [1], strides = [1]} : vector<16xi32> to vector<1xi32>
    %squeeze3A_1868 = vector.extract %slice3A_1867[0] : i32 from vector<1xi32>
    %add3A_1869 = arith.addi %add3A_1860, %squeeze3A_1868 : i32
    %slice3A_1870 = vector.extract_strided_slice %scan3A_1760#2 {offsets = [11], sizes = [1], strides = [1]} : vector<16xi32> to vector<1xi32>
    %squeeze3A_1871 = vector.extract %slice3A_1870[0] : i32 from vector<1xi32>
    %add3A_1872 = arith.addi %add3A_1863, %squeeze3A_1871 : i32
    %slice3A_1873 = vector.extract_strided_slice %scan3A_1760#0 {offsets = [12], sizes = [1], strides = [1]} : vector<16xi32> to vector<1xi32>
    %squeeze3A_1874 = vector.extract %slice3A_1873[0] : i32 from vector<1xi32>
    %add3A_1875 = arith.addi %add3A_1866, %squeeze3A_1874 : i32
    %slice3A_1876 = vector.extract_strided_slice %scan3A_1760#1 {offsets = [12], sizes = [1], strides = [1]} : vector<16xi32> to vector<1xi32>
    %squeeze3A_1877 = vector.extract %slice3A_1876[0] : i32 from vector<1xi32>
    %add3A_1878 = arith.addi %add3A_1869, %squeeze3A_1877 : i32
    %slice3A_1879 = vector.extract_strided_slice %scan3A_1760#2 {offsets = [12], sizes = [1], strides = [1]} : vector<16xi32> to vector<1xi32>
    %squeeze3A_1880 = vector.extract %slice3A_1879[0] : i32 from vector<1xi32>
    %add3A_1881 = arith.addi %add3A_1872, %squeeze3A_1880 : i32
    %slice3A_1882 = vector.extract_strided_slice %scan3A_1760#0 {offsets = [13], sizes = [1], strides = [1]} : vector<16xi32> to vector<1xi32>
    %squeeze3A_1883 = vector.extract %slice3A_1882[0] : i32 from vector<1xi32>
    %add3A_1884 = arith.addi %add3A_1875, %squeeze3A_1883 : i32
    %slice3A_1885 = vector.extract_strided_slice %scan3A_1760#1 {offsets = [13], sizes = [1], strides = [1]} : vector<16xi32> to vector<1xi32>
    %squeeze3A_1886 = vector.extract %slice3A_1885[0] : i32 from vector<1xi32>
    %add3A_1887 = arith.addi %add3A_1878, %squeeze3A_1886 : i32
    %slice3A_1888 = vector.extract_strided_slice %scan3A_1760#2 {offsets = [13], sizes = [1], strides = [1]} : vector<16xi32> to vector<1xi32>
    %squeeze3A_1889 = vector.extract %slice3A_1888[0] : i32 from vector<1xi32>
    %add3A_1890 = arith.addi %add3A_1881, %squeeze3A_1889 : i32
    %slice3A_1891 = vector.extract_strided_slice %scan3A_1760#0 {offsets = [14], sizes = [1], strides = [1]} : vector<16xi32> to vector<1xi32>
    %squeeze3A_1892 = vector.extract %slice3A_1891[0] : i32 from vector<1xi32>
    %add3A_1893 = arith.addi %add3A_1884, %squeeze3A_1892 : i32
    %slice3A_1894 = vector.extract_strided_slice %scan3A_1760#1 {offsets = [14], sizes = [1], strides = [1]} : vector<16xi32> to vector<1xi32>
    %squeeze3A_1895 = vector.extract %slice3A_1894[0] : i32 from vector<1xi32>
    %add3A_1896 = arith.addi %add3A_1887, %squeeze3A_1895 : i32
    %slice3A_1897 = vector.extract_strided_slice %scan3A_1760#2 {offsets = [14], sizes = [1], strides = [1]} : vector<16xi32> to vector<1xi32>
    %squeeze3A_1898 = vector.extract %slice3A_1897[0] : i32 from vector<1xi32>
    %add3A_1899 = arith.addi %add3A_1890, %squeeze3A_1898 : i32
    %slice3A_1900 = vector.extract_strided_slice %scan3A_1760#0 {offsets = [15], sizes = [1], strides = [1]} : vector<16xi32> to vector<1xi32>
    %squeeze3A_1901 = vector.extract %slice3A_1900[0] : i32 from vector<1xi32>
    %add3A_1902 = arith.addi %add3A_1893, %squeeze3A_1901 : i32
    %slice3A_1903 = vector.extract_strided_slice %scan3A_1760#1 {offsets = [15], sizes = [1], strides = [1]} : vector<16xi32> to vector<1xi32>
    %squeeze3A_1904 = vector.extract %slice3A_1903[0] : i32 from vector<1xi32>
    %add3A_1905 = arith.addi %add3A_1896, %squeeze3A_1904 : i32
    %slice3A_1906 = vector.extract_strided_slice %scan3A_1760#2 {offsets = [15], sizes = [1], strides = [1]} : vector<16xi32> to vector<1xi32>
    %squeeze3A_1907 = vector.extract %slice3A_1906[0] : i32 from vector<1xi32>
    %add3A_1908 = arith.addi %add3A_1899, %squeeze3A_1907 : i32
    %ge3A_1909 = arith.constant 4096 : i32
    %ge3A_1910 = arith.cmpi sge, %add3A_1902, %ge3A_1909 : i32
    %ge3A_1911 = arith.constant 4096 : i32
    %ge3A_1912 = arith.cmpi sge, %add3A_1908, %ge3A_1911 : i32
    %select_n3A_1913 = arith.select %ge3A_1912, %or3A_1751, %or3A_1749 : i32
    %ge3A_1914 = arith.constant 4096 : i32
    %ge3A_1915 = arith.cmpi sge, %add3A_1905, %ge3A_1914 : i32
    %select_n3A_1916 = arith.select %ge3A_1915, %or3A_1750, %select_n3A_1742 : i32
    %select_n3A_1917 = arith.select %ge3A_1910, %select_n3A_1913, %select_n3A_1916 : i32
    %shift_left3A_1918 = arith.constant 1 : i32
    %shift_left3A_1919 = arith.constant 8 : i32
    %shift_left3A_1920 = arith.shli %shift_left3A_1918, %shift_left3A_1919 : i32
    %shift_left3A_1921 = arith.constant 1 : i32
    %shift_left3A_1922 = arith.constant 9 : i32
    %shift_left3A_1923 = arith.shli %shift_left3A_1921, %shift_left3A_1922 : i32
    %or3A_1924 = arith.ori %select_n3A_1917, %shift_left3A_1923 : i32
    %or3A_1925 = arith.ori %select_n3A_1917, %shift_left3A_1920 : i32
    %or3A_1926 = arith.ori %or3A_1924, %shift_left3A_1920 : i32
    %broadcast_in_dim3A_1927 = arith.constant 0 : i32
    %broadcast_in_dim3A_1928 = vector.broadcast %broadcast_in_dim3A_1927 : i32 to vector<16xi32>
    %scan3A_1929 = arith.constant 1 : i32
    %scan3A_1930 = arith.constant 0 : i32
    %scan3A_1931 = arith.constant 0 : i32
    %scan3A_1932 = arith.constant 256 : i32
    %scan3A_1933 = arith.addi %scan3A_1931, %scan3A_1932 : i32
    %scan3A_1934 = arith.constant 1 : i32
    %scan3A_1935:3 = scf.for %scan3A_2800 = %scan3A_1931 to %scan3A_1933 step %scan3A_1934 iter_args(%scan3A_2801 = %broadcast_in_dim3A_1928, %scan3A_2802 = %broadcast_in_dim3A_1928, %scan3A_2803 = %broadcast_in_dim3A_1928) -> (vector<16xi32>, vector<16xi32>, vector<16xi32>)  : i32 {
      %mul3A_2804 = arith.constant 2 : i32
      %mul3A_2805 = arith.muli %scan3A_2800, %mul3A_2804 : i32
      %add3A_2806 = arith.constant 0 : i32
      %add3A_2807 = arith.addi %mul3A_2805, %add3A_2806 : i32
      %mul3A_2808 = arith.constant 16 : i32
      %mul3A_2809 = arith.muli %add3A_2807, %mul3A_2808 : i32
      %get3A = arith.index_cast %mul3A_2809 : i32 to index
      %get3A_2810 = tpu.vector_load %arg4[%get3A] {strides = array<i32>} : memref<8192xi32, #tpu.memory_space<vmem>>, vector<16xi32>,
      %get3A_2811 = vector.shape_cast %get3A_2810 : vector<16xi32> to vector<16xi32>
      %ge3A_2812 = vector.broadcast %or3A_1924 : i32 to vector<16xi32>
      %ge3A_2813 = arith.cmpi sge, %get3A_2811, %ge3A_2812 : vector<16xi32>
      %broadcast_in_dim3A_2814 = vector.broadcast %scan3A_1929 : i32 to vector<16xi32>
      %broadcast_in_dim3A_2815 = vector.broadcast %scan3A_1930 : i32 to vector<16xi32>
      %select_n3A_2816 = arith.select %ge3A_2813, %broadcast_in_dim3A_2814, %broadcast_in_dim3A_2815 : vector<16xi1>, vector<16xi32>
      %add3A_2817 = arith.addi %scan3A_2801, %select_n3A_2816 : vector<16xi32>
      %ge3A_2818 = vector.broadcast %or3A_1925 : i32 to vector<16xi32>
      %ge3A_2819 = arith.cmpi sge, %get3A_2811, %ge3A_2818 : vector<16xi32>
      %broadcast_in_dim3A_2820 = vector.broadcast %scan3A_1929 : i32 to vector<16xi32>
      %broadcast_in_dim3A_2821 = vector.broadcast %scan3A_1930 : i32 to vector<16xi32>
      %select_n3A_2822 = arith.select %ge3A_2819, %broadcast_in_dim3A_2820, %broadcast_in_dim3A_2821 : vector<16xi1>, vector<16xi32>
      %add3A_2823 = arith.addi %scan3A_2802, %select_n3A_2822 : vector<16xi32>
      %ge3A_2824 = vector.broadcast %or3A_1926 : i32 to vector<16xi32>
      %ge3A_2825 = arith.cmpi sge, %get3A_2811, %ge3A_2824 : vector<16xi32>
      %broadcast_in_dim3A_2826 = vector.broadcast %scan3A_1929 : i32 to vector<16xi32>
      %broadcast_in_dim3A_2827 = vector.broadcast %scan3A_1930 : i32 to vector<16xi32>
      %select_n3A_2828 = arith.select %ge3A_2825, %broadcast_in_dim3A_2826, %broadcast_in_dim3A_2827 : vector<16xi1>, vector<16xi32>
      %add3A_2829 = arith.addi %scan3A_2803, %select_n3A_2828 : vector<16xi32>
      %mul3A_2830 = arith.constant 2 : i32
      %mul3A_2831 = arith.muli %scan3A_2800, %mul3A_2830 : i32
      %add3A_2832 = arith.constant 1 : i32
      %add3A_2833 = arith.addi %mul3A_2831, %add3A_2832 : i32
      %mul3A_2834 = arith.constant 16 : i32
      %mul3A_2835 = arith.muli %add3A_2833, %mul3A_2834 : i32
      %get3A_2836 = arith.index_cast %mul3A_2835 : i32 to index
      %get3A_2837 = tpu.vector_load %arg4[%get3A_2836] {strides = array<i32>} : memref<8192xi32, #tpu.memory_space<vmem>>, vector<16xi32>,
      %get3A_2838 = vector.shape_cast %get3A_2837 : vector<16xi32> to vector<16xi32>
      %ge3A_2839 = vector.broadcast %or3A_1924 : i32 to vector<16xi32>
      %ge3A_2840 = arith.cmpi sge, %get3A_2838, %ge3A_2839 : vector<16xi32>
      %broadcast_in_dim3A_2841 = vector.broadcast %scan3A_1929 : i32 to vector<16xi32>
      %broadcast_in_dim3A_2842 = vector.broadcast %scan3A_1930 : i32 to vector<16xi32>
      %select_n3A_2843 = arith.select %ge3A_2840, %broadcast_in_dim3A_2841, %broadcast_in_dim3A_2842 : vector<16xi1>, vector<16xi32>
      %add3A_2844 = arith.addi %add3A_2817, %select_n3A_2843 : vector<16xi32>
      %ge3A_2845 = vector.broadcast %or3A_1925 : i32 to vector<16xi32>
      %ge3A_2846 = arith.cmpi sge, %get3A_2838, %ge3A_2845 : vector<16xi32>
      %broadcast_in_dim3A_2847 = vector.broadcast %scan3A_1929 : i32 to vector<16xi32>
      %broadcast_in_dim3A_2848 = vector.broadcast %scan3A_1930 : i32 to vector<16xi32>
      %select_n3A_2849 = arith.select %ge3A_2846, %broadcast_in_dim3A_2847, %broadcast_in_dim3A_2848 : vector<16xi1>, vector<16xi32>
      %add3A_2850 = arith.addi %add3A_2823, %select_n3A_2849 : vector<16xi32>
      %ge3A_2851 = vector.broadcast %or3A_1926 : i32 to vector<16xi32>
      %ge3A_2852 = arith.cmpi sge, %get3A_2838, %ge3A_2851 : vector<16xi32>
      %broadcast_in_dim3A_2853 = vector.broadcast %scan3A_1929 : i32 to vector<16xi32>
      %broadcast_in_dim3A_2854 = vector.broadcast %scan3A_1930 : i32 to vector<16xi32>
      %select_n3A_2855 = arith.select %ge3A_2852, %broadcast_in_dim3A_2853, %broadcast_in_dim3A_2854 : vector<16xi1>, vector<16xi32>
      %add3A_2856 = arith.addi %add3A_2829, %select_n3A_2855 : vector<16xi32>
      scf.yield %add3A_2844, %add3A_2850, %add3A_2856 : vector<16xi32>, vector<16xi32>, vector<16xi32>
    }
    %scan3A_1936 = arith.constant 256 : i32
    %slice3A_1937 = vector.extract_strided_slice %scan3A_1935#0 {offsets = [0], sizes = [1], strides = [1]} : vector<16xi32> to vector<1xi32>
    %squeeze3A_1938 = vector.extract %slice3A_1937[0] : i32 from vector<1xi32>
    %add3A_1939 = arith.constant 0 : i32
    %add3A_1940 = arith.addi %add3A_1939, %squeeze3A_1938 : i32
    %slice3A_1941 = vector.extract_strided_slice %scan3A_1935#1 {offsets = [0], sizes = [1], strides = [1]} : vector<16xi32> to vector<1xi32>
    %squeeze3A_1942 = vector.extract %slice3A_1941[0] : i32 from vector<1xi32>
    %add3A_1943 = arith.constant 0 : i32
    %add3A_1944 = arith.addi %add3A_1943, %squeeze3A_1942 : i32
    %slice3A_1945 = vector.extract_strided_slice %scan3A_1935#2 {offsets = [0], sizes = [1], strides = [1]} : vector<16xi32> to vector<1xi32>
    %squeeze3A_1946 = vector.extract %slice3A_1945[0] : i32 from vector<1xi32>
    %add3A_1947 = arith.constant 0 : i32
    %add3A_1948 = arith.addi %add3A_1947, %squeeze3A_1946 : i32
    %slice3A_1949 = vector.extract_strided_slice %scan3A_1935#0 {offsets = [1], sizes = [1], strides = [1]} : vector<16xi32> to vector<1xi32>
    %squeeze3A_1950 = vector.extract %slice3A_1949[0] : i32 from vector<1xi32>
    %add3A_1951 = arith.addi %add3A_1940, %squeeze3A_1950 : i32
    %slice3A_1952 = vector.extract_strided_slice %scan3A_1935#1 {offsets = [1], sizes = [1], strides = [1]} : vector<16xi32> to vector<1xi32>
    %squeeze3A_1953 = vector.extract %slice3A_1952[0] : i32 from vector<1xi32>
    %add3A_1954 = arith.addi %add3A_1944, %squeeze3A_1953 : i32
    %slice3A_1955 = vector.extract_strided_slice %scan3A_1935#2 {offsets = [1], sizes = [1], strides = [1]} : vector<16xi32> to vector<1xi32>
    %squeeze3A_1956 = vector.extract %slice3A_1955[0] : i32 from vector<1xi32>
    %add3A_1957 = arith.addi %add3A_1948, %squeeze3A_1956 : i32
    %slice3A_1958 = vector.extract_strided_slice %scan3A_1935#0 {offsets = [2], sizes = [1], strides = [1]} : vector<16xi32> to vector<1xi32>
    %squeeze3A_1959 = vector.extract %slice3A_1958[0] : i32 from vector<1xi32>
    %add3A_1960 = arith.addi %add3A_1951, %squeeze3A_1959 : i32
    %slice3A_1961 = vector.extract_strided_slice %scan3A_1935#1 {offsets = [2], sizes = [1], strides = [1]} : vector<16xi32> to vector<1xi32>
    %squeeze3A_1962 = vector.extract %slice3A_1961[0] : i32 from vector<1xi32>
    %add3A_1963 = arith.addi %add3A_1954, %squeeze3A_1962 : i32
    %slice3A_1964 = vector.extract_strided_slice %scan3A_1935#2 {offsets = [2], sizes = [1], strides = [1]} : vector<16xi32> to vector<1xi32>
    %squeeze3A_1965 = vector.extract %slice3A_1964[0] : i32 from vector<1xi32>
    %add3A_1966 = arith.addi %add3A_1957, %squeeze3A_1965 : i32
    %slice3A_1967 = vector.extract_strided_slice %scan3A_1935#0 {offsets = [3], sizes = [1], strides = [1]} : vector<16xi32> to vector<1xi32>
    %squeeze3A_1968 = vector.extract %slice3A_1967[0] : i32 from vector<1xi32>
    %add3A_1969 = arith.addi %add3A_1960, %squeeze3A_1968 : i32
    %slice3A_1970 = vector.extract_strided_slice %scan3A_1935#1 {offsets = [3], sizes = [1], strides = [1]} : vector<16xi32> to vector<1xi32>
    %squeeze3A_1971 = vector.extract %slice3A_1970[0] : i32 from vector<1xi32>
    %add3A_1972 = arith.addi %add3A_1963, %squeeze3A_1971 : i32
    %slice3A_1973 = vector.extract_strided_slice %scan3A_1935#2 {offsets = [3], sizes = [1], strides = [1]} : vector<16xi32> to vector<1xi32>
    %squeeze3A_1974 = vector.extract %slice3A_1973[0] : i32 from vector<1xi32>
    %add3A_1975 = arith.addi %add3A_1966, %squeeze3A_1974 : i32
    %slice3A_1976 = vector.extract_strided_slice %scan3A_1935#0 {offsets = [4], sizes = [1], strides = [1]} : vector<16xi32> to vector<1xi32>
    %squeeze3A_1977 = vector.extract %slice3A_1976[0] : i32 from vector<1xi32>
    %add3A_1978 = arith.addi %add3A_1969, %squeeze3A_1977 : i32
    %slice3A_1979 = vector.extract_strided_slice %scan3A_1935#1 {offsets = [4], sizes = [1], strides = [1]} : vector<16xi32> to vector<1xi32>
    %squeeze3A_1980 = vector.extract %slice3A_1979[0] : i32 from vector<1xi32>
    %add3A_1981 = arith.addi %add3A_1972, %squeeze3A_1980 : i32
    %slice3A_1982 = vector.extract_strided_slice %scan3A_1935#2 {offsets = [4], sizes = [1], strides = [1]} : vector<16xi32> to vector<1xi32>
    %squeeze3A_1983 = vector.extract %slice3A_1982[0] : i32 from vector<1xi32>
    %add3A_1984 = arith.addi %add3A_1975, %squeeze3A_1983 : i32
    %slice3A_1985 = vector.extract_strided_slice %scan3A_1935#0 {offsets = [5], sizes = [1], strides = [1]} : vector<16xi32> to vector<1xi32>
    %squeeze3A_1986 = vector.extract %slice3A_1985[0] : i32 from vector<1xi32>
    %add3A_1987 = arith.addi %add3A_1978, %squeeze3A_1986 : i32
    %slice3A_1988 = vector.extract_strided_slice %scan3A_1935#1 {offsets = [5], sizes = [1], strides = [1]} : vector<16xi32> to vector<1xi32>
    %squeeze3A_1989 = vector.extract %slice3A_1988[0] : i32 from vector<1xi32>
    %add3A_1990 = arith.addi %add3A_1981, %squeeze3A_1989 : i32
    %slice3A_1991 = vector.extract_strided_slice %scan3A_1935#2 {offsets = [5], sizes = [1], strides = [1]} : vector<16xi32> to vector<1xi32>
    %squeeze3A_1992 = vector.extract %slice3A_1991[0] : i32 from vector<1xi32>
    %add3A_1993 = arith.addi %add3A_1984, %squeeze3A_1992 : i32
    %slice3A_1994 = vector.extract_strided_slice %scan3A_1935#0 {offsets = [6], sizes = [1], strides = [1]} : vector<16xi32> to vector<1xi32>
    %squeeze3A_1995 = vector.extract %slice3A_1994[0] : i32 from vector<1xi32>
    %add3A_1996 = arith.addi %add3A_1987, %squeeze3A_1995 : i32
    %slice3A_1997 = vector.extract_strided_slice %scan3A_1935#1 {offsets = [6], sizes = [1], strides = [1]} : vector<16xi32> to vector<1xi32>
    %squeeze3A_1998 = vector.extract %slice3A_1997[0] : i32 from vector<1xi32>
    %add3A_1999 = arith.addi %add3A_1990, %squeeze3A_1998 : i32
    %slice3A_2000 = vector.extract_strided_slice %scan3A_1935#2 {offsets = [6], sizes = [1], strides = [1]} : vector<16xi32> to vector<1xi32>
    %squeeze3A_2001 = vector.extract %slice3A_2000[0] : i32 from vector<1xi32>
    %add3A_2002 = arith.addi %add3A_1993, %squeeze3A_2001 : i32
    %slice3A_2003 = vector.extract_strided_slice %scan3A_1935#0 {offsets = [7], sizes = [1], strides = [1]} : vector<16xi32> to vector<1xi32>
    %squeeze3A_2004 = vector.extract %slice3A_2003[0] : i32 from vector<1xi32>
    %add3A_2005 = arith.addi %add3A_1996, %squeeze3A_2004 : i32
    %slice3A_2006 = vector.extract_strided_slice %scan3A_1935#1 {offsets = [7], sizes = [1], strides = [1]} : vector<16xi32> to vector<1xi32>
    %squeeze3A_2007 = vector.extract %slice3A_2006[0] : i32 from vector<1xi32>
    %add3A_2008 = arith.addi %add3A_1999, %squeeze3A_2007 : i32
    %slice3A_2009 = vector.extract_strided_slice %scan3A_1935#2 {offsets = [7], sizes = [1], strides = [1]} : vector<16xi32> to vector<1xi32>
    %squeeze3A_2010 = vector.extract %slice3A_2009[0] : i32 from vector<1xi32>
    %add3A_2011 = arith.addi %add3A_2002, %squeeze3A_2010 : i32
    %slice3A_2012 = vector.extract_strided_slice %scan3A_1935#0 {offsets = [8], sizes = [1], strides = [1]} : vector<16xi32> to vector<1xi32>
    %squeeze3A_2013 = vector.extract %slice3A_2012[0] : i32 from vector<1xi32>
    %add3A_2014 = arith.addi %add3A_2005, %squeeze3A_2013 : i32
    %slice3A_2015 = vector.extract_strided_slice %scan3A_1935#1 {offsets = [8], sizes = [1], strides = [1]} : vector<16xi32> to vector<1xi32>
    %squeeze3A_2016 = vector.extract %slice3A_2015[0] : i32 from vector<1xi32>
    %add3A_2017 = arith.addi %add3A_2008, %squeeze3A_2016 : i32
    %slice3A_2018 = vector.extract_strided_slice %scan3A_1935#2 {offsets = [8], sizes = [1], strides = [1]} : vector<16xi32> to vector<1xi32>
    %squeeze3A_2019 = vector.extract %slice3A_2018[0] : i32 from vector<1xi32>
    %add3A_2020 = arith.addi %add3A_2011, %squeeze3A_2019 : i32
    %slice3A_2021 = vector.extract_strided_slice %scan3A_1935#0 {offsets = [9], sizes = [1], strides = [1]} : vector<16xi32> to vector<1xi32>
    %squeeze3A_2022 = vector.extract %slice3A_2021[0] : i32 from vector<1xi32>
    %add3A_2023 = arith.addi %add3A_2014, %squeeze3A_2022 : i32
    %slice3A_2024 = vector.extract_strided_slice %scan3A_1935#1 {offsets = [9], sizes = [1], strides = [1]} : vector<16xi32> to vector<1xi32>
    %squeeze3A_2025 = vector.extract %slice3A_2024[0] : i32 from vector<1xi32>
    %add3A_2026 = arith.addi %add3A_2017, %squeeze3A_2025 : i32
    %slice3A_2027 = vector.extract_strided_slice %scan3A_1935#2 {offsets = [9], sizes = [1], strides = [1]} : vector<16xi32> to vector<1xi32>
    %squeeze3A_2028 = vector.extract %slice3A_2027[0] : i32 from vector<1xi32>
    %add3A_2029 = arith.addi %add3A_2020, %squeeze3A_2028 : i32
    %slice3A_2030 = vector.extract_strided_slice %scan3A_1935#0 {offsets = [10], sizes = [1], strides = [1]} : vector<16xi32> to vector<1xi32>
    %squeeze3A_2031 = vector.extract %slice3A_2030[0] : i32 from vector<1xi32>
    %add3A_2032 = arith.addi %add3A_2023, %squeeze3A_2031 : i32
    %slice3A_2033 = vector.extract_strided_slice %scan3A_1935#1 {offsets = [10], sizes = [1], strides = [1]} : vector<16xi32> to vector<1xi32>
    %squeeze3A_2034 = vector.extract %slice3A_2033[0] : i32 from vector<1xi32>
    %add3A_2035 = arith.addi %add3A_2026, %squeeze3A_2034 : i32
    %slice3A_2036 = vector.extract_strided_slice %scan3A_1935#2 {offsets = [10], sizes = [1], strides = [1]} : vector<16xi32> to vector<1xi32>
    %squeeze3A_2037 = vector.extract %slice3A_2036[0] : i32 from vector<1xi32>
    %add3A_2038 = arith.addi %add3A_2029, %squeeze3A_2037 : i32
    %slice3A_2039 = vector.extract_strided_slice %scan3A_1935#0 {offsets = [11], sizes = [1], strides = [1]} : vector<16xi32> to vector<1xi32>
    %squeeze3A_2040 = vector.extract %slice3A_2039[0] : i32 from vector<1xi32>
    %add3A_2041 = arith.addi %add3A_2032, %squeeze3A_2040 : i32
    %slice3A_2042 = vector.extract_strided_slice %scan3A_1935#1 {offsets = [11], sizes = [1], strides = [1]} : vector<16xi32> to vector<1xi32>
    %squeeze3A_2043 = vector.extract %slice3A_2042[0] : i32 from vector<1xi32>
    %add3A_2044 = arith.addi %add3A_2035, %squeeze3A_2043 : i32
    %slice3A_2045 = vector.extract_strided_slice %scan3A_1935#2 {offsets = [11], sizes = [1], strides = [1]} : vector<16xi32> to vector<1xi32>
    %squeeze3A_2046 = vector.extract %slice3A_2045[0] : i32 from vector<1xi32>
    %add3A_2047 = arith.addi %add3A_2038, %squeeze3A_2046 : i32
    %slice3A_2048 = vector.extract_strided_slice %scan3A_1935#0 {offsets = [12], sizes = [1], strides = [1]} : vector<16xi32> to vector<1xi32>
    %squeeze3A_2049 = vector.extract %slice3A_2048[0] : i32 from vector<1xi32>
    %add3A_2050 = arith.addi %add3A_2041, %squeeze3A_2049 : i32
    %slice3A_2051 = vector.extract_strided_slice %scan3A_1935#1 {offsets = [12], sizes = [1], strides = [1]} : vector<16xi32> to vector<1xi32>
    %squeeze3A_2052 = vector.extract %slice3A_2051[0] : i32 from vector<1xi32>
    %add3A_2053 = arith.addi %add3A_2044, %squeeze3A_2052 : i32
    %slice3A_2054 = vector.extract_strided_slice %scan3A_1935#2 {offsets = [12], sizes = [1], strides = [1]} : vector<16xi32> to vector<1xi32>
    %squeeze3A_2055 = vector.extract %slice3A_2054[0] : i32 from vector<1xi32>
    %add3A_2056 = arith.addi %add3A_2047, %squeeze3A_2055 : i32
    %slice3A_2057 = vector.extract_strided_slice %scan3A_1935#0 {offsets = [13], sizes = [1], strides = [1]} : vector<16xi32> to vector<1xi32>
    %squeeze3A_2058 = vector.extract %slice3A_2057[0] : i32 from vector<1xi32>
    %add3A_2059 = arith.addi %add3A_2050, %squeeze3A_2058 : i32
    %slice3A_2060 = vector.extract_strided_slice %scan3A_1935#1 {offsets = [13], sizes = [1], strides = [1]} : vector<16xi32> to vector<1xi32>
    %squeeze3A_2061 = vector.extract %slice3A_2060[0] : i32 from vector<1xi32>
    %add3A_2062 = arith.addi %add3A_2053, %squeeze3A_2061 : i32
    %slice3A_2063 = vector.extract_strided_slice %scan3A_1935#2 {offsets = [13], sizes = [1], strides = [1]} : vector<16xi32> to vector<1xi32>
    %squeeze3A_2064 = vector.extract %slice3A_2063[0] : i32 from vector<1xi32>
    %add3A_2065 = arith.addi %add3A_2056, %squeeze3A_2064 : i32
    %slice3A_2066 = vector.extract_strided_slice %scan3A_1935#0 {offsets = [14], sizes = [1], strides = [1]} : vector<16xi32> to vector<1xi32>
    %squeeze3A_2067 = vector.extract %slice3A_2066[0] : i32 from vector<1xi32>
    %add3A_2068 = arith.addi %add3A_2059, %squeeze3A_2067 : i32
    %slice3A_2069 = vector.extract_strided_slice %scan3A_1935#1 {offsets = [14], sizes = [1], strides = [1]} : vector<16xi32> to vector<1xi32>
    %squeeze3A_2070 = vector.extract %slice3A_2069[0] : i32 from vector<1xi32>
    %add3A_2071 = arith.addi %add3A_2062, %squeeze3A_2070 : i32
    %slice3A_2072 = vector.extract_strided_slice %scan3A_1935#2 {offsets = [14], sizes = [1], strides = [1]} : vector<16xi32> to vector<1xi32>
    %squeeze3A_2073 = vector.extract %slice3A_2072[0] : i32 from vector<1xi32>
    %add3A_2074 = arith.addi %add3A_2065, %squeeze3A_2073 : i32
    %slice3A_2075 = vector.extract_strided_slice %scan3A_1935#0 {offsets = [15], sizes = [1], strides = [1]} : vector<16xi32> to vector<1xi32>
    %squeeze3A_2076 = vector.extract %slice3A_2075[0] : i32 from vector<1xi32>
    %add3A_2077 = arith.addi %add3A_2068, %squeeze3A_2076 : i32
    %slice3A_2078 = vector.extract_strided_slice %scan3A_1935#1 {offsets = [15], sizes = [1], strides = [1]} : vector<16xi32> to vector<1xi32>
    %squeeze3A_2079 = vector.extract %slice3A_2078[0] : i32 from vector<1xi32>
    %add3A_2080 = arith.addi %add3A_2071, %squeeze3A_2079 : i32
    %slice3A_2081 = vector.extract_strided_slice %scan3A_1935#2 {offsets = [15], sizes = [1], strides = [1]} : vector<16xi32> to vector<1xi32>
    %squeeze3A_2082 = vector.extract %slice3A_2081[0] : i32 from vector<1xi32>
    %add3A_2083 = arith.addi %add3A_2074, %squeeze3A_2082 : i32
    %ge3A_2084 = arith.constant 4096 : i32
    %ge3A_2085 = arith.cmpi sge, %add3A_2077, %ge3A_2084 : i32
    %ge3A_2086 = arith.constant 4096 : i32
    %ge3A_2087 = arith.cmpi sge, %add3A_2083, %ge3A_2086 : i32
    %select_n3A_2088 = arith.select %ge3A_2087, %or3A_1926, %or3A_1924 : i32
    %ge3A_2089 = arith.constant 4096 : i32
    %ge3A_2090 = arith.cmpi sge, %add3A_2080, %ge3A_2089 : i32
    %select_n3A_2091 = arith.select %ge3A_2090, %or3A_1925, %select_n3A_1917 : i32
    %select_n3A_2092 = arith.select %ge3A_2085, %select_n3A_2088, %select_n3A_2091 : i32
    %shift_left3A_2093 = arith.constant 1 : i32
    %shift_left3A_2094 = arith.constant 6 : i32
    %shift_left3A_2095 = arith.shli %shift_left3A_2093, %shift_left3A_2094 : i32
    %shift_left3A_2096 = arith.constant 1 : i32
    %shift_left3A_2097 = arith.constant 7 : i32
    %shift_left3A_2098 = arith.shli %shift_left3A_2096, %shift_left3A_2097 : i32
    %or3A_2099 = arith.ori %select_n3A_2092, %shift_left3A_2098 : i32
    %or3A_2100 = arith.ori %select_n3A_2092, %shift_left3A_2095 : i32
    %or3A_2101 = arith.ori %or3A_2099, %shift_left3A_2095 : i32
    %broadcast_in_dim3A_2102 = arith.constant 0 : i32
    %broadcast_in_dim3A_2103 = vector.broadcast %broadcast_in_dim3A_2102 : i32 to vector<16xi32>
    %scan3A_2104 = arith.constant 1 : i32
    %scan3A_2105 = arith.constant 0 : i32
    %scan3A_2106 = arith.constant 0 : i32
    %scan3A_2107 = arith.constant 256 : i32
    %scan3A_2108 = arith.addi %scan3A_2106, %scan3A_2107 : i32
    %scan3A_2109 = arith.constant 1 : i32
    %scan3A_2110:3 = scf.for %scan3A_2800 = %scan3A_2106 to %scan3A_2108 step %scan3A_2109 iter_args(%scan3A_2801 = %broadcast_in_dim3A_2103, %scan3A_2802 = %broadcast_in_dim3A_2103, %scan3A_2803 = %broadcast_in_dim3A_2103) -> (vector<16xi32>, vector<16xi32>, vector<16xi32>)  : i32 {
      %mul3A_2804 = arith.constant 2 : i32
      %mul3A_2805 = arith.muli %scan3A_2800, %mul3A_2804 : i32
      %add3A_2806 = arith.constant 0 : i32
      %add3A_2807 = arith.addi %mul3A_2805, %add3A_2806 : i32
      %mul3A_2808 = arith.constant 16 : i32
      %mul3A_2809 = arith.muli %add3A_2807, %mul3A_2808 : i32
      %get3A = arith.index_cast %mul3A_2809 : i32 to index
      %get3A_2810 = tpu.vector_load %arg4[%get3A] {strides = array<i32>} : memref<8192xi32, #tpu.memory_space<vmem>>, vector<16xi32>,
      %get3A_2811 = vector.shape_cast %get3A_2810 : vector<16xi32> to vector<16xi32>
      %ge3A_2812 = vector.broadcast %or3A_2099 : i32 to vector<16xi32>
      %ge3A_2813 = arith.cmpi sge, %get3A_2811, %ge3A_2812 : vector<16xi32>
      %broadcast_in_dim3A_2814 = vector.broadcast %scan3A_2104 : i32 to vector<16xi32>
      %broadcast_in_dim3A_2815 = vector.broadcast %scan3A_2105 : i32 to vector<16xi32>
      %select_n3A_2816 = arith.select %ge3A_2813, %broadcast_in_dim3A_2814, %broadcast_in_dim3A_2815 : vector<16xi1>, vector<16xi32>
      %add3A_2817 = arith.addi %scan3A_2801, %select_n3A_2816 : vector<16xi32>
      %ge3A_2818 = vector.broadcast %or3A_2100 : i32 to vector<16xi32>
      %ge3A_2819 = arith.cmpi sge, %get3A_2811, %ge3A_2818 : vector<16xi32>
      %broadcast_in_dim3A_2820 = vector.broadcast %scan3A_2104 : i32 to vector<16xi32>
      %broadcast_in_dim3A_2821 = vector.broadcast %scan3A_2105 : i32 to vector<16xi32>
      %select_n3A_2822 = arith.select %ge3A_2819, %broadcast_in_dim3A_2820, %broadcast_in_dim3A_2821 : vector<16xi1>, vector<16xi32>
      %add3A_2823 = arith.addi %scan3A_2802, %select_n3A_2822 : vector<16xi32>
      %ge3A_2824 = vector.broadcast %or3A_2101 : i32 to vector<16xi32>
      %ge3A_2825 = arith.cmpi sge, %get3A_2811, %ge3A_2824 : vector<16xi32>
      %broadcast_in_dim3A_2826 = vector.broadcast %scan3A_2104 : i32 to vector<16xi32>
      %broadcast_in_dim3A_2827 = vector.broadcast %scan3A_2105 : i32 to vector<16xi32>
      %select_n3A_2828 = arith.select %ge3A_2825, %broadcast_in_dim3A_2826, %broadcast_in_dim3A_2827 : vector<16xi1>, vector<16xi32>
      %add3A_2829 = arith.addi %scan3A_2803, %select_n3A_2828 : vector<16xi32>
      %mul3A_2830 = arith.constant 2 : i32
      %mul3A_2831 = arith.muli %scan3A_2800, %mul3A_2830 : i32
      %add3A_2832 = arith.constant 1 : i32
      %add3A_2833 = arith.addi %mul3A_2831, %add3A_2832 : i32
      %mul3A_2834 = arith.constant 16 : i32
      %mul3A_2835 = arith.muli %add3A_2833, %mul3A_2834 : i32
      %get3A_2836 = arith.index_cast %mul3A_2835 : i32 to index
      %get3A_2837 = tpu.vector_load %arg4[%get3A_2836] {strides = array<i32>} : memref<8192xi32, #tpu.memory_space<vmem>>, vector<16xi32>,
      %get3A_2838 = vector.shape_cast %get3A_2837 : vector<16xi32> to vector<16xi32>
      %ge3A_2839 = vector.broadcast %or3A_2099 : i32 to vector<16xi32>
      %ge3A_2840 = arith.cmpi sge, %get3A_2838, %ge3A_2839 : vector<16xi32>
      %broadcast_in_dim3A_2841 = vector.broadcast %scan3A_2104 : i32 to vector<16xi32>
      %broadcast_in_dim3A_2842 = vector.broadcast %scan3A_2105 : i32 to vector<16xi32>
      %select_n3A_2843 = arith.select %ge3A_2840, %broadcast_in_dim3A_2841, %broadcast_in_dim3A_2842 : vector<16xi1>, vector<16xi32>
      %add3A_2844 = arith.addi %add3A_2817, %select_n3A_2843 : vector<16xi32>
      %ge3A_2845 = vector.broadcast %or3A_2100 : i32 to vector<16xi32>
      %ge3A_2846 = arith.cmpi sge, %get3A_2838, %ge3A_2845 : vector<16xi32>
      %broadcast_in_dim3A_2847 = vector.broadcast %scan3A_2104 : i32 to vector<16xi32>
      %broadcast_in_dim3A_2848 = vector.broadcast %scan3A_2105 : i32 to vector<16xi32>
      %select_n3A_2849 = arith.select %ge3A_2846, %broadcast_in_dim3A_2847, %broadcast_in_dim3A_2848 : vector<16xi1>, vector<16xi32>
      %add3A_2850 = arith.addi %add3A_2823, %select_n3A_2849 : vector<16xi32>
      %ge3A_2851 = vector.broadcast %or3A_2101 : i32 to vector<16xi32>
      %ge3A_2852 = arith.cmpi sge, %get3A_2838, %ge3A_2851 : vector<16xi32>
      %broadcast_in_dim3A_2853 = vector.broadcast %scan3A_2104 : i32 to vector<16xi32>
      %broadcast_in_dim3A_2854 = vector.broadcast %scan3A_2105 : i32 to vector<16xi32>
      %select_n3A_2855 = arith.select %ge3A_2852, %broadcast_in_dim3A_2853, %broadcast_in_dim3A_2854 : vector<16xi1>, vector<16xi32>
      %add3A_2856 = arith.addi %add3A_2829, %select_n3A_2855 : vector<16xi32>
      scf.yield %add3A_2844, %add3A_2850, %add3A_2856 : vector<16xi32>, vector<16xi32>, vector<16xi32>
    }
    %scan3A_2111 = arith.constant 256 : i32
    %slice3A_2112 = vector.extract_strided_slice %scan3A_2110#0 {offsets = [0], sizes = [1], strides = [1]} : vector<16xi32> to vector<1xi32>
    %squeeze3A_2113 = vector.extract %slice3A_2112[0] : i32 from vector<1xi32>
    %add3A_2114 = arith.constant 0 : i32
    %add3A_2115 = arith.addi %add3A_2114, %squeeze3A_2113 : i32
    %slice3A_2116 = vector.extract_strided_slice %scan3A_2110#1 {offsets = [0], sizes = [1], strides = [1]} : vector<16xi32> to vector<1xi32>
    %squeeze3A_2117 = vector.extract %slice3A_2116[0] : i32 from vector<1xi32>
    %add3A_2118 = arith.constant 0 : i32
    %add3A_2119 = arith.addi %add3A_2118, %squeeze3A_2117 : i32
    %slice3A_2120 = vector.extract_strided_slice %scan3A_2110#2 {offsets = [0], sizes = [1], strides = [1]} : vector<16xi32> to vector<1xi32>
    %squeeze3A_2121 = vector.extract %slice3A_2120[0] : i32 from vector<1xi32>
    %add3A_2122 = arith.constant 0 : i32
    %add3A_2123 = arith.addi %add3A_2122, %squeeze3A_2121 : i32
    %slice3A_2124 = vector.extract_strided_slice %scan3A_2110#0 {offsets = [1], sizes = [1], strides = [1]} : vector<16xi32> to vector<1xi32>
    %squeeze3A_2125 = vector.extract %slice3A_2124[0] : i32 from vector<1xi32>
    %add3A_2126 = arith.addi %add3A_2115, %squeeze3A_2125 : i32
    %slice3A_2127 = vector.extract_strided_slice %scan3A_2110#1 {offsets = [1], sizes = [1], strides = [1]} : vector<16xi32> to vector<1xi32>
    %squeeze3A_2128 = vector.extract %slice3A_2127[0] : i32 from vector<1xi32>
    %add3A_2129 = arith.addi %add3A_2119, %squeeze3A_2128 : i32
    %slice3A_2130 = vector.extract_strided_slice %scan3A_2110#2 {offsets = [1], sizes = [1], strides = [1]} : vector<16xi32> to vector<1xi32>
    %squeeze3A_2131 = vector.extract %slice3A_2130[0] : i32 from vector<1xi32>
    %add3A_2132 = arith.addi %add3A_2123, %squeeze3A_2131 : i32
    %slice3A_2133 = vector.extract_strided_slice %scan3A_2110#0 {offsets = [2], sizes = [1], strides = [1]} : vector<16xi32> to vector<1xi32>
    %squeeze3A_2134 = vector.extract %slice3A_2133[0] : i32 from vector<1xi32>
    %add3A_2135 = arith.addi %add3A_2126, %squeeze3A_2134 : i32
    %slice3A_2136 = vector.extract_strided_slice %scan3A_2110#1 {offsets = [2], sizes = [1], strides = [1]} : vector<16xi32> to vector<1xi32>
    %squeeze3A_2137 = vector.extract %slice3A_2136[0] : i32 from vector<1xi32>
    %add3A_2138 = arith.addi %add3A_2129, %squeeze3A_2137 : i32
    %slice3A_2139 = vector.extract_strided_slice %scan3A_2110#2 {offsets = [2], sizes = [1], strides = [1]} : vector<16xi32> to vector<1xi32>
    %squeeze3A_2140 = vector.extract %slice3A_2139[0] : i32 from vector<1xi32>
    %add3A_2141 = arith.addi %add3A_2132, %squeeze3A_2140 : i32
    %slice3A_2142 = vector.extract_strided_slice %scan3A_2110#0 {offsets = [3], sizes = [1], strides = [1]} : vector<16xi32> to vector<1xi32>
    %squeeze3A_2143 = vector.extract %slice3A_2142[0] : i32 from vector<1xi32>
    %add3A_2144 = arith.addi %add3A_2135, %squeeze3A_2143 : i32
    %slice3A_2145 = vector.extract_strided_slice %scan3A_2110#1 {offsets = [3], sizes = [1], strides = [1]} : vector<16xi32> to vector<1xi32>
    %squeeze3A_2146 = vector.extract %slice3A_2145[0] : i32 from vector<1xi32>
    %add3A_2147 = arith.addi %add3A_2138, %squeeze3A_2146 : i32
    %slice3A_2148 = vector.extract_strided_slice %scan3A_2110#2 {offsets = [3], sizes = [1], strides = [1]} : vector<16xi32> to vector<1xi32>
    %squeeze3A_2149 = vector.extract %slice3A_2148[0] : i32 from vector<1xi32>
    %add3A_2150 = arith.addi %add3A_2141, %squeeze3A_2149 : i32
    %slice3A_2151 = vector.extract_strided_slice %scan3A_2110#0 {offsets = [4], sizes = [1], strides = [1]} : vector<16xi32> to vector<1xi32>
    %squeeze3A_2152 = vector.extract %slice3A_2151[0] : i32 from vector<1xi32>
    %add3A_2153 = arith.addi %add3A_2144, %squeeze3A_2152 : i32
    %slice3A_2154 = vector.extract_strided_slice %scan3A_2110#1 {offsets = [4], sizes = [1], strides = [1]} : vector<16xi32> to vector<1xi32>
    %squeeze3A_2155 = vector.extract %slice3A_2154[0] : i32 from vector<1xi32>
    %add3A_2156 = arith.addi %add3A_2147, %squeeze3A_2155 : i32
    %slice3A_2157 = vector.extract_strided_slice %scan3A_2110#2 {offsets = [4], sizes = [1], strides = [1]} : vector<16xi32> to vector<1xi32>
    %squeeze3A_2158 = vector.extract %slice3A_2157[0] : i32 from vector<1xi32>
    %add3A_2159 = arith.addi %add3A_2150, %squeeze3A_2158 : i32
    %slice3A_2160 = vector.extract_strided_slice %scan3A_2110#0 {offsets = [5], sizes = [1], strides = [1]} : vector<16xi32> to vector<1xi32>
    %squeeze3A_2161 = vector.extract %slice3A_2160[0] : i32 from vector<1xi32>
    %add3A_2162 = arith.addi %add3A_2153, %squeeze3A_2161 : i32
    %slice3A_2163 = vector.extract_strided_slice %scan3A_2110#1 {offsets = [5], sizes = [1], strides = [1]} : vector<16xi32> to vector<1xi32>
    %squeeze3A_2164 = vector.extract %slice3A_2163[0] : i32 from vector<1xi32>
    %add3A_2165 = arith.addi %add3A_2156, %squeeze3A_2164 : i32
    %slice3A_2166 = vector.extract_strided_slice %scan3A_2110#2 {offsets = [5], sizes = [1], strides = [1]} : vector<16xi32> to vector<1xi32>
    %squeeze3A_2167 = vector.extract %slice3A_2166[0] : i32 from vector<1xi32>
    %add3A_2168 = arith.addi %add3A_2159, %squeeze3A_2167 : i32
    %slice3A_2169 = vector.extract_strided_slice %scan3A_2110#0 {offsets = [6], sizes = [1], strides = [1]} : vector<16xi32> to vector<1xi32>
    %squeeze3A_2170 = vector.extract %slice3A_2169[0] : i32 from vector<1xi32>
    %add3A_2171 = arith.addi %add3A_2162, %squeeze3A_2170 : i32
    %slice3A_2172 = vector.extract_strided_slice %scan3A_2110#1 {offsets = [6], sizes = [1], strides = [1]} : vector<16xi32> to vector<1xi32>
    %squeeze3A_2173 = vector.extract %slice3A_2172[0] : i32 from vector<1xi32>
    %add3A_2174 = arith.addi %add3A_2165, %squeeze3A_2173 : i32
    %slice3A_2175 = vector.extract_strided_slice %scan3A_2110#2 {offsets = [6], sizes = [1], strides = [1]} : vector<16xi32> to vector<1xi32>
    %squeeze3A_2176 = vector.extract %slice3A_2175[0] : i32 from vector<1xi32>
    %add3A_2177 = arith.addi %add3A_2168, %squeeze3A_2176 : i32
    %slice3A_2178 = vector.extract_strided_slice %scan3A_2110#0 {offsets = [7], sizes = [1], strides = [1]} : vector<16xi32> to vector<1xi32>
    %squeeze3A_2179 = vector.extract %slice3A_2178[0] : i32 from vector<1xi32>
    %add3A_2180 = arith.addi %add3A_2171, %squeeze3A_2179 : i32
    %slice3A_2181 = vector.extract_strided_slice %scan3A_2110#1 {offsets = [7], sizes = [1], strides = [1]} : vector<16xi32> to vector<1xi32>
    %squeeze3A_2182 = vector.extract %slice3A_2181[0] : i32 from vector<1xi32>
    %add3A_2183 = arith.addi %add3A_2174, %squeeze3A_2182 : i32
    %slice3A_2184 = vector.extract_strided_slice %scan3A_2110#2 {offsets = [7], sizes = [1], strides = [1]} : vector<16xi32> to vector<1xi32>
    %squeeze3A_2185 = vector.extract %slice3A_2184[0] : i32 from vector<1xi32>
    %add3A_2186 = arith.addi %add3A_2177, %squeeze3A_2185 : i32
    %slice3A_2187 = vector.extract_strided_slice %scan3A_2110#0 {offsets = [8], sizes = [1], strides = [1]} : vector<16xi32> to vector<1xi32>
    %squeeze3A_2188 = vector.extract %slice3A_2187[0] : i32 from vector<1xi32>
    %add3A_2189 = arith.addi %add3A_2180, %squeeze3A_2188 : i32
    %slice3A_2190 = vector.extract_strided_slice %scan3A_2110#1 {offsets = [8], sizes = [1], strides = [1]} : vector<16xi32> to vector<1xi32>
    %squeeze3A_2191 = vector.extract %slice3A_2190[0] : i32 from vector<1xi32>
    %add3A_2192 = arith.addi %add3A_2183, %squeeze3A_2191 : i32
    %slice3A_2193 = vector.extract_strided_slice %scan3A_2110#2 {offsets = [8], sizes = [1], strides = [1]} : vector<16xi32> to vector<1xi32>
    %squeeze3A_2194 = vector.extract %slice3A_2193[0] : i32 from vector<1xi32>
    %add3A_2195 = arith.addi %add3A_2186, %squeeze3A_2194 : i32
    %slice3A_2196 = vector.extract_strided_slice %scan3A_2110#0 {offsets = [9], sizes = [1], strides = [1]} : vector<16xi32> to vector<1xi32>
    %squeeze3A_2197 = vector.extract %slice3A_2196[0] : i32 from vector<1xi32>
    %add3A_2198 = arith.addi %add3A_2189, %squeeze3A_2197 : i32
    %slice3A_2199 = vector.extract_strided_slice %scan3A_2110#1 {offsets = [9], sizes = [1], strides = [1]} : vector<16xi32> to vector<1xi32>
    %squeeze3A_2200 = vector.extract %slice3A_2199[0] : i32 from vector<1xi32>
    %add3A_2201 = arith.addi %add3A_2192, %squeeze3A_2200 : i32
    %slice3A_2202 = vector.extract_strided_slice %scan3A_2110#2 {offsets = [9], sizes = [1], strides = [1]} : vector<16xi32> to vector<1xi32>
    %squeeze3A_2203 = vector.extract %slice3A_2202[0] : i32 from vector<1xi32>
    %add3A_2204 = arith.addi %add3A_2195, %squeeze3A_2203 : i32
    %slice3A_2205 = vector.extract_strided_slice %scan3A_2110#0 {offsets = [10], sizes = [1], strides = [1]} : vector<16xi32> to vector<1xi32>
    %squeeze3A_2206 = vector.extract %slice3A_2205[0] : i32 from vector<1xi32>
    %add3A_2207 = arith.addi %add3A_2198, %squeeze3A_2206 : i32
    %slice3A_2208 = vector.extract_strided_slice %scan3A_2110#1 {offsets = [10], sizes = [1], strides = [1]} : vector<16xi32> to vector<1xi32>
    %squeeze3A_2209 = vector.extract %slice3A_2208[0] : i32 from vector<1xi32>
    %add3A_2210 = arith.addi %add3A_2201, %squeeze3A_2209 : i32
    %slice3A_2211 = vector.extract_strided_slice %scan3A_2110#2 {offsets = [10], sizes = [1], strides = [1]} : vector<16xi32> to vector<1xi32>
    %squeeze3A_2212 = vector.extract %slice3A_2211[0] : i32 from vector<1xi32>
    %add3A_2213 = arith.addi %add3A_2204, %squeeze3A_2212 : i32
    %slice3A_2214 = vector.extract_strided_slice %scan3A_2110#0 {offsets = [11], sizes = [1], strides = [1]} : vector<16xi32> to vector<1xi32>
    %squeeze3A_2215 = vector.extract %slice3A_2214[0] : i32 from vector<1xi32>
    %add3A_2216 = arith.addi %add3A_2207, %squeeze3A_2215 : i32
    %slice3A_2217 = vector.extract_strided_slice %scan3A_2110#1 {offsets = [11], sizes = [1], strides = [1]} : vector<16xi32> to vector<1xi32>
    %squeeze3A_2218 = vector.extract %slice3A_2217[0] : i32 from vector<1xi32>
    %add3A_2219 = arith.addi %add3A_2210, %squeeze3A_2218 : i32
    %slice3A_2220 = vector.extract_strided_slice %scan3A_2110#2 {offsets = [11], sizes = [1], strides = [1]} : vector<16xi32> to vector<1xi32>
    %squeeze3A_2221 = vector.extract %slice3A_2220[0] : i32 from vector<1xi32>
    %add3A_2222 = arith.addi %add3A_2213, %squeeze3A_2221 : i32
    %slice3A_2223 = vector.extract_strided_slice %scan3A_2110#0 {offsets = [12], sizes = [1], strides = [1]} : vector<16xi32> to vector<1xi32>
    %squeeze3A_2224 = vector.extract %slice3A_2223[0] : i32 from vector<1xi32>
    %add3A_2225 = arith.addi %add3A_2216, %squeeze3A_2224 : i32
    %slice3A_2226 = vector.extract_strided_slice %scan3A_2110#1 {offsets = [12], sizes = [1], strides = [1]} : vector<16xi32> to vector<1xi32>
    %squeeze3A_2227 = vector.extract %slice3A_2226[0] : i32 from vector<1xi32>
    %add3A_2228 = arith.addi %add3A_2219, %squeeze3A_2227 : i32
    %slice3A_2229 = vector.extract_strided_slice %scan3A_2110#2 {offsets = [12], sizes = [1], strides = [1]} : vector<16xi32> to vector<1xi32>
    %squeeze3A_2230 = vector.extract %slice3A_2229[0] : i32 from vector<1xi32>
    %add3A_2231 = arith.addi %add3A_2222, %squeeze3A_2230 : i32
    %slice3A_2232 = vector.extract_strided_slice %scan3A_2110#0 {offsets = [13], sizes = [1], strides = [1]} : vector<16xi32> to vector<1xi32>
    %squeeze3A_2233 = vector.extract %slice3A_2232[0] : i32 from vector<1xi32>
    %add3A_2234 = arith.addi %add3A_2225, %squeeze3A_2233 : i32
    %slice3A_2235 = vector.extract_strided_slice %scan3A_2110#1 {offsets = [13], sizes = [1], strides = [1]} : vector<16xi32> to vector<1xi32>
    %squeeze3A_2236 = vector.extract %slice3A_2235[0] : i32 from vector<1xi32>
    %add3A_2237 = arith.addi %add3A_2228, %squeeze3A_2236 : i32
    %slice3A_2238 = vector.extract_strided_slice %scan3A_2110#2 {offsets = [13], sizes = [1], strides = [1]} : vector<16xi32> to vector<1xi32>
    %squeeze3A_2239 = vector.extract %slice3A_2238[0] : i32 from vector<1xi32>
    %add3A_2240 = arith.addi %add3A_2231, %squeeze3A_2239 : i32
    %slice3A_2241 = vector.extract_strided_slice %scan3A_2110#0 {offsets = [14], sizes = [1], strides = [1]} : vector<16xi32> to vector<1xi32>
    %squeeze3A_2242 = vector.extract %slice3A_2241[0] : i32 from vector<1xi32>
    %add3A_2243 = arith.addi %add3A_2234, %squeeze3A_2242 : i32
    %slice3A_2244 = vector.extract_strided_slice %scan3A_2110#1 {offsets = [14], sizes = [1], strides = [1]} : vector<16xi32> to vector<1xi32>
    %squeeze3A_2245 = vector.extract %slice3A_2244[0] : i32 from vector<1xi32>
    %add3A_2246 = arith.addi %add3A_2237, %squeeze3A_2245 : i32
    %slice3A_2247 = vector.extract_strided_slice %scan3A_2110#2 {offsets = [14], sizes = [1], strides = [1]} : vector<16xi32> to vector<1xi32>
    %squeeze3A_2248 = vector.extract %slice3A_2247[0] : i32 from vector<1xi32>
    %add3A_2249 = arith.addi %add3A_2240, %squeeze3A_2248 : i32
    %slice3A_2250 = vector.extract_strided_slice %scan3A_2110#0 {offsets = [15], sizes = [1], strides = [1]} : vector<16xi32> to vector<1xi32>
    %squeeze3A_2251 = vector.extract %slice3A_2250[0] : i32 from vector<1xi32>
    %add3A_2252 = arith.addi %add3A_2243, %squeeze3A_2251 : i32
    %slice3A_2253 = vector.extract_strided_slice %scan3A_2110#1 {offsets = [15], sizes = [1], strides = [1]} : vector<16xi32> to vector<1xi32>
    %squeeze3A_2254 = vector.extract %slice3A_2253[0] : i32 from vector<1xi32>
    %add3A_2255 = arith.addi %add3A_2246, %squeeze3A_2254 : i32
    %slice3A_2256 = vector.extract_strided_slice %scan3A_2110#2 {offsets = [15], sizes = [1], strides = [1]} : vector<16xi32> to vector<1xi32>
    %squeeze3A_2257 = vector.extract %slice3A_2256[0] : i32 from vector<1xi32>
    %add3A_2258 = arith.addi %add3A_2249, %squeeze3A_2257 : i32
    %ge3A_2259 = arith.constant 4096 : i32
    %ge3A_2260 = arith.cmpi sge, %add3A_2252, %ge3A_2259 : i32
    %ge3A_2261 = arith.constant 4096 : i32
    %ge3A_2262 = arith.cmpi sge, %add3A_2258, %ge3A_2261 : i32
    %select_n3A_2263 = arith.select %ge3A_2262, %or3A_2101, %or3A_2099 : i32
    %ge3A_2264 = arith.constant 4096 : i32
    %ge3A_2265 = arith.cmpi sge, %add3A_2255, %ge3A_2264 : i32
    %select_n3A_2266 = arith.select %ge3A_2265, %or3A_2100, %select_n3A_2092 : i32
    %select_n3A_2267 = arith.select %ge3A_2260, %select_n3A_2263, %select_n3A_2266 : i32
    %shift_left3A_2268 = arith.constant 1 : i32
    %shift_left3A_2269 = arith.constant 4 : i32
    %shift_left3A_2270 = arith.shli %shift_left3A_2268, %shift_left3A_2269 : i32
    %shift_left3A_2271 = arith.constant 1 : i32
    %shift_left3A_2272 = arith.constant 5 : i32
    %shift_left3A_2273 = arith.shli %shift_left3A_2271, %shift_left3A_2272 : i32
    %or3A_2274 = arith.ori %select_n3A_2267, %shift_left3A_2273 : i32
    %or3A_2275 = arith.ori %select_n3A_2267, %shift_left3A_2270 : i32
    %or3A_2276 = arith.ori %or3A_2274, %shift_left3A_2270 : i32
    %broadcast_in_dim3A_2277 = arith.constant 0 : i32
    %broadcast_in_dim3A_2278 = vector.broadcast %broadcast_in_dim3A_2277 : i32 to vector<16xi32>
    %scan3A_2279 = arith.constant 1 : i32
    %scan3A_2280 = arith.constant 0 : i32
    %scan3A_2281 = arith.constant 0 : i32
    %scan3A_2282 = arith.constant 256 : i32
    %scan3A_2283 = arith.addi %scan3A_2281, %scan3A_2282 : i32
    %scan3A_2284 = arith.constant 1 : i32
    %scan3A_2285:3 = scf.for %scan3A_2800 = %scan3A_2281 to %scan3A_2283 step %scan3A_2284 iter_args(%scan3A_2801 = %broadcast_in_dim3A_2278, %scan3A_2802 = %broadcast_in_dim3A_2278, %scan3A_2803 = %broadcast_in_dim3A_2278) -> (vector<16xi32>, vector<16xi32>, vector<16xi32>)  : i32 {
      %mul3A_2804 = arith.constant 2 : i32
      %mul3A_2805 = arith.muli %scan3A_2800, %mul3A_2804 : i32
      %add3A_2806 = arith.constant 0 : i32
      %add3A_2807 = arith.addi %mul3A_2805, %add3A_2806 : i32
      %mul3A_2808 = arith.constant 16 : i32
      %mul3A_2809 = arith.muli %add3A_2807, %mul3A_2808 : i32
      %get3A = arith.index_cast %mul3A_2809 : i32 to index
      %get3A_2810 = tpu.vector_load %arg4[%get3A] {strides = array<i32>} : memref<8192xi32, #tpu.memory_space<vmem>>, vector<16xi32>,
      %get3A_2811 = vector.shape_cast %get3A_2810 : vector<16xi32> to vector<16xi32>
      %ge3A_2812 = vector.broadcast %or3A_2274 : i32 to vector<16xi32>
      %ge3A_2813 = arith.cmpi sge, %get3A_2811, %ge3A_2812 : vector<16xi32>
      %broadcast_in_dim3A_2814 = vector.broadcast %scan3A_2279 : i32 to vector<16xi32>
      %broadcast_in_dim3A_2815 = vector.broadcast %scan3A_2280 : i32 to vector<16xi32>
      %select_n3A_2816 = arith.select %ge3A_2813, %broadcast_in_dim3A_2814, %broadcast_in_dim3A_2815 : vector<16xi1>, vector<16xi32>
      %add3A_2817 = arith.addi %scan3A_2801, %select_n3A_2816 : vector<16xi32>
      %ge3A_2818 = vector.broadcast %or3A_2275 : i32 to vector<16xi32>
      %ge3A_2819 = arith.cmpi sge, %get3A_2811, %ge3A_2818 : vector<16xi32>
      %broadcast_in_dim3A_2820 = vector.broadcast %scan3A_2279 : i32 to vector<16xi32>
      %broadcast_in_dim3A_2821 = vector.broadcast %scan3A_2280 : i32 to vector<16xi32>
      %select_n3A_2822 = arith.select %ge3A_2819, %broadcast_in_dim3A_2820, %broadcast_in_dim3A_2821 : vector<16xi1>, vector<16xi32>
      %add3A_2823 = arith.addi %scan3A_2802, %select_n3A_2822 : vector<16xi32>
      %ge3A_2824 = vector.broadcast %or3A_2276 : i32 to vector<16xi32>
      %ge3A_2825 = arith.cmpi sge, %get3A_2811, %ge3A_2824 : vector<16xi32>
      %broadcast_in_dim3A_2826 = vector.broadcast %scan3A_2279 : i32 to vector<16xi32>
      %broadcast_in_dim3A_2827 = vector.broadcast %scan3A_2280 : i32 to vector<16xi32>
      %select_n3A_2828 = arith.select %ge3A_2825, %broadcast_in_dim3A_2826, %broadcast_in_dim3A_2827 : vector<16xi1>, vector<16xi32>
      %add3A_2829 = arith.addi %scan3A_2803, %select_n3A_2828 : vector<16xi32>
      %mul3A_2830 = arith.constant 2 : i32
      %mul3A_2831 = arith.muli %scan3A_2800, %mul3A_2830 : i32
      %add3A_2832 = arith.constant 1 : i32
      %add3A_2833 = arith.addi %mul3A_2831, %add3A_2832 : i32
      %mul3A_2834 = arith.constant 16 : i32
      %mul3A_2835 = arith.muli %add3A_2833, %mul3A_2834 : i32
      %get3A_2836 = arith.index_cast %mul3A_2835 : i32 to index
      %get3A_2837 = tpu.vector_load %arg4[%get3A_2836] {strides = array<i32>} : memref<8192xi32, #tpu.memory_space<vmem>>, vector<16xi32>,
      %get3A_2838 = vector.shape_cast %get3A_2837 : vector<16xi32> to vector<16xi32>
      %ge3A_2839 = vector.broadcast %or3A_2274 : i32 to vector<16xi32>
      %ge3A_2840 = arith.cmpi sge, %get3A_2838, %ge3A_2839 : vector<16xi32>
      %broadcast_in_dim3A_2841 = vector.broadcast %scan3A_2279 : i32 to vector<16xi32>
      %broadcast_in_dim3A_2842 = vector.broadcast %scan3A_2280 : i32 to vector<16xi32>
      %select_n3A_2843 = arith.select %ge3A_2840, %broadcast_in_dim3A_2841, %broadcast_in_dim3A_2842 : vector<16xi1>, vector<16xi32>
      %add3A_2844 = arith.addi %add3A_2817, %select_n3A_2843 : vector<16xi32>
      %ge3A_2845 = vector.broadcast %or3A_2275 : i32 to vector<16xi32>
      %ge3A_2846 = arith.cmpi sge, %get3A_2838, %ge3A_2845 : vector<16xi32>
      %broadcast_in_dim3A_2847 = vector.broadcast %scan3A_2279 : i32 to vector<16xi32>
      %broadcast_in_dim3A_2848 = vector.broadcast %scan3A_2280 : i32 to vector<16xi32>
      %select_n3A_2849 = arith.select %ge3A_2846, %broadcast_in_dim3A_2847, %broadcast_in_dim3A_2848 : vector<16xi1>, vector<16xi32>
      %add3A_2850 = arith.addi %add3A_2823, %select_n3A_2849 : vector<16xi32>
      %ge3A_2851 = vector.broadcast %or3A_2276 : i32 to vector<16xi32>
      %ge3A_2852 = arith.cmpi sge, %get3A_2838, %ge3A_2851 : vector<16xi32>
      %broadcast_in_dim3A_2853 = vector.broadcast %scan3A_2279 : i32 to vector<16xi32>
      %broadcast_in_dim3A_2854 = vector.broadcast %scan3A_2280 : i32 to vector<16xi32>
      %select_n3A_2855 = arith.select %ge3A_2852, %broadcast_in_dim3A_2853, %broadcast_in_dim3A_2854 : vector<16xi1>, vector<16xi32>
      %add3A_2856 = arith.addi %add3A_2829, %select_n3A_2855 : vector<16xi32>
      scf.yield %add3A_2844, %add3A_2850, %add3A_2856 : vector<16xi32>, vector<16xi32>, vector<16xi32>
    }
    %scan3A_2286 = arith.constant 256 : i32
    %slice3A_2287 = vector.extract_strided_slice %scan3A_2285#0 {offsets = [0], sizes = [1], strides = [1]} : vector<16xi32> to vector<1xi32>
    %squeeze3A_2288 = vector.extract %slice3A_2287[0] : i32 from vector<1xi32>
    %add3A_2289 = arith.constant 0 : i32
    %add3A_2290 = arith.addi %add3A_2289, %squeeze3A_2288 : i32
    %slice3A_2291 = vector.extract_strided_slice %scan3A_2285#1 {offsets = [0], sizes = [1], strides = [1]} : vector<16xi32> to vector<1xi32>
    %squeeze3A_2292 = vector.extract %slice3A_2291[0] : i32 from vector<1xi32>
    %add3A_2293 = arith.constant 0 : i32
    %add3A_2294 = arith.addi %add3A_2293, %squeeze3A_2292 : i32
    %slice3A_2295 = vector.extract_strided_slice %scan3A_2285#2 {offsets = [0], sizes = [1], strides = [1]} : vector<16xi32> to vector<1xi32>
    %squeeze3A_2296 = vector.extract %slice3A_2295[0] : i32 from vector<1xi32>
    %add3A_2297 = arith.constant 0 : i32
    %add3A_2298 = arith.addi %add3A_2297, %squeeze3A_2296 : i32
    %slice3A_2299 = vector.extract_strided_slice %scan3A_2285#0 {offsets = [1], sizes = [1], strides = [1]} : vector<16xi32> to vector<1xi32>
    %squeeze3A_2300 = vector.extract %slice3A_2299[0] : i32 from vector<1xi32>
    %add3A_2301 = arith.addi %add3A_2290, %squeeze3A_2300 : i32
    %slice3A_2302 = vector.extract_strided_slice %scan3A_2285#1 {offsets = [1], sizes = [1], strides = [1]} : vector<16xi32> to vector<1xi32>
    %squeeze3A_2303 = vector.extract %slice3A_2302[0] : i32 from vector<1xi32>
    %add3A_2304 = arith.addi %add3A_2294, %squeeze3A_2303 : i32
    %slice3A_2305 = vector.extract_strided_slice %scan3A_2285#2 {offsets = [1], sizes = [1], strides = [1]} : vector<16xi32> to vector<1xi32>
    %squeeze3A_2306 = vector.extract %slice3A_2305[0] : i32 from vector<1xi32>
    %add3A_2307 = arith.addi %add3A_2298, %squeeze3A_2306 : i32
    %slice3A_2308 = vector.extract_strided_slice %scan3A_2285#0 {offsets = [2], sizes = [1], strides = [1]} : vector<16xi32> to vector<1xi32>
    %squeeze3A_2309 = vector.extract %slice3A_2308[0] : i32 from vector<1xi32>
    %add3A_2310 = arith.addi %add3A_2301, %squeeze3A_2309 : i32
    %slice3A_2311 = vector.extract_strided_slice %scan3A_2285#1 {offsets = [2], sizes = [1], strides = [1]} : vector<16xi32> to vector<1xi32>
    %squeeze3A_2312 = vector.extract %slice3A_2311[0] : i32 from vector<1xi32>
    %add3A_2313 = arith.addi %add3A_2304, %squeeze3A_2312 : i32
    %slice3A_2314 = vector.extract_strided_slice %scan3A_2285#2 {offsets = [2], sizes = [1], strides = [1]} : vector<16xi32> to vector<1xi32>
    %squeeze3A_2315 = vector.extract %slice3A_2314[0] : i32 from vector<1xi32>
    %add3A_2316 = arith.addi %add3A_2307, %squeeze3A_2315 : i32
    %slice3A_2317 = vector.extract_strided_slice %scan3A_2285#0 {offsets = [3], sizes = [1], strides = [1]} : vector<16xi32> to vector<1xi32>
    %squeeze3A_2318 = vector.extract %slice3A_2317[0] : i32 from vector<1xi32>
    %add3A_2319 = arith.addi %add3A_2310, %squeeze3A_2318 : i32
    %slice3A_2320 = vector.extract_strided_slice %scan3A_2285#1 {offsets = [3], sizes = [1], strides = [1]} : vector<16xi32> to vector<1xi32>
    %squeeze3A_2321 = vector.extract %slice3A_2320[0] : i32 from vector<1xi32>
    %add3A_2322 = arith.addi %add3A_2313, %squeeze3A_2321 : i32
    %slice3A_2323 = vector.extract_strided_slice %scan3A_2285#2 {offsets = [3], sizes = [1], strides = [1]} : vector<16xi32> to vector<1xi32>
    %squeeze3A_2324 = vector.extract %slice3A_2323[0] : i32 from vector<1xi32>
    %add3A_2325 = arith.addi %add3A_2316, %squeeze3A_2324 : i32
    %slice3A_2326 = vector.extract_strided_slice %scan3A_2285#0 {offsets = [4], sizes = [1], strides = [1]} : vector<16xi32> to vector<1xi32>
    %squeeze3A_2327 = vector.extract %slice3A_2326[0] : i32 from vector<1xi32>
    %add3A_2328 = arith.addi %add3A_2319, %squeeze3A_2327 : i32
    %slice3A_2329 = vector.extract_strided_slice %scan3A_2285#1 {offsets = [4], sizes = [1], strides = [1]} : vector<16xi32> to vector<1xi32>
    %squeeze3A_2330 = vector.extract %slice3A_2329[0] : i32 from vector<1xi32>
    %add3A_2331 = arith.addi %add3A_2322, %squeeze3A_2330 : i32
    %slice3A_2332 = vector.extract_strided_slice %scan3A_2285#2 {offsets = [4], sizes = [1], strides = [1]} : vector<16xi32> to vector<1xi32>
    %squeeze3A_2333 = vector.extract %slice3A_2332[0] : i32 from vector<1xi32>
    %add3A_2334 = arith.addi %add3A_2325, %squeeze3A_2333 : i32
    %slice3A_2335 = vector.extract_strided_slice %scan3A_2285#0 {offsets = [5], sizes = [1], strides = [1]} : vector<16xi32> to vector<1xi32>
    %squeeze3A_2336 = vector.extract %slice3A_2335[0] : i32 from vector<1xi32>
    %add3A_2337 = arith.addi %add3A_2328, %squeeze3A_2336 : i32
    %slice3A_2338 = vector.extract_strided_slice %scan3A_2285#1 {offsets = [5], sizes = [1], strides = [1]} : vector<16xi32> to vector<1xi32>
    %squeeze3A_2339 = vector.extract %slice3A_2338[0] : i32 from vector<1xi32>
    %add3A_2340 = arith.addi %add3A_2331, %squeeze3A_2339 : i32
    %slice3A_2341 = vector.extract_strided_slice %scan3A_2285#2 {offsets = [5], sizes = [1], strides = [1]} : vector<16xi32> to vector<1xi32>
    %squeeze3A_2342 = vector.extract %slice3A_2341[0] : i32 from vector<1xi32>
    %add3A_2343 = arith.addi %add3A_2334, %squeeze3A_2342 : i32
    %slice3A_2344 = vector.extract_strided_slice %scan3A_2285#0 {offsets = [6], sizes = [1], strides = [1]} : vector<16xi32> to vector<1xi32>
    %squeeze3A_2345 = vector.extract %slice3A_2344[0] : i32 from vector<1xi32>
    %add3A_2346 = arith.addi %add3A_2337, %squeeze3A_2345 : i32
    %slice3A_2347 = vector.extract_strided_slice %scan3A_2285#1 {offsets = [6], sizes = [1], strides = [1]} : vector<16xi32> to vector<1xi32>
    %squeeze3A_2348 = vector.extract %slice3A_2347[0] : i32 from vector<1xi32>
    %add3A_2349 = arith.addi %add3A_2340, %squeeze3A_2348 : i32
    %slice3A_2350 = vector.extract_strided_slice %scan3A_2285#2 {offsets = [6], sizes = [1], strides = [1]} : vector<16xi32> to vector<1xi32>
    %squeeze3A_2351 = vector.extract %slice3A_2350[0] : i32 from vector<1xi32>
    %add3A_2352 = arith.addi %add3A_2343, %squeeze3A_2351 : i32
    %slice3A_2353 = vector.extract_strided_slice %scan3A_2285#0 {offsets = [7], sizes = [1], strides = [1]} : vector<16xi32> to vector<1xi32>
    %squeeze3A_2354 = vector.extract %slice3A_2353[0] : i32 from vector<1xi32>
    %add3A_2355 = arith.addi %add3A_2346, %squeeze3A_2354 : i32
    %slice3A_2356 = vector.extract_strided_slice %scan3A_2285#1 {offsets = [7], sizes = [1], strides = [1]} : vector<16xi32> to vector<1xi32>
    %squeeze3A_2357 = vector.extract %slice3A_2356[0] : i32 from vector<1xi32>
    %add3A_2358 = arith.addi %add3A_2349, %squeeze3A_2357 : i32
    %slice3A_2359 = vector.extract_strided_slice %scan3A_2285#2 {offsets = [7], sizes = [1], strides = [1]} : vector<16xi32> to vector<1xi32>
    %squeeze3A_2360 = vector.extract %slice3A_2359[0] : i32 from vector<1xi32>
    %add3A_2361 = arith.addi %add3A_2352, %squeeze3A_2360 : i32
    %slice3A_2362 = vector.extract_strided_slice %scan3A_2285#0 {offsets = [8], sizes = [1], strides = [1]} : vector<16xi32> to vector<1xi32>
    %squeeze3A_2363 = vector.extract %slice3A_2362[0] : i32 from vector<1xi32>
    %add3A_2364 = arith.addi %add3A_2355, %squeeze3A_2363 : i32
    %slice3A_2365 = vector.extract_strided_slice %scan3A_2285#1 {offsets = [8], sizes = [1], strides = [1]} : vector<16xi32> to vector<1xi32>
    %squeeze3A_2366 = vector.extract %slice3A_2365[0] : i32 from vector<1xi32>
    %add3A_2367 = arith.addi %add3A_2358, %squeeze3A_2366 : i32
    %slice3A_2368 = vector.extract_strided_slice %scan3A_2285#2 {offsets = [8], sizes = [1], strides = [1]} : vector<16xi32> to vector<1xi32>
    %squeeze3A_2369 = vector.extract %slice3A_2368[0] : i32 from vector<1xi32>
    %add3A_2370 = arith.addi %add3A_2361, %squeeze3A_2369 : i32
    %slice3A_2371 = vector.extract_strided_slice %scan3A_2285#0 {offsets = [9], sizes = [1], strides = [1]} : vector<16xi32> to vector<1xi32>
    %squeeze3A_2372 = vector.extract %slice3A_2371[0] : i32 from vector<1xi32>
    %add3A_2373 = arith.addi %add3A_2364, %squeeze3A_2372 : i32
    %slice3A_2374 = vector.extract_strided_slice %scan3A_2285#1 {offsets = [9], sizes = [1], strides = [1]} : vector<16xi32> to vector<1xi32>
    %squeeze3A_2375 = vector.extract %slice3A_2374[0] : i32 from vector<1xi32>
    %add3A_2376 = arith.addi %add3A_2367, %squeeze3A_2375 : i32
    %slice3A_2377 = vector.extract_strided_slice %scan3A_2285#2 {offsets = [9], sizes = [1], strides = [1]} : vector<16xi32> to vector<1xi32>
    %squeeze3A_2378 = vector.extract %slice3A_2377[0] : i32 from vector<1xi32>
    %add3A_2379 = arith.addi %add3A_2370, %squeeze3A_2378 : i32
    %slice3A_2380 = vector.extract_strided_slice %scan3A_2285#0 {offsets = [10], sizes = [1], strides = [1]} : vector<16xi32> to vector<1xi32>
    %squeeze3A_2381 = vector.extract %slice3A_2380[0] : i32 from vector<1xi32>
    %add3A_2382 = arith.addi %add3A_2373, %squeeze3A_2381 : i32
    %slice3A_2383 = vector.extract_strided_slice %scan3A_2285#1 {offsets = [10], sizes = [1], strides = [1]} : vector<16xi32> to vector<1xi32>
    %squeeze3A_2384 = vector.extract %slice3A_2383[0] : i32 from vector<1xi32>
    %add3A_2385 = arith.addi %add3A_2376, %squeeze3A_2384 : i32
    %slice3A_2386 = vector.extract_strided_slice %scan3A_2285#2 {offsets = [10], sizes = [1], strides = [1]} : vector<16xi32> to vector<1xi32>
    %squeeze3A_2387 = vector.extract %slice3A_2386[0] : i32 from vector<1xi32>
    %add3A_2388 = arith.addi %add3A_2379, %squeeze3A_2387 : i32
    %slice3A_2389 = vector.extract_strided_slice %scan3A_2285#0 {offsets = [11], sizes = [1], strides = [1]} : vector<16xi32> to vector<1xi32>
    %squeeze3A_2390 = vector.extract %slice3A_2389[0] : i32 from vector<1xi32>
    %add3A_2391 = arith.addi %add3A_2382, %squeeze3A_2390 : i32
    %slice3A_2392 = vector.extract_strided_slice %scan3A_2285#1 {offsets = [11], sizes = [1], strides = [1]} : vector<16xi32> to vector<1xi32>
    %squeeze3A_2393 = vector.extract %slice3A_2392[0] : i32 from vector<1xi32>
    %add3A_2394 = arith.addi %add3A_2385, %squeeze3A_2393 : i32
    %slice3A_2395 = vector.extract_strided_slice %scan3A_2285#2 {offsets = [11], sizes = [1], strides = [1]} : vector<16xi32> to vector<1xi32>
    %squeeze3A_2396 = vector.extract %slice3A_2395[0] : i32 from vector<1xi32>
    %add3A_2397 = arith.addi %add3A_2388, %squeeze3A_2396 : i32
    %slice3A_2398 = vector.extract_strided_slice %scan3A_2285#0 {offsets = [12], sizes = [1], strides = [1]} : vector<16xi32> to vector<1xi32>
    %squeeze3A_2399 = vector.extract %slice3A_2398[0] : i32 from vector<1xi32>
    %add3A_2400 = arith.addi %add3A_2391, %squeeze3A_2399 : i32
    %slice3A_2401 = vector.extract_strided_slice %scan3A_2285#1 {offsets = [12], sizes = [1], strides = [1]} : vector<16xi32> to vector<1xi32>
    %squeeze3A_2402 = vector.extract %slice3A_2401[0] : i32 from vector<1xi32>
    %add3A_2403 = arith.addi %add3A_2394, %squeeze3A_2402 : i32
    %slice3A_2404 = vector.extract_strided_slice %scan3A_2285#2 {offsets = [12], sizes = [1], strides = [1]} : vector<16xi32> to vector<1xi32>
    %squeeze3A_2405 = vector.extract %slice3A_2404[0] : i32 from vector<1xi32>
    %add3A_2406 = arith.addi %add3A_2397, %squeeze3A_2405 : i32
    %slice3A_2407 = vector.extract_strided_slice %scan3A_2285#0 {offsets = [13], sizes = [1], strides = [1]} : vector<16xi32> to vector<1xi32>
    %squeeze3A_2408 = vector.extract %slice3A_2407[0] : i32 from vector<1xi32>
    %add3A_2409 = arith.addi %add3A_2400, %squeeze3A_2408 : i32
    %slice3A_2410 = vector.extract_strided_slice %scan3A_2285#1 {offsets = [13], sizes = [1], strides = [1]} : vector<16xi32> to vector<1xi32>
    %squeeze3A_2411 = vector.extract %slice3A_2410[0] : i32 from vector<1xi32>
    %add3A_2412 = arith.addi %add3A_2403, %squeeze3A_2411 : i32
    %slice3A_2413 = vector.extract_strided_slice %scan3A_2285#2 {offsets = [13], sizes = [1], strides = [1]} : vector<16xi32> to vector<1xi32>
    %squeeze3A_2414 = vector.extract %slice3A_2413[0] : i32 from vector<1xi32>
    %add3A_2415 = arith.addi %add3A_2406, %squeeze3A_2414 : i32
    %slice3A_2416 = vector.extract_strided_slice %scan3A_2285#0 {offsets = [14], sizes = [1], strides = [1]} : vector<16xi32> to vector<1xi32>
    %squeeze3A_2417 = vector.extract %slice3A_2416[0] : i32 from vector<1xi32>
    %add3A_2418 = arith.addi %add3A_2409, %squeeze3A_2417 : i32
    %slice3A_2419 = vector.extract_strided_slice %scan3A_2285#1 {offsets = [14], sizes = [1], strides = [1]} : vector<16xi32> to vector<1xi32>
    %squeeze3A_2420 = vector.extract %slice3A_2419[0] : i32 from vector<1xi32>
    %add3A_2421 = arith.addi %add3A_2412, %squeeze3A_2420 : i32
    %slice3A_2422 = vector.extract_strided_slice %scan3A_2285#2 {offsets = [14], sizes = [1], strides = [1]} : vector<16xi32> to vector<1xi32>
    %squeeze3A_2423 = vector.extract %slice3A_2422[0] : i32 from vector<1xi32>
    %add3A_2424 = arith.addi %add3A_2415, %squeeze3A_2423 : i32
    %slice3A_2425 = vector.extract_strided_slice %scan3A_2285#0 {offsets = [15], sizes = [1], strides = [1]} : vector<16xi32> to vector<1xi32>
    %squeeze3A_2426 = vector.extract %slice3A_2425[0] : i32 from vector<1xi32>
    %add3A_2427 = arith.addi %add3A_2418, %squeeze3A_2426 : i32
    %slice3A_2428 = vector.extract_strided_slice %scan3A_2285#1 {offsets = [15], sizes = [1], strides = [1]} : vector<16xi32> to vector<1xi32>
    %squeeze3A_2429 = vector.extract %slice3A_2428[0] : i32 from vector<1xi32>
    %add3A_2430 = arith.addi %add3A_2421, %squeeze3A_2429 : i32
    %slice3A_2431 = vector.extract_strided_slice %scan3A_2285#2 {offsets = [15], sizes = [1], strides = [1]} : vector<16xi32> to vector<1xi32>
    %squeeze3A_2432 = vector.extract %slice3A_2431[0] : i32 from vector<1xi32>
    %add3A_2433 = arith.addi %add3A_2424, %squeeze3A_2432 : i32
    %ge3A_2434 = arith.constant 4096 : i32
    %ge3A_2435 = arith.cmpi sge, %add3A_2427, %ge3A_2434 : i32
    %ge3A_2436 = arith.constant 4096 : i32
    %ge3A_2437 = arith.cmpi sge, %add3A_2433, %ge3A_2436 : i32
    %select_n3A_2438 = arith.select %ge3A_2437, %or3A_2276, %or3A_2274 : i32
    %ge3A_2439 = arith.constant 4096 : i32
    %ge3A_2440 = arith.cmpi sge, %add3A_2430, %ge3A_2439 : i32
    %select_n3A_2441 = arith.select %ge3A_2440, %or3A_2275, %select_n3A_2267 : i32
    %select_n3A_2442 = arith.select %ge3A_2435, %select_n3A_2438, %select_n3A_2441 : i32
    %shift_left3A_2443 = arith.constant 1 : i32
    %shift_left3A_2444 = arith.constant 2 : i32
    %shift_left3A_2445 = arith.shli %shift_left3A_2443, %shift_left3A_2444 : i32
    %shift_left3A_2446 = arith.constant 1 : i32
    %shift_left3A_2447 = arith.constant 3 : i32
    %shift_left3A_2448 = arith.shli %shift_left3A_2446, %shift_left3A_2447 : i32
    %or3A_2449 = arith.ori %select_n3A_2442, %shift_left3A_2448 : i32
    %or3A_2450 = arith.ori %select_n3A_2442, %shift_left3A_2445 : i32
    %or3A_2451 = arith.ori %or3A_2449, %shift_left3A_2445 : i32
    %broadcast_in_dim3A_2452 = arith.constant 0 : i32
    %broadcast_in_dim3A_2453 = vector.broadcast %broadcast_in_dim3A_2452 : i32 to vector<16xi32>
    %scan3A_2454 = arith.constant 1 : i32
    %scan3A_2455 = arith.constant 0 : i32
    %scan3A_2456 = arith.constant 0 : i32
    %scan3A_2457 = arith.constant 256 : i32
    %scan3A_2458 = arith.addi %scan3A_2456, %scan3A_2457 : i32
    %scan3A_2459 = arith.constant 1 : i32
    %scan3A_2460:3 = scf.for %scan3A_2800 = %scan3A_2456 to %scan3A_2458 step %scan3A_2459 iter_args(%scan3A_2801 = %broadcast_in_dim3A_2453, %scan3A_2802 = %broadcast_in_dim3A_2453, %scan3A_2803 = %broadcast_in_dim3A_2453) -> (vector<16xi32>, vector<16xi32>, vector<16xi32>)  : i32 {
      %mul3A_2804 = arith.constant 2 : i32
      %mul3A_2805 = arith.muli %scan3A_2800, %mul3A_2804 : i32
      %add3A_2806 = arith.constant 0 : i32
      %add3A_2807 = arith.addi %mul3A_2805, %add3A_2806 : i32
      %mul3A_2808 = arith.constant 16 : i32
      %mul3A_2809 = arith.muli %add3A_2807, %mul3A_2808 : i32
      %get3A = arith.index_cast %mul3A_2809 : i32 to index
      %get3A_2810 = tpu.vector_load %arg4[%get3A] {strides = array<i32>} : memref<8192xi32, #tpu.memory_space<vmem>>, vector<16xi32>,
      %get3A_2811 = vector.shape_cast %get3A_2810 : vector<16xi32> to vector<16xi32>
      %ge3A_2812 = vector.broadcast %or3A_2449 : i32 to vector<16xi32>
      %ge3A_2813 = arith.cmpi sge, %get3A_2811, %ge3A_2812 : vector<16xi32>
      %broadcast_in_dim3A_2814 = vector.broadcast %scan3A_2454 : i32 to vector<16xi32>
      %broadcast_in_dim3A_2815 = vector.broadcast %scan3A_2455 : i32 to vector<16xi32>
      %select_n3A_2816 = arith.select %ge3A_2813, %broadcast_in_dim3A_2814, %broadcast_in_dim3A_2815 : vector<16xi1>, vector<16xi32>
      %add3A_2817 = arith.addi %scan3A_2801, %select_n3A_2816 : vector<16xi32>
      %ge3A_2818 = vector.broadcast %or3A_2450 : i32 to vector<16xi32>
      %ge3A_2819 = arith.cmpi sge, %get3A_2811, %ge3A_2818 : vector<16xi32>
      %broadcast_in_dim3A_2820 = vector.broadcast %scan3A_2454 : i32 to vector<16xi32>
      %broadcast_in_dim3A_2821 = vector.broadcast %scan3A_2455 : i32 to vector<16xi32>
      %select_n3A_2822 = arith.select %ge3A_2819, %broadcast_in_dim3A_2820, %broadcast_in_dim3A_2821 : vector<16xi1>, vector<16xi32>
      %add3A_2823 = arith.addi %scan3A_2802, %select_n3A_2822 : vector<16xi32>
      %ge3A_2824 = vector.broadcast %or3A_2451 : i32 to vector<16xi32>
      %ge3A_2825 = arith.cmpi sge, %get3A_2811, %ge3A_2824 : vector<16xi32>
      %broadcast_in_dim3A_2826 = vector.broadcast %scan3A_2454 : i32 to vector<16xi32>
      %broadcast_in_dim3A_2827 = vector.broadcast %scan3A_2455 : i32 to vector<16xi32>
      %select_n3A_2828 = arith.select %ge3A_2825, %broadcast_in_dim3A_2826, %broadcast_in_dim3A_2827 : vector<16xi1>, vector<16xi32>
      %add3A_2829 = arith.addi %scan3A_2803, %select_n3A_2828 : vector<16xi32>
      %mul3A_2830 = arith.constant 2 : i32
      %mul3A_2831 = arith.muli %scan3A_2800, %mul3A_2830 : i32
      %add3A_2832 = arith.constant 1 : i32
      %add3A_2833 = arith.addi %mul3A_2831, %add3A_2832 : i32
      %mul3A_2834 = arith.constant 16 : i32
      %mul3A_2835 = arith.muli %add3A_2833, %mul3A_2834 : i32
      %get3A_2836 = arith.index_cast %mul3A_2835 : i32 to index
      %get3A_2837 = tpu.vector_load %arg4[%get3A_2836] {strides = array<i32>} : memref<8192xi32, #tpu.memory_space<vmem>>, vector<16xi32>,
      %get3A_2838 = vector.shape_cast %get3A_2837 : vector<16xi32> to vector<16xi32>
      %ge3A_2839 = vector.broadcast %or3A_2449 : i32 to vector<16xi32>
      %ge3A_2840 = arith.cmpi sge, %get3A_2838, %ge3A_2839 : vector<16xi32>
      %broadcast_in_dim3A_2841 = vector.broadcast %scan3A_2454 : i32 to vector<16xi32>
      %broadcast_in_dim3A_2842 = vector.broadcast %scan3A_2455 : i32 to vector<16xi32>
      %select_n3A_2843 = arith.select %ge3A_2840, %broadcast_in_dim3A_2841, %broadcast_in_dim3A_2842 : vector<16xi1>, vector<16xi32>
      %add3A_2844 = arith.addi %add3A_2817, %select_n3A_2843 : vector<16xi32>
      %ge3A_2845 = vector.broadcast %or3A_2450 : i32 to vector<16xi32>
      %ge3A_2846 = arith.cmpi sge, %get3A_2838, %ge3A_2845 : vector<16xi32>
      %broadcast_in_dim3A_2847 = vector.broadcast %scan3A_2454 : i32 to vector<16xi32>
      %broadcast_in_dim3A_2848 = vector.broadcast %scan3A_2455 : i32 to vector<16xi32>
      %select_n3A_2849 = arith.select %ge3A_2846, %broadcast_in_dim3A_2847, %broadcast_in_dim3A_2848 : vector<16xi1>, vector<16xi32>
      %add3A_2850 = arith.addi %add3A_2823, %select_n3A_2849 : vector<16xi32>
      %ge3A_2851 = vector.broadcast %or3A_2451 : i32 to vector<16xi32>
      %ge3A_2852 = arith.cmpi sge, %get3A_2838, %ge3A_2851 : vector<16xi32>
      %broadcast_in_dim3A_2853 = vector.broadcast %scan3A_2454 : i32 to vector<16xi32>
      %broadcast_in_dim3A_2854 = vector.broadcast %scan3A_2455 : i32 to vector<16xi32>
      %select_n3A_2855 = arith.select %ge3A_2852, %broadcast_in_dim3A_2853, %broadcast_in_dim3A_2854 : vector<16xi1>, vector<16xi32>
      %add3A_2856 = arith.addi %add3A_2829, %select_n3A_2855 : vector<16xi32>
      scf.yield %add3A_2844, %add3A_2850, %add3A_2856 : vector<16xi32>, vector<16xi32>, vector<16xi32>
    }
    %scan3A_2461 = arith.constant 256 : i32
    %slice3A_2462 = vector.extract_strided_slice %scan3A_2460#0 {offsets = [0], sizes = [1], strides = [1]} : vector<16xi32> to vector<1xi32>
    %squeeze3A_2463 = vector.extract %slice3A_2462[0] : i32 from vector<1xi32>
    %add3A_2464 = arith.constant 0 : i32
    %add3A_2465 = arith.addi %add3A_2464, %squeeze3A_2463 : i32
    %slice3A_2466 = vector.extract_strided_slice %scan3A_2460#1 {offsets = [0], sizes = [1], strides = [1]} : vector<16xi32> to vector<1xi32>
    %squeeze3A_2467 = vector.extract %slice3A_2466[0] : i32 from vector<1xi32>
    %add3A_2468 = arith.constant 0 : i32
    %add3A_2469 = arith.addi %add3A_2468, %squeeze3A_2467 : i32
    %slice3A_2470 = vector.extract_strided_slice %scan3A_2460#2 {offsets = [0], sizes = [1], strides = [1]} : vector<16xi32> to vector<1xi32>
    %squeeze3A_2471 = vector.extract %slice3A_2470[0] : i32 from vector<1xi32>
    %add3A_2472 = arith.constant 0 : i32
    %add3A_2473 = arith.addi %add3A_2472, %squeeze3A_2471 : i32
    %slice3A_2474 = vector.extract_strided_slice %scan3A_2460#0 {offsets = [1], sizes = [1], strides = [1]} : vector<16xi32> to vector<1xi32>
    %squeeze3A_2475 = vector.extract %slice3A_2474[0] : i32 from vector<1xi32>
    %add3A_2476 = arith.addi %add3A_2465, %squeeze3A_2475 : i32
    %slice3A_2477 = vector.extract_strided_slice %scan3A_2460#1 {offsets = [1], sizes = [1], strides = [1]} : vector<16xi32> to vector<1xi32>
    %squeeze3A_2478 = vector.extract %slice3A_2477[0] : i32 from vector<1xi32>
    %add3A_2479 = arith.addi %add3A_2469, %squeeze3A_2478 : i32
    %slice3A_2480 = vector.extract_strided_slice %scan3A_2460#2 {offsets = [1], sizes = [1], strides = [1]} : vector<16xi32> to vector<1xi32>
    %squeeze3A_2481 = vector.extract %slice3A_2480[0] : i32 from vector<1xi32>
    %add3A_2482 = arith.addi %add3A_2473, %squeeze3A_2481 : i32
    %slice3A_2483 = vector.extract_strided_slice %scan3A_2460#0 {offsets = [2], sizes = [1], strides = [1]} : vector<16xi32> to vector<1xi32>
    %squeeze3A_2484 = vector.extract %slice3A_2483[0] : i32 from vector<1xi32>
    %add3A_2485 = arith.addi %add3A_2476, %squeeze3A_2484 : i32
    %slice3A_2486 = vector.extract_strided_slice %scan3A_2460#1 {offsets = [2], sizes = [1], strides = [1]} : vector<16xi32> to vector<1xi32>
    %squeeze3A_2487 = vector.extract %slice3A_2486[0] : i32 from vector<1xi32>
    %add3A_2488 = arith.addi %add3A_2479, %squeeze3A_2487 : i32
    %slice3A_2489 = vector.extract_strided_slice %scan3A_2460#2 {offsets = [2], sizes = [1], strides = [1]} : vector<16xi32> to vector<1xi32>
    %squeeze3A_2490 = vector.extract %slice3A_2489[0] : i32 from vector<1xi32>
    %add3A_2491 = arith.addi %add3A_2482, %squeeze3A_2490 : i32
    %slice3A_2492 = vector.extract_strided_slice %scan3A_2460#0 {offsets = [3], sizes = [1], strides = [1]} : vector<16xi32> to vector<1xi32>
    %squeeze3A_2493 = vector.extract %slice3A_2492[0] : i32 from vector<1xi32>
    %add3A_2494 = arith.addi %add3A_2485, %squeeze3A_2493 : i32
    %slice3A_2495 = vector.extract_strided_slice %scan3A_2460#1 {offsets = [3], sizes = [1], strides = [1]} : vector<16xi32> to vector<1xi32>
    %squeeze3A_2496 = vector.extract %slice3A_2495[0] : i32 from vector<1xi32>
    %add3A_2497 = arith.addi %add3A_2488, %squeeze3A_2496 : i32
    %slice3A_2498 = vector.extract_strided_slice %scan3A_2460#2 {offsets = [3], sizes = [1], strides = [1]} : vector<16xi32> to vector<1xi32>
    %squeeze3A_2499 = vector.extract %slice3A_2498[0] : i32 from vector<1xi32>
    %add3A_2500 = arith.addi %add3A_2491, %squeeze3A_2499 : i32
    %slice3A_2501 = vector.extract_strided_slice %scan3A_2460#0 {offsets = [4], sizes = [1], strides = [1]} : vector<16xi32> to vector<1xi32>
    %squeeze3A_2502 = vector.extract %slice3A_2501[0] : i32 from vector<1xi32>
    %add3A_2503 = arith.addi %add3A_2494, %squeeze3A_2502 : i32
    %slice3A_2504 = vector.extract_strided_slice %scan3A_2460#1 {offsets = [4], sizes = [1], strides = [1]} : vector<16xi32> to vector<1xi32>
    %squeeze3A_2505 = vector.extract %slice3A_2504[0] : i32 from vector<1xi32>
    %add3A_2506 = arith.addi %add3A_2497, %squeeze3A_2505 : i32
    %slice3A_2507 = vector.extract_strided_slice %scan3A_2460#2 {offsets = [4], sizes = [1], strides = [1]} : vector<16xi32> to vector<1xi32>
    %squeeze3A_2508 = vector.extract %slice3A_2507[0] : i32 from vector<1xi32>
    %add3A_2509 = arith.addi %add3A_2500, %squeeze3A_2508 : i32
    %slice3A_2510 = vector.extract_strided_slice %scan3A_2460#0 {offsets = [5], sizes = [1], strides = [1]} : vector<16xi32> to vector<1xi32>
    %squeeze3A_2511 = vector.extract %slice3A_2510[0] : i32 from vector<1xi32>
    %add3A_2512 = arith.addi %add3A_2503, %squeeze3A_2511 : i32
    %slice3A_2513 = vector.extract_strided_slice %scan3A_2460#1 {offsets = [5], sizes = [1], strides = [1]} : vector<16xi32> to vector<1xi32>
    %squeeze3A_2514 = vector.extract %slice3A_2513[0] : i32 from vector<1xi32>
    %add3A_2515 = arith.addi %add3A_2506, %squeeze3A_2514 : i32
    %slice3A_2516 = vector.extract_strided_slice %scan3A_2460#2 {offsets = [5], sizes = [1], strides = [1]} : vector<16xi32> to vector<1xi32>
    %squeeze3A_2517 = vector.extract %slice3A_2516[0] : i32 from vector<1xi32>
    %add3A_2518 = arith.addi %add3A_2509, %squeeze3A_2517 : i32
    %slice3A_2519 = vector.extract_strided_slice %scan3A_2460#0 {offsets = [6], sizes = [1], strides = [1]} : vector<16xi32> to vector<1xi32>
    %squeeze3A_2520 = vector.extract %slice3A_2519[0] : i32 from vector<1xi32>
    %add3A_2521 = arith.addi %add3A_2512, %squeeze3A_2520 : i32
    %slice3A_2522 = vector.extract_strided_slice %scan3A_2460#1 {offsets = [6], sizes = [1], strides = [1]} : vector<16xi32> to vector<1xi32>
    %squeeze3A_2523 = vector.extract %slice3A_2522[0] : i32 from vector<1xi32>
    %add3A_2524 = arith.addi %add3A_2515, %squeeze3A_2523 : i32
    %slice3A_2525 = vector.extract_strided_slice %scan3A_2460#2 {offsets = [6], sizes = [1], strides = [1]} : vector<16xi32> to vector<1xi32>
    %squeeze3A_2526 = vector.extract %slice3A_2525[0] : i32 from vector<1xi32>
    %add3A_2527 = arith.addi %add3A_2518, %squeeze3A_2526 : i32
    %slice3A_2528 = vector.extract_strided_slice %scan3A_2460#0 {offsets = [7], sizes = [1], strides = [1]} : vector<16xi32> to vector<1xi32>
    %squeeze3A_2529 = vector.extract %slice3A_2528[0] : i32 from vector<1xi32>
    %add3A_2530 = arith.addi %add3A_2521, %squeeze3A_2529 : i32
    %slice3A_2531 = vector.extract_strided_slice %scan3A_2460#1 {offsets = [7], sizes = [1], strides = [1]} : vector<16xi32> to vector<1xi32>
    %squeeze3A_2532 = vector.extract %slice3A_2531[0] : i32 from vector<1xi32>
    %add3A_2533 = arith.addi %add3A_2524, %squeeze3A_2532 : i32
    %slice3A_2534 = vector.extract_strided_slice %scan3A_2460#2 {offsets = [7], sizes = [1], strides = [1]} : vector<16xi32> to vector<1xi32>
    %squeeze3A_2535 = vector.extract %slice3A_2534[0] : i32 from vector<1xi32>
    %add3A_2536 = arith.addi %add3A_2527, %squeeze3A_2535 : i32
    %slice3A_2537 = vector.extract_strided_slice %scan3A_2460#0 {offsets = [8], sizes = [1], strides = [1]} : vector<16xi32> to vector<1xi32>
    %squeeze3A_2538 = vector.extract %slice3A_2537[0] : i32 from vector<1xi32>
    %add3A_2539 = arith.addi %add3A_2530, %squeeze3A_2538 : i32
    %slice3A_2540 = vector.extract_strided_slice %scan3A_2460#1 {offsets = [8], sizes = [1], strides = [1]} : vector<16xi32> to vector<1xi32>
    %squeeze3A_2541 = vector.extract %slice3A_2540[0] : i32 from vector<1xi32>
    %add3A_2542 = arith.addi %add3A_2533, %squeeze3A_2541 : i32
    %slice3A_2543 = vector.extract_strided_slice %scan3A_2460#2 {offsets = [8], sizes = [1], strides = [1]} : vector<16xi32> to vector<1xi32>
    %squeeze3A_2544 = vector.extract %slice3A_2543[0] : i32 from vector<1xi32>
    %add3A_2545 = arith.addi %add3A_2536, %squeeze3A_2544 : i32
    %slice3A_2546 = vector.extract_strided_slice %scan3A_2460#0 {offsets = [9], sizes = [1], strides = [1]} : vector<16xi32> to vector<1xi32>
    %squeeze3A_2547 = vector.extract %slice3A_2546[0] : i32 from vector<1xi32>
    %add3A_2548 = arith.addi %add3A_2539, %squeeze3A_2547 : i32
    %slice3A_2549 = vector.extract_strided_slice %scan3A_2460#1 {offsets = [9], sizes = [1], strides = [1]} : vector<16xi32> to vector<1xi32>
    %squeeze3A_2550 = vector.extract %slice3A_2549[0] : i32 from vector<1xi32>
    %add3A_2551 = arith.addi %add3A_2542, %squeeze3A_2550 : i32
    %slice3A_2552 = vector.extract_strided_slice %scan3A_2460#2 {offsets = [9], sizes = [1], strides = [1]} : vector<16xi32> to vector<1xi32>
    %squeeze3A_2553 = vector.extract %slice3A_2552[0] : i32 from vector<1xi32>
    %add3A_2554 = arith.addi %add3A_2545, %squeeze3A_2553 : i32
    %slice3A_2555 = vector.extract_strided_slice %scan3A_2460#0 {offsets = [10], sizes = [1], strides = [1]} : vector<16xi32> to vector<1xi32>
    %squeeze3A_2556 = vector.extract %slice3A_2555[0] : i32 from vector<1xi32>
    %add3A_2557 = arith.addi %add3A_2548, %squeeze3A_2556 : i32
    %slice3A_2558 = vector.extract_strided_slice %scan3A_2460#1 {offsets = [10], sizes = [1], strides = [1]} : vector<16xi32> to vector<1xi32>
    %squeeze3A_2559 = vector.extract %slice3A_2558[0] : i32 from vector<1xi32>
    %add3A_2560 = arith.addi %add3A_2551, %squeeze3A_2559 : i32
    %slice3A_2561 = vector.extract_strided_slice %scan3A_2460#2 {offsets = [10], sizes = [1], strides = [1]} : vector<16xi32> to vector<1xi32>
    %squeeze3A_2562 = vector.extract %slice3A_2561[0] : i32 from vector<1xi32>
    %add3A_2563 = arith.addi %add3A_2554, %squeeze3A_2562 : i32
    %slice3A_2564 = vector.extract_strided_slice %scan3A_2460#0 {offsets = [11], sizes = [1], strides = [1]} : vector<16xi32> to vector<1xi32>
    %squeeze3A_2565 = vector.extract %slice3A_2564[0] : i32 from vector<1xi32>
    %add3A_2566 = arith.addi %add3A_2557, %squeeze3A_2565 : i32
    %slice3A_2567 = vector.extract_strided_slice %scan3A_2460#1 {offsets = [11], sizes = [1], strides = [1]} : vector<16xi32> to vector<1xi32>
    %squeeze3A_2568 = vector.extract %slice3A_2567[0] : i32 from vector<1xi32>
    %add3A_2569 = arith.addi %add3A_2560, %squeeze3A_2568 : i32
    %slice3A_2570 = vector.extract_strided_slice %scan3A_2460#2 {offsets = [11], sizes = [1], strides = [1]} : vector<16xi32> to vector<1xi32>
    %squeeze3A_2571 = vector.extract %slice3A_2570[0] : i32 from vector<1xi32>
    %add3A_2572 = arith.addi %add3A_2563, %squeeze3A_2571 : i32
    %slice3A_2573 = vector.extract_strided_slice %scan3A_2460#0 {offsets = [12], sizes = [1], strides = [1]} : vector<16xi32> to vector<1xi32>
    %squeeze3A_2574 = vector.extract %slice3A_2573[0] : i32 from vector<1xi32>
    %add3A_2575 = arith.addi %add3A_2566, %squeeze3A_2574 : i32
    %slice3A_2576 = vector.extract_strided_slice %scan3A_2460#1 {offsets = [12], sizes = [1], strides = [1]} : vector<16xi32> to vector<1xi32>
    %squeeze3A_2577 = vector.extract %slice3A_2576[0] : i32 from vector<1xi32>
    %add3A_2578 = arith.addi %add3A_2569, %squeeze3A_2577 : i32
    %slice3A_2579 = vector.extract_strided_slice %scan3A_2460#2 {offsets = [12], sizes = [1], strides = [1]} : vector<16xi32> to vector<1xi32>
    %squeeze3A_2580 = vector.extract %slice3A_2579[0] : i32 from vector<1xi32>
    %add3A_2581 = arith.addi %add3A_2572, %squeeze3A_2580 : i32
    %slice3A_2582 = vector.extract_strided_slice %scan3A_2460#0 {offsets = [13], sizes = [1], strides = [1]} : vector<16xi32> to vector<1xi32>
    %squeeze3A_2583 = vector.extract %slice3A_2582[0] : i32 from vector<1xi32>
    %add3A_2584 = arith.addi %add3A_2575, %squeeze3A_2583 : i32
    %slice3A_2585 = vector.extract_strided_slice %scan3A_2460#1 {offsets = [13], sizes = [1], strides = [1]} : vector<16xi32> to vector<1xi32>
    %squeeze3A_2586 = vector.extract %slice3A_2585[0] : i32 from vector<1xi32>
    %add3A_2587 = arith.addi %add3A_2578, %squeeze3A_2586 : i32
    %slice3A_2588 = vector.extract_strided_slice %scan3A_2460#2 {offsets = [13], sizes = [1], strides = [1]} : vector<16xi32> to vector<1xi32>
    %squeeze3A_2589 = vector.extract %slice3A_2588[0] : i32 from vector<1xi32>
    %add3A_2590 = arith.addi %add3A_2581, %squeeze3A_2589 : i32
    %slice3A_2591 = vector.extract_strided_slice %scan3A_2460#0 {offsets = [14], sizes = [1], strides = [1]} : vector<16xi32> to vector<1xi32>
    %squeeze3A_2592 = vector.extract %slice3A_2591[0] : i32 from vector<1xi32>
    %add3A_2593 = arith.addi %add3A_2584, %squeeze3A_2592 : i32
    %slice3A_2594 = vector.extract_strided_slice %scan3A_2460#1 {offsets = [14], sizes = [1], strides = [1]} : vector<16xi32> to vector<1xi32>
    %squeeze3A_2595 = vector.extract %slice3A_2594[0] : i32 from vector<1xi32>
    %add3A_2596 = arith.addi %add3A_2587, %squeeze3A_2595 : i32
    %slice3A_2597 = vector.extract_strided_slice %scan3A_2460#2 {offsets = [14], sizes = [1], strides = [1]} : vector<16xi32> to vector<1xi32>
    %squeeze3A_2598 = vector.extract %slice3A_2597[0] : i32 from vector<1xi32>
    %add3A_2599 = arith.addi %add3A_2590, %squeeze3A_2598 : i32
    %slice3A_2600 = vector.extract_strided_slice %scan3A_2460#0 {offsets = [15], sizes = [1], strides = [1]} : vector<16xi32> to vector<1xi32>
    %squeeze3A_2601 = vector.extract %slice3A_2600[0] : i32 from vector<1xi32>
    %add3A_2602 = arith.addi %add3A_2593, %squeeze3A_2601 : i32
    %slice3A_2603 = vector.extract_strided_slice %scan3A_2460#1 {offsets = [15], sizes = [1], strides = [1]} : vector<16xi32> to vector<1xi32>
    %squeeze3A_2604 = vector.extract %slice3A_2603[0] : i32 from vector<1xi32>
    %add3A_2605 = arith.addi %add3A_2596, %squeeze3A_2604 : i32
    %slice3A_2606 = vector.extract_strided_slice %scan3A_2460#2 {offsets = [15], sizes = [1], strides = [1]} : vector<16xi32> to vector<1xi32>
    %squeeze3A_2607 = vector.extract %slice3A_2606[0] : i32 from vector<1xi32>
    %add3A_2608 = arith.addi %add3A_2599, %squeeze3A_2607 : i32
    %ge3A_2609 = arith.constant 4096 : i32
    %ge3A_2610 = arith.cmpi sge, %add3A_2602, %ge3A_2609 : i32
    %ge3A_2611 = arith.constant 4096 : i32
    %ge3A_2612 = arith.cmpi sge, %add3A_2608, %ge3A_2611 : i32
    %select_n3A_2613 = arith.select %ge3A_2612, %or3A_2451, %or3A_2449 : i32
    %ge3A_2614 = arith.constant 4096 : i32
    %ge3A_2615 = arith.cmpi sge, %add3A_2605, %ge3A_2614 : i32
    %select_n3A_2616 = arith.select %ge3A_2615, %or3A_2450, %select_n3A_2442 : i32
    %select_n3A_2617 = arith.select %ge3A_2610, %select_n3A_2613, %select_n3A_2616 : i32
    %shift_left3A_2618 = arith.constant 1 : i32
    %shift_left3A_2619 = arith.constant 0 : i32
    %shift_left3A_2620 = arith.shli %shift_left3A_2618, %shift_left3A_2619 : i32
    %shift_left3A_2621 = arith.constant 1 : i32
    %shift_left3A_2622 = arith.constant 1 : i32
    %shift_left3A_2623 = arith.shli %shift_left3A_2621, %shift_left3A_2622 : i32
    %or3A_2624 = arith.ori %select_n3A_2617, %shift_left3A_2623 : i32
    %or3A_2625 = arith.ori %select_n3A_2617, %shift_left3A_2620 : i32
    %or3A_2626 = arith.ori %or3A_2624, %shift_left3A_2620 : i32
    %broadcast_in_dim3A_2627 = arith.constant 0 : i32
    %broadcast_in_dim3A_2628 = vector.broadcast %broadcast_in_dim3A_2627 : i32 to vector<16xi32>
    %scan3A_2629 = arith.constant 1 : i32
    %scan3A_2630 = arith.constant 0 : i32
    %scan3A_2631 = arith.constant 0 : i32
    %scan3A_2632 = arith.constant 256 : i32
    %scan3A_2633 = arith.addi %scan3A_2631, %scan3A_2632 : i32
    %scan3A_2634 = arith.constant 1 : i32
    %scan3A_2635:3 = scf.for %scan3A_2800 = %scan3A_2631 to %scan3A_2633 step %scan3A_2634 iter_args(%scan3A_2801 = %broadcast_in_dim3A_2628, %scan3A_2802 = %broadcast_in_dim3A_2628, %scan3A_2803 = %broadcast_in_dim3A_2628) -> (vector<16xi32>, vector<16xi32>, vector<16xi32>)  : i32 {
      %mul3A_2804 = arith.constant 2 : i32
      %mul3A_2805 = arith.muli %scan3A_2800, %mul3A_2804 : i32
      %add3A_2806 = arith.constant 0 : i32
      %add3A_2807 = arith.addi %mul3A_2805, %add3A_2806 : i32
      %mul3A_2808 = arith.constant 16 : i32
      %mul3A_2809 = arith.muli %add3A_2807, %mul3A_2808 : i32
      %get3A = arith.index_cast %mul3A_2809 : i32 to index
      %get3A_2810 = tpu.vector_load %arg4[%get3A] {strides = array<i32>} : memref<8192xi32, #tpu.memory_space<vmem>>, vector<16xi32>,
      %get3A_2811 = vector.shape_cast %get3A_2810 : vector<16xi32> to vector<16xi32>
      %ge3A_2812 = vector.broadcast %or3A_2624 : i32 to vector<16xi32>
      %ge3A_2813 = arith.cmpi sge, %get3A_2811, %ge3A_2812 : vector<16xi32>
      %broadcast_in_dim3A_2814 = vector.broadcast %scan3A_2629 : i32 to vector<16xi32>
      %broadcast_in_dim3A_2815 = vector.broadcast %scan3A_2630 : i32 to vector<16xi32>
      %select_n3A_2816 = arith.select %ge3A_2813, %broadcast_in_dim3A_2814, %broadcast_in_dim3A_2815 : vector<16xi1>, vector<16xi32>
      %add3A_2817 = arith.addi %scan3A_2801, %select_n3A_2816 : vector<16xi32>
      %ge3A_2818 = vector.broadcast %or3A_2625 : i32 to vector<16xi32>
      %ge3A_2819 = arith.cmpi sge, %get3A_2811, %ge3A_2818 : vector<16xi32>
      %broadcast_in_dim3A_2820 = vector.broadcast %scan3A_2629 : i32 to vector<16xi32>
      %broadcast_in_dim3A_2821 = vector.broadcast %scan3A_2630 : i32 to vector<16xi32>
      %select_n3A_2822 = arith.select %ge3A_2819, %broadcast_in_dim3A_2820, %broadcast_in_dim3A_2821 : vector<16xi1>, vector<16xi32>
      %add3A_2823 = arith.addi %scan3A_2802, %select_n3A_2822 : vector<16xi32>
      %ge3A_2824 = vector.broadcast %or3A_2626 : i32 to vector<16xi32>
      %ge3A_2825 = arith.cmpi sge, %get3A_2811, %ge3A_2824 : vector<16xi32>
      %broadcast_in_dim3A_2826 = vector.broadcast %scan3A_2629 : i32 to vector<16xi32>
      %broadcast_in_dim3A_2827 = vector.broadcast %scan3A_2630 : i32 to vector<16xi32>
      %select_n3A_2828 = arith.select %ge3A_2825, %broadcast_in_dim3A_2826, %broadcast_in_dim3A_2827 : vector<16xi1>, vector<16xi32>
      %add3A_2829 = arith.addi %scan3A_2803, %select_n3A_2828 : vector<16xi32>
      %mul3A_2830 = arith.constant 2 : i32
      %mul3A_2831 = arith.muli %scan3A_2800, %mul3A_2830 : i32
      %add3A_2832 = arith.constant 1 : i32
      %add3A_2833 = arith.addi %mul3A_2831, %add3A_2832 : i32
      %mul3A_2834 = arith.constant 16 : i32
      %mul3A_2835 = arith.muli %add3A_2833, %mul3A_2834 : i32
      %get3A_2836 = arith.index_cast %mul3A_2835 : i32 to index
      %get3A_2837 = tpu.vector_load %arg4[%get3A_2836] {strides = array<i32>} : memref<8192xi32, #tpu.memory_space<vmem>>, vector<16xi32>,
      %get3A_2838 = vector.shape_cast %get3A_2837 : vector<16xi32> to vector<16xi32>
      %ge3A_2839 = vector.broadcast %or3A_2624 : i32 to vector<16xi32>
      %ge3A_2840 = arith.cmpi sge, %get3A_2838, %ge3A_2839 : vector<16xi32>
      %broadcast_in_dim3A_2841 = vector.broadcast %scan3A_2629 : i32 to vector<16xi32>
      %broadcast_in_dim3A_2842 = vector.broadcast %scan3A_2630 : i32 to vector<16xi32>
      %select_n3A_2843 = arith.select %ge3A_2840, %broadcast_in_dim3A_2841, %broadcast_in_dim3A_2842 : vector<16xi1>, vector<16xi32>
      %add3A_2844 = arith.addi %add3A_2817, %select_n3A_2843 : vector<16xi32>
      %ge3A_2845 = vector.broadcast %or3A_2625 : i32 to vector<16xi32>
      %ge3A_2846 = arith.cmpi sge, %get3A_2838, %ge3A_2845 : vector<16xi32>
      %broadcast_in_dim3A_2847 = vector.broadcast %scan3A_2629 : i32 to vector<16xi32>
      %broadcast_in_dim3A_2848 = vector.broadcast %scan3A_2630 : i32 to vector<16xi32>
      %select_n3A_2849 = arith.select %ge3A_2846, %broadcast_in_dim3A_2847, %broadcast_in_dim3A_2848 : vector<16xi1>, vector<16xi32>
      %add3A_2850 = arith.addi %add3A_2823, %select_n3A_2849 : vector<16xi32>
      %ge3A_2851 = vector.broadcast %or3A_2626 : i32 to vector<16xi32>
      %ge3A_2852 = arith.cmpi sge, %get3A_2838, %ge3A_2851 : vector<16xi32>
      %broadcast_in_dim3A_2853 = vector.broadcast %scan3A_2629 : i32 to vector<16xi32>
      %broadcast_in_dim3A_2854 = vector.broadcast %scan3A_2630 : i32 to vector<16xi32>
      %select_n3A_2855 = arith.select %ge3A_2852, %broadcast_in_dim3A_2853, %broadcast_in_dim3A_2854 : vector<16xi1>, vector<16xi32>
      %add3A_2856 = arith.addi %add3A_2829, %select_n3A_2855 : vector<16xi32>
      scf.yield %add3A_2844, %add3A_2850, %add3A_2856 : vector<16xi32>, vector<16xi32>, vector<16xi32>
    }
    %scan3A_2636 = arith.constant 256 : i32
    %slice3A_2637 = vector.extract_strided_slice %scan3A_2635#0 {offsets = [0], sizes = [1], strides = [1]} : vector<16xi32> to vector<1xi32>
    %squeeze3A_2638 = vector.extract %slice3A_2637[0] : i32 from vector<1xi32>
    %add3A_2639 = arith.constant 0 : i32
    %add3A_2640 = arith.addi %add3A_2639, %squeeze3A_2638 : i32
    %slice3A_2641 = vector.extract_strided_slice %scan3A_2635#1 {offsets = [0], sizes = [1], strides = [1]} : vector<16xi32> to vector<1xi32>
    %squeeze3A_2642 = vector.extract %slice3A_2641[0] : i32 from vector<1xi32>
    %add3A_2643 = arith.constant 0 : i32
    %add3A_2644 = arith.addi %add3A_2643, %squeeze3A_2642 : i32
    %slice3A_2645 = vector.extract_strided_slice %scan3A_2635#2 {offsets = [0], sizes = [1], strides = [1]} : vector<16xi32> to vector<1xi32>
    %squeeze3A_2646 = vector.extract %slice3A_2645[0] : i32 from vector<1xi32>
    %add3A_2647 = arith.constant 0 : i32
    %add3A_2648 = arith.addi %add3A_2647, %squeeze3A_2646 : i32
    %slice3A_2649 = vector.extract_strided_slice %scan3A_2635#0 {offsets = [1], sizes = [1], strides = [1]} : vector<16xi32> to vector<1xi32>
    %squeeze3A_2650 = vector.extract %slice3A_2649[0] : i32 from vector<1xi32>
    %add3A_2651 = arith.addi %add3A_2640, %squeeze3A_2650 : i32
    %slice3A_2652 = vector.extract_strided_slice %scan3A_2635#1 {offsets = [1], sizes = [1], strides = [1]} : vector<16xi32> to vector<1xi32>
    %squeeze3A_2653 = vector.extract %slice3A_2652[0] : i32 from vector<1xi32>
    %add3A_2654 = arith.addi %add3A_2644, %squeeze3A_2653 : i32
    %slice3A_2655 = vector.extract_strided_slice %scan3A_2635#2 {offsets = [1], sizes = [1], strides = [1]} : vector<16xi32> to vector<1xi32>
    %squeeze3A_2656 = vector.extract %slice3A_2655[0] : i32 from vector<1xi32>
    %add3A_2657 = arith.addi %add3A_2648, %squeeze3A_2656 : i32
    %slice3A_2658 = vector.extract_strided_slice %scan3A_2635#0 {offsets = [2], sizes = [1], strides = [1]} : vector<16xi32> to vector<1xi32>
    %squeeze3A_2659 = vector.extract %slice3A_2658[0] : i32 from vector<1xi32>
    %add3A_2660 = arith.addi %add3A_2651, %squeeze3A_2659 : i32
    %slice3A_2661 = vector.extract_strided_slice %scan3A_2635#1 {offsets = [2], sizes = [1], strides = [1]} : vector<16xi32> to vector<1xi32>
    %squeeze3A_2662 = vector.extract %slice3A_2661[0] : i32 from vector<1xi32>
    %add3A_2663 = arith.addi %add3A_2654, %squeeze3A_2662 : i32
    %slice3A_2664 = vector.extract_strided_slice %scan3A_2635#2 {offsets = [2], sizes = [1], strides = [1]} : vector<16xi32> to vector<1xi32>
    %squeeze3A_2665 = vector.extract %slice3A_2664[0] : i32 from vector<1xi32>
    %add3A_2666 = arith.addi %add3A_2657, %squeeze3A_2665 : i32
    %slice3A_2667 = vector.extract_strided_slice %scan3A_2635#0 {offsets = [3], sizes = [1], strides = [1]} : vector<16xi32> to vector<1xi32>
    %squeeze3A_2668 = vector.extract %slice3A_2667[0] : i32 from vector<1xi32>
    %add3A_2669 = arith.addi %add3A_2660, %squeeze3A_2668 : i32
    %slice3A_2670 = vector.extract_strided_slice %scan3A_2635#1 {offsets = [3], sizes = [1], strides = [1]} : vector<16xi32> to vector<1xi32>
    %squeeze3A_2671 = vector.extract %slice3A_2670[0] : i32 from vector<1xi32>
    %add3A_2672 = arith.addi %add3A_2663, %squeeze3A_2671 : i32
    %slice3A_2673 = vector.extract_strided_slice %scan3A_2635#2 {offsets = [3], sizes = [1], strides = [1]} : vector<16xi32> to vector<1xi32>
    %squeeze3A_2674 = vector.extract %slice3A_2673[0] : i32 from vector<1xi32>
    %add3A_2675 = arith.addi %add3A_2666, %squeeze3A_2674 : i32
    %slice3A_2676 = vector.extract_strided_slice %scan3A_2635#0 {offsets = [4], sizes = [1], strides = [1]} : vector<16xi32> to vector<1xi32>
    %squeeze3A_2677 = vector.extract %slice3A_2676[0] : i32 from vector<1xi32>
    %add3A_2678 = arith.addi %add3A_2669, %squeeze3A_2677 : i32
    %slice3A_2679 = vector.extract_strided_slice %scan3A_2635#1 {offsets = [4], sizes = [1], strides = [1]} : vector<16xi32> to vector<1xi32>
    %squeeze3A_2680 = vector.extract %slice3A_2679[0] : i32 from vector<1xi32>
    %add3A_2681 = arith.addi %add3A_2672, %squeeze3A_2680 : i32
    %slice3A_2682 = vector.extract_strided_slice %scan3A_2635#2 {offsets = [4], sizes = [1], strides = [1]} : vector<16xi32> to vector<1xi32>
    %squeeze3A_2683 = vector.extract %slice3A_2682[0] : i32 from vector<1xi32>
    %add3A_2684 = arith.addi %add3A_2675, %squeeze3A_2683 : i32
    %slice3A_2685 = vector.extract_strided_slice %scan3A_2635#0 {offsets = [5], sizes = [1], strides = [1]} : vector<16xi32> to vector<1xi32>
    %squeeze3A_2686 = vector.extract %slice3A_2685[0] : i32 from vector<1xi32>
    %add3A_2687 = arith.addi %add3A_2678, %squeeze3A_2686 : i32
    %slice3A_2688 = vector.extract_strided_slice %scan3A_2635#1 {offsets = [5], sizes = [1], strides = [1]} : vector<16xi32> to vector<1xi32>
    %squeeze3A_2689 = vector.extract %slice3A_2688[0] : i32 from vector<1xi32>
    %add3A_2690 = arith.addi %add3A_2681, %squeeze3A_2689 : i32
    %slice3A_2691 = vector.extract_strided_slice %scan3A_2635#2 {offsets = [5], sizes = [1], strides = [1]} : vector<16xi32> to vector<1xi32>
    %squeeze3A_2692 = vector.extract %slice3A_2691[0] : i32 from vector<1xi32>
    %add3A_2693 = arith.addi %add3A_2684, %squeeze3A_2692 : i32
    %slice3A_2694 = vector.extract_strided_slice %scan3A_2635#0 {offsets = [6], sizes = [1], strides = [1]} : vector<16xi32> to vector<1xi32>
    %squeeze3A_2695 = vector.extract %slice3A_2694[0] : i32 from vector<1xi32>
    %add3A_2696 = arith.addi %add3A_2687, %squeeze3A_2695 : i32
    %slice3A_2697 = vector.extract_strided_slice %scan3A_2635#1 {offsets = [6], sizes = [1], strides = [1]} : vector<16xi32> to vector<1xi32>
    %squeeze3A_2698 = vector.extract %slice3A_2697[0] : i32 from vector<1xi32>
    %add3A_2699 = arith.addi %add3A_2690, %squeeze3A_2698 : i32
    %slice3A_2700 = vector.extract_strided_slice %scan3A_2635#2 {offsets = [6], sizes = [1], strides = [1]} : vector<16xi32> to vector<1xi32>
    %squeeze3A_2701 = vector.extract %slice3A_2700[0] : i32 from vector<1xi32>
    %add3A_2702 = arith.addi %add3A_2693, %squeeze3A_2701 : i32
    %slice3A_2703 = vector.extract_strided_slice %scan3A_2635#0 {offsets = [7], sizes = [1], strides = [1]} : vector<16xi32> to vector<1xi32>
    %squeeze3A_2704 = vector.extract %slice3A_2703[0] : i32 from vector<1xi32>
    %add3A_2705 = arith.addi %add3A_2696, %squeeze3A_2704 : i32
    %slice3A_2706 = vector.extract_strided_slice %scan3A_2635#1 {offsets = [7], sizes = [1], strides = [1]} : vector<16xi32> to vector<1xi32>
    %squeeze3A_2707 = vector.extract %slice3A_2706[0] : i32 from vector<1xi32>
    %add3A_2708 = arith.addi %add3A_2699, %squeeze3A_2707 : i32
    %slice3A_2709 = vector.extract_strided_slice %scan3A_2635#2 {offsets = [7], sizes = [1], strides = [1]} : vector<16xi32> to vector<1xi32>
    %squeeze3A_2710 = vector.extract %slice3A_2709[0] : i32 from vector<1xi32>
    %add3A_2711 = arith.addi %add3A_2702, %squeeze3A_2710 : i32
    %slice3A_2712 = vector.extract_strided_slice %scan3A_2635#0 {offsets = [8], sizes = [1], strides = [1]} : vector<16xi32> to vector<1xi32>
    %squeeze3A_2713 = vector.extract %slice3A_2712[0] : i32 from vector<1xi32>
    %add3A_2714 = arith.addi %add3A_2705, %squeeze3A_2713 : i32
    %slice3A_2715 = vector.extract_strided_slice %scan3A_2635#1 {offsets = [8], sizes = [1], strides = [1]} : vector<16xi32> to vector<1xi32>
    %squeeze3A_2716 = vector.extract %slice3A_2715[0] : i32 from vector<1xi32>
    %add3A_2717 = arith.addi %add3A_2708, %squeeze3A_2716 : i32
    %slice3A_2718 = vector.extract_strided_slice %scan3A_2635#2 {offsets = [8], sizes = [1], strides = [1]} : vector<16xi32> to vector<1xi32>
    %squeeze3A_2719 = vector.extract %slice3A_2718[0] : i32 from vector<1xi32>
    %add3A_2720 = arith.addi %add3A_2711, %squeeze3A_2719 : i32
    %slice3A_2721 = vector.extract_strided_slice %scan3A_2635#0 {offsets = [9], sizes = [1], strides = [1]} : vector<16xi32> to vector<1xi32>
    %squeeze3A_2722 = vector.extract %slice3A_2721[0] : i32 from vector<1xi32>
    %add3A_2723 = arith.addi %add3A_2714, %squeeze3A_2722 : i32
    %slice3A_2724 = vector.extract_strided_slice %scan3A_2635#1 {offsets = [9], sizes = [1], strides = [1]} : vector<16xi32> to vector<1xi32>
    %squeeze3A_2725 = vector.extract %slice3A_2724[0] : i32 from vector<1xi32>
    %add3A_2726 = arith.addi %add3A_2717, %squeeze3A_2725 : i32
    %slice3A_2727 = vector.extract_strided_slice %scan3A_2635#2 {offsets = [9], sizes = [1], strides = [1]} : vector<16xi32> to vector<1xi32>
    %squeeze3A_2728 = vector.extract %slice3A_2727[0] : i32 from vector<1xi32>
    %add3A_2729 = arith.addi %add3A_2720, %squeeze3A_2728 : i32
    %slice3A_2730 = vector.extract_strided_slice %scan3A_2635#0 {offsets = [10], sizes = [1], strides = [1]} : vector<16xi32> to vector<1xi32>
    %squeeze3A_2731 = vector.extract %slice3A_2730[0] : i32 from vector<1xi32>
    %add3A_2732 = arith.addi %add3A_2723, %squeeze3A_2731 : i32
    %slice3A_2733 = vector.extract_strided_slice %scan3A_2635#1 {offsets = [10], sizes = [1], strides = [1]} : vector<16xi32> to vector<1xi32>
    %squeeze3A_2734 = vector.extract %slice3A_2733[0] : i32 from vector<1xi32>
    %add3A_2735 = arith.addi %add3A_2726, %squeeze3A_2734 : i32
    %slice3A_2736 = vector.extract_strided_slice %scan3A_2635#2 {offsets = [10], sizes = [1], strides = [1]} : vector<16xi32> to vector<1xi32>
    %squeeze3A_2737 = vector.extract %slice3A_2736[0] : i32 from vector<1xi32>
    %add3A_2738 = arith.addi %add3A_2729, %squeeze3A_2737 : i32
    %slice3A_2739 = vector.extract_strided_slice %scan3A_2635#0 {offsets = [11], sizes = [1], strides = [1]} : vector<16xi32> to vector<1xi32>
    %squeeze3A_2740 = vector.extract %slice3A_2739[0] : i32 from vector<1xi32>
    %add3A_2741 = arith.addi %add3A_2732, %squeeze3A_2740 : i32
    %slice3A_2742 = vector.extract_strided_slice %scan3A_2635#1 {offsets = [11], sizes = [1], strides = [1]} : vector<16xi32> to vector<1xi32>
    %squeeze3A_2743 = vector.extract %slice3A_2742[0] : i32 from vector<1xi32>
    %add3A_2744 = arith.addi %add3A_2735, %squeeze3A_2743 : i32
    %slice3A_2745 = vector.extract_strided_slice %scan3A_2635#2 {offsets = [11], sizes = [1], strides = [1]} : vector<16xi32> to vector<1xi32>
    %squeeze3A_2746 = vector.extract %slice3A_2745[0] : i32 from vector<1xi32>
    %add3A_2747 = arith.addi %add3A_2738, %squeeze3A_2746 : i32
    %slice3A_2748 = vector.extract_strided_slice %scan3A_2635#0 {offsets = [12], sizes = [1], strides = [1]} : vector<16xi32> to vector<1xi32>
    %squeeze3A_2749 = vector.extract %slice3A_2748[0] : i32 from vector<1xi32>
    %add3A_2750 = arith.addi %add3A_2741, %squeeze3A_2749 : i32
    %slice3A_2751 = vector.extract_strided_slice %scan3A_2635#1 {offsets = [12], sizes = [1], strides = [1]} : vector<16xi32> to vector<1xi32>
    %squeeze3A_2752 = vector.extract %slice3A_2751[0] : i32 from vector<1xi32>
    %add3A_2753 = arith.addi %add3A_2744, %squeeze3A_2752 : i32
    %slice3A_2754 = vector.extract_strided_slice %scan3A_2635#2 {offsets = [12], sizes = [1], strides = [1]} : vector<16xi32> to vector<1xi32>
    %squeeze3A_2755 = vector.extract %slice3A_2754[0] : i32 from vector<1xi32>
    %add3A_2756 = arith.addi %add3A_2747, %squeeze3A_2755 : i32
    %slice3A_2757 = vector.extract_strided_slice %scan3A_2635#0 {offsets = [13], sizes = [1], strides = [1]} : vector<16xi32> to vector<1xi32>
    %squeeze3A_2758 = vector.extract %slice3A_2757[0] : i32 from vector<1xi32>
    %add3A_2759 = arith.addi %add3A_2750, %squeeze3A_2758 : i32
    %slice3A_2760 = vector.extract_strided_slice %scan3A_2635#1 {offsets = [13], sizes = [1], strides = [1]} : vector<16xi32> to vector<1xi32>
    %squeeze3A_2761 = vector.extract %slice3A_2760[0] : i32 from vector<1xi32>
    %add3A_2762 = arith.addi %add3A_2753, %squeeze3A_2761 : i32
    %slice3A_2763 = vector.extract_strided_slice %scan3A_2635#2 {offsets = [13], sizes = [1], strides = [1]} : vector<16xi32> to vector<1xi32>
    %squeeze3A_2764 = vector.extract %slice3A_2763[0] : i32 from vector<1xi32>
    %add3A_2765 = arith.addi %add3A_2756, %squeeze3A_2764 : i32
    %slice3A_2766 = vector.extract_strided_slice %scan3A_2635#0 {offsets = [14], sizes = [1], strides = [1]} : vector<16xi32> to vector<1xi32>
    %squeeze3A_2767 = vector.extract %slice3A_2766[0] : i32 from vector<1xi32>
    %add3A_2768 = arith.addi %add3A_2759, %squeeze3A_2767 : i32
    %slice3A_2769 = vector.extract_strided_slice %scan3A_2635#1 {offsets = [14], sizes = [1], strides = [1]} : vector<16xi32> to vector<1xi32>
    %squeeze3A_2770 = vector.extract %slice3A_2769[0] : i32 from vector<1xi32>
    %add3A_2771 = arith.addi %add3A_2762, %squeeze3A_2770 : i32
    %slice3A_2772 = vector.extract_strided_slice %scan3A_2635#2 {offsets = [14], sizes = [1], strides = [1]} : vector<16xi32> to vector<1xi32>
    %squeeze3A_2773 = vector.extract %slice3A_2772[0] : i32 from vector<1xi32>
    %add3A_2774 = arith.addi %add3A_2765, %squeeze3A_2773 : i32
    %slice3A_2775 = vector.extract_strided_slice %scan3A_2635#0 {offsets = [15], sizes = [1], strides = [1]} : vector<16xi32> to vector<1xi32>
    %squeeze3A_2776 = vector.extract %slice3A_2775[0] : i32 from vector<1xi32>
    %add3A_2777 = arith.addi %add3A_2768, %squeeze3A_2776 : i32
    %slice3A_2778 = vector.extract_strided_slice %scan3A_2635#1 {offsets = [15], sizes = [1], strides = [1]} : vector<16xi32> to vector<1xi32>
    %squeeze3A_2779 = vector.extract %slice3A_2778[0] : i32 from vector<1xi32>
    %add3A_2780 = arith.addi %add3A_2771, %squeeze3A_2779 : i32
    %slice3A_2781 = vector.extract_strided_slice %scan3A_2635#2 {offsets = [15], sizes = [1], strides = [1]} : vector<16xi32> to vector<1xi32>
    %squeeze3A_2782 = vector.extract %slice3A_2781[0] : i32 from vector<1xi32>
    %add3A_2783 = arith.addi %add3A_2774, %squeeze3A_2782 : i32
    %ge3A_2784 = arith.constant 4096 : i32
    %ge3A_2785 = arith.cmpi sge, %add3A_2777, %ge3A_2784 : i32
    %ge3A_2786 = arith.constant 4096 : i32
    %ge3A_2787 = arith.cmpi sge, %add3A_2783, %ge3A_2786 : i32
    %select_n3A_2788 = arith.select %ge3A_2787, %or3A_2626, %or3A_2624 : i32
    %ge3A_2789 = arith.constant 4096 : i32
    %ge3A_2790 = arith.cmpi sge, %add3A_2780, %ge3A_2789 : i32
    %select_n3A_2791 = arith.select %ge3A_2790, %or3A_2625, %select_n3A_2617 : i32
    %select_n3A_2792 = arith.select %ge3A_2785, %select_n3A_2788, %select_n3A_2791 : i32
    %broadcast_in_dim3A_2793 = arith.constant 0 : i32
    %broadcast_in_dim3A_2794 = vector.broadcast %broadcast_in_dim3A_2793 : i32 to vector<16xi32>
    %add3A_2795 = vector.broadcast %select_n3A_2792 : i32 to vector<16xi32>
    %add3A_2796 = arith.addi %broadcast_in_dim3A_2794, %add3A_2795 : vector<16xi32>
    %swap3A = arith.constant 0 : index
    %swap3A_2797 = tpu.vector_load %arg5[%swap3A] {strides = array<i32>} : memref<16xi32, #tpu.memory_space<vmem>>, vector<16xi32>,
    %swap3A_2798 = vector.shape_cast %swap3A_2797 : vector<16xi32> to vector<16xi32>
    %swap3A_2799 = vector.shape_cast %add3A_2796 : vector<16xi32> to vector<16xi32>
    tpu.vector_store %arg5[%swap3A], %swap3A_2799 {strides = array<i32>} : memref<16xi32, #tpu.memory_space<vmem>>, vector<16xi32>,
    "tpu.region"() ({
      %run_scoped3A = tpu.sem_alloc : memref<!tpu.dma_semaphore, #tpu.memory_space<semaphore_mem>>
      %dma_start3A = arith.constant 0 : i32
      %dma_start3A_2800 = tpu.memref_slice %arg3[%add3A, %dma_start3A] : memref<32x16xi32, #tpu.memory_space<hbm>> -> memref<1x16xi32, #tpu.memory_space<hbm>>
      %dma_start3A_2801 = tpu.memref_squeeze %dma_start3A_2800 : memref<1x16xi32, #tpu.memory_space<hbm>> -> memref<16xi32, #tpu.memory_space<hbm>>
      %dma_start3A_2802 = arith.constant 0 : i32
      %dma_start3A_2803 = tpu.memref_slice %arg3[%add3A, %dma_start3A_2802] : memref<32x16xi32, #tpu.memory_space<hbm>> -> memref<1x16xi32, #tpu.memory_space<hbm>>
      %dma_start3A_2804 = tpu.memref_squeeze %dma_start3A_2803 : memref<1x16xi32, #tpu.memory_space<hbm>> -> memref<16xi32, #tpu.memory_space<hbm>>
      tpu.enqueue_dma source(%arg5 : memref<16xi32, #tpu.memory_space<vmem>>) target(%dma_start3A_2804 : memref<16xi32, #tpu.memory_space<hbm>>) target_semaphore(%run_scoped3A : memref<!tpu.dma_semaphore, #tpu.memory_space<semaphore_mem>>)
      %dma_wait3A = arith.constant 0 : i32
      %dma_wait3A_2805 = tpu.memref_slice %arg3[%add3A, %dma_wait3A] : memref<32x16xi32, #tpu.memory_space<hbm>> -> memref<1x16xi32, #tpu.memory_space<hbm>>
      %dma_wait3A_2806 = tpu.memref_squeeze %dma_wait3A_2805 : memref<1x16xi32, #tpu.memory_space<hbm>> -> memref<16xi32, #tpu.memory_space<hbm>>
      %dma_wait3A_2807 = arith.constant 0 : i32
      %dma_wait3A_2808 = tpu.memref_slice %arg3[%add3A, %dma_wait3A_2807] : memref<32x16xi32, #tpu.memory_space<hbm>> -> memref<1x16xi32, #tpu.memory_space<hbm>>
      %dma_wait3A_2809 = tpu.memref_squeeze %dma_wait3A_2808 : memref<1x16xi32, #tpu.memory_space<hbm>> -> memref<16xi32, #tpu.memory_space<hbm>>
      tpu.wait_dma2 semaphore(%run_scoped3A : memref<!tpu.dma_semaphore, #tpu.memory_space<semaphore_mem>>) src(%arg5 : memref<16xi32, #tpu.memory_space<vmem>>) dst(%dma_wait3A_2809 : memref<16xi32, #tpu.memory_space<hbm>>)
      tpu.yield
    }) : () -> ()
    return
  }
}

module attributes {stable_mosaic.version = 14 : i64} {
  func.func @_transform_body(%arg0: memref<32x8192xf32, #tpu.memory_space<vmem>>, %arg1: memref<32x8192xi32, #tpu.memory_space<vmem>>, %arg2: memref<32x16xi32, #tpu.memory_space<vmem>>, %arg3: memref<8192x256xf32, #tpu.memory_space<vmem>>, %arg4: memref<1x256xf32, #tpu.memory_space<vmem>>, %arg5: memref<1x256xf32, #tpu.memory_space<vmem>>, %arg6: memref<1x256xf32, #tpu.memory_space<vmem>>, %arg7: memref<32x256xf32, #tpu.memory_space<vmem>>, %arg8: memref<32x8192xf32, #tpu.memory_space<vmem>>) attributes {dimension_semantics = [], scalar_prefetch = 0 : i64, scratch_operands = 0 : i64, tpu.core_type = #tpu.core_type<tc>} {
    %get3A = arith.constant 0 : index
    %get3A_0 = arith.constant 0 : index
    %get3A_1 = vector.load %arg1[%get3A, %get3A_0] : memref<32x8192xi32, #tpu.memory_space<vmem>>, vector<32x8192xi32>
    %get3A_2 = arith.constant 0 : index
    %get3A_3 = arith.constant 0 : index
    %get3A_4 = vector.load %arg2[%get3A_2, %get3A_3] : memref<32x16xi32, #tpu.memory_space<vmem>>, vector<32x16xi32>
    %slice3A = vector.extract_strided_slice %get3A_4 {offsets = [0, 0], sizes = [32, 1], strides = [1, 1]} : vector<32x16xi32> to vector<32x1xi32>
    %ge3A = vector.broadcast %slice3A : vector<32x1xi32> to vector<32x8192xi32>
    %ge3A_5 = arith.cmpi sge, %get3A_1, %ge3A : vector<32x8192xi32>
    %convert_element_type3A = arith.extui %ge3A_5 : vector<32x8192xi1> to vector<32x8192xi32>
    %convert_element_type3A_6 = arith.sitofp %convert_element_type3A : vector<32x8192xi32> to vector<32x8192xf32>
    %swap3A = arith.constant 0 : index
    %swap3A_7 = arith.constant 0 : index
    %swap3A_8 = vector.load %arg8[%swap3A, %swap3A_7] : memref<32x8192xf32, #tpu.memory_space<vmem>>, vector<32x8192xf32>
    tpu.vector_store %arg8[%swap3A, %swap3A_7], %convert_element_type3A_6 {strides = array<i32>} : memref<32x8192xf32, #tpu.memory_space<vmem>>, vector<32x8192xf32>,
    %get3A_9 = arith.constant 0 : index
    %get3A_10 = arith.constant 0 : index
    %get3A_11 = vector.load %arg0[%get3A_9, %get3A_10] : memref<32x8192xf32, #tpu.memory_space<vmem>>, vector<32x8192xf32>
    %mul3A = arith.mulf %get3A_11, %convert_element_type3A_6 : vector<32x8192xf32>
    %get3A_12 = arith.constant 0 : index
    %get3A_13 = arith.constant 0 : index
    %get3A_14 = vector.load %arg3[%get3A_12, %get3A_13] : memref<8192x256xf32, #tpu.memory_space<vmem>>, vector<8192x256xf32>
    %dot_general3A = arith.constant dense<0.000000e+00> : vector<32x256xf32>
    %dot_general3A_15 = tpu.matmul %mul3A, %get3A_14, %dot_general3A {dimension_numbers = #tpu.dot_dimension_numbers<[1], [0], [0], [1], [0, 0, 1, 1], [], []>, transpose_lhs_hint = false} : vector<32x8192xf32>, vector<8192x256xf32>, vector<32x256xf32> -> vector<32x256xf32>
    %get3A_16 = arith.constant 0 : index
    %get3A_17 = arith.constant 0 : index
    %get3A_18 = vector.load %arg4[%get3A_16, %get3A_17] : memref<1x256xf32, #tpu.memory_space<vmem>>, vector<1x256xf32>
    %add3A = vector.broadcast %get3A_18 : vector<1x256xf32> to vector<32x256xf32>
    %add3A_19 = arith.addf %dot_general3A_15, %add3A : vector<32x256xf32>
    %reduce_sum3A = arith.constant dense<0.000000e+00> : vector<32xf32>
    %reduce_sum3A_20 = vector.multi_reduction <add>, %add3A_19, %reduce_sum3A [1] : vector<32x256xf32> to vector<32xf32>
    %broadcast_in_dim3A = vector.shape_cast %reduce_sum3A_20 : vector<32xf32> to vector<32x1xf32>
    %div3A = arith.constant 2.560000e+02 : f32
    %div3A_21 = vector.broadcast %div3A : f32 to vector<32x1xf32>
    %div3A_22 = arith.divf %broadcast_in_dim3A, %div3A_21 : vector<32x1xf32>
    %sub3A = vector.broadcast %div3A_22 : vector<32x1xf32> to vector<32x256xf32>
    %sub3A_23 = arith.subf %add3A_19, %sub3A : vector<32x256xf32>
    %integer_pow3A = arith.mulf %sub3A_23, %sub3A_23 : vector<32x256xf32>
    %reduce_sum3A_24 = arith.constant dense<0.000000e+00> : vector<32xf32>
    %reduce_sum3A_25 = vector.multi_reduction <add>, %integer_pow3A, %reduce_sum3A_24 [1] : vector<32x256xf32> to vector<32xf32>
    %broadcast_in_dim3A_26 = vector.shape_cast %reduce_sum3A_25 : vector<32xf32> to vector<32x1xf32>
    %div3A_27 = arith.constant 2.560000e+02 : f32
    %div3A_28 = vector.broadcast %div3A_27 : f32 to vector<32x1xf32>
    %div3A_29 = arith.divf %broadcast_in_dim3A_26, %div3A_28 : vector<32x1xf32>
    %sub3A_30 = vector.broadcast %div3A_22 : vector<32x1xf32> to vector<32x256xf32>
    %sub3A_31 = arith.subf %add3A_19, %sub3A_30 : vector<32x256xf32>
    %add3A_32 = arith.constant 9.99999974E-6 : f32
    %add3A_33 = vector.broadcast %add3A_32 : f32 to vector<32x1xf32>
    %add3A_34 = arith.addf %div3A_29, %add3A_33 : vector<32x1xf32>
    %rsqrt3A = math.rsqrt %add3A_34 : vector<32x1xf32>
    %mul3A_35 = vector.broadcast %rsqrt3A : vector<32x1xf32> to vector<32x256xf32>
    %mul3A_36 = arith.mulf %sub3A_31, %mul3A_35 : vector<32x256xf32>
    %get3A_37 = arith.constant 0 : index
    %get3A_38 = arith.constant 0 : index
    %get3A_39 = vector.load %arg5[%get3A_37, %get3A_38] : memref<1x256xf32, #tpu.memory_space<vmem>>, vector<1x256xf32>
    %mul3A_40 = vector.broadcast %get3A_39 : vector<1x256xf32> to vector<32x256xf32>
    %mul3A_41 = arith.mulf %mul3A_36, %mul3A_40 : vector<32x256xf32>
    %get3A_42 = arith.constant 0 : index
    %get3A_43 = arith.constant 0 : index
    %get3A_44 = vector.load %arg6[%get3A_42, %get3A_43] : memref<1x256xf32, #tpu.memory_space<vmem>>, vector<1x256xf32>
    %add3A_45 = vector.broadcast %get3A_44 : vector<1x256xf32> to vector<32x256xf32>
    %add3A_46 = arith.addf %mul3A_41, %add3A_45 : vector<32x256xf32>
    %max3A = arith.constant 0.000000e+00 : f32
    %max3A_47 = vector.broadcast %max3A : f32 to vector<32x256xf32>
    %max3A_48 = arith.maximumf %add3A_46, %max3A_47 : vector<32x256xf32>
    %swap3A_49 = arith.constant 0 : index
    %swap3A_50 = arith.constant 0 : index
    %swap3A_51 = vector.load %arg7[%swap3A_49, %swap3A_50] : memref<32x256xf32, #tpu.memory_space<vmem>>, vector<32x256xf32>
    tpu.vector_store %arg7[%swap3A_49, %swap3A_50], %max3A_48 {strides = array<i32>} : memref<32x256xf32, #tpu.memory_space<vmem>>, vector<32x256xf32>,
    return
  }
}

module attributes {stable_mosaic.version = 14 : i64} {
  func.func @_score_body(%arg0: memref<32x8192xf32, #tpu.memory_space<vmem>>, %arg1: memref<8192x256xf32, #tpu.memory_space<vmem>>, %arg2: memref<1x256xf32, #tpu.memory_space<vmem>>, %arg3: memref<1x256xf32, #tpu.memory_space<vmem>>, %arg4: memref<1x256xf32, #tpu.memory_space<vmem>>, %arg5: memref<256x128xf32, #tpu.memory_space<vmem>>, %arg6: memref<1x128xf32, #tpu.memory_space<vmem>>, %arg7: memref<128x8192xf32, #tpu.memory_space<vmem>>, %arg8: memref<1x8192xf32, #tpu.memory_space<vmem>>, %arg9: memref<8192x256xf32, #tpu.memory_space<vmem>>, %arg10: memref<1x256xf32, #tpu.memory_space<vmem>>, %arg11: memref<256x8192xf32, #tpu.memory_space<vmem>>, %arg12: memref<1x8192xf32, #tpu.memory_space<vmem>>, %arg13: memref<32x8192xi32, #tpu.memory_space<vmem>>) attributes {dimension_semantics = [], scalar_prefetch = 0 : i64, scratch_operands = 0 : i64, tpu.core_type = #tpu.core_type<tc>} {
    %get3A = arith.constant 0 : index
    %get3A_0 = arith.constant 0 : index
    %get3A_1 = vector.load %arg0[%get3A, %get3A_0] : memref<32x8192xf32, #tpu.memory_space<vmem>>, vector<32x8192xf32>
    %get3A_2 = arith.constant 0 : index
    %get3A_3 = arith.constant 0 : index
    %get3A_4 = vector.load %arg1[%get3A_2, %get3A_3] : memref<8192x256xf32, #tpu.memory_space<vmem>>, vector<8192x256xf32>
    %dot_general3A = arith.constant dense<0.000000e+00> : vector<32x256xf32>
    %dot_general3A_5 = tpu.matmul %get3A_1, %get3A_4, %dot_general3A {dimension_numbers = #tpu.dot_dimension_numbers<[1], [0], [0], [1], [0, 0, 1, 1], [], []>, transpose_lhs_hint = false} : vector<32x8192xf32>, vector<8192x256xf32>, vector<32x256xf32> -> vector<32x256xf32>
    %get3A_6 = arith.constant 0 : index
    %get3A_7 = arith.constant 0 : index
    %get3A_8 = vector.load %arg2[%get3A_6, %get3A_7] : memref<1x256xf32, #tpu.memory_space<vmem>>, vector<1x256xf32>
    %add3A = vector.broadcast %get3A_8 : vector<1x256xf32> to vector<32x256xf32>
    %add3A_9 = arith.addf %dot_general3A_5, %add3A : vector<32x256xf32>
    %reduce_sum3A = arith.constant dense<0.000000e+00> : vector<32xf32>
    %reduce_sum3A_10 = vector.multi_reduction <add>, %add3A_9, %reduce_sum3A [1] : vector<32x256xf32> to vector<32xf32>
    %broadcast_in_dim3A = vector.shape_cast %reduce_sum3A_10 : vector<32xf32> to vector<32x1xf32>
    %div3A = arith.constant 2.560000e+02 : f32
    %div3A_11 = vector.broadcast %div3A : f32 to vector<32x1xf32>
    %div3A_12 = arith.divf %broadcast_in_dim3A, %div3A_11 : vector<32x1xf32>
    %sub3A = vector.broadcast %div3A_12 : vector<32x1xf32> to vector<32x256xf32>
    %sub3A_13 = arith.subf %add3A_9, %sub3A : vector<32x256xf32>
    %integer_pow3A = arith.mulf %sub3A_13, %sub3A_13 : vector<32x256xf32>
    %reduce_sum3A_14 = arith.constant dense<0.000000e+00> : vector<32xf32>
    %reduce_sum3A_15 = vector.multi_reduction <add>, %integer_pow3A, %reduce_sum3A_14 [1] : vector<32x256xf32> to vector<32xf32>
    %broadcast_in_dim3A_16 = vector.shape_cast %reduce_sum3A_15 : vector<32xf32> to vector<32x1xf32>
    %div3A_17 = arith.constant 2.560000e+02 : f32
    %div3A_18 = vector.broadcast %div3A_17 : f32 to vector<32x1xf32>
    %div3A_19 = arith.divf %broadcast_in_dim3A_16, %div3A_18 : vector<32x1xf32>
    %sub3A_20 = vector.broadcast %div3A_12 : vector<32x1xf32> to vector<32x256xf32>
    %sub3A_21 = arith.subf %add3A_9, %sub3A_20 : vector<32x256xf32>
    %add3A_22 = arith.constant 9.99999974E-6 : f32
    %add3A_23 = vector.broadcast %add3A_22 : f32 to vector<32x1xf32>
    %add3A_24 = arith.addf %div3A_19, %add3A_23 : vector<32x1xf32>
    %rsqrt3A = math.rsqrt %add3A_24 : vector<32x1xf32>
    %mul3A = vector.broadcast %rsqrt3A : vector<32x1xf32> to vector<32x256xf32>
    %mul3A_25 = arith.mulf %sub3A_21, %mul3A : vector<32x256xf32>
    %get3A_26 = arith.constant 0 : index
    %get3A_27 = arith.constant 0 : index
    %get3A_28 = vector.load %arg3[%get3A_26, %get3A_27] : memref<1x256xf32, #tpu.memory_space<vmem>>, vector<1x256xf32>
    %mul3A_29 = vector.broadcast %get3A_28 : vector<1x256xf32> to vector<32x256xf32>
    %mul3A_30 = arith.mulf %mul3A_25, %mul3A_29 : vector<32x256xf32>
    %get3A_31 = arith.constant 0 : index
    %get3A_32 = arith.constant 0 : index
    %get3A_33 = vector.load %arg4[%get3A_31, %get3A_32] : memref<1x256xf32, #tpu.memory_space<vmem>>, vector<1x256xf32>
    %add3A_34 = vector.broadcast %get3A_33 : vector<1x256xf32> to vector<32x256xf32>
    %add3A_35 = arith.addf %mul3A_30, %add3A_34 : vector<32x256xf32>
    %max3A = arith.constant 0.000000e+00 : f32
    %max3A_36 = vector.broadcast %max3A : f32 to vector<32x256xf32>
    %max3A_37 = arith.maximumf %add3A_35, %max3A_36 : vector<32x256xf32>
    %get3A_38 = arith.constant 0 : index
    %get3A_39 = arith.constant 0 : index
    %get3A_40 = vector.load %arg5[%get3A_38, %get3A_39] : memref<256x128xf32, #tpu.memory_space<vmem>>, vector<256x128xf32>
    %dot_general3A_41 = arith.constant dense<0.000000e+00> : vector<32x128xf32>
    %dot_general3A_42 = tpu.matmul %max3A_37, %get3A_40, %dot_general3A_41 {dimension_numbers = #tpu.dot_dimension_numbers<[1], [0], [0], [1], [0, 0, 1, 1], [], []>, transpose_lhs_hint = false} : vector<32x256xf32>, vector<256x128xf32>, vector<32x128xf32> -> vector<32x128xf32>
    %get3A_43 = arith.constant 0 : index
    %get3A_44 = arith.constant 0 : index
    %get3A_45 = vector.load %arg6[%get3A_43, %get3A_44] : memref<1x128xf32, #tpu.memory_space<vmem>>, vector<1x128xf32>
    %add3A_46 = vector.broadcast %get3A_45 : vector<1x128xf32> to vector<32x128xf32>
    %add3A_47 = arith.addf %dot_general3A_42, %add3A_46 : vector<32x128xf32>
    %max3A_48 = arith.constant 0.000000e+00 : f32
    %max3A_49 = vector.broadcast %max3A_48 : f32 to vector<32x128xf32>
    %max3A_50 = arith.maximumf %add3A_47, %max3A_49 : vector<32x128xf32>
    %get3A_51 = arith.constant 0 : index
    %get3A_52 = arith.constant 0 : index
    %get3A_53 = vector.load %arg7[%get3A_51, %get3A_52] : memref<128x8192xf32, #tpu.memory_space<vmem>>, vector<128x8192xf32>
    %dot_general3A_54 = arith.constant dense<0.000000e+00> : vector<32x8192xf32>
    %dot_general3A_55 = tpu.matmul %max3A_50, %get3A_53, %dot_general3A_54 {dimension_numbers = #tpu.dot_dimension_numbers<[1], [0], [0], [1], [0, 0, 1, 1], [], []>, transpose_lhs_hint = false} : vector<32x128xf32>, vector<128x8192xf32>, vector<32x8192xf32> -> vector<32x8192xf32>
    %get3A_56 = arith.constant 0 : index
    %get3A_57 = arith.constant 0 : index
    %get3A_58 = vector.load %arg8[%get3A_56, %get3A_57] : memref<1x8192xf32, #tpu.memory_space<vmem>>, vector<1x8192xf32>
    %add3A_59 = vector.broadcast %get3A_58 : vector<1x8192xf32> to vector<32x8192xf32>
    %add3A_60 = arith.addf %dot_general3A_55, %add3A_59 : vector<32x8192xf32>
    %get3A_61 = arith.constant 0 : index
    %get3A_62 = arith.constant 0 : index
    %get3A_63 = vector.load %arg9[%get3A_61, %get3A_62] : memref<8192x256xf32, #tpu.memory_space<vmem>>, vector<8192x256xf32>
    %dot_general3A_64 = arith.constant dense<0.000000e+00> : vector<32x256xf32>
    %dot_general3A_65 = tpu.matmul %get3A_1, %get3A_63, %dot_general3A_64 {dimension_numbers = #tpu.dot_dimension_numbers<[1], [0], [0], [1], [0, 0, 1, 1], [], []>, transpose_lhs_hint = false} : vector<32x8192xf32>, vector<8192x256xf32>, vector<32x256xf32> -> vector<32x256xf32>
    %get3A_66 = arith.constant 0 : index
    %get3A_67 = arith.constant 0 : index
    %get3A_68 = vector.load %arg10[%get3A_66, %get3A_67] : memref<1x256xf32, #tpu.memory_space<vmem>>, vector<1x256xf32>
    %add3A_69 = vector.broadcast %get3A_68 : vector<1x256xf32> to vector<32x256xf32>
    %add3A_70 = arith.addf %dot_general3A_65, %add3A_69 : vector<32x256xf32>
    %max3A_71 = arith.constant 0.000000e+00 : f32
    %max3A_72 = vector.broadcast %max3A_71 : f32 to vector<32x256xf32>
    %max3A_73 = arith.maximumf %add3A_70, %max3A_72 : vector<32x256xf32>
    %get3A_74 = arith.constant 0 : index
    %get3A_75 = arith.constant 0 : index
    %get3A_76 = vector.load %arg11[%get3A_74, %get3A_75] : memref<256x8192xf32, #tpu.memory_space<vmem>>, vector<256x8192xf32>
    %dot_general3A_77 = arith.constant dense<0.000000e+00> : vector<32x8192xf32>
    %dot_general3A_78 = tpu.matmul %max3A_73, %get3A_76, %dot_general3A_77 {dimension_numbers = #tpu.dot_dimension_numbers<[1], [0], [0], [1], [0, 0, 1, 1], [], []>, transpose_lhs_hint = false} : vector<32x256xf32>, vector<256x8192xf32>, vector<32x8192xf32> -> vector<32x8192xf32>
    %get3A_79 = arith.constant 0 : index
    %get3A_80 = arith.constant 0 : index
    %get3A_81 = vector.load %arg12[%get3A_79, %get3A_80] : memref<1x8192xf32, #tpu.memory_space<vmem>>, vector<1x8192xf32>
    %add3A_82 = vector.broadcast %get3A_81 : vector<1x8192xf32> to vector<32x8192xf32>
    %add3A_83 = arith.addf %dot_general3A_78, %add3A_82 : vector<32x8192xf32>
    %neg3A = arith.constant 0.000000e+00 : f32
    %neg3A_84 = vector.broadcast %neg3A : f32 to vector<32x8192xf32>
    %neg3A_85 = arith.subf %neg3A_84, %add3A_83 : vector<32x8192xf32>
    %exp3A = math.exp %neg3A_85 : vector<32x8192xf32>
    %add3A_86 = arith.constant 1.000000e+00 : f32
    %add3A_87 = vector.broadcast %add3A_86 : f32 to vector<32x8192xf32>
    %add3A_88 = arith.addf %add3A_87, %exp3A : vector<32x8192xf32>
    %div3A_89 = arith.constant 1.000000e+00 : f32
    %div3A_90 = vector.broadcast %div3A_89 : f32 to vector<32x8192xf32>
    %div3A_91 = arith.divf %div3A_90, %add3A_88 : vector<32x8192xf32>
    %mul3A_92 = arith.mulf %add3A_60, %div3A_91 : vector<32x8192xf32>
    %bitcast_convert_type3A = tpu.bitcast %mul3A_92 : vector<32x8192xf32> -> vector<32x8192xi32>
    %ge3A = arith.constant 0 : i32
    %ge3A_93 = vector.broadcast %ge3A : i32 to vector<32x8192xi32>
    %ge3A_94 = arith.cmpi sge, %bitcast_convert_type3A, %ge3A_93 : vector<32x8192xi32>
    %xor3A = arith.constant 2147483647 : i32
    %xor3A_95 = vector.broadcast %xor3A : i32 to vector<32x8192xi32>
    %xor3A_96 = arith.xori %bitcast_convert_type3A, %xor3A_95 : vector<32x8192xi32>
    %select_n3A = arith.select %ge3A_94, %bitcast_convert_type3A, %xor3A_96 : vector<32x8192xi1>, vector<32x8192xi32>
    %swap3A = arith.constant 0 : index
    %swap3A_97 = arith.constant 0 : index
    %swap3A_98 = vector.load %arg13[%swap3A, %swap3A_97] : memref<32x8192xi32, #tpu.memory_space<vmem>>, vector<32x8192xi32>
    tpu.vector_store %arg13[%swap3A, %swap3A_97], %select_n3A {strides = array<i32>} : memref<32x8192xi32, #tpu.memory_space<vmem>>, vector<32x8192xi32>,
    return
  }
}

</mosaic_0001>

<sc_bundles>
// kernel: _run.5.cloned.1.call-start
scs
__scs_entry_jumppad:
0x0: {  	(pc) =	sbr.rel $0x88, $3  }
0x1: {  	(tag) =	ssettag $0x0;
	lr =	simm.s32 $0x1  }
0x2: {  	[smem:$0x3F90] =	sst lr;
	_ =	strace $0xD0000000  }
0x3: {  	_ = 	snop  }
0x4: {  	_ = 	snop  }
0x5: {  	_ = 	snop  }
0x6: {  	_ = 	snop  }
0x7: {  	_ = 	snop  }
__scs_overlays_trampoline_lowered:
0x8: {  	[smem:$0x3F9F] =	sst s0  }
0x9: {  	[smem:$0x3FA0] =	sst s1  }
0xa: {  	[smem:$0x3FA1] =	sst s2  }
0xb: {  	[smem:$0x3FA2] =	sst s3  }
0xc: {  	[smem:$0x3FA3] =	sst s4  }
0xd: {  	[smem:$0x3FA4] =	sst s5  }
0xe: {  	[smem:$0x3FA5] =	sst s6  }
0xf: {  	[smem:$0x3FA6] =	sst s7  }
0x10: {  	[smem:$0x3FA7] =	sst s8  }
0x11: {  	[smem:$0x3FA8] =	sst s9;
	s0 =	simm.s32 @!p0 $0x0  }
0x12: {  	s1 =	sld [smem:$0x3F8E];
	s0 =	simm.s32 @p0 $0x1  }
0x13: {  	[smem:$0x3FA9] =	sst s0;
	s0 =	simm.s32 @!p1 $0x0  }
0x14: {  	s2 =	sld [smem:$0x3F8D];
	s0 =	simm.s32 @p1 $0x1  }
0x15: {  	[smem:$0x3FAA] =	sst s0;
	s0 =	simm.s32 @!p2 $0x0  }
0x16: {  	s3 =	sld [smem:$0x3FDB];
	s0 =	simm.s32 @p2 $0x1  }
0x17: {  	s4 =	simm.s32 $0x1BF5;
	[smem:$0x3FAC] =	sst s0  }
0x18: {  	s0 =	sld [smem:$0x3F8F];
	_ =	swait.ge [sflag:s4], $0x0  }
0x19: {  	s7 =	sld [smem:$0x3F90]  }
0x1a: {  	s8 =	sadd.s32 $0xFFFFE003, lr  }
0x1b: {  	s9 =	sadd.s32 $0xFFFFFEF7, lr;
	s5 =	simm.s32 $0xFFFFFFFF;
	p2 =	slt.u32 s8, $0xFFFFF086  }
0x1c: {  	p1 =	slt.u32 s9, $0xF7A;
	s5 =	simm.s32 @!p2 $0x0  }
0x1d: {  	s5 =	simm.s32 @p1 $0x1;
	p0 =	seq.s32 s7, s2  }
0x1e: {  	s7 =	smul.u32 @!p0 $0xF7A, s2;
	p2 =	seq.s32 @!p0 s5, $0x0  }
0x1f: {  	s9 =	smul.u32 $0xF7A, s1;
	s8 =	simm.s32 @!p0 $0x1BF5;
	p2 =	por !p2, p0  }
0x20: {  	[sflag:s8] =	ssyncset.s32 @!p0 $0xFFFFF086;
	s6 =	sadd.s32 @!p0 s3, s7;
	s7 =	simm.s32 @!p0 $0x108  }
0x21: {  	s3 =	sadd.s32 s3, s9;
	s6 =	sadd.s32 @!p0 $0x88, s6;
	s7 =	simm.s32 @p2 $0x1082  }
0x22: {  	[simem:s7], [sflag:s8] =	dma.local @!p0 [hbm:s6], $0xF7A  }
0x23: {  	s9 =	sor.u32 $0xD0000000, s2;
	s6 =	simm.s32 $0x108;
	_ =	swait.ge @!p0 [sflag:s8], $0x0  }
0x24: {  	s3 =	sadd.s32 $0x88, s3;
	s6 =	simm.s32 @!p1 $0x1082;
	[sflag:s4] =	ssyncset.s32 $0xFFFFF086  }
0x25: {  	[simem:s6], [sflag:s4] =	dma.local [hbm:s3], $0xF7A  }
0x26: {  	[smem:$0x3F90] =	sst s1;
	(tag) =	ssettag s2;
	_ =	strace s9  }
0x27: {  	s1 =	sld [smem:$0x3FA0]  }
0x28: {  	s2 =	sld [smem:$0x3FA1]  }
0x29: {  	s4 =	sld [smem:$0x3FA3]  }
0x2a: {  	p0 =	seq.s32 s5, $0x0;
	s5 =	sld [smem:$0x3FA4]  }
0x2b: {  	s6 =	sld [smem:$0x3FA5]  }
0x2c: {  	s7 =	sld [smem:$0x3FA6]  }
0x2d: {  	s3 =	simm.s32 $0x108;
	s8 =	sld [smem:$0x3FA7]  }
0x2e: {  	s3 =	simm.s32 @!p0 $0x1082;
	s9 =	sld [smem:$0x3FA8]  }
0x2f: {  	lr =	sadd.s32 s0, s3;
	s0 =	sld [smem:$0x3F9F]  }
0x30: {  	s3 =	sld [smem:$0x3FA2]  }
0x31: {  	[smem:$0x3FAB] =	sst s10  }
0x32: {  	s10 =	sld [smem:$0x3FA9];
	_ =	sdelay $0x3  }
0x33: {  	p0 =	seq.s32 s10, $0x1;
	s10 =	sld [smem:$0x3FAB];
	_ =	sdelay $0x3  }
0x34: {  	[smem:$0x3FAB] =	sst s10  }
0x35: {  	s10 =	sld [smem:$0x3FAA];
	_ =	sdelay $0x3  }
0x36: {  	p1 =	seq.s32 s10, $0x1;
	s10 =	sld [smem:$0x3FAB];
	_ =	sdelay $0x3  }
0x37: {  	[smem:$0x3FAB] =	sst s10  }
0x38: {  	s10 =	sld [smem:$0x3FAC]  }
0x39: {  	_ = 	snop;
	(pc) =	sbr.ind lr, $3  }
0x3a: {  	_ = 	snop  }
0x3b: {  	_ = 	snop  }
0x3c: {  	p2 =	seq.s32 s10, $0x1;
	s10 =	sld [smem:$0x3FAB]  }
0x3d: {  	_ =	shalt  }
0x3e: {  	_ =	shalt  }
0x3f: {  	_ =	shalt  }
0x40: {  	_ =	shalt  }
0x41: {  	_ =	shalt  }
0x42: {  	_ =	shalt  }
0x43: {  	_ =	shalt  }
0x44: {  	_ =	shalt  }
0x45: {  	_ =	shalt  }
0x46: {  	_ =	shalt  }
0x47: {  	_ =	shalt  }
0x48: {  	_ =	shalt  }
0x49: {  	_ =	shalt  }
0x4a: {  	_ =	shalt  }
0x4b: {  	_ =	shalt  }
0x4c: {  	_ =	shalt  }
0x4d: {  	_ =	shalt  }
0x4e: {  	_ =	shalt  }
0x4f: {  	_ =	shalt  }
0x50: {  	_ =	shalt  }
0x51: {  	_ =	shalt  }
0x52: {  	_ =	shalt  }
0x53: {  	_ =	shalt  }
0x54: {  	_ =	shalt  }
0x55: {  	_ =	shalt  }
0x56: {  	_ =	shalt  }
0x57: {  	_ =	shalt  }
0x58: {  	_ =	shalt  }
0x59: {  	_ =	shalt  }
0x5a: {  	_ =	shalt  }
0x5b: {  	_ =	shalt  }
0x5c: {  	_ =	shalt  }
0x5d: {  	_ =	shalt  }
0x5e: {  	_ =	shalt  }
0x5f: {  	_ =	shalt  }
0x60: {  	_ =	shalt  }
0x61: {  	_ =	shalt  }
0x62: {  	_ =	shalt  }
0x63: {  	_ =	shalt  }
0x64: {  	_ =	shalt  }
0x65: {  	_ =	shalt  }
0x66: {  	_ =	shalt  }
0x67: {  	_ =	shalt  }
0x68: {  	_ =	shalt  }
0x69: {  	_ =	shalt  }
0x6a: {  	_ =	shalt  }
0x6b: {  	_ =	shalt  }
0x6c: {  	_ =	shalt  }
0x6d: {  	_ =	shalt  }
0x6e: {  	_ =	shalt  }
0x6f: {  	_ =	shalt  }
0x70: {  	_ =	shalt  }
0x71: {  	_ =	shalt  }
0x72: {  	_ =	shalt  }
0x73: {  	_ =	shalt  }
0x74: {  	_ =	shalt  }
0x75: {  	_ =	shalt  }
0x76: {  	_ =	shalt  }
0x77: {  	_ =	shalt  }
0x78: {  	_ =	shalt  }
0x79: {  	_ =	shalt  }
0x7a: {  	_ =	shalt  }
0x7b: {  	_ =	shalt  }
0x7c: {  	_ =	shalt  }
0x7d: {  	_ =	shalt  }
0x7e: {  	_ =	shalt  }
0x7f: {  	_ =	shalt  }
0x80: {  	_ =	shalt  }
0x81: {  	_ =	shalt  }
0x82: {  	_ =	shalt  }
0x83: {  	_ =	shalt  }
0x84: {  	_ =	shalt  }
0x85: {  	_ =	shalt  }
0x86: {  	_ =	shalt  }
0x87: {  	_ =	shalt  }
.Lfunc_end0:
.L_simem_size_0:
called_computation_lowered:
.L_overlay_start_0:
0x88: {  	s2 =	sld [smem:$0x3FD9]  }
0x89: {  	s3 =	sld [smem:$0x3FFE];
	_ =	sdelay $0x1  }
0x8a: {  	s1 =	srdreg.scid  }
0x8b: {  	s0 =	sand.u32 $0x1, s1  }
0x8c: {  	s16 =	sshll.u32 s0, $0xA;
	s2 =	sadd.s32 s3, s2  }
0x8d: {  	s2 =	sadd.s32 s2, s16  }
0x8e: {  	[smem:$0x3FB7] =	sst s2  }
0x8f: {  	_ = 	snop  }
0x90: {  	(tm) =	ssettm $0x1  }
0x91: {  	s17 =	sld [smem:$0x3FFB];
	_ =	sdelay $0x3  }
0x92: {  	_ =	strace s17  }
0x93: {  	s2 =	sld [smem:$0x3FFC];
	_ =	sdelay $0x3  }
0x94: {  	_ =	strace s2  }
0x95: {  	s2 =	sld [smem:$0x3FFD];
	_ =	sdelay $0x3  }
0x96: {  	_ =	strace s2  }
0x97: {  	_ =	strace $0x8FFFFFFF  }
0x98: {  	s18 =	sld [smem:$0x3FDB];
	_ =	sdelay $0x1  }
0x99: {  	s19 =	simm.s32 $_scs_section_size  }
0x9a: {  	s4 =	simm.s32 $_size__tile_overlayer_lowered;
	s5 =	simm.s32 $_tile_overlayer_lowered  }
0x9b: {  	s22 =	simm.s32 $0x1BFF;
	s21 =	sshll.u32 s5, $0x1;
	s2 =	sadd.s32 s19, s18  }
0x9c: {  	s6 =	simm.s32 $0x0;
	s20 =	sshll.u32 s4, $0x1;
	s4 =	sadd.s32 s21, s2  }
0x9d: {  	[timem:s6], [sflag:s22] =	dma.local [hbm:s4], s20  }
0x9e: {  	_ =	swait.ge [sflag:s22], s20  }
0x9f: {  	s3 =	ssub.s32 $0x0, s20;
	[sflag:s22] =	ssyncset.done $0x0  }
0xa0: {  	[sflag:s22] =	ssyncadd.s32 s3;
	_ =	sdelay $0x1  }
0xa1: {  	s23 =	simm.s32 $0x1B8B  }
0xa2: {  	_ =	swait.ge [sflag:s23], $0x1  }
0xa3: {  	[sflag:s23] =	ssyncset.done $0x0  }
0xa4: {  	s25 =	simm.s32 $0x1B8E;
	s24 =	sld [smem:$0x3FFE];
	[sflag:s23] =	ssyncadd.s32 $0xFFFFFFFF  }
0xa5: {  	s26 =	simm.s32 $execute0_lowered;
	[smem:$0x3FD2] =	sst s25  }
0xa6: {  	s4 =	sshll.u32 s26, $0x1;
	_ =	strace $0x80000046;
	[dreg:$0x1] =	wrdreg $0xFFFFFFFF  }
0xa7: {  	s28 =	simm.s32 $_size_execute0_lowered;
	s2 =	sadd.s32 s2, s4;
	[dreg:$0x0] =	wrdreg $0x0  }
0xa8: {  	s4 =	sshll.u32 s28, $0x1;
	[dreg:$0x2] =	wrdreg s2  }
0xa9: {  	[dreg:$0x3] =	wrdreg s4  }
0xaa: {  	[dreg:$0x4] =	wrdreg $0xC0  }
0xab: {  	_ =	task [dreg:s6], $0x5FFFF  }
0xac: {  	[dreg:$0x1] =	wrdreg $0xFFFFFFFF  }
0xad: {  	[dreg:$0x0] =	wrdreg $0x60  }
0xae: {  	[dreg:$0x2] =	wrdreg s24  }
0xaf: {  	[dreg:$0x3] =	wrdreg $0x9  }
0xb0: {  	_ =	task.clear_ibuf [dreg:s6], $0x4FFFF;
	_ =	strace $0x90000046  }
0xb1: {  	s29 =	simm.s32 $0x9;
	_ =	strace $0x80000048  }
0xb2: {  	_ =	swait.ge [sflag:s29], $0x1  }
0xb3: {  	[sflag:s29] =	ssyncadd.s32 $0xFFFFFFFF  }
0xb4: {  	_ =	strace $0x90000048  }
0xb5: {  	_ =	sfence  }
0xb6: {  	s30 =	sld [smem:$0x0];
	_ =	sdelay $0x2  }
0xb7: {  	s31 =	sshll.u32 s1, $0xD;
	s1 =	sshrl.u32 s1, $0x2  }
0xb8: {  	s3 =	sand.u32 $0x4000, s31;
	s1 =	sadd.s32 s1, s30  }
0xb9: {  	s0 =	sor.u32 s3, s0;
	s1 =	sshll.u32 s1, $0x11  }
0xba: {  	s0 =	sor.u32 s1, s0  }
0xbb: {  	s0 =	sadd.s32 $0x8F2B, s0  }
0xbc: {  	[sflag:s0] =	ssyncadd.remote.s32 $0x1  }
0xbd: {  	_ =	sfence.sel $0xFFFF  }
0xbe: {  	[dreg:$0x0] =	wrdreg $0xFFFFFFFF;
	(pc) =	sbr.abs _section_cstart, $3  }
0xbf: {  	[dreg:$0x1] =	wrdreg $0xFFFFFFFF  }
0xc0: {  	_ =	task.clear_ibuf [dreg:s6], $0x2FFFF;
	_ =	strace $0x9FFFFFFF  }
0xc1: {  	(tm) =	ssettm $0x7FFFFFFF  }
tec
execute0_lowered:
.L_overlay_start_1:
0x0: {  	(tag) =	ssettag $0x1  }
0x1: {  	s3 =	rddreg [dreg:$0x0];
	s1 =	simm.s32 $0x0;
	s4 =	srdreg.scid  }
0x2: {  	s0 =	stileid.u32;
	[smem:$0x7FF] =	sst s1  }
0x3: {  	s4 =	sand.u32 $0x1, s4;
	s5 =	sshll.u32 s0, $0x8;
	s6 =	sshrl.u32 s0, $0x2  }
0x4: {  	s7 =	sshll.u32 s4, $0x7;
	s5 =	sand.u32 $0x300, s5;
	s24 =	sshll.u32 s6, $0x10  }
0x5: {  	s6 =	sshll.u32 s6, $0xA;
	s4 =	ssub.s32 $0x2, s4;
	s5 =	sor.u32 s7, s5  }
0x6: {  	_ =	strace $0x80000047;
	s26 =	sshrl.u32 s4, $0x1;
	s7 =	sor.u32 s24, s5  }
0x7: {  	s5 =	sor.u32 s6, s5;
	s28 =	ssub.s32 s4, s26;
	s25 =	sshrl.u32 s7, $0x3  }
0x8: {  	s5 =	sshrl.u32 s5, $0x3;
	s31 =	smax.u32 s28, $0x1;
	s6 =	sadd.s32 s25, s3  }
0x9: {  	s5 =	sadd.s32 s5, s3;
	[dreg:$0x4] =	wrdreg s31;
	s29 =	sadd.s32 $0x400, s6  }
0xa: {  	s30 =	sadd.s32 $0x8400, s5;
	[dreg:$0x2] =	wrdreg s29  }
0xb: {  	v0 =	vimm.s32 $0x0;
	s2 =	simm.s32 $0x0;
	s4 =	simm.s32 $0x1;
	[dreg:$0x3] =	wrdreg s30  }
.LBB2_1:
0xc: {  	[dreg:$0x5] =	wrdreg s2  }
0xd: {  	s0 =	rddreg [dreg:$0x2];
	s31 =	simm.s32 $0x80;
	s3 =	simm.s32 $0x400  }
0xe: {  	[tilespmem:s1], [sflag:$0x1] =	stream.strided.gather [hbm4b:s0+s31], $0x2000, s3, s31, $0x38;
	[tilespmem:$0x2080] =	vst v63  }
0xf: {  	_ =	swait.ge [sflag:s4], $0x2000  }
0x10: {  	[sflag:s4] =	ssyncset.done $0x0  }
0x11: {  	s11 =	simm.s32 $0x0;
	[sflag:s4] =	ssyncadd.s32 $0xFFFFE000  }
0x12: {  	v5 =	vld [tilespmem:s11+$0x10]  }
0x13: {  	v4 =	vld [tilespmem:s11+$0x0];
	_ =	sdelay $0x2  }
0x14: {  	v3 =	vimm.s32 $0x0;
	v2 =	vimm.s32 $0x0;
	v1 =	vimm.s32 $0x0;
	s11 =	simm.s32 $0x80  }
.LBB2_2:
0x15: {  	s12 =	sshra.s32 s11, $0x2;
	vm0 =	vgt.s32 v5, $0xFFFFFFFF;
	vm1 =	vgt.s32 v5, $0xBFFFFFFF;
	vm2 =	vgt.s32 v5, $0x3FFFFFFF;
	p0 =	sne.s32 s11, $0x7F80  }
.Ltmp0:
0x16: {  	v5 =	vld [tilespmem:s12+$0x10];
	vm3 =	vgt.s32 v4, $0xFFFFFFFF;
	vm4 =	vgt.s32 v4, $0xBFFFFFFF;
	vm5 =	vgt.s32 v4, $0x3FFFFFFF;
	(pc) =	sbr.rel @p0 .LBB2_2-.Ltmp0, $4  }
0x17: {  	s11 =	sadd.s32 $0x80, s11;
	v6 =	vsel vm0, $0x1, v0;
	v7 =	vsel vm1, $0x1, v0;
	v8 =	vsel vm2, $0x1, v0;
	v4 =	vld [tilespmem:s12+$0x0]  }
0x18: {  	v9 =	vsel vm3, $0x1, v0;
	v10 =	vsel vm4, $0x1, v0;
	v11 =	vsel vm5, $0x1, v0  }
0x19: {  	v3 =	vadd.s32 v9, v3;
	v2 =	vadd.s32 v10, v2;
	v1 =	vadd.s32 v11, v1  }
0x1a: {  	v3 =	vadd.s32 v6, v3;
	v2 =	vadd.s32 v7, v2;
	v1 =	vadd.s32 v8, v1  }
0x1b: {  	vm0 =	vgt.s32 v5, $0xFFFFFFFF;
	vm1 =	vgt.s32 v5, $0xBFFFFFFF;
	vm2 =	vgt.s32 v5, $0x3FFFFFFF  }
0x1c: {  	vm3 =	vgt.s32 v4, $0xFFFFFFFF;
	vm4 =	vgt.s32 v4, $0xBFFFFFFF;
	vm5 =	vgt.s32 v4, $0x3FFFFFFF  }
0x1d: {  	v4 =	vsel vm0, $0x1, v0;
	v5 =	vsel vm1, $0x1, v0;
	v6 =	vsel vm3, $0x1, v0  }
0x1e: {  	v7 =	vsel vm2, $0x1, v0;
	v8 =	vsel vm4, $0x1, v0;
	v3 =	vadd.s32 v6, v3  }
0x1f: {  	v6 =	vsel vm5, $0x1, v0;
	v2 =	vadd.s32 v8, v2;
	v3 =	vadd.s32 v4, v3  }
0x20: {  	v1 =	vadd.s32 v6, v1;
	v2 =	vadd.s32 v5, v2;
	(v2sf) =	vpush v3, $0x0  }
0x21: {  	v1 =	vadd.s32 v7, v1;
	(v2sf) =	vpush v2, $0x0  }
0x22: {  	(v2sf) =	vpush v1, $0x0  }
0x23: {  	(v2sf) =	vpush v3, $0x1  }
0x24: {  	(v2sf) =	vpush v2, $0x1  }
0x25: {  	(v2sf) =	vpush v1, $0x1  }
0x26: {  	(v2sf) =	vpush v3, $0x2  }
0x27: {  	(v2sf) =	vpush v2, $0x2  }
0x28: {  	(v2sf) =	vpush v1, $0x2  }
0x29: {  	(v2sf) =	vpush v3, $0x3  }
0x2a: {  	(v2sf) =	vpush v2, $0x3  }
0x2b: {  	(v2sf) =	vpush v1, $0x3  }
0x2c: {  	(v2sf) =	vpush v3, $0x4  }
0x2d: {  	(v2sf) =	vpush v2, $0x4  }
0x2e: {  	(v2sf) =	vpush v1, $0x4  }
0x2f: {  	s11 =	spop (v2sf);
	(v2sf) =	vpush v3, $0x5  }
0x30: {  	s12 =	spop (v2sf);
	(v2sf) =	vpush v2, $0x5  }
0x31: {  	s13 =	spop (v2sf);
	(v2sf) =	vpush v1, $0x5  }
0x32: {  	s14 =	spop (v2sf);
	(v2sf) =	vpush v3, $0x6  }
0x33: {  	s15 =	spop (v2sf);
	(v2sf) =	vpush v2, $0x6  }
0x34: {  	s16 =	spop (v2sf);
	(v2sf) =	vpush v1, $0x6  }
0x35: {  	s17 =	spop (v2sf);
	(v2sf) =	vpush v3, $0x7  }
0x36: {  	s18 =	spop (v2sf);
	(v2sf) =	vpush v2, $0x7  }
0x37: {  	s19 =	spop (v2sf);
	(v2sf) =	vpush v1, $0x7  }
0x38: {  	s20 =	spop (v2sf);
	(v2sf) =	vpush v3, $0x8  }
0x39: {  	s21 =	spop (v2sf);
	(v2sf) =	vpush v2, $0x8  }
0x3a: {  	s22 =	spop (v2sf);
	(v2sf) =	vpush v1, $0x8  }
0x3b: {  	s23 =	spop (v2sf);
	(v2sf) =	vpush v3, $0x9  }
0x3c: {  	s24 =	spop (v2sf);
	(v2sf) =	vpush v2, $0x9  }
0x3d: {  	s25 =	spop (v2sf);
	(v2sf) =	vpush v1, $0x9  }
0x3e: {  	s26 =	spop (v2sf);
	(v2sf) =	vpush v3, $0xA  }
0x3f: {  	s28 =	spop (v2sf);
	(v2sf) =	vpush v2, $0xA  }
0x40: {  	s29 =	spop (v2sf);
	(v2sf) =	vpush v1, $0xA  }
0x41: {  	s30 =	spop (v2sf);
	(v2sf) =	vpush v3, $0xB  }
0x42: {  	s31 =	spop (v2sf);
	(v2sf) =	vpush v2, $0xB  }
0x43: {  	s0 =	spop (v2sf);
	(v2sf) =	vpush v1, $0xB  }
0x44: {  	s1 =	spop (v2sf);
	(v2sf) =	vpush v3, $0xC  }
0x45: {  	s6 =	spop (v2sf);
	(v2sf) =	vpush v2, $0xC  }
0x46: {  	s7 =	spop (v2sf);
	(v2sf) =	vpush v1, $0xC  }
0x47: {  	s9 =	spop (v2sf);
	(v2sf) =	vpush v3, $0xD  }
0x48: {  	s2 =	spop (v2sf);
	(v2sf) =	vpush v2, $0xD  }
0x49: {  	s11 =	sadd.s32 s14, s11;
	s12 =	sadd.s32 s15, s12;
	(v2sf) =	vpush v1, $0xD;
	s3 =	spop (v2sf)  }
0x4a: {  	s13 =	sadd.s32 s16, s13;
	s11 =	sadd.s32 s17, s11;
	(v2sf) =	vpush v3, $0xE;
	s4 =	spop (v2sf)  }
0x4b: {  	s12 =	sadd.s32 s18, s12;
	s13 =	sadd.s32 s19, s13;
	(v2sf) =	vpush v2, $0xE;
	s15 =	spop (v2sf)  }
0x4c: {  	s11 =	sadd.s32 s20, s11;
	s12 =	sadd.s32 s21, s12;
	s17 =	spop (v2sf);
	(v2sf) =	vpush v1, $0xE  }
0x4d: {  	s13 =	sadd.s32 s22, s13;
	s11 =	sadd.s32 s23, s11;
	s19 =	spop (v2sf);
	(v2sf) =	vpush v3, $0xF  }
0x4e: {  	s12 =	sadd.s32 s24, s12;
	s13 =	sadd.s32 s25, s13;
	s20 =	spop (v2sf);
	(v2sf) =	vpush v2, $0xF  }
0x4f: {  	s11 =	sadd.s32 s26, s11;
	s12 =	sadd.s32 s28, s12;
	s21 =	spop (v2sf);
	(v2sf) =	vpush v1, $0xF  }
0x50: {  	s13 =	sadd.s32 s29, s13;
	s11 =	sadd.s32 s30, s11;
	s25 =	spop (v2sf)  }
0x51: {  	s12 =	sadd.s32 s31, s12;
	s31 =	simm.s32 $0x0;
	s28 =	spop (v2sf)  }
0x52: {  	s0 =	sadd.s32 s0, s13;
	s1 =	sadd.s32 s1, s11;
	s30 =	spop (v2sf)  }
0x53: {  	s11 =	simm.s32 $0xC0000000;
	s6 =	sadd.s32 s6, s12;
	s5 =	spop (v2sf)  }
0x54: {  	s0 =	sadd.s32 s7, s0;
	s1 =	sadd.s32 s9, s1;
	s8 =	spop (v2sf)  }
0x55: {  	s2 =	sadd.s32 s2, s6;
	s0 =	sadd.s32 s3, s0;
	s10 =	spop (v2sf)  }
0x56: {  	s1 =	sadd.s32 s4, s1;
	s2 =	sadd.s32 s15, s2;
	s12 =	spop (v2sf)  }
0x57: {  	s0 =	sadd.s32 s17, s0;
	s1 =	sadd.s32 s19, s1;
	s22 =	spop (v2sf)  }
0x58: {  	s2 =	sadd.s32 s20, s2;
	s0 =	sadd.s32 s21, s0;
	s23 =	spop (v2sf)  }
0x59: {  	s1 =	sadd.s32 s25, s1;
	s2 =	sadd.s32 s28, s2;
	s24 =	spop (v2sf)  }
0x5a: {  	s0 =	sadd.s32 s30, s0;
	s1 =	sadd.s32 s5, s1;
	s25 =	spop (v2sf)  }
0x5b: {  	s2 =	sadd.s32 s8, s2;
	s0 =	sadd.s32 s10, s0;
	s26 =	spop (v2sf)  }
0x5c: {  	s1 =	sadd.s32 s12, s1;
	s2 =	sadd.s32 s22, s2;
	s28 =	spop (v2sf)  }
0x5d: {  	s0 =	sadd.s32 s23, s0;
	s1 =	sadd.s32 s24, s1;
	s29 =	spop (v2sf)  }
0x5e: {  	s2 =	sadd.s32 s25, s2;
	s0 =	sadd.s32 s26, s0;
	s30 =	spop (v2sf)  }
0x5f: {  	s1 =	sadd.s32 s28, s1;
	s2 =	sadd.s32 s29, s2;
	s0 =	sadd.s32 s30, s0  }
0x60: {  	v8 =	vld [tilespmem:s31+$0x10];
	p1 =	sgt.s32 s2, $0xFFF;
	p0 =	sgt.s32 s0, $0xFFF;
	s0 =	simm.s32 $0x40000000  }
0x61: {  	v7 =	vld [tilespmem:s31+$0x0];
	s11 =	simm.s32 @!p1 $0x80000000;
	s0 =	simm.s32 @!p0 $0x0;
	p0 =	sgt.s32 s1, $0xFFF  }
0x62: {  	s11 =	smov.u32 @p0 s0  }
0x63: {  	v4 =	vimm.s32 $0x0;
	v6 =	vimm.s32 $0x0;
	v5 =	vimm.s32 $0x0;
	s12 =	sor.u32 $0x20000000, s11;
	s13 =	sor.u32 $0x10000000, s11;
	s14 =	sor.u32 $0x30000000, s11  }
0x64: {  	s15 =	simm.s32 $0x80;
	v1 =	vmov s12;
	v2 =	vmov s13;
	v3 =	vmov s14  }
.LBB2_4:
0x65: {  	s0 =	sshra.s32 s15, $0x2;
	vm0 =	vge.s32 v8, v1;
	vm1 =	vge.s32 v8, v2;
	vm2 =	vge.s32 v8, v3;
	p0 =	sne.s32 s15, $0x7F80  }
.Ltmp1:
0x66: {  	v8 =	vld [tilespmem:s0+$0x10];
	vm3 =	vge.s32 v7, v1;
	vm4 =	vge.s32 v7, v2;
	vm5 =	vge.s32 v7, v3;
	(pc) =	sbr.rel @p0 .LBB2_4-.Ltmp1, $4  }
0x67: {  	s15 =	sadd.s32 $0x80, s15;
	v9 =	vsel vm0, $0x1, v0;
	v10 =	vsel vm1, $0x1, v0;
	v11 =	vsel vm2, $0x1, v0;
	v7 =	vld [tilespmem:s0+$0x0]  }
0x68: {  	v12 =	vsel vm3, $0x1, v0;
	v13 =	vsel vm4, $0x1, v0;
	v14 =	vsel vm5, $0x1, v0  }
0x69: {  	v4 =	vadd.s32 v12, v4;
	v6 =	vadd.s32 v13, v6;
	v5 =	vadd.s32 v14, v5  }
0x6a: {  	v4 =	vadd.s32 v9, v4;
	v6 =	vadd.s32 v10, v6;
	v5 =	vadd.s32 v11, v5  }
0x6b: {  	vm0 =	vge.s32 v8, v1;
	vm1 =	vge.s32 v8, v2;
	vm2 =	vge.s32 v8, v3  }
0x6c: {  	vm3 =	vge.s32 v7, v1;
	vm4 =	vge.s32 v7, v2;
	vm5 =	vge.s32 v7, v3  }
0x6d: {  	v1 =	vsel vm0, $0x1, v0;
	v2 =	vsel vm1, $0x1, v0;
	v3 =	vsel vm3, $0x1, v0  }
0x6e: {  	v7 =	vsel vm2, $0x1, v0;
	v8 =	vsel vm4, $0x1, v0;
	v3 =	vadd.s32 v3, v4  }
0x6f: {  	v4 =	vsel vm5, $0x1, v0;
	v6 =	vadd.s32 v8, v6;
	v1 =	vadd.s32 v1, v3  }
0x70: {  	v3 =	vadd.s32 v4, v5;
	v2 =	vadd.s32 v2, v6;
	(v2sf) =	vpush v1, $0x0  }
0x71: {  	v3 =	vadd.s32 v7, v3;
	(v2sf) =	vpush v2, $0x0  }
0x72: {  	(v2sf) =	vpush v3, $0x0  }
0x73: {  	(v2sf) =	vpush v1, $0x1  }
0x74: {  	(v2sf) =	vpush v2, $0x1  }
0x75: {  	(v2sf) =	vpush v3, $0x1  }
0x76: {  	(v2sf) =	vpush v1, $0x2  }
0x77: {  	(v2sf) =	vpush v2, $0x2  }
0x78: {  	(v2sf) =	vpush v3, $0x2  }
0x79: {  	(v2sf) =	vpush v1, $0x3  }
0x7a: {  	(v2sf) =	vpush v2, $0x3  }
0x7b: {  	(v2sf) =	vpush v3, $0x3  }
0x7c: {  	(v2sf) =	vpush v1, $0x4  }
0x7d: {  	(v2sf) =	vpush v2, $0x4  }
0x7e: {  	(v2sf) =	vpush v3, $0x4  }
0x7f: {  	s0 =	spop (v2sf);
	(v2sf) =	vpush v1, $0x5  }
0x80: {  	s1 =	spop (v2sf);
	(v2sf) =	vpush v2, $0x5  }
0x81: {  	s2 =	spop (v2sf);
	(v2sf) =	vpush v3, $0x5  }
0x82: {  	s3 =	spop (v2sf);
	(v2sf) =	vpush v1, $0x6  }
0x83: {  	s4 =	spop (v2sf);
	(v2sf) =	vpush v2, $0x6  }
0x84: {  	s6 =	spop (v2sf);
	(v2sf) =	vpush v3, $0x6  }
0x85: {  	s7 =	spop (v2sf);
	(v2sf) =	vpush v1, $0x7  }
0x86: {  	s9 =	spop (v2sf);
	(v2sf) =	vpush v2, $0x7  }
0x87: {  	s15 =	spop (v2sf);
	(v2sf) =	vpush v3, $0x7  }
0x88: {  	s16 =	spop (v2sf);
	(v2sf) =	vpush v1, $0x8  }
0x89: {  	s17 =	spop (v2sf);
	(v2sf) =	vpush v2, $0x8  }
0x8a: {  	s18 =	spop (v2sf);
	(v2sf) =	vpush v3, $0x8  }
0x8b: {  	s19 =	spop (v2sf);
	(v2sf) =	vpush v1, $0x9  }
0x8c: {  	s20 =	spop (v2sf);
	(v2sf) =	vpush v2, $0x9  }
0x8d: {  	s21 =	spop (v2sf);
	(v2sf) =	vpush v3, $0x9  }
0x8e: {  	s22 =	spop (v2sf);
	(v2sf) =	vpush v1, $0xA  }
0x8f: {  	s23 =	spop (v2sf);
	(v2sf) =	vpush v2, $0xA  }
0x90: {  	s24 =	spop (v2sf);
	(v2sf) =	vpush v3, $0xA  }
0x91: {  	s25 =	spop (v2sf);
	(v2sf) =	vpush v1, $0xB  }
0x92: {  	s26 =	spop (v2sf);
	(v2sf) =	vpush v2, $0xB  }
0x93: {  	s28 =	spop (v2sf);
	(v2sf) =	vpush v3, $0xB  }
0x94: {  	s29 =	spop (v2sf);
	(v2sf) =	vpush v1, $0xC  }
0x95: {  	s30 =	spop (v2sf);
	(v2sf) =	vpush v2, $0xC  }
0x96: {  	(v2sf) =	vpush v3, $0xC;
	s31 =	spop (v2sf)  }
0x97: {  	(v2sf) =	vpush v1, $0xD;
	s5 =	spop (v2sf)  }
0x98: {  	(v2sf) =	vpush v2, $0xD;
	s8 =	spop (v2sf)  }
0x99: {  	(v2sf) =	vpush v3, $0xD;
	s10 =	spop (v2sf)  }
0x9a: {  	s0 =	sadd.s32 s3, s0;
	s1 =	sadd.s32 s4, s1;
	(v2sf) =	vpush v1, $0xE;
	s3 =	spop (v2sf)  }
0x9b: {  	s2 =	sadd.s32 s6, s2;
	s0 =	sadd.s32 s7, s0;
	(v2sf) =	vpush v2, $0xE;
	s6 =	spop (v2sf)  }
0x9c: {  	s1 =	sadd.s32 s9, s1;
	s2 =	sadd.s32 s15, s2;
	(v2sf) =	vpush v3, $0xE;
	s9 =	spop (v2sf)  }
0x9d: {  	s0 =	sadd.s32 s16, s0;
	s1 =	sadd.s32 s17, s1;
	(v2sf) =	vpush v1, $0xF;
	s16 =	spop (v2sf)  }
0x9e: {  	s2 =	sadd.s32 s18, s2;
	s0 =	sadd.s32 s19, s0;
	s17 =	spop (v2sf);
	(v2sf) =	vpush v2, $0xF  }
0x9f: {  	s1 =	sadd.s32 s20, s1;
	s2 =	sadd.s32 s21, s2;
	s18 =	spop (v2sf);
	(v2sf) =	vpush v3, $0xF  }
0xa0: {  	s0 =	sadd.s32 s22, s0;
	s1 =	sadd.s32 s23, s1;
	s19 =	spop (v2sf)  }
0xa1: {  	s2 =	sadd.s32 s24, s2;
	s0 =	sadd.s32 s25, s0;
	s20 =	spop (v2sf)  }
0xa2: {  	s1 =	sadd.s32 s26, s1;
	s2 =	sadd.s32 s28, s2;
	s26 =	spop (v2sf)  }
0xa3: {  	s0 =	sadd.s32 s29, s0;
	s1 =	sadd.s32 s30, s1;
	s29 =	spop (v2sf)  }
0xa4: {  	s2 =	sadd.s32 s31, s2;
	s0 =	sadd.s32 s5, s0;
	s31 =	spop (v2sf)  }
0xa5: {  	s1 =	sadd.s32 s8, s1;
	s2 =	sadd.s32 s10, s2;
	s8 =	spop (v2sf)  }
0xa6: {  	s0 =	sadd.s32 s3, s0;
	s1 =	sadd.s32 s6, s1;
	s21 =	spop (v2sf)  }
0xa7: {  	s2 =	sadd.s32 s9, s2;
	s0 =	sadd.s32 s16, s0;
	s22 =	spop (v2sf)  }
0xa8: {  	s1 =	sadd.s32 s17, s1;
	s2 =	sadd.s32 s18, s2;
	s23 =	spop (v2sf)  }
0xa9: {  	s0 =	sadd.s32 s19, s0;
	s1 =	sadd.s32 s20, s1;
	s24 =	spop (v2sf)  }
0xaa: {  	s2 =	sadd.s32 s26, s2;
	s0 =	sadd.s32 s29, s0;
	s25 =	spop (v2sf)  }
0xab: {  	s1 =	sadd.s32 s31, s1;
	s31 =	simm.s32 $0x0;
	s26 =	spop (v2sf)  }
0xac: {  	s2 =	sadd.s32 s8, s2;
	s0 =	sadd.s32 s21, s0;
	s28 =	spop (v2sf)  }
0xad: {  	s1 =	sadd.s32 s22, s1;
	s2 =	sadd.s32 s23, s2;
	s29 =	spop (v2sf)  }
0xae: {  	s1 =	sadd.s32 s25, s1;
	s2 =	sadd.s32 s26, s2;
	s30 =	spop (v2sf)  }
0xaf: {  	s0 =	sadd.s32 s24, s0;
	s1 =	sadd.s32 s29, s1;
	s2 =	sadd.s32 s30, s2  }
0xb0: {  	v8 =	vld [tilespmem:s31+$0x10];
	s0 =	sadd.s32 s28, s0;
	p1 =	sgt.s32 s1, $0xFFF;
	p0 =	sgt.s32 s2, $0xFFF  }
0xb1: {  	v7 =	vld [tilespmem:s31+$0x0];
	s11 =	smov.u32 @p1 s13;
	s12 =	smov.u32 @p0 s14;
	p0 =	sgt.s32 s0, $0xFFF  }
0xb2: {  	s11 =	smov.u32 @p0 s12  }
0xb3: {  	v4 =	vimm.s32 $0x0;
	v6 =	vimm.s32 $0x0;
	v5 =	vimm.s32 $0x0;
	s12 =	sor.u32 $0x8000000, s11;
	s13 =	sor.u32 $0x4000000, s11;
	s14 =	sor.u32 $0xC000000, s11  }
0xb4: {  	s15 =	simm.s32 $0x80;
	v1 =	vmov s12;
	v2 =	vmov s13;
	v3 =	vmov s14  }
.LBB2_6:
0xb5: {  	s0 =	sshra.s32 s15, $0x2;
	vm0 =	vge.s32 v8, v1;
	vm1 =	vge.s32 v8, v2;
	vm2 =	vge.s32 v8, v3;
	p0 =	sne.s32 s15, $0x7F80  }
.Ltmp2:
0xb6: {  	v8 =	vld [tilespmem:s0+$0x10];
	vm3 =	vge.s32 v7, v1;
	vm4 =	vge.s32 v7, v2;
	vm5 =	vge.s32 v7, v3;
	(pc) =	sbr.rel @p0 .LBB2_6-.Ltmp2, $4  }
0xb7: {  	s15 =	sadd.s32 $0x80, s15;
	v9 =	vsel vm0, $0x1, v0;
	v10 =	vsel vm1, $0x1, v0;
	v11 =	vsel vm2, $0x1, v0;
	v7 =	vld [tilespmem:s0+$0x0]  }
0xb8: {  	v12 =	vsel vm3, $0x1, v0;
	v13 =	vsel vm4, $0x1, v0;
	v14 =	vsel vm5, $0x1, v0  }
0xb9: {  	v4 =	vadd.s32 v12, v4;
	v6 =	vadd.s32 v13, v6;
	v5 =	vadd.s32 v14, v5  }
0xba: {  	v4 =	vadd.s32 v9, v4;
	v6 =	vadd.s32 v10, v6;
	v5 =	vadd.s32 v11, v5  }
0xbb: {  	vm0 =	vge.s32 v8, v1;
	vm1 =	vge.s32 v8, v2;
	vm2 =	vge.s32 v8, v3  }
0xbc: {  	vm3 =	vge.s32 v7, v1;
	vm4 =	vge.s32 v7, v2;
	vm5 =	vge.s32 v7, v3  }
0xbd: {  	v1 =	vsel vm0, $0x1, v0;
	v2 =	vsel vm1, $0x1, v0;
	v3 =	vsel vm3, $0x1, v0  }
0xbe: {  	v7 =	vsel vm2, $0x1, v0;
	v8 =	vsel vm4, $0x1, v0;
	v3 =	vadd.s32 v3, v4  }
0xbf: {  	v4 =	vsel vm5, $0x1, v0;
	v6 =	vadd.s32 v8, v6;
	v1 =	vadd.s32 v1, v3  }
0xc0: {  	v3 =	vadd.s32 v4, v5;
	v2 =	vadd.s32 v2, v6;
	(v2sf) =	vpush v1, $0x0  }
0xc1: {  	v3 =	vadd.s32 v7, v3;
	(v2sf) =	vpush v2, $0x0  }
0xc2: {  	(v2sf) =	vpush v3, $0x0  }
0xc3: {  	(v2sf) =	vpush v1, $0x1  }
0xc4: {  	(v2sf) =	vpush v2, $0x1  }
0xc5: {  	(v2sf) =	vpush v3, $0x1  }
0xc6: {  	(v2sf) =	vpush v1, $0x2  }
0xc7: {  	(v2sf) =	vpush v2, $0x2  }
0xc8: {  	(v2sf) =	vpush v3, $0x2  }
0xc9: {  	(v2sf) =	vpush v1, $0x3  }
0xca: {  	(v2sf) =	vpush v2, $0x3  }
0xcb: {  	(v2sf) =	vpush v3, $0x3  }
0xcc: {  	(v2sf) =	vpush v1, $0x4  }
0xcd: {  	(v2sf) =	vpush v2, $0x4  }
0xce: {  	(v2sf) =	vpush v3, $0x4  }
0xcf: {  	s0 =	spop (v2sf);
	(v2sf) =	vpush v1, $0x5  }
0xd0: {  	s1 =	spop (v2sf);
	(v2sf) =	vpush v2, $0x5  }
0xd1: {  	s2 =	spop (v2sf);
	(v2sf) =	vpush v3, $0x5  }
0xd2: {  	s3 =	spop (v2sf);
	(v2sf) =	vpush v1, $0x6  }
0xd3: {  	s4 =	spop (v2sf);
	(v2sf) =	vpush v2, $0x6  }
0xd4: {  	s5 =	spop (v2sf);
	(v2sf) =	vpush v3, $0x6  }
0xd5: {  	s6 =	spop (v2sf);
	(v2sf) =	vpush v1, $0x7  }
0xd6: {  	s7 =	spop (v2sf);
	(v2sf) =	vpush v2, $0x7  }
0xd7: {  	s8 =	spop (v2sf);
	(v2sf) =	vpush v3, $0x7  }
0xd8: {  	s9 =	spop (v2sf);
	(v2sf) =	vpush v1, $0x8  }
0xd9: {  	s10 =	spop (v2sf);
	(v2sf) =	vpush v2, $0x8  }
0xda: {  	s15 =	spop (v2sf);
	(v2sf) =	vpush v3, $0x8  }
0xdb: {  	s16 =	spop (v2sf);
	(v2sf) =	vpush v1, $0x9  }
0xdc: {  	s17 =	spop (v2sf);
	(v2sf) =	vpush v2, $0x9  }
0xdd: {  	s18 =	spop (v2sf);
	(v2sf) =	vpush v3, $0x9  }
0xde: {  	s19 =	spop (v2sf);
	(v2sf) =	vpush v1, $0xA  }
0xdf: {  	s20 =	spop (v2sf);
	(v2sf) =	vpush v2, $0xA  }
0xe0: {  	s21 =	spop (v2sf);
	(v2sf) =	vpush v3, $0xA  }
0xe1: {  	s22 =	spop (v2sf);
	(v2sf) =	vpush v1, $0xB  }
0xe2: {  	s23 =	spop (v2sf);
	(v2sf) =	vpush v2, $0xB  }
0xe3: {  	s24 =	spop (v2sf);
	(v2sf) =	vpush v3, $0xB  }
0xe4: {  	s25 =	spop (v2sf);
	(v2sf) =	vpush v1, $0xC  }
0xe5: {  	s26 =	spop (v2sf);
	(v2sf) =	vpush v2, $0xC  }
0xe6: {  	(v2sf) =	vpush v3, $0xC;
	s28 =	spop (v2sf)  }
0xe7: {  	(v2sf) =	vpush v1, $0xD;
	s29 =	spop (v2sf)  }
0xe8: {  	(v2sf) =	vpush v2, $0xD;
	s30 =	spop (v2sf)  }
0xe9: {  	(v2sf) =	vpush v3, $0xD;
	s31 =	spop (v2sf)  }
0xea: {  	s0 =	sadd.s32 s3, s0;
	s1 =	sadd.s32 s4, s1;
	(v2sf) =	vpush v1, $0xE;
	s3 =	spop (v2sf)  }
0xeb: {  	s2 =	sadd.s32 s5, s2;
	s0 =	sadd.s32 s6, s0;
	(v2sf) =	vpush v2, $0xE;
	s5 =	spop (v2sf)  }
0xec: {  	s1 =	sadd.s32 s7, s1;
	s2 =	sadd.s32 s8, s2;
	(v2sf) =	vpush v3, $0xE;
	s7 =	spop (v2sf)  }
0xed: {  	s0 =	sadd.s32 s9, s0;
	s1 =	sadd.s32 s10, s1;
	(v2sf) =	vpush v1, $0xF;
	s8 =	spop (v2sf)  }
0xee: {  	s2 =	sadd.s32 s15, s2;
	s0 =	sadd.s32 s16, s0;
	s9 =	spop (v2sf);
	(v2sf) =	vpush v2, $0xF  }
0xef: {  	s1 =	sadd.s32 s17, s1;
	s2 =	sadd.s32 s18, s2;
	s10 =	spop (v2sf);
	(v2sf) =	vpush v3, $0xF  }
0xf0: {  	s0 =	sadd.s32 s19, s0;
	s1 =	sadd.s32 s20, s1;
	s15 =	spop (v2sf)  }
0xf1: {  	s2 =	sadd.s32 s21, s2;
	s0 =	sadd.s32 s22, s0;
	s16 =	spop (v2sf)  }
0xf2: {  	s1 =	sadd.s32 s23, s1;
	s2 =	sadd.s32 s24, s2;
	s17 =	spop (v2sf)  }
0xf3: {  	s0 =	sadd.s32 s25, s0;
	s1 =	sadd.s32 s26, s1;
	s18 =	spop (v2sf)  }
0xf4: {  	s2 =	sadd.s32 s28, s2;
	s0 =	sadd.s32 s29, s0;
	s19 =	spop (v2sf)  }
0xf5: {  	s1 =	sadd.s32 s30, s1;
	s2 =	sadd.s32 s31, s2;
	s20 =	spop (v2sf)  }
0xf6: {  	s31 =	simm.s32 $0x0;
	s0 =	sadd.s32 s3, s0;
	s21 =	spop (v2sf)  }
0xf7: {  	s1 =	sadd.s32 s5, s1;
	s2 =	sadd.s32 s7, s2;
	s22 =	spop (v2sf)  }
0xf8: {  	s0 =	sadd.s32 s8, s0;
	s1 =	sadd.s32 s9, s1;
	s23 =	spop (v2sf)  }
0xf9: {  	s2 =	sadd.s32 s10, s2;
	s0 =	sadd.s32 s15, s0;
	s24 =	spop (v2sf)  }
0xfa: {  	s1 =	sadd.s32 s16, s1;
	s2 =	sadd.s32 s17, s2;
	s25 =	spop (v2sf)  }
0xfb: {  	s0 =	sadd.s32 s18, s0;
	s1 =	sadd.s32 s19, s1;
	s26 =	spop (v2sf)  }
0xfc: {  	s2 =	sadd.s32 s20, s2;
	s0 =	sadd.s32 s21, s0;
	s28 =	spop (v2sf)  }
0xfd: {  	s1 =	sadd.s32 s22, s1;
	s2 =	sadd.s32 s23, s2;
	s29 =	spop (v2sf)  }
0xfe: {  	s1 =	sadd.s32 s25, s1;
	s2 =	sadd.s32 s26, s2;
	s30 =	spop (v2sf)  }
0xff: {  	s0 =	sadd.s32 s24, s0;
	s1 =	sadd.s32 s29, s1;
	s2 =	sadd.s32 s30, s2  }
0x100: {  	v8 =	vld [tilespmem:s31+$0x10];
	s0 =	sadd.s32 s28, s0;
	p1 =	sgt.s32 s1, $0xFFF;
	p0 =	sgt.s32 s2, $0xFFF  }
0x101: {  	v7 =	vld [tilespmem:s31+$0x0];
	s11 =	smov.u32 @p1 s13;
	s12 =	smov.u32 @p0 s14;
	p0 =	sgt.s32 s0, $0xFFF  }
0x102: {  	s11 =	smov.u32 @p0 s12  }
0x103: {  	v4 =	vimm.s32 $0x0;
	v6 =	vimm.s32 $0x0;
	v5 =	vimm.s32 $0x0;
	s12 =	sor.u32 $0x2000000, s11;
	s13 =	sor.u32 $0x1000000, s11;
	s14 =	sor.u32 $0x3000000, s11  }
0x104: {  	s15 =	simm.s32 $0x80;
	v1 =	vmov s12;
	v2 =	vmov s13;
	v3 =	vmov s14  }
.LBB2_8:
0x105: {  	s0 =	sshra.s32 s15, $0x2;
	vm0 =	vge.s32 v8, v1;
	vm1 =	vge.s32 v8, v2;
	vm2 =	vge.s32 v8, v3;
	p0 =	sne.s32 s15, $0x7F80  }
.Ltmp3:
0x106: {  	v8 =	vld [tilespmem:s0+$0x10];
	vm3 =	vge.s32 v7, v1;
	vm4 =	vge.s32 v7, v2;
	vm5 =	vge.s32 v7, v3;
	(pc) =	sbr.rel @p0 .LBB2_8-.Ltmp3, $4  }
0x107: {  	s15 =	sadd.s32 $0x80, s15;
	v9 =	vsel vm0, $0x1, v0;
	v10 =	vsel vm1, $0x1, v0;
	v11 =	vsel vm2, $0x1, v0;
	v7 =	vld [tilespmem:s0+$0x0]  }
0x108: {  	v12 =	vsel vm3, $0x1, v0;
	v13 =	vsel vm4, $0x1, v0;
	v14 =	vsel vm5, $0x1, v0  }
0x109: {  	v4 =	vadd.s32 v12, v4;
	v6 =	vadd.s32 v13, v6;
	v5 =	vadd.s32 v14, v5  }
0x10a: {  	v4 =	vadd.s32 v9, v4;
	v6 =	vadd.s32 v10, v6;
	v5 =	vadd.s32 v11, v5  }
0x10b: {  	vm0 =	vge.s32 v8, v1;
	vm1 =	vge.s32 v8, v2;
	vm2 =	vge.s32 v8, v3  }
0x10c: {  	vm3 =	vge.s32 v7, v1;
	vm4 =	vge.s32 v7, v2;
	vm5 =	vge.s32 v7, v3  }
0x10d: {  	v1 =	vsel vm0, $0x1, v0;
	v2 =	vsel vm1, $0x1, v0;
	v3 =	vsel vm3, $0x1, v0  }
0x10e: {  	v7 =	vsel vm2, $0x1, v0;
	v8 =	vsel vm4, $0x1, v0;
	v3 =	vadd.s32 v3, v4  }
0x10f: {  	v4 =	vsel vm5, $0x1, v0;
	v6 =	vadd.s32 v8, v6;
	v1 =	vadd.s32 v1, v3  }
0x110: {  	v3 =	vadd.s32 v4, v5;
	v2 =	vadd.s32 v2, v6;
	(v2sf) =	vpush v1, $0x0  }
0x111: {  	v3 =	vadd.s32 v7, v3;
	(v2sf) =	vpush v2, $0x0  }
0x112: {  	(v2sf) =	vpush v3, $0x0  }
0x113: {  	(v2sf) =	vpush v1, $0x1  }
0x114: {  	(v2sf) =	vpush v2, $0x1  }
0x115: {  	(v2sf) =	vpush v3, $0x1  }
0x116: {  	(v2sf) =	vpush v1, $0x2  }
0x117: {  	(v2sf) =	vpush v2, $0x2  }
0x118: {  	(v2sf) =	vpush v3, $0x2  }
0x119: {  	(v2sf) =	vpush v1, $0x3  }
0x11a: {  	(v2sf) =	vpush v2, $0x3  }
0x11b: {  	(v2sf) =	vpush v3, $0x3  }
0x11c: {  	(v2sf) =	vpush v1, $0x4  }
0x11d: {  	(v2sf) =	vpush v2, $0x4  }
0x11e: {  	(v2sf) =	vpush v3, $0x4  }
0x11f: {  	s0 =	spop (v2sf);
	(v2sf) =	vpush v1, $0x5  }
0x120: {  	s1 =	spop (v2sf);
	(v2sf) =	vpush v2, $0x5  }
0x121: {  	s2 =	spop (v2sf);
	(v2sf) =	vpush v3, $0x5  }
0x122: {  	s3 =	spop (v2sf);
	(v2sf) =	vpush v1, $0x6  }
0x123: {  	s4 =	spop (v2sf);
	(v2sf) =	vpush v2, $0x6  }
0x124: {  	s5 =	spop (v2sf);
	(v2sf) =	vpush v3, $0x6  }
0x125: {  	s6 =	spop (v2sf);
	(v2sf) =	vpush v1, $0x7  }
0x126: {  	s7 =	spop (v2sf);
	(v2sf) =	vpush v2, $0x7  }
0x127: {  	s8 =	spop (v2sf);
	(v2sf) =	vpush v3, $0x7  }
0x128: {  	s9 =	spop (v2sf);
	(v2sf) =	vpush v1, $0x8  }
0x129: {  	s10 =	spop (v2sf);
	(v2sf) =	vpush v2, $0x8  }
0x12a: {  	s15 =	spop (v2sf);
	(v2sf) =	vpush v3, $0x8  }
0x12b: {  	s16 =	spop (v2sf);
	(v2sf) =	vpush v1, $0x9  }
0x12c: {  	s17 =	spop (v2sf);
	(v2sf) =	vpush v2, $0x9  }
0x12d: {  	s18 =	spop (v2sf);
	(v2sf) =	vpush v3, $0x9  }
0x12e: {  	s19 =	spop (v2sf);
	(v2sf) =	vpush v1, $0xA  }
0x12f: {  	s20 =	spop (v2sf);
	(v2sf) =	vpush v2, $0xA  }
0x130: {  	s21 =	spop (v2sf);
	(v2sf) =	vpush v3, $0xA  }
0x131: {  	s22 =	spop (v2sf);
	(v2sf) =	vpush v1, $0xB  }
0x132: {  	s23 =	spop (v2sf);
	(v2sf) =	vpush v2, $0xB  }
0x133: {  	s24 =	spop (v2sf);
	(v2sf) =	vpush v3, $0xB  }
0x134: {  	s25 =	spop (v2sf);
	(v2sf) =	vpush v1, $0xC  }
0x135: {  	s26 =	spop (v2sf);
	(v2sf) =	vpush v2, $0xC  }
0x136: {  	(v2sf) =	vpush v3, $0xC;
	s28 =	spop (v2sf)  }
0x137: {  	(v2sf) =	vpush v1, $0xD;
	s29 =	spop (v2sf)  }
0x138: {  	(v2sf) =	vpush v2, $0xD;
	s30 =	spop (v2sf)  }
0x139: {  	(v2sf) =	vpush v3, $0xD;
	s31 =	spop (v2sf)  }
0x13a: {  	s0 =	sadd.s32 s3, s0;
	s1 =	sadd.s32 s4, s1;
	(v2sf) =	vpush v1, $0xE;
	s3 =	spop (v2sf)  }
0x13b: {  	s2 =	sadd.s32 s5, s2;
	s0 =	sadd.s32 s6, s0;
	(v2sf) =	vpush v2, $0xE;
	s5 =	spop (v2sf)  }
0x13c: {  	s1 =	sadd.s32 s7, s1;
	s2 =	sadd.s32 s8, s2;
	(v2sf) =	vpush v3, $0xE;
	s7 =	spop (v2sf)  }
0x13d: {  	s0 =	sadd.s32 s9, s0;
	s1 =	sadd.s32 s10, s1;
	(v2sf) =	vpush v1, $0xF;
	s8 =	spop (v2sf)  }
0x13e: {  	s2 =	sadd.s32 s15, s2;
	s0 =	sadd.s32 s16, s0;
	s9 =	spop (v2sf);
	(v2sf) =	vpush v2, $0xF  }
0x13f: {  	s1 =	sadd.s32 s17, s1;
	s2 =	sadd.s32 s18, s2;
	s10 =	spop (v2sf);
	(v2sf) =	vpush v3, $0xF  }
0x140: {  	s0 =	sadd.s32 s19, s0;
	s1 =	sadd.s32 s20, s1;
	s15 =	spop (v2sf)  }
0x141: {  	s2 =	sadd.s32 s21, s2;
	s0 =	sadd.s32 s22, s0;
	s16 =	spop (v2sf)  }
0x142: {  	s1 =	sadd.s32 s23, s1;
	s2 =	sadd.s32 s24, s2;
	s17 =	spop (v2sf)  }
0x143: {  	s0 =	sadd.s32 s25, s0;
	s1 =	sadd.s32 s26, s1;
	s18 =	spop (v2sf)  }
0x144: {  	s2 =	sadd.s32 s28, s2;
	s0 =	sadd.s32 s29, s0;
	s19 =	spop (v2sf)  }
0x145: {  	s1 =	sadd.s32 s30, s1;
	s2 =	sadd.s32 s31, s2;
	s20 =	spop (v2sf)  }
0x146: {  	s31 =	simm.s32 $0x0;
	s0 =	sadd.s32 s3, s0;
	s21 =	spop (v2sf)  }
0x147: {  	s1 =	sadd.s32 s5, s1;
	s2 =	sadd.s32 s7, s2;
	s22 =	spop (v2sf)  }
0x148: {  	s0 =	sadd.s32 s8, s0;
	s1 =	sadd.s32 s9, s1;
	s23 =	spop (v2sf)  }
0x149: {  	s2 =	sadd.s32 s10, s2;
	s0 =	sadd.s32 s15, s0;
	s24 =	spop (v2sf)  }
0x14a: {  	s1 =	sadd.s32 s16, s1;
	s2 =	sadd.s32 s17, s2;
	s25 =	spop (v2sf)  }
0x14b: {  	s0 =	sadd.s32 s18, s0;
	s1 =	sadd.s32 s19, s1;
	s26 =	spop (v2sf)  }
0x14c: {  	s2 =	sadd.s32 s20, s2;
	s0 =	sadd.s32 s21, s0;
	s28 =	spop (v2sf)  }
0x14d: {  	s1 =	sadd.s32 s22, s1;
	s2 =	sadd.s32 s23, s2;
	s29 =	spop (v2sf)  }
0x14e: {  	s1 =	sadd.s32 s25, s1;
	s2 =	sadd.s32 s26, s2;
	s30 =	spop (v2sf)  }
0x14f: {  	s0 =	sadd.s32 s24, s0;
	s1 =	sadd.s32 s29, s1;
	s2 =	sadd.s32 s30, s2  }
0x150: {  	v8 =	vld [tilespmem:s31+$0x10];
	s0 =	sadd.s32 s28, s0;
	p1 =	sgt.s32 s1, $0xFFF;
	p0 =	sgt.s32 s2, $0xFFF  }
0x151: {  	v7 =	vld [tilespmem:s31+$0x0];
	s11 =	smov.u32 @p1 s13;
	s12 =	smov.u32 @p0 s14;
	p0 =	sgt.s32 s0, $0xFFF  }
0x152: {  	s11 =	smov.u32 @p0 s12  }
0x153: {  	v4 =	vimm.s32 $0x0;
	v6 =	vimm.s32 $0x0;
	v5 =	vimm.s32 $0x0;
	s12 =	sor.u32 $0x800000, s11;
	s13 =	sor.u32 $0x400000, s11;
	s14 =	sor.u32 $0xC00000, s11  }
0x154: {  	s15 =	simm.s32 $0x80;
	v1 =	vmov s12;
	v2 =	vmov s13;
	v3 =	vmov s14  }
.LBB2_10:
0x155: {  	s0 =	sshra.s32 s15, $0x2;
	vm0 =	vge.s32 v8, v1;
	vm1 =	vge.s32 v8, v2;
	vm2 =	vge.s32 v8, v3;
	p0 =	sne.s32 s15, $0x7F80  }
.Ltmp4:
0x156: {  	v8 =	vld [tilespmem:s0+$0x10];
	vm3 =	vge.s32 v7, v1;
	vm4 =	vge.s32 v7, v2;
	vm5 =	vge.s32 v7, v3;
	(pc) =	sbr.rel @p0 .LBB2_10-.Ltmp4, $4  }
0x157: {  	s15 =	sadd.s32 $0x80, s15;
	v9 =	vsel vm0, $0x1, v0;
	v10 =	vsel vm1, $0x1, v0;
	v11 =	vsel vm2, $0x1, v0;
	v7 =	vld [tilespmem:s0+$0x0]  }
0x158: {  	v12 =	vsel vm3, $0x1, v0;
	v13 =	vsel vm4, $0x1, v0;
	v14 =	vsel vm5, $0x1, v0  }
0x159: {  	v4 =	vadd.s32 v12, v4;
	v6 =	vadd.s32 v13, v6;
	v5 =	vadd.s32 v14, v5  }
0x15a: {  	v4 =	vadd.s32 v9, v4;
	v6 =	vadd.s32 v10, v6;
	v5 =	vadd.s32 v11, v5  }
0x15b: {  	vm0 =	vge.s32 v8, v1;
	vm1 =	vge.s32 v8, v2;
	vm2 =	vge.s32 v8, v3  }
0x15c: {  	vm3 =	vge.s32 v7, v1;
	vm4 =	vge.s32 v7, v2;
	vm5 =	vge.s32 v7, v3  }
0x15d: {  	v1 =	vsel vm0, $0x1, v0;
	v2 =	vsel vm1, $0x1, v0;
	v3 =	vsel vm3, $0x1, v0  }
0x15e: {  	v7 =	vsel vm2, $0x1, v0;
	v8 =	vsel vm4, $0x1, v0;
	v3 =	vadd.s32 v3, v4  }
0x15f: {  	v4 =	vsel vm5, $0x1, v0;
	v6 =	vadd.s32 v8, v6;
	v1 =	vadd.s32 v1, v3  }
0x160: {  	v3 =	vadd.s32 v4, v5;
	v2 =	vadd.s32 v2, v6;
	(v2sf) =	vpush v1, $0x0  }
0x161: {  	v3 =	vadd.s32 v7, v3;
	(v2sf) =	vpush v2, $0x0  }
0x162: {  	(v2sf) =	vpush v3, $0x0  }
0x163: {  	(v2sf) =	vpush v1, $0x1  }
0x164: {  	(v2sf) =	vpush v2, $0x1  }
0x165: {  	(v2sf) =	vpush v3, $0x1  }
0x166: {  	(v2sf) =	vpush v1, $0x2  }
0x167: {  	(v2sf) =	vpush v2, $0x2  }
0x168: {  	(v2sf) =	vpush v3, $0x2  }
0x169: {  	(v2sf) =	vpush v1, $0x3  }
0x16a: {  	(v2sf) =	vpush v2, $0x3  }
0x16b: {  	(v2sf) =	vpush v3, $0x3  }
0x16c: {  	(v2sf) =	vpush v1, $0x4  }
0x16d: {  	(v2sf) =	vpush v2, $0x4  }
0x16e: {  	(v2sf) =	vpush v3, $0x4  }
0x16f: {  	s0 =	spop (v2sf);
	(v2sf) =	vpush v1, $0x5  }
0x170: {  	s1 =	spop (v2sf);
	(v2sf) =	vpush v2, $0x5  }
0x171: {  	s2 =	spop (v2sf);
	(v2sf) =	vpush v3, $0x5  }
0x172: {  	s3 =	spop (v2sf);
	(v2sf) =	vpush v1, $0x6  }
0x173: {  	s4 =	spop (v2sf);
	(v2sf) =	vpush v2, $0x6  }
0x174: {  	s5 =	spop (v2sf);
	(v2sf) =	vpush v3, $0x6  }
0x175: {  	s6 =	spop (v2sf);
	(v2sf) =	vpush v1, $0x7  }
0x176: {  	s7 =	spop (v2sf);
	(v2sf) =	vpush v2, $0x7  }
0x177: {  	s8 =	spop (v2sf);
	(v2sf) =	vpush v3, $0x7  }
0x178: {  	s9 =	spop (v2sf);
	(v2sf) =	vpush v1, $0x8  }
0x179: {  	s10 =	spop (v2sf);
	(v2sf) =	vpush v2, $0x8  }
0x17a: {  	s15 =	spop (v2sf);
	(v2sf) =	vpush v3, $0x8  }
0x17b: {  	s16 =	spop (v2sf);
	(v2sf) =	vpush v1, $0x9  }
0x17c: {  	s17 =	spop (v2sf);
	(v2sf) =	vpush v2, $0x9  }
0x17d: {  	s18 =	spop (v2sf);
	(v2sf) =	vpush v3, $0x9  }
0x17e: {  	s19 =	spop (v2sf);
	(v2sf) =	vpush v1, $0xA  }
0x17f: {  	s20 =	spop (v2sf);
	(v2sf) =	vpush v2, $0xA  }
0x180: {  	s21 =	spop (v2sf);
	(v2sf) =	vpush v3, $0xA  }
0x181: {  	s22 =	spop (v2sf);
	(v2sf) =	vpush v1, $0xB  }
0x182: {  	s23 =	spop (v2sf);
	(v2sf) =	vpush v2, $0xB  }
0x183: {  	s24 =	spop (v2sf);
	(v2sf) =	vpush v3, $0xB  }
0x184: {  	s25 =	spop (v2sf);
	(v2sf) =	vpush v1, $0xC  }
0x185: {  	s26 =	spop (v2sf);
	(v2sf) =	vpush v2, $0xC  }
0x186: {  	(v2sf) =	vpush v3, $0xC;
	s28 =	spop (v2sf)  }
0x187: {  	(v2sf) =	vpush v1, $0xD;
	s29 =	spop (v2sf)  }
0x188: {  	(v2sf) =	vpush v2, $0xD;
	s30 =	spop (v2sf)  }
0x189: {  	(v2sf) =	vpush v3, $0xD;
	s31 =	spop (v2sf)  }
0x18a: {  	s0 =	sadd.s32 s3, s0;
	s1 =	sadd.s32 s4, s1;
	(v2sf) =	vpush v1, $0xE;
	s3 =	spop (v2sf)  }
0x18b: {  	s2 =	sadd.s32 s5, s2;
	s0 =	sadd.s32 s6, s0;
	(v2sf) =	vpush v2, $0xE;
	s5 =	spop (v2sf)  }
0x18c: {  	s1 =	sadd.s32 s7, s1;
	s2 =	sadd.s32 s8, s2;
	(v2sf) =	vpush v3, $0xE;
	s7 =	spop (v2sf)  }
0x18d: {  	s0 =	sadd.s32 s9, s0;
	s1 =	sadd.s32 s10, s1;
	(v2sf) =	vpush v1, $0xF;
	s8 =	spop (v2sf)  }
0x18e: {  	s2 =	sadd.s32 s15, s2;
	s0 =	sadd.s32 s16, s0;
	s9 =	spop (v2sf);
	(v2sf) =	vpush v2, $0xF  }
0x18f: {  	s1 =	sadd.s32 s17, s1;
	s2 =	sadd.s32 s18, s2;
	s10 =	spop (v2sf);
	(v2sf) =	vpush v3, $0xF  }
0x190: {  	s0 =	sadd.s32 s19, s0;
	s1 =	sadd.s32 s20, s1;
	s15 =	spop (v2sf)  }
0x191: {  	s2 =	sadd.s32 s21, s2;
	s0 =	sadd.s32 s22, s0;
	s16 =	spop (v2sf)  }
0x192: {  	s1 =	sadd.s32 s23, s1;
	s2 =	sadd.s32 s24, s2;
	s17 =	spop (v2sf)  }
0x193: {  	s0 =	sadd.s32 s25, s0;
	s1 =	sadd.s32 s26, s1;
	s18 =	spop (v2sf)  }
0x194: {  	s2 =	sadd.s32 s28, s2;
	s0 =	sadd.s32 s29, s0;
	s19 =	spop (v2sf)  }
0x195: {  	s1 =	sadd.s32 s30, s1;
	s2 =	sadd.s32 s31, s2;
	s20 =	spop (v2sf)  }
0x196: {  	s31 =	simm.s32 $0x0;
	s0 =	sadd.s32 s3, s0;
	s21 =	spop (v2sf)  }
0x197: {  	s1 =	sadd.s32 s5, s1;
	s2 =	sadd.s32 s7, s2;
	s22 =	spop (v2sf)  }
0x198: {  	s0 =	sadd.s32 s8, s0;
	s1 =	sadd.s32 s9, s1;
	s23 =	spop (v2sf)  }
0x199: {  	s2 =	sadd.s32 s10, s2;
	s0 =	sadd.s32 s15, s0;
	s24 =	spop (v2sf)  }
0x19a: {  	s1 =	sadd.s32 s16, s1;
	s2 =	sadd.s32 s17, s2;
	s25 =	spop (v2sf)  }
0x19b: {  	s0 =	sadd.s32 s18, s0;
	s1 =	sadd.s32 s19, s1;
	s26 =	spop (v2sf)  }
0x19c: {  	s2 =	sadd.s32 s20, s2;
	s0 =	sadd.s32 s21, s0;
	s28 =	spop (v2sf)  }
0x19d: {  	s1 =	sadd.s32 s22, s1;
	s2 =	sadd.s32 s23, s2;
	s29 =	spop (v2sf)  }
0x19e: {  	s1 =	sadd.s32 s25, s1;
	s2 =	sadd.s32 s26, s2;
	s30 =	spop (v2sf)  }
0x19f: {  	s0 =	sadd.s32 s24, s0;
	s1 =	sadd.s32 s29, s1;
	s2 =	sadd.s32 s30, s2  }
0x1a0: {  	v8 =	vld [tilespmem:s31+$0x10];
	s0 =	sadd.s32 s28, s0;
	p1 =	sgt.s32 s1, $0xFFF;
	p0 =	sgt.s32 s2, $0xFFF  }
0x1a1: {  	v7 =	vld [tilespmem:s31+$0x0];
	s11 =	smov.u32 @p1 s13;
	s12 =	smov.u32 @p0 s14;
	p0 =	sgt.s32 s0, $0xFFF  }
0x1a2: {  	s11 =	smov.u32 @p0 s12  }
0x1a3: {  	v4 =	vimm.s32 $0x0;
	v6 =	vimm.s32 $0x0;
	v5 =	vimm.s32 $0x0;
	s12 =	sor.u32 $0x200000, s11;
	s13 =	sor.u32 $0x100000, s11;
	s14 =	sor.u32 $0x300000, s11  }
0x1a4: {  	s15 =	simm.s32 $0x80;
	v1 =	vmov s12;
	v2 =	vmov s13;
	v3 =	vmov s14  }
.LBB2_12:
0x1a5: {  	s0 =	sshra.s32 s15, $0x2;
	vm0 =	vge.s32 v8, v1;
	vm1 =	vge.s32 v8, v2;
	vm2 =	vge.s32 v8, v3;
	p0 =	sne.s32 s15, $0x7F80  }
.Ltmp5:
0x1a6: {  	v8 =	vld [tilespmem:s0+$0x10];
	vm3 =	vge.s32 v7, v1;
	vm4 =	vge.s32 v7, v2;
	vm5 =	vge.s32 v7, v3;
	(pc) =	sbr.rel @p0 .LBB2_12-.Ltmp5, $4  }
0x1a7: {  	s15 =	sadd.s32 $0x80, s15;
	v9 =	vsel vm0, $0x1, v0;
	v10 =	vsel vm1, $0x1, v0;
	v11 =	vsel vm2, $0x1, v0;
	v7 =	vld [tilespmem:s0+$0x0]  }
0x1a8: {  	v12 =	vsel vm3, $0x1, v0;
	v13 =	vsel vm4, $0x1, v0;
	v14 =	vsel vm5, $0x1, v0  }
0x1a9: {  	v4 =	vadd.s32 v12, v4;
	v6 =	vadd.s32 v13, v6;
	v5 =	vadd.s32 v14, v5  }
0x1aa: {  	v4 =	vadd.s32 v9, v4;
	v6 =	vadd.s32 v10, v6;
	v5 =	vadd.s32 v11, v5  }
0x1ab: {  	vm0 =	vge.s32 v8, v1;
	vm1 =	vge.s32 v8, v2;
	vm2 =	vge.s32 v8, v3  }
0x1ac: {  	vm3 =	vge.s32 v7, v1;
	vm4 =	vge.s32 v7, v2;
	vm5 =	vge.s32 v7, v3  }
0x1ad: {  	v1 =	vsel vm0, $0x1, v0;
	v2 =	vsel vm1, $0x1, v0;
	v3 =	vsel vm3, $0x1, v0  }
0x1ae: {  	v7 =	vsel vm2, $0x1, v0;
	v8 =	vsel vm4, $0x1, v0;
	v3 =	vadd.s32 v3, v4  }
0x1af: {  	v4 =	vsel vm5, $0x1, v0;
	v6 =	vadd.s32 v8, v6;
	v1 =	vadd.s32 v1, v3  }
0x1b0: {  	v3 =	vadd.s32 v4, v5;
	v2 =	vadd.s32 v2, v6;
	(v2sf) =	vpush v1, $0x0  }
0x1b1: {  	v3 =	vadd.s32 v7, v3;
	(v2sf) =	vpush v2, $0x0  }
0x1b2: {  	(v2sf) =	vpush v3, $0x0  }
0x1b3: {  	(v2sf) =	vpush v1, $0x1  }
0x1b4: {  	(v2sf) =	vpush v2, $0x1  }
0x1b5: {  	(v2sf) =	vpush v3, $0x1  }
0x1b6: {  	(v2sf) =	vpush v1, $0x2  }
0x1b7: {  	(v2sf) =	vpush v2, $0x2  }
0x1b8: {  	(v2sf) =	vpush v3, $0x2  }
0x1b9: {  	(v2sf) =	vpush v1, $0x3  }
0x1ba: {  	(v2sf) =	vpush v2, $0x3  }
0x1bb: {  	(v2sf) =	vpush v3, $0x3  }
0x1bc: {  	(v2sf) =	vpush v1, $0x4  }
0x1bd: {  	(v2sf) =	vpush v2, $0x4  }
0x1be: {  	(v2sf) =	vpush v3, $0x4  }
0x1bf: {  	s0 =	spop (v2sf);
	(v2sf) =	vpush v1, $0x5  }
0x1c0: {  	s1 =	spop (v2sf);
	(v2sf) =	vpush v2, $0x5  }
0x1c1: {  	s2 =	spop (v2sf);
	(v2sf) =	vpush v3, $0x5  }
0x1c2: {  	s3 =	spop (v2sf);
	(v2sf) =	vpush v1, $0x6  }
0x1c3: {  	s4 =	spop (v2sf);
	(v2sf) =	vpush v2, $0x6  }
0x1c4: {  	s5 =	spop (v2sf);
	(v2sf) =	vpush v3, $0x6  }
0x1c5: {  	s6 =	spop (v2sf);
	(v2sf) =	vpush v1, $0x7  }
0x1c6: {  	s7 =	spop (v2sf);
	(v2sf) =	vpush v2, $0x7  }
0x1c7: {  	s8 =	spop (v2sf);
	(v2sf) =	vpush v3, $0x7  }
0x1c8: {  	s9 =	spop (v2sf);
	(v2sf) =	vpush v1, $0x8  }
0x1c9: {  	s10 =	spop (v2sf);
	(v2sf) =	vpush v2, $0x8  }
0x1ca: {  	s15 =	spop (v2sf);
	(v2sf) =	vpush v3, $0x8  }
0x1cb: {  	s16 =	spop (v2sf);
	(v2sf) =	vpush v1, $0x9  }
0x1cc: {  	s17 =	spop (v2sf);
	(v2sf) =	vpush v2, $0x9  }
0x1cd: {  	s18 =	spop (v2sf);
	(v2sf) =	vpush v3, $0x9  }
0x1ce: {  	s19 =	spop (v2sf);
	(v2sf) =	vpush v1, $0xA  }
0x1cf: {  	s20 =	spop (v2sf);
	(v2sf) =	vpush v2, $0xA  }
0x1d0: {  	s21 =	spop (v2sf);
	(v2sf) =	vpush v3, $0xA  }
0x1d1: {  	s22 =	spop (v2sf);
	(v2sf) =	vpush v1, $0xB  }
0x1d2: {  	s23 =	spop (v2sf);
	(v2sf) =	vpush v2, $0xB  }
0x1d3: {  	s24 =	spop (v2sf);
	(v2sf) =	vpush v3, $0xB  }
0x1d4: {  	s25 =	spop (v2sf);
	(v2sf) =	vpush v1, $0xC  }
0x1d5: {  	s26 =	spop (v2sf);
	(v2sf) =	vpush v2, $0xC  }
0x1d6: {  	(v2sf) =	vpush v3, $0xC;
	s28 =	spop (v2sf)  }
0x1d7: {  	(v2sf) =	vpush v1, $0xD;
	s29 =	spop (v2sf)  }
0x1d8: {  	(v2sf) =	vpush v2, $0xD;
	s30 =	spop (v2sf)  }
0x1d9: {  	(v2sf) =	vpush v3, $0xD;
	s31 =	spop (v2sf)  }
0x1da: {  	s0 =	sadd.s32 s3, s0;
	s1 =	sadd.s32 s4, s1;
	(v2sf) =	vpush v1, $0xE;
	s3 =	spop (v2sf)  }
0x1db: {  	s2 =	sadd.s32 s5, s2;
	s0 =	sadd.s32 s6, s0;
	(v2sf) =	vpush v2, $0xE;
	s5 =	spop (v2sf)  }
0x1dc: {  	s1 =	sadd.s32 s7, s1;
	s2 =	sadd.s32 s8, s2;
	(v2sf) =	vpush v3, $0xE;
	s7 =	spop (v2sf)  }
0x1dd: {  	s0 =	sadd.s32 s9, s0;
	s1 =	sadd.s32 s10, s1;
	(v2sf) =	vpush v1, $0xF;
	s8 =	spop (v2sf)  }
0x1de: {  	s2 =	sadd.s32 s15, s2;
	s0 =	sadd.s32 s16, s0;
	s9 =	spop (v2sf);
	(v2sf) =	vpush v2, $0xF  }
0x1df: {  	s1 =	sadd.s32 s17, s1;
	s2 =	sadd.s32 s18, s2;
	s10 =	spop (v2sf);
	(v2sf) =	vpush v3, $0xF  }
0x1e0: {  	s0 =	sadd.s32 s19, s0;
	s1 =	sadd.s32 s20, s1;
	s15 =	spop (v2sf)  }
0x1e1: {  	s2 =	sadd.s32 s21, s2;
	s0 =	sadd.s32 s22, s0;
	s16 =	spop (v2sf)  }
0x1e2: {  	s1 =	sadd.s32 s23, s1;
	s2 =	sadd.s32 s24, s2;
	s17 =	spop (v2sf)  }
0x1e3: {  	s0 =	sadd.s32 s25, s0;
	s1 =	sadd.s32 s26, s1;
	s18 =	spop (v2sf)  }
0x1e4: {  	s2 =	sadd.s32 s28, s2;
	s0 =	sadd.s32 s29, s0;
	s19 =	spop (v2sf)  }
0x1e5: {  	s1 =	sadd.s32 s30, s1;
	s2 =	sadd.s32 s31, s2;
	s20 =	spop (v2sf)  }
0x1e6: {  	s31 =	simm.s32 $0x0;
	s0 =	sadd.s32 s3, s0;
	s21 =	spop (v2sf)  }
0x1e7: {  	s1 =	sadd.s32 s5, s1;
	s2 =	sadd.s32 s7, s2;
	s22 =	spop (v2sf)  }
0x1e8: {  	s0 =	sadd.s32 s8, s0;
	s1 =	sadd.s32 s9, s1;
	s23 =	spop (v2sf)  }
0x1e9: {  	s2 =	sadd.s32 s10, s2;
	s0 =	sadd.s32 s15, s0;
	s24 =	spop (v2sf)  }
0x1ea: {  	s1 =	sadd.s32 s16, s1;
	s2 =	sadd.s32 s17, s2;
	s25 =	spop (v2sf)  }
0x1eb: {  	s0 =	sadd.s32 s18, s0;
	s1 =	sadd.s32 s19, s1;
	s26 =	spop (v2sf)  }
0x1ec: {  	s2 =	sadd.s32 s20, s2;
	s0 =	sadd.s32 s21, s0;
	s28 =	spop (v2sf)  }
0x1ed: {  	s1 =	sadd.s32 s22, s1;
	s2 =	sadd.s32 s23, s2;
	s29 =	spop (v2sf)  }
0x1ee: {  	s1 =	sadd.s32 s25, s1;
	s2 =	sadd.s32 s26, s2;
	s30 =	spop (v2sf)  }
0x1ef: {  	s0 =	sadd.s32 s24, s0;
	s1 =	sadd.s32 s29, s1;
	s2 =	sadd.s32 s30, s2  }
0x1f0: {  	v8 =	vld [tilespmem:s31+$0x10];
	s0 =	sadd.s32 s28, s0;
	p1 =	sgt.s32 s1, $0xFFF;
	p0 =	sgt.s32 s2, $0xFFF  }
0x1f1: {  	v7 =	vld [tilespmem:s31+$0x0];
	s11 =	smov.u32 @p1 s13;
	s12 =	smov.u32 @p0 s14;
	p0 =	sgt.s32 s0, $0xFFF  }
0x1f2: {  	s11 =	smov.u32 @p0 s12  }
0x1f3: {  	v4 =	vimm.s32 $0x0;
	v6 =	vimm.s32 $0x0;
	v5 =	vimm.s32 $0x0;
	s12 =	sor.u32 $0x80000, s11;
	s13 =	sor.u32 $0x40000, s11;
	s14 =	sor.u32 $0xC0000, s11  }
0x1f4: {  	s15 =	simm.s32 $0x80;
	v1 =	vmov s12;
	v2 =	vmov s13;
	v3 =	vmov s14  }
.LBB2_14:
0x1f5: {  	s0 =	sshra.s32 s15, $0x2;
	vm0 =	vge.s32 v8, v1;
	vm1 =	vge.s32 v8, v2;
	vm2 =	vge.s32 v8, v3;
	p0 =	sne.s32 s15, $0x7F80  }
.Ltmp6:
0x1f6: {  	v8 =	vld [tilespmem:s0+$0x10];
	vm3 =	vge.s32 v7, v1;
	vm4 =	vge.s32 v7, v2;
	vm5 =	vge.s32 v7, v3;
	(pc) =	sbr.rel @p0 .LBB2_14-.Ltmp6, $4  }
0x1f7: {  	s15 =	sadd.s32 $0x80, s15;
	v9 =	vsel vm0, $0x1, v0;
	v10 =	vsel vm1, $0x1, v0;
	v11 =	vsel vm2, $0x1, v0;
	v7 =	vld [tilespmem:s0+$0x0]  }
0x1f8: {  	v12 =	vsel vm3, $0x1, v0;
	v13 =	vsel vm4, $0x1, v0;
	v14 =	vsel vm5, $0x1, v0  }
0x1f9: {  	v4 =	vadd.s32 v12, v4;
	v6 =	vadd.s32 v13, v6;
	v5 =	vadd.s32 v14, v5  }
0x1fa: {  	v4 =	vadd.s32 v9, v4;
	v6 =	vadd.s32 v10, v6;
	v5 =	vadd.s32 v11, v5  }
0x1fb: {  	vm0 =	vge.s32 v8, v1;
	vm1 =	vge.s32 v8, v2;
	vm2 =	vge.s32 v8, v3  }
0x1fc: {  	vm3 =	vge.s32 v7, v1;
	vm4 =	vge.s32 v7, v2;
	vm5 =	vge.s32 v7, v3  }
0x1fd: {  	v1 =	vsel vm0, $0x1, v0;
	v2 =	vsel vm1, $0x1, v0;
	v3 =	vsel vm3, $0x1, v0  }
0x1fe: {  	v7 =	vsel vm2, $0x1, v0;
	v8 =	vsel vm4, $0x1, v0;
	v3 =	vadd.s32 v3, v4  }
0x1ff: {  	v4 =	vsel vm5, $0x1, v0;
	v6 =	vadd.s32 v8, v6;
	v1 =	vadd.s32 v1, v3  }
0x200: {  	v3 =	vadd.s32 v4, v5;
	v2 =	vadd.s32 v2, v6;
	(v2sf) =	vpush v1, $0x0  }
0x201: {  	v3 =	vadd.s32 v7, v3;
	(v2sf) =	vpush v2, $0x0  }
0x202: {  	(v2sf) =	vpush v3, $0x0  }
0x203: {  	(v2sf) =	vpush v1, $0x1  }
0x204: {  	(v2sf) =	vpush v2, $0x1  }
0x205: {  	(v2sf) =	vpush v3, $0x1  }
0x206: {  	(v2sf) =	vpush v1, $0x2  }
0x207: {  	(v2sf) =	vpush v2, $0x2  }
0x208: {  	(v2sf) =	vpush v3, $0x2  }
0x209: {  	(v2sf) =	vpush v1, $0x3  }
0x20a: {  	(v2sf) =	vpush v2, $0x3  }
0x20b: {  	(v2sf) =	vpush v3, $0x3  }
0x20c: {  	(v2sf) =	vpush v1, $0x4  }
0x20d: {  	(v2sf) =	vpush v2, $0x4  }
0x20e: {  	(v2sf) =	vpush v3, $0x4  }
0x20f: {  	s0 =	spop (v2sf);
	(v2sf) =	vpush v1, $0x5  }
0x210: {  	s1 =	spop (v2sf);
	(v2sf) =	vpush v2, $0x5  }
0x211: {  	s2 =	spop (v2sf);
	(v2sf) =	vpush v3, $0x5  }
0x212: {  	s3 =	spop (v2sf);
	(v2sf) =	vpush v1, $0x6  }
0x213: {  	s4 =	spop (v2sf);
	(v2sf) =	vpush v2, $0x6  }
0x214: {  	s5 =	spop (v2sf);
	(v2sf) =	vpush v3, $0x6  }
0x215: {  	s6 =	spop (v2sf);
	(v2sf) =	vpush v1, $0x7  }
0x216: {  	s7 =	spop (v2sf);
	(v2sf) =	vpush v2, $0x7  }
0x217: {  	s8 =	spop (v2sf);
	(v2sf) =	vpush v3, $0x7  }
0x218: {  	s9 =	spop (v2sf);
	(v2sf) =	vpush v1, $0x8  }
0x219: {  	s10 =	spop (v2sf);
	(v2sf) =	vpush v2, $0x8  }
0x21a: {  	s15 =	spop (v2sf);
	(v2sf) =	vpush v3, $0x8  }
0x21b: {  	s16 =	spop (v2sf);
	(v2sf) =	vpush v1, $0x9  }
0x21c: {  	s17 =	spop (v2sf);
	(v2sf) =	vpush v2, $0x9  }
0x21d: {  	s18 =	spop (v2sf);
	(v2sf) =	vpush v3, $0x9  }
0x21e: {  	s19 =	spop (v2sf);
	(v2sf) =	vpush v1, $0xA  }
0x21f: {  	s20 =	spop (v2sf);
	(v2sf) =	vpush v2, $0xA  }
0x220: {  	s21 =	spop (v2sf);
	(v2sf) =	vpush v3, $0xA  }
0x221: {  	s22 =	spop (v2sf);
	(v2sf) =	vpush v1, $0xB  }
0x222: {  	s23 =	spop (v2sf);
	(v2sf) =	vpush v2, $0xB  }
0x223: {  	s24 =	spop (v2sf);
	(v2sf) =	vpush v3, $0xB  }
0x224: {  	s25 =	spop (v2sf);
	(v2sf) =	vpush v1, $0xC  }
0x225: {  	s26 =	spop (v2sf);
	(v2sf) =	vpush v2, $0xC  }
0x226: {  	(v2sf) =	vpush v3, $0xC;
	s28 =	spop (v2sf)  }
0x227: {  	(v2sf) =	vpush v1, $0xD;
	s29 =	spop (v2sf)  }
0x228: {  	(v2sf) =	vpush v2, $0xD;
	s30 =	spop (v2sf)  }
0x229: {  	(v2sf) =	vpush v3, $0xD;
	s31 =	spop (v2sf)  }
0x22a: {  	s0 =	sadd.s32 s3, s0;
	s1 =	sadd.s32 s4, s1;
	(v2sf) =	vpush v1, $0xE;
	s3 =	spop (v2sf)  }
0x22b: {  	s2 =	sadd.s32 s5, s2;
	s0 =	sadd.s32 s6, s0;
	(v2sf) =	vpush v2, $0xE;
	s5 =	spop (v2sf)  }
0x22c: {  	s1 =	sadd.s32 s7, s1;
	s2 =	sadd.s32 s8, s2;
	(v2sf) =	vpush v3, $0xE;
	s7 =	spop (v2sf)  }
0x22d: {  	s0 =	sadd.s32 s9, s0;
	s1 =	sadd.s32 s10, s1;
	(v2sf) =	vpush v1, $0xF;
	s8 =	spop (v2sf)  }
0x22e: {  	s2 =	sadd.s32 s15, s2;
	s0 =	sadd.s32 s16, s0;
	s9 =	spop (v2sf);
	(v2sf) =	vpush v2, $0xF  }
0x22f: {  	s1 =	sadd.s32 s17, s1;
	s2 =	sadd.s32 s18, s2;
	s10 =	spop (v2sf);
	(v2sf) =	vpush v3, $0xF  }
0x230: {  	s0 =	sadd.s32 s19, s0;
	s1 =	sadd.s32 s20, s1;
	s15 =	spop (v2sf)  }
0x231: {  	s2 =	sadd.s32 s21, s2;
	s0 =	sadd.s32 s22, s0;
	s16 =	spop (v2sf)  }
0x232: {  	s1 =	sadd.s32 s23, s1;
	s2 =	sadd.s32 s24, s2;
	s17 =	spop (v2sf)  }
0x233: {  	s0 =	sadd.s32 s25, s0;
	s1 =	sadd.s32 s26, s1;
	s18 =	spop (v2sf)  }
0x234: {  	s2 =	sadd.s32 s28, s2;
	s0 =	sadd.s32 s29, s0;
	s19 =	spop (v2sf)  }
0x235: {  	s1 =	sadd.s32 s30, s1;
	s2 =	sadd.s32 s31, s2;
	s20 =	spop (v2sf)  }
0x236: {  	s31 =	simm.s32 $0x0;
	s0 =	sadd.s32 s3, s0;
	s21 =	spop (v2sf)  }
0x237: {  	s1 =	sadd.s32 s5, s1;
	s2 =	sadd.s32 s7, s2;
	s22 =	spop (v2sf)  }
0x238: {  	s0 =	sadd.s32 s8, s0;
	s1 =	sadd.s32 s9, s1;
	s23 =	spop (v2sf)  }
0x239: {  	s2 =	sadd.s32 s10, s2;
	s0 =	sadd.s32 s15, s0;
	s24 =	spop (v2sf)  }
0x23a: {  	s1 =	sadd.s32 s16, s1;
	s2 =	sadd.s32 s17, s2;
	s25 =	spop (v2sf)  }
0x23b: {  	s0 =	sadd.s32 s18, s0;
	s1 =	sadd.s32 s19, s1;
	s26 =	spop (v2sf)  }
0x23c: {  	s2 =	sadd.s32 s20, s2;
	s0 =	sadd.s32 s21, s0;
	s28 =	spop (v2sf)  }
0x23d: {  	s1 =	sadd.s32 s22, s1;
	s2 =	sadd.s32 s23, s2;
	s29 =	spop (v2sf)  }
0x23e: {  	s1 =	sadd.s32 s25, s1;
	s2 =	sadd.s32 s26, s2;
	s30 =	spop (v2sf)  }
0x23f: {  	s0 =	sadd.s32 s24, s0;
	s1 =	sadd.s32 s29, s1;
	s2 =	sadd.s32 s30, s2  }
0x240: {  	v8 =	vld [tilespmem:s31+$0x10];
	s0 =	sadd.s32 s28, s0;
	p1 =	sgt.s32 s1, $0xFFF;
	p0 =	sgt.s32 s2, $0xFFF  }
0x241: {  	v7 =	vld [tilespmem:s31+$0x0];
	s11 =	smov.u32 @p1 s13;
	s12 =	smov.u32 @p0 s14;
	p0 =	sgt.s32 s0, $0xFFF  }
0x242: {  	s11 =	smov.u32 @p0 s12  }
0x243: {  	v4 =	vimm.s32 $0x0;
	v6 =	vimm.s32 $0x0;
	v5 =	vimm.s32 $0x0;
	s12 =	sor.u32 $0x20000, s11;
	s13 =	sor.u32 $0x10000, s11;
	s14 =	sor.u32 $0x30000, s11  }
0x244: {  	s15 =	simm.s32 $0x80;
	v1 =	vmov s12;
	v2 =	vmov s13;
	v3 =	vmov s14  }
.LBB2_16:
0x245: {  	s0 =	sshra.s32 s15, $0x2;
	vm0 =	vge.s32 v8, v1;
	vm1 =	vge.s32 v8, v2;
	vm2 =	vge.s32 v8, v3;
	p0 =	sne.s32 s15, $0x7F80  }
.Ltmp7:
0x246: {  	v8 =	vld [tilespmem:s0+$0x10];
	vm3 =	vge.s32 v7, v1;
	vm4 =	vge.s32 v7, v2;
	vm5 =	vge.s32 v7, v3;
	(pc) =	sbr.rel @p0 .LBB2_16-.Ltmp7, $4  }
0x247: {  	s15 =	sadd.s32 $0x80, s15;
	v9 =	vsel vm0, $0x1, v0;
	v10 =	vsel vm1, $0x1, v0;
	v11 =	vsel vm2, $0x1, v0;
	v7 =	vld [tilespmem:s0+$0x0]  }
0x248: {  	v12 =	vsel vm3, $0x1, v0;
	v13 =	vsel vm4, $0x1, v0;
	v14 =	vsel vm5, $0x1, v0  }
0x249: {  	v4 =	vadd.s32 v12, v4;
	v6 =	vadd.s32 v13, v6;
	v5 =	vadd.s32 v14, v5  }
0x24a: {  	v4 =	vadd.s32 v9, v4;
	v6 =	vadd.s32 v10, v6;
	v5 =	vadd.s32 v11, v5  }
0x24b: {  	vm0 =	vge.s32 v8, v1;
	vm1 =	vge.s32 v8, v2;
	vm2 =	vge.s32 v8, v3  }
0x24c: {  	vm3 =	vge.s32 v7, v1;
	vm4 =	vge.s32 v7, v2;
	vm5 =	vge.s32 v7, v3  }
0x24d: {  	v1 =	vsel vm0, $0x1, v0;
	v2 =	vsel vm1, $0x1, v0;
	v3 =	vsel vm3, $0x1, v0  }
0x24e: {  	v7 =	vsel vm2, $0x1, v0;
	v8 =	vsel vm4, $0x1, v0;
	v3 =	vadd.s32 v3, v4  }
0x24f: {  	v4 =	vsel vm5, $0x1, v0;
	v6 =	vadd.s32 v8, v6;
	v1 =	vadd.s32 v1, v3  }
0x250: {  	v3 =	vadd.s32 v4, v5;
	v2 =	vadd.s32 v2, v6;
	(v2sf) =	vpush v1, $0x0  }
0x251: {  	v3 =	vadd.s32 v7, v3;
	(v2sf) =	vpush v2, $0x0  }
0x252: {  	(v2sf) =	vpush v3, $0x0  }
0x253: {  	(v2sf) =	vpush v1, $0x1  }
0x254: {  	(v2sf) =	vpush v2, $0x1  }
0x255: {  	(v2sf) =	vpush v3, $0x1  }
0x256: {  	(v2sf) =	vpush v1, $0x2  }
0x257: {  	(v2sf) =	vpush v2, $0x2  }
0x258: {  	(v2sf) =	vpush v3, $0x2  }
0x259: {  	(v2sf) =	vpush v1, $0x3  }
0x25a: {  	(v2sf) =	vpush v2, $0x3  }
0x25b: {  	(v2sf) =	vpush v3, $0x3  }
0x25c: {  	(v2sf) =	vpush v1, $0x4  }
0x25d: {  	(v2sf) =	vpush v2, $0x4  }
0x25e: {  	(v2sf) =	vpush v3, $0x4  }
0x25f: {  	s0 =	spop (v2sf);
	(v2sf) =	vpush v1, $0x5  }
0x260: {  	s1 =	spop (v2sf);
	(v2sf) =	vpush v2, $0x5  }
0x261: {  	s2 =	spop (v2sf);
	(v2sf) =	vpush v3, $0x5  }
0x262: {  	s3 =	spop (v2sf);
	(v2sf) =	vpush v1, $0x6  }
0x263: {  	s4 =	spop (v2sf);
	(v2sf) =	vpush v2, $0x6  }
0x264: {  	s5 =	spop (v2sf);
	(v2sf) =	vpush v3, $0x6  }
0x265: {  	s6 =	spop (v2sf);
	(v2sf) =	vpush v1, $0x7  }
0x266: {  	s7 =	spop (v2sf);
	(v2sf) =	vpush v2, $0x7  }
0x267: {  	s8 =	spop (v2sf);
	(v2sf) =	vpush v3, $0x7  }
0x268: {  	s9 =	spop (v2sf);
	(v2sf) =	vpush v1, $0x8  }
0x269: {  	s10 =	spop (v2sf);
	(v2sf) =	vpush v2, $0x8  }
0x26a: {  	s15 =	spop (v2sf);
	(v2sf) =	vpush v3, $0x8  }
0x26b: {  	s16 =	spop (v2sf);
	(v2sf) =	vpush v1, $0x9  }
0x26c: {  	s17 =	spop (v2sf);
	(v2sf) =	vpush v2, $0x9  }
0x26d: {  	s18 =	spop (v2sf);
	(v2sf) =	vpush v3, $0x9  }
0x26e: {  	s19 =	spop (v2sf);
	(v2sf) =	vpush v1, $0xA  }
0x26f: {  	s20 =	spop (v2sf);
	(v2sf) =	vpush v2, $0xA  }
0x270: {  	s21 =	spop (v2sf);
	(v2sf) =	vpush v3, $0xA  }
0x271: {  	s22 =	spop (v2sf);
	(v2sf) =	vpush v1, $0xB  }
0x272: {  	s23 =	spop (v2sf);
	(v2sf) =	vpush v2, $0xB  }
0x273: {  	s24 =	spop (v2sf);
	(v2sf) =	vpush v3, $0xB  }
0x274: {  	s25 =	spop (v2sf);
	(v2sf) =	vpush v1, $0xC  }
0x275: {  	s26 =	spop (v2sf);
	(v2sf) =	vpush v2, $0xC  }
0x276: {  	(v2sf) =	vpush v3, $0xC;
	s28 =	spop (v2sf)  }
0x277: {  	(v2sf) =	vpush v1, $0xD;
	s29 =	spop (v2sf)  }
0x278: {  	(v2sf) =	vpush v2, $0xD;
	s30 =	spop (v2sf)  }
0x279: {  	(v2sf) =	vpush v3, $0xD;
	s31 =	spop (v2sf)  }
0x27a: {  	s0 =	sadd.s32 s3, s0;
	s1 =	sadd.s32 s4, s1;
	(v2sf) =	vpush v1, $0xE;
	s3 =	spop (v2sf)  }
0x27b: {  	s2 =	sadd.s32 s5, s2;
	s0 =	sadd.s32 s6, s0;
	(v2sf) =	vpush v2, $0xE;
	s5 =	spop (v2sf)  }
0x27c: {  	s1 =	sadd.s32 s7, s1;
	s2 =	sadd.s32 s8, s2;
	(v2sf) =	vpush v3, $0xE;
	s7 =	spop (v2sf)  }
0x27d: {  	s0 =	sadd.s32 s9, s0;
	s1 =	sadd.s32 s10, s1;
	(v2sf) =	vpush v1, $0xF;
	s8 =	spop (v2sf)  }
0x27e: {  	s2 =	sadd.s32 s15, s2;
	s0 =	sadd.s32 s16, s0;
	s9 =	spop (v2sf);
	(v2sf) =	vpush v2, $0xF  }
0x27f: {  	s1 =	sadd.s32 s17, s1;
	s2 =	sadd.s32 s18, s2;
	s10 =	spop (v2sf);
	(v2sf) =	vpush v3, $0xF  }
0x280: {  	s0 =	sadd.s32 s19, s0;
	s1 =	sadd.s32 s20, s1;
	s15 =	spop (v2sf)  }
0x281: {  	s2 =	sadd.s32 s21, s2;
	s0 =	sadd.s32 s22, s0;
	s16 =	spop (v2sf)  }
0x282: {  	s1 =	sadd.s32 s23, s1;
	s2 =	sadd.s32 s24, s2;
	s17 =	spop (v2sf)  }
0x283: {  	s0 =	sadd.s32 s25, s0;
	s1 =	sadd.s32 s26, s1;
	s18 =	spop (v2sf)  }
0x284: {  	s2 =	sadd.s32 s28, s2;
	s0 =	sadd.s32 s29, s0;
	s19 =	spop (v2sf)  }
0x285: {  	s1 =	sadd.s32 s30, s1;
	s2 =	sadd.s32 s31, s2;
	s20 =	spop (v2sf)  }
0x286: {  	s31 =	simm.s32 $0x0;
	s0 =	sadd.s32 s3, s0;
	s21 =	spop (v2sf)  }
0x287: {  	s1 =	sadd.s32 s5, s1;
	s2 =	sadd.s32 s7, s2;
	s22 =	spop (v2sf)  }
0x288: {  	s0 =	sadd.s32 s8, s0;
	s1 =	sadd.s32 s9, s1;
	s23 =	spop (v2sf)  }
0x289: {  	s2 =	sadd.s32 s10, s2;
	s0 =	sadd.s32 s15, s0;
	s24 =	spop (v2sf)  }
0x28a: {  	s1 =	sadd.s32 s16, s1;
	s2 =	sadd.s32 s17, s2;
	s25 =	spop (v2sf)  }
0x28b: {  	s0 =	sadd.s32 s18, s0;
	s1 =	sadd.s32 s19, s1;
	s26 =	spop (v2sf)  }
0x28c: {  	s2 =	sadd.s32 s20, s2;
	s0 =	sadd.s32 s21, s0;
	s28 =	spop (v2sf)  }
0x28d: {  	s1 =	sadd.s32 s22, s1;
	s2 =	sadd.s32 s23, s2;
	s29 =	spop (v2sf)  }
0x28e: {  	s1 =	sadd.s32 s25, s1;
	s2 =	sadd.s32 s26, s2;
	s30 =	spop (v2sf)  }
0x28f: {  	s0 =	sadd.s32 s24, s0;
	s1 =	sadd.s32 s29, s1;
	s2 =	sadd.s32 s30, s2  }
0x290: {  	v8 =	vld [tilespmem:s31+$0x10];
	s0 =	sadd.s32 s28, s0;
	p1 =	sgt.s32 s1, $0xFFF;
	p0 =	sgt.s32 s2, $0xFFF  }
0x291: {  	v7 =	vld [tilespmem:s31+$0x0];
	s11 =	smov.u32 @p1 s13;
	s12 =	smov.u32 @p0 s14;
	p0 =	sgt.s32 s0, $0xFFF  }
0x292: {  	s11 =	smov.u32 @p0 s12  }
0x293: {  	v4 =	vimm.s32 $0x0;
	v6 =	vimm.s32 $0x0;
	v5 =	vimm.s32 $0x0;
	s12 =	sor.u32 $0x8000, s11;
	s13 =	sor.u32 $0x4000, s11;
	s14 =	sor.u32 $0xC000, s11  }
0x294: {  	s15 =	simm.s32 $0x80;
	v1 =	vmov s12;
	v2 =	vmov s13;
	v3 =	vmov s14  }
.LBB2_18:
0x295: {  	s0 =	sshra.s32 s15, $0x2;
	vm0 =	vge.s32 v8, v1;
	vm1 =	vge.s32 v8, v2;
	vm2 =	vge.s32 v8, v3;
	p0 =	sne.s32 s15, $0x7F80  }
.Ltmp8:
0x296: {  	v8 =	vld [tilespmem:s0+$0x10];
	vm3 =	vge.s32 v7, v1;
	vm4 =	vge.s32 v7, v2;
	vm5 =	vge.s32 v7, v3;
	(pc) =	sbr.rel @p0 .LBB2_18-.Ltmp8, $4  }
0x297: {  	s15 =	sadd.s32 $0x80, s15;
	v9 =	vsel vm0, $0x1, v0;
	v10 =	vsel vm1, $0x1, v0;
	v11 =	vsel vm2, $0x1, v0;
	v7 =	vld [tilespmem:s0+$0x0]  }
0x298: {  	v12 =	vsel vm3, $0x1, v0;
	v13 =	vsel vm4, $0x1, v0;
	v14 =	vsel vm5, $0x1, v0  }
0x299: {  	v4 =	vadd.s32 v12, v4;
	v6 =	vadd.s32 v13, v6;
	v5 =	vadd.s32 v14, v5  }
0x29a: {  	v4 =	vadd.s32 v9, v4;
	v6 =	vadd.s32 v10, v6;
	v5 =	vadd.s32 v11, v5  }
0x29b: {  	vm0 =	vge.s32 v8, v1;
	vm1 =	vge.s32 v8, v2;
	vm2 =	vge.s32 v8, v3  }
0x29c: {  	vm3 =	vge.s32 v7, v1;
	vm4 =	vge.s32 v7, v2;
	vm5 =	vge.s32 v7, v3  }
0x29d: {  	v1 =	vsel vm0, $0x1, v0;
	v2 =	vsel vm1, $0x1, v0;
	v3 =	vsel vm3, $0x1, v0  }
0x29e: {  	v7 =	vsel vm2, $0x1, v0;
	v8 =	vsel vm4, $0x1, v0;
	v3 =	vadd.s32 v3, v4  }
0x29f: {  	v4 =	vsel vm5, $0x1, v0;
	v6 =	vadd.s32 v8, v6;
	v1 =	vadd.s32 v1, v3  }
0x2a0: {  	v3 =	vadd.s32 v4, v5;
	v2 =	vadd.s32 v2, v6;
	(v2sf) =	vpush v1, $0x0  }
0x2a1: {  	v3 =	vadd.s32 v7, v3;
	(v2sf) =	vpush v2, $0x0  }
0x2a2: {  	(v2sf) =	vpush v3, $0x0  }
0x2a3: {  	(v2sf) =	vpush v1, $0x1  }
0x2a4: {  	(v2sf) =	vpush v2, $0x1  }
0x2a5: {  	(v2sf) =	vpush v3, $0x1  }
0x2a6: {  	(v2sf) =	vpush v1, $0x2  }
0x2a7: {  	(v2sf) =	vpush v2, $0x2  }
0x2a8: {  	(v2sf) =	vpush v3, $0x2  }
0x2a9: {  	(v2sf) =	vpush v1, $0x3  }
0x2aa: {  	(v2sf) =	vpush v2, $0x3  }
0x2ab: {  	(v2sf) =	vpush v3, $0x3  }
0x2ac: {  	(v2sf) =	vpush v1, $0x4  }
0x2ad: {  	(v2sf) =	vpush v2, $0x4  }
0x2ae: {  	(v2sf) =	vpush v3, $0x4  }
0x2af: {  	s0 =	spop (v2sf);
	(v2sf) =	vpush v1, $0x5  }
0x2b0: {  	s1 =	spop (v2sf);
	(v2sf) =	vpush v2, $0x5  }
0x2b1: {  	s2 =	spop (v2sf);
	(v2sf) =	vpush v3, $0x5  }
0x2b2: {  	s3 =	spop (v2sf);
	(v2sf) =	vpush v1, $0x6  }
0x2b3: {  	s4 =	spop (v2sf);
	(v2sf) =	vpush v2, $0x6  }
0x2b4: {  	s5 =	spop (v2sf);
	(v2sf) =	vpush v3, $0x6  }
0x2b5: {  	s6 =	spop (v2sf);
	(v2sf) =	vpush v1, $0x7  }
0x2b6: {  	s7 =	spop (v2sf);
	(v2sf) =	vpush v2, $0x7  }
0x2b7: {  	s8 =	spop (v2sf);
	(v2sf) =	vpush v3, $0x7  }
0x2b8: {  	s9 =	spop (v2sf);
	(v2sf) =	vpush v1, $0x8  }
0x2b9: {  	s10 =	spop (v2sf);
	(v2sf) =	vpush v2, $0x8  }
0x2ba: {  	s15 =	spop (v2sf);
	(v2sf) =	vpush v3, $0x8  }
0x2bb: {  	s16 =	spop (v2sf);
	(v2sf) =	vpush v1, $0x9  }
0x2bc: {  	s17 =	spop (v2sf);
	(v2sf) =	vpush v2, $0x9  }
0x2bd: {  	s18 =	spop (v2sf);
	(v2sf) =	vpush v3, $0x9  }
0x2be: {  	s19 =	spop (v2sf);
	(v2sf) =	vpush v1, $0xA  }
0x2bf: {  	s20 =	spop (v2sf);
	(v2sf) =	vpush v2, $0xA  }
0x2c0: {  	s21 =	spop (v2sf);
	(v2sf) =	vpush v3, $0xA  }
0x2c1: {  	s22 =	spop (v2sf);
	(v2sf) =	vpush v1, $0xB  }
0x2c2: {  	s23 =	spop (v2sf);
	(v2sf) =	vpush v2, $0xB  }
0x2c3: {  	s24 =	spop (v2sf);
	(v2sf) =	vpush v3, $0xB  }
0x2c4: {  	s25 =	spop (v2sf);
	(v2sf) =	vpush v1, $0xC  }
0x2c5: {  	s26 =	spop (v2sf);
	(v2sf) =	vpush v2, $0xC  }
0x2c6: {  	(v2sf) =	vpush v3, $0xC;
	s28 =	spop (v2sf)  }
0x2c7: {  	(v2sf) =	vpush v1, $0xD;
	s29 =	spop (v2sf)  }
0x2c8: {  	(v2sf) =	vpush v2, $0xD;
	s30 =	spop (v2sf)  }
0x2c9: {  	(v2sf) =	vpush v3, $0xD;
	s31 =	spop (v2sf)  }
0x2ca: {  	s0 =	sadd.s32 s3, s0;
	s1 =	sadd.s32 s4, s1;
	(v2sf) =	vpush v1, $0xE;
	s3 =	spop (v2sf)  }
0x2cb: {  	s2 =	sadd.s32 s5, s2;
	s0 =	sadd.s32 s6, s0;
	(v2sf) =	vpush v2, $0xE;
	s5 =	spop (v2sf)  }
0x2cc: {  	s1 =	sadd.s32 s7, s1;
	s2 =	sadd.s32 s8, s2;
	(v2sf) =	vpush v3, $0xE;
	s7 =	spop (v2sf)  }
0x2cd: {  	s0 =	sadd.s32 s9, s0;
	s1 =	sadd.s32 s10, s1;
	(v2sf) =	vpush v1, $0xF;
	s8 =	spop (v2sf)  }
0x2ce: {  	s2 =	sadd.s32 s15, s2;
	s0 =	sadd.s32 s16, s0;
	s9 =	spop (v2sf);
	(v2sf) =	vpush v2, $0xF  }
0x2cf: {  	s1 =	sadd.s32 s17, s1;
	s2 =	sadd.s32 s18, s2;
	s10 =	spop (v2sf);
	(v2sf) =	vpush v3, $0xF  }
0x2d0: {  	s0 =	sadd.s32 s19, s0;
	s1 =	sadd.s32 s20, s1;
	s15 =	spop (v2sf)  }
0x2d1: {  	s2 =	sadd.s32 s21, s2;
	s0 =	sadd.s32 s22, s0;
	s16 =	spop (v2sf)  }
0x2d2: {  	s1 =	sadd.s32 s23, s1;
	s2 =	sadd.s32 s24, s2;
	s17 =	spop (v2sf)  }
0x2d3: {  	s0 =	sadd.s32 s25, s0;
	s1 =	sadd.s32 s26, s1;
	s18 =	spop (v2sf)  }
0x2d4: {  	s2 =	sadd.s32 s28, s2;
	s0 =	sadd.s32 s29, s0;
	s19 =	spop (v2sf)  }
0x2d5: {  	s1 =	sadd.s32 s30, s1;
	s2 =	sadd.s32 s31, s2;
	s20 =	spop (v2sf)  }
0x2d6: {  	s31 =	simm.s32 $0x0;
	s0 =	sadd.s32 s3, s0;
	s21 =	spop (v2sf)  }
0x2d7: {  	s1 =	sadd.s32 s5, s1;
	s2 =	sadd.s32 s7, s2;
	s22 =	spop (v2sf)  }
0x2d8: {  	s0 =	sadd.s32 s8, s0;
	s1 =	sadd.s32 s9, s1;
	s23 =	spop (v2sf)  }
0x2d9: {  	s2 =	sadd.s32 s10, s2;
	s0 =	sadd.s32 s15, s0;
	s24 =	spop (v2sf)  }
0x2da: {  	s1 =	sadd.s32 s16, s1;
	s2 =	sadd.s32 s17, s2;
	s25 =	spop (v2sf)  }
0x2db: {  	s0 =	sadd.s32 s18, s0;
	s1 =	sadd.s32 s19, s1;
	s26 =	spop (v2sf)  }
0x2dc: {  	s2 =	sadd.s32 s20, s2;
	s0 =	sadd.s32 s21, s0;
	s28 =	spop (v2sf)  }
0x2dd: {  	s1 =	sadd.s32 s22, s1;
	s2 =	sadd.s32 s23, s2;
	s29 =	spop (v2sf)  }
0x2de: {  	s1 =	sadd.s32 s25, s1;
	s2 =	sadd.s32 s26, s2;
	s30 =	spop (v2sf)  }
0x2df: {  	s0 =	sadd.s32 s24, s0;
	s1 =	sadd.s32 s29, s1;
	s2 =	sadd.s32 s30, s2  }
0x2e0: {  	v8 =	vld [tilespmem:s31+$0x10];
	s0 =	sadd.s32 s28, s0;
	p1 =	sgt.s32 s1, $0xFFF;
	p0 =	sgt.s32 s2, $0xFFF  }
0x2e1: {  	v7 =	vld [tilespmem:s31+$0x0];
	s11 =	smov.u32 @p1 s13;
	s12 =	smov.u32 @p0 s14;
	p0 =	sgt.s32 s0, $0xFFF  }
0x2e2: {  	s11 =	smov.u32 @p0 s12  }
0x2e3: {  	v4 =	vimm.s32 $0x0;
	v6 =	vimm.s32 $0x0;
	v5 =	vimm.s32 $0x0;
	s12 =	sor.u32 $0x2000, s11;
	s13 =	sor.u32 $0x1000, s11;
	s14 =	sor.u32 $0x3000, s11  }
0x2e4: {  	s15 =	simm.s32 $0x80;
	v1 =	vmov s12;
	v2 =	vmov s13;
	v3 =	vmov s14  }
.LBB2_20:
0x2e5: {  	s0 =	sshra.s32 s15, $0x2;
	vm0 =	vge.s32 v8, v1;
	vm1 =	vge.s32 v8, v2;
	vm2 =	vge.s32 v8, v3;
	p0 =	sne.s32 s15, $0x7F80  }
.Ltmp9:
0x2e6: {  	v8 =	vld [tilespmem:s0+$0x10];
	vm3 =	vge.s32 v7, v1;
	vm4 =	vge.s32 v7, v2;
	vm5 =	vge.s32 v7, v3;
	(pc) =	sbr.rel @p0 .LBB2_20-.Ltmp9, $4  }
0x2e7: {  	s15 =	sadd.s32 $0x80, s15;
	v9 =	vsel vm0, $0x1, v0;
	v10 =	vsel vm1, $0x1, v0;
	v11 =	vsel vm2, $0x1, v0;
	v7 =	vld [tilespmem:s0+$0x0]  }
0x2e8: {  	v12 =	vsel vm3, $0x1, v0;
	v13 =	vsel vm4, $0x1, v0;
	v14 =	vsel vm5, $0x1, v0  }
0x2e9: {  	v4 =	vadd.s32 v12, v4;
	v6 =	vadd.s32 v13, v6;
	v5 =	vadd.s32 v14, v5  }
0x2ea: {  	v4 =	vadd.s32 v9, v4;
	v6 =	vadd.s32 v10, v6;
	v5 =	vadd.s32 v11, v5  }
0x2eb: {  	vm0 =	vge.s32 v8, v1;
	vm1 =	vge.s32 v8, v2;
	vm2 =	vge.s32 v8, v3  }
0x2ec: {  	vm3 =	vge.s32 v7, v1;
	vm4 =	vge.s32 v7, v2;
	vm5 =	vge.s32 v7, v3  }
0x2ed: {  	v1 =	vsel vm0, $0x1, v0;
	v2 =	vsel vm1, $0x1, v0;
	v3 =	vsel vm3, $0x1, v0  }
0x2ee: {  	v7 =	vsel vm2, $0x1, v0;
	v8 =	vsel vm4, $0x1, v0;
	v3 =	vadd.s32 v3, v4  }
0x2ef: {  	v4 =	vsel vm5, $0x1, v0;
	v6 =	vadd.s32 v8, v6;
	v1 =	vadd.s32 v1, v3  }
0x2f0: {  	v3 =	vadd.s32 v4, v5;
	v2 =	vadd.s32 v2, v6;
	(v2sf) =	vpush v1, $0x0  }
0x2f1: {  	v3 =	vadd.s32 v7, v3;
	(v2sf) =	vpush v2, $0x0  }
0x2f2: {  	(v2sf) =	vpush v3, $0x0  }
0x2f3: {  	(v2sf) =	vpush v1, $0x1  }
0x2f4: {  	(v2sf) =	vpush v2, $0x1  }
0x2f5: {  	(v2sf) =	vpush v3, $0x1  }
0x2f6: {  	(v2sf) =	vpush v1, $0x2  }
0x2f7: {  	(v2sf) =	vpush v2, $0x2  }
0x2f8: {  	(v2sf) =	vpush v3, $0x2  }
0x2f9: {  	(v2sf) =	vpush v1, $0x3  }
0x2fa: {  	(v2sf) =	vpush v2, $0x3  }
0x2fb: {  	(v2sf) =	vpush v3, $0x3  }
0x2fc: {  	(v2sf) =	vpush v1, $0x4  }
0x2fd: {  	(v2sf) =	vpush v2, $0x4  }
0x2fe: {  	(v2sf) =	vpush v3, $0x4  }
0x2ff: {  	s0 =	spop (v2sf);
	(v2sf) =	vpush v1, $0x5  }
0x300: {  	s1 =	spop (v2sf);
	(v2sf) =	vpush v2, $0x5  }
0x301: {  	s2 =	spop (v2sf);
	(v2sf) =	vpush v3, $0x5  }
0x302: {  	s3 =	spop (v2sf);
	(v2sf) =	vpush v1, $0x6  }
0x303: {  	s4 =	spop (v2sf);
	(v2sf) =	vpush v2, $0x6  }
0x304: {  	s5 =	spop (v2sf);
	(v2sf) =	vpush v3, $0x6  }
0x305: {  	s6 =	spop (v2sf);
	(v2sf) =	vpush v1, $0x7  }
0x306: {  	s7 =	spop (v2sf);
	(v2sf) =	vpush v2, $0x7  }
0x307: {  	s8 =	spop (v2sf);
	(v2sf) =	vpush v3, $0x7  }
0x308: {  	s9 =	spop (v2sf);
	(v2sf) =	vpush v1, $0x8  }
0x309: {  	s10 =	spop (v2sf);
	(v2sf) =	vpush v2, $0x8  }
0x30a: {  	s15 =	spop (v2sf);
	(v2sf) =	vpush v3, $0x8  }
0x30b: {  	s16 =	spop (v2sf);
	(v2sf) =	vpush v1, $0x9  }
0x30c: {  	s17 =	spop (v2sf);
	(v2sf) =	vpush v2, $0x9  }
0x30d: {  	s18 =	spop (v2sf);
	(v2sf) =	vpush v3, $0x9  }
0x30e: {  	s19 =	spop (v2sf);
	(v2sf) =	vpush v1, $0xA  }
0x30f: {  	s20 =	spop (v2sf);
	(v2sf) =	vpush v2, $0xA  }
0x310: {  	s21 =	spop (v2sf);
	(v2sf) =	vpush v3, $0xA  }
0x311: {  	s22 =	spop (v2sf);
	(v2sf) =	vpush v1, $0xB  }
0x312: {  	s23 =	spop (v2sf);
	(v2sf) =	vpush v2, $0xB  }
0x313: {  	s24 =	spop (v2sf);
	(v2sf) =	vpush v3, $0xB  }
0x314: {  	s25 =	spop (v2sf);
	(v2sf) =	vpush v1, $0xC  }
0x315: {  	s26 =	spop (v2sf);
	(v2sf) =	vpush v2, $0xC  }
0x316: {  	(v2sf) =	vpush v3, $0xC;
	s28 =	spop (v2sf)  }
0x317: {  	(v2sf) =	vpush v1, $0xD;
	s29 =	spop (v2sf)  }
0x318: {  	(v2sf) =	vpush v2, $0xD;
	s30 =	spop (v2sf)  }
0x319: {  	(v2sf) =	vpush v3, $0xD;
	s31 =	spop (v2sf)  }
0x31a: {  	s0 =	sadd.s32 s3, s0;
	s1 =	sadd.s32 s4, s1;
	(v2sf) =	vpush v1, $0xE;
	s3 =	spop (v2sf)  }
0x31b: {  	s2 =	sadd.s32 s5, s2;
	s0 =	sadd.s32 s6, s0;
	(v2sf) =	vpush v2, $0xE;
	s5 =	spop (v2sf)  }
0x31c: {  	s1 =	sadd.s32 s7, s1;
	s2 =	sadd.s32 s8, s2;
	(v2sf) =	vpush v3, $0xE;
	s7 =	spop (v2sf)  }
0x31d: {  	s0 =	sadd.s32 s9, s0;
	s1 =	sadd.s32 s10, s1;
	(v2sf) =	vpush v1, $0xF;
	s8 =	spop (v2sf)  }
0x31e: {  	s2 =	sadd.s32 s15, s2;
	s0 =	sadd.s32 s16, s0;
	s9 =	spop (v2sf);
	(v2sf) =	vpush v2, $0xF  }
0x31f: {  	s1 =	sadd.s32 s17, s1;
	s2 =	sadd.s32 s18, s2;
	s10 =	spop (v2sf);
	(v2sf) =	vpush v3, $0xF  }
0x320: {  	s0 =	sadd.s32 s19, s0;
	s1 =	sadd.s32 s20, s1;
	s15 =	spop (v2sf)  }
0x321: {  	s2 =	sadd.s32 s21, s2;
	s0 =	sadd.s32 s22, s0;
	s16 =	spop (v2sf)  }
0x322: {  	s1 =	sadd.s32 s23, s1;
	s2 =	sadd.s32 s24, s2;
	s17 =	spop (v2sf)  }
0x323: {  	s0 =	sadd.s32 s25, s0;
	s1 =	sadd.s32 s26, s1;
	s18 =	spop (v2sf)  }
0x324: {  	s2 =	sadd.s32 s28, s2;
	s0 =	sadd.s32 s29, s0;
	s19 =	spop (v2sf)  }
0x325: {  	s1 =	sadd.s32 s30, s1;
	s2 =	sadd.s32 s31, s2;
	s20 =	spop (v2sf)  }
0x326: {  	s31 =	simm.s32 $0x0;
	s0 =	sadd.s32 s3, s0;
	s21 =	spop (v2sf)  }
0x327: {  	s1 =	sadd.s32 s5, s1;
	s2 =	sadd.s32 s7, s2;
	s22 =	spop (v2sf)  }
0x328: {  	s0 =	sadd.s32 s8, s0;
	s1 =	sadd.s32 s9, s1;
	s23 =	spop (v2sf)  }
0x329: {  	s2 =	sadd.s32 s10, s2;
	s0 =	sadd.s32 s15, s0;
	s24 =	spop (v2sf)  }
0x32a: {  	s1 =	sadd.s32 s16, s1;
	s2 =	sadd.s32 s17, s2;
	s25 =	spop (v2sf)  }
0x32b: {  	s0 =	sadd.s32 s18, s0;
	s1 =	sadd.s32 s19, s1;
	s26 =	spop (v2sf)  }
0x32c: {  	s2 =	sadd.s32 s20, s2;
	s0 =	sadd.s32 s21, s0;
	s28 =	spop (v2sf)  }
0x32d: {  	s1 =	sadd.s32 s22, s1;
	s2 =	sadd.s32 s23, s2;
	s29 =	spop (v2sf)  }
0x32e: {  	s1 =	sadd.s32 s25, s1;
	s2 =	sadd.s32 s26, s2;
	s30 =	spop (v2sf)  }
0x32f: {  	s0 =	sadd.s32 s24, s0;
	s1 =	sadd.s32 s29, s1;
	s2 =	sadd.s32 s30, s2  }
0x330: {  	v8 =	vld [tilespmem:s31+$0x10];
	s0 =	sadd.s32 s28, s0;
	p1 =	sgt.s32 s1, $0xFFF;
	p0 =	sgt.s32 s2, $0xFFF  }
0x331: {  	v7 =	vld [tilespmem:s31+$0x0];
	s11 =	smov.u32 @p1 s13;
	s12 =	smov.u32 @p0 s14;
	p0 =	sgt.s32 s0, $0xFFF  }
0x332: {  	s11 =	smov.u32 @p0 s12  }
0x333: {  	v4 =	vimm.s32 $0x0;
	v6 =	vimm.s32 $0x0;
	v5 =	vimm.s32 $0x0;
	s12 =	sor.u32 $0x800, s11;
	s13 =	sor.u32 $0x400, s11;
	s14 =	sor.u32 $0xC00, s11  }
0x334: {  	s15 =	simm.s32 $0x80;
	v1 =	vmov s12;
	v2 =	vmov s13;
	v3 =	vmov s14  }
.LBB2_22:
0x335: {  	s0 =	sshra.s32 s15, $0x2;
	vm0 =	vge.s32 v8, v1;
	vm1 =	vge.s32 v8, v2;
	vm2 =	vge.s32 v8, v3;
	p0 =	sne.s32 s15, $0x7F80  }
.Ltmp10:
0x336: {  	v8 =	vld [tilespmem:s0+$0x10];
	vm3 =	vge.s32 v7, v1;
	vm4 =	vge.s32 v7, v2;
	vm5 =	vge.s32 v7, v3;
	(pc) =	sbr.rel @p0 .LBB2_22-.Ltmp10, $4  }
0x337: {  	s15 =	sadd.s32 $0x80, s15;
	v9 =	vsel vm0, $0x1, v0;
	v10 =	vsel vm1, $0x1, v0;
	v11 =	vsel vm2, $0x1, v0;
	v7 =	vld [tilespmem:s0+$0x0]  }
0x338: {  	v12 =	vsel vm3, $0x1, v0;
	v13 =	vsel vm4, $0x1, v0;
	v14 =	vsel vm5, $0x1, v0  }
0x339: {  	v4 =	vadd.s32 v12, v4;
	v6 =	vadd.s32 v13, v6;
	v5 =	vadd.s32 v14, v5  }
0x33a: {  	v4 =	vadd.s32 v9, v4;
	v6 =	vadd.s32 v10, v6;
	v5 =	vadd.s32 v11, v5  }
0x33b: {  	vm0 =	vge.s32 v8, v1;
	vm1 =	vge.s32 v8, v2;
	vm2 =	vge.s32 v8, v3  }
0x33c: {  	vm3 =	vge.s32 v7, v1;
	vm4 =	vge.s32 v7, v2;
	vm5 =	vge.s32 v7, v3  }
0x33d: {  	v1 =	vsel vm0, $0x1, v0;
	v2 =	vsel vm1, $0x1, v0;
	v3 =	vsel vm3, $0x1, v0  }
0x33e: {  	v7 =	vsel vm2, $0x1, v0;
	v8 =	vsel vm4, $0x1, v0;
	v3 =	vadd.s32 v3, v4  }
0x33f: {  	v4 =	vsel vm5, $0x1, v0;
	v6 =	vadd.s32 v8, v6;
	v1 =	vadd.s32 v1, v3  }
0x340: {  	v3 =	vadd.s32 v4, v5;
	v2 =	vadd.s32 v2, v6;
	(v2sf) =	vpush v1, $0x0  }
0x341: {  	v3 =	vadd.s32 v7, v3;
	(v2sf) =	vpush v2, $0x0  }
0x342: {  	(v2sf) =	vpush v3, $0x0  }
0x343: {  	(v2sf) =	vpush v1, $0x1  }
0x344: {  	(v2sf) =	vpush v2, $0x1  }
0x345: {  	(v2sf) =	vpush v3, $0x1  }
0x346: {  	(v2sf) =	vpush v1, $0x2  }
0x347: {  	(v2sf) =	vpush v2, $0x2  }
0x348: {  	(v2sf) =	vpush v3, $0x2  }
0x349: {  	(v2sf) =	vpush v1, $0x3  }
0x34a: {  	(v2sf) =	vpush v2, $0x3  }
0x34b: {  	(v2sf) =	vpush v3, $0x3  }
0x34c: {  	(v2sf) =	vpush v1, $0x4  }
0x34d: {  	(v2sf) =	vpush v2, $0x4  }
0x34e: {  	(v2sf) =	vpush v3, $0x4  }
0x34f: {  	s0 =	spop (v2sf);
	(v2sf) =	vpush v1, $0x5  }
0x350: {  	s1 =	spop (v2sf);
	(v2sf) =	vpush v2, $0x5  }
0x351: {  	s2 =	spop (v2sf);
	(v2sf) =	vpush v3, $0x5  }
0x352: {  	s3 =	spop (v2sf);
	(v2sf) =	vpush v1, $0x6  }
0x353: {  	s4 =	spop (v2sf);
	(v2sf) =	vpush v2, $0x6  }
0x354: {  	s5 =	spop (v2sf);
	(v2sf) =	vpush v3, $0x6  }
0x355: {  	s6 =	spop (v2sf);
	(v2sf) =	vpush v1, $0x7  }
0x356: {  	s7 =	spop (v2sf);
	(v2sf) =	vpush v2, $0x7  }
0x357: {  	s8 =	spop (v2sf);
	(v2sf) =	vpush v3, $0x7  }
0x358: {  	s9 =	spop (v2sf);
	(v2sf) =	vpush v1, $0x8  }
0x359: {  	s10 =	spop (v2sf);
	(v2sf) =	vpush v2, $0x8  }
0x35a: {  	s15 =	spop (v2sf);
	(v2sf) =	vpush v3, $0x8  }
0x35b: {  	s16 =	spop (v2sf);
	(v2sf) =	vpush v1, $0x9  }
0x35c: {  	s17 =	spop (v2sf);
	(v2sf) =	vpush v2, $0x9  }
0x35d: {  	s18 =	spop (v2sf);
	(v2sf) =	vpush v3, $0x9  }
0x35e: {  	s19 =	spop (v2sf);
	(v2sf) =	vpush v1, $0xA  }
0x35f: {  	s20 =	spop (v2sf);
	(v2sf) =	vpush v2, $0xA  }
0x360: {  	s21 =	spop (v2sf);
	(v2sf) =	vpush v3, $0xA  }
0x361: {  	s22 =	spop (v2sf);
	(v2sf) =	vpush v1, $0xB  }
0x362: {  	s23 =	spop (v2sf);
	(v2sf) =	vpush v2, $0xB  }
0x363: {  	s24 =	spop (v2sf);
	(v2sf) =	vpush v3, $0xB  }
0x364: {  	s25 =	spop (v2sf);
	(v2sf) =	vpush v1, $0xC  }
0x365: {  	s26 =	spop (v2sf);
	(v2sf) =	vpush v2, $0xC  }
0x366: {  	(v2sf) =	vpush v3, $0xC;
	s28 =	spop (v2sf)  }
0x367: {  	(v2sf) =	vpush v1, $0xD;
	s29 =	spop (v2sf)  }
0x368: {  	(v2sf) =	vpush v2, $0xD;
	s30 =	spop (v2sf)  }
0x369: {  	(v2sf) =	vpush v3, $0xD;
	s31 =	spop (v2sf)  }
0x36a: {  	s0 =	sadd.s32 s3, s0;
	s1 =	sadd.s32 s4, s1;
	(v2sf) =	vpush v1, $0xE;
	s3 =	spop (v2sf)  }
0x36b: {  	s2 =	sadd.s32 s5, s2;
	s0 =	sadd.s32 s6, s0;
	(v2sf) =	vpush v2, $0xE;
	s5 =	spop (v2sf)  }
0x36c: {  	s1 =	sadd.s32 s7, s1;
	s2 =	sadd.s32 s8, s2;
	(v2sf) =	vpush v3, $0xE;
	s7 =	spop (v2sf)  }
0x36d: {  	s0 =	sadd.s32 s9, s0;
	s1 =	sadd.s32 s10, s1;
	(v2sf) =	vpush v1, $0xF;
	s8 =	spop (v2sf)  }
0x36e: {  	s2 =	sadd.s32 s15, s2;
	s0 =	sadd.s32 s16, s0;
	s9 =	spop (v2sf);
	(v2sf) =	vpush v2, $0xF  }
0x36f: {  	s1 =	sadd.s32 s17, s1;
	s2 =	sadd.s32 s18, s2;
	s10 =	spop (v2sf);
	(v2sf) =	vpush v3, $0xF  }
0x370: {  	s0 =	sadd.s32 s19, s0;
	s1 =	sadd.s32 s20, s1;
	s15 =	spop (v2sf)  }
0x371: {  	s2 =	sadd.s32 s21, s2;
	s0 =	sadd.s32 s22, s0;
	s16 =	spop (v2sf)  }
0x372: {  	s1 =	sadd.s32 s23, s1;
	s2 =	sadd.s32 s24, s2;
	s17 =	spop (v2sf)  }
0x373: {  	s0 =	sadd.s32 s25, s0;
	s1 =	sadd.s32 s26, s1;
	s18 =	spop (v2sf)  }
0x374: {  	s2 =	sadd.s32 s28, s2;
	s0 =	sadd.s32 s29, s0;
	s19 =	spop (v2sf)  }
0x375: {  	s1 =	sadd.s32 s30, s1;
	s2 =	sadd.s32 s31, s2;
	s20 =	spop (v2sf)  }
0x376: {  	s31 =	simm.s32 $0x0;
	s0 =	sadd.s32 s3, s0;
	s21 =	spop (v2sf)  }
0x377: {  	s1 =	sadd.s32 s5, s1;
	s2 =	sadd.s32 s7, s2;
	s22 =	spop (v2sf)  }
0x378: {  	s0 =	sadd.s32 s8, s0;
	s1 =	sadd.s32 s9, s1;
	s23 =	spop (v2sf)  }
0x379: {  	s2 =	sadd.s32 s10, s2;
	s0 =	sadd.s32 s15, s0;
	s24 =	spop (v2sf)  }
0x37a: {  	s1 =	sadd.s32 s16, s1;
	s2 =	sadd.s32 s17, s2;
	s25 =	spop (v2sf)  }
0x37b: {  	s0 =	sadd.s32 s18, s0;
	s1 =	sadd.s32 s19, s1;
	s26 =	spop (v2sf)  }
0x37c: {  	s2 =	sadd.s32 s20, s2;
	s0 =	sadd.s32 s21, s0;
	s28 =	spop (v2sf)  }
0x37d: {  	s1 =	sadd.s32 s22, s1;
	s2 =	sadd.s32 s23, s2;
	s29 =	spop (v2sf)  }
0x37e: {  	s1 =	sadd.s32 s25, s1;
	s2 =	sadd.s32 s26, s2;
	s30 =	spop (v2sf)  }
0x37f: {  	s0 =	sadd.s32 s24, s0;
	s1 =	sadd.s32 s29, s1;
	s2 =	sadd.s32 s30, s2  }
0x380: {  	v8 =	vld [tilespmem:s31+$0x10];
	s0 =	sadd.s32 s28, s0;
	p1 =	sgt.s32 s1, $0xFFF;
	p0 =	sgt.s32 s2, $0xFFF  }
0x381: {  	v7 =	vld [tilespmem:s31+$0x0];
	s11 =	smov.u32 @p1 s13;
	s12 =	smov.u32 @p0 s14;
	p0 =	sgt.s32 s0, $0xFFF  }
0x382: {  	s11 =	smov.u32 @p0 s12  }
0x383: {  	v4 =	vimm.s32 $0x0;
	v6 =	vimm.s32 $0x0;
	v5 =	vimm.s32 $0x0;
	s12 =	sor.u32 $0x200, s11;
	s13 =	sor.u32 $0x100, s11;
	s14 =	sor.u32 $0x300, s11  }
0x384: {  	s15 =	simm.s32 $0x80;
	v1 =	vmov s12;
	v2 =	vmov s13;
	v3 =	vmov s14  }
.LBB2_24:
0x385: {  	s0 =	sshra.s32 s15, $0x2;
	vm0 =	vge.s32 v8, v1;
	vm1 =	vge.s32 v8, v2;
	vm2 =	vge.s32 v8, v3;
	p0 =	sne.s32 s15, $0x7F80  }
.Ltmp11:
0x386: {  	v8 =	vld [tilespmem:s0+$0x10];
	vm3 =	vge.s32 v7, v1;
	vm4 =	vge.s32 v7, v2;
	vm5 =	vge.s32 v7, v3;
	(pc) =	sbr.rel @p0 .LBB2_24-.Ltmp11, $4  }
0x387: {  	s15 =	sadd.s32 $0x80, s15;
	v9 =	vsel vm0, $0x1, v0;
	v10 =	vsel vm1, $0x1, v0;
	v11 =	vsel vm2, $0x1, v0;
	v7 =	vld [tilespmem:s0+$0x0]  }
0x388: {  	v12 =	vsel vm3, $0x1, v0;
	v13 =	vsel vm4, $0x1, v0;
	v14 =	vsel vm5, $0x1, v0  }
0x389: {  	v4 =	vadd.s32 v12, v4;
	v6 =	vadd.s32 v13, v6;
	v5 =	vadd.s32 v14, v5  }
0x38a: {  	v4 =	vadd.s32 v9, v4;
	v6 =	vadd.s32 v10, v6;
	v5 =	vadd.s32 v11, v5  }
0x38b: {  	vm0 =	vge.s32 v8, v1;
	vm1 =	vge.s32 v8, v2;
	vm2 =	vge.s32 v8, v3  }
0x38c: {  	vm3 =	vge.s32 v7, v1;
	vm4 =	vge.s32 v7, v2;
	vm5 =	vge.s32 v7, v3  }
0x38d: {  	v1 =	vsel vm0, $0x1, v0;
	v2 =	vsel vm1, $0x1, v0;
	v3 =	vsel vm3, $0x1, v0  }
0x38e: {  	v7 =	vsel vm2, $0x1, v0;
	v8 =	vsel vm4, $0x1, v0;
	v3 =	vadd.s32 v3, v4  }
0x38f: {  	v4 =	vsel vm5, $0x1, v0;
	v6 =	vadd.s32 v8, v6;
	v1 =	vadd.s32 v1, v3  }
0x390: {  	v3 =	vadd.s32 v4, v5;
	v2 =	vadd.s32 v2, v6;
	(v2sf) =	vpush v1, $0x0  }
0x391: {  	v3 =	vadd.s32 v7, v3;
	(v2sf) =	vpush v2, $0x0  }
0x392: {  	(v2sf) =	vpush v3, $0x0  }
0x393: {  	(v2sf) =	vpush v1, $0x1  }
0x394: {  	(v2sf) =	vpush v2, $0x1  }
0x395: {  	(v2sf) =	vpush v3, $0x1  }
0x396: {  	(v2sf) =	vpush v1, $0x2  }
0x397: {  	(v2sf) =	vpush v2, $0x2  }
0x398: {  	(v2sf) =	vpush v3, $0x2  }
0x399: {  	(v2sf) =	vpush v1, $0x3  }
0x39a: {  	(v2sf) =	vpush v2, $0x3  }
0x39b: {  	(v2sf) =	vpush v3, $0x3  }
0x39c: {  	(v2sf) =	vpush v1, $0x4  }
0x39d: {  	(v2sf) =	vpush v2, $0x4  }
0x39e: {  	(v2sf) =	vpush v3, $0x4  }
0x39f: {  	s0 =	spop (v2sf);
	(v2sf) =	vpush v1, $0x5  }
0x3a0: {  	s1 =	spop (v2sf);
	(v2sf) =	vpush v2, $0x5  }
0x3a1: {  	s2 =	spop (v2sf);
	(v2sf) =	vpush v3, $0x5  }
0x3a2: {  	s3 =	spop (v2sf);
	(v2sf) =	vpush v1, $0x6  }
0x3a3: {  	s4 =	spop (v2sf);
	(v2sf) =	vpush v2, $0x6  }
0x3a4: {  	s5 =	spop (v2sf);
	(v2sf) =	vpush v3, $0x6  }
0x3a5: {  	s6 =	spop (v2sf);
	(v2sf) =	vpush v1, $0x7  }
0x3a6: {  	s7 =	spop (v2sf);
	(v2sf) =	vpush v2, $0x7  }
0x3a7: {  	s8 =	spop (v2sf);
	(v2sf) =	vpush v3, $0x7  }
0x3a8: {  	s9 =	spop (v2sf);
	(v2sf) =	vpush v1, $0x8  }
0x3a9: {  	s10 =	spop (v2sf);
	(v2sf) =	vpush v2, $0x8  }
0x3aa: {  	s15 =	spop (v2sf);
	(v2sf) =	vpush v3, $0x8  }
0x3ab: {  	s16 =	spop (v2sf);
	(v2sf) =	vpush v1, $0x9  }
0x3ac: {  	s17 =	spop (v2sf);
	(v2sf) =	vpush v2, $0x9  }
0x3ad: {  	s18 =	spop (v2sf);
	(v2sf) =	vpush v3, $0x9  }
0x3ae: {  	s19 =	spop (v2sf);
	(v2sf) =	vpush v1, $0xA  }
0x3af: {  	s20 =	spop (v2sf);
	(v2sf) =	vpush v2, $0xA  }
0x3b0: {  	s21 =	spop (v2sf);
	(v2sf) =	vpush v3, $0xA  }
0x3b1: {  	s22 =	spop (v2sf);
	(v2sf) =	vpush v1, $0xB  }
0x3b2: {  	s23 =	spop (v2sf);
	(v2sf) =	vpush v2, $0xB  }
0x3b3: {  	s24 =	spop (v2sf);
	(v2sf) =	vpush v3, $0xB  }
0x3b4: {  	s25 =	spop (v2sf);
	(v2sf) =	vpush v1, $0xC  }
0x3b5: {  	s26 =	spop (v2sf);
	(v2sf) =	vpush v2, $0xC  }
0x3b6: {  	(v2sf) =	vpush v3, $0xC;
	s28 =	spop (v2sf)  }
0x3b7: {  	(v2sf) =	vpush v1, $0xD;
	s29 =	spop (v2sf)  }
0x3b8: {  	(v2sf) =	vpush v2, $0xD;
	s30 =	spop (v2sf)  }
0x3b9: {  	(v2sf) =	vpush v3, $0xD;
	s31 =	spop (v2sf)  }
0x3ba: {  	s0 =	sadd.s32 s3, s0;
	s1 =	sadd.s32 s4, s1;
	(v2sf) =	vpush v1, $0xE;
	s3 =	spop (v2sf)  }
0x3bb: {  	s2 =	sadd.s32 s5, s2;
	s0 =	sadd.s32 s6, s0;
	(v2sf) =	vpush v2, $0xE;
	s5 =	spop (v2sf)  }
0x3bc: {  	s1 =	sadd.s32 s7, s1;
	s2 =	sadd.s32 s8, s2;
	(v2sf) =	vpush v3, $0xE;
	s7 =	spop (v2sf)  }
0x3bd: {  	s0 =	sadd.s32 s9, s0;
	s1 =	sadd.s32 s10, s1;
	(v2sf) =	vpush v1, $0xF;
	s8 =	spop (v2sf)  }
0x3be: {  	s2 =	sadd.s32 s15, s2;
	s0 =	sadd.s32 s16, s0;
	s9 =	spop (v2sf);
	(v2sf) =	vpush v2, $0xF  }
0x3bf: {  	s1 =	sadd.s32 s17, s1;
	s2 =	sadd.s32 s18, s2;
	s10 =	spop (v2sf);
	(v2sf) =	vpush v3, $0xF  }
0x3c0: {  	s0 =	sadd.s32 s19, s0;
	s1 =	sadd.s32 s20, s1;
	s15 =	spop (v2sf)  }
0x3c1: {  	s2 =	sadd.s32 s21, s2;
	s0 =	sadd.s32 s22, s0;
	s16 =	spop (v2sf)  }
0x3c2: {  	s1 =	sadd.s32 s23, s1;
	s2 =	sadd.s32 s24, s2;
	s17 =	spop (v2sf)  }
0x3c3: {  	s0 =	sadd.s32 s25, s0;
	s1 =	sadd.s32 s26, s1;
	s18 =	spop (v2sf)  }
0x3c4: {  	s2 =	sadd.s32 s28, s2;
	s0 =	sadd.s32 s29, s0;
	s19 =	spop (v2sf)  }
0x3c5: {  	s1 =	sadd.s32 s30, s1;
	s2 =	sadd.s32 s31, s2;
	s20 =	spop (v2sf)  }
0x3c6: {  	s31 =	simm.s32 $0x0;
	s0 =	sadd.s32 s3, s0;
	s21 =	spop (v2sf)  }
0x3c7: {  	s1 =	sadd.s32 s5, s1;
	s2 =	sadd.s32 s7, s2;
	s22 =	spop (v2sf)  }
0x3c8: {  	s0 =	sadd.s32 s8, s0;
	s1 =	sadd.s32 s9, s1;
	s23 =	spop (v2sf)  }
0x3c9: {  	s2 =	sadd.s32 s10, s2;
	s0 =	sadd.s32 s15, s0;
	s24 =	spop (v2sf)  }
0x3ca: {  	s1 =	sadd.s32 s16, s1;
	s2 =	sadd.s32 s17, s2;
	s25 =	spop (v2sf)  }
0x3cb: {  	s0 =	sadd.s32 s18, s0;
	s1 =	sadd.s32 s19, s1;
	s26 =	spop (v2sf)  }
0x3cc: {  	s2 =	sadd.s32 s20, s2;
	s0 =	sadd.s32 s21, s0;
	s28 =	spop (v2sf)  }
0x3cd: {  	s1 =	sadd.s32 s22, s1;
	s2 =	sadd.s32 s23, s2;
	s29 =	spop (v2sf)  }
0x3ce: {  	s1 =	sadd.s32 s25, s1;
	s2 =	sadd.s32 s26, s2;
	s30 =	spop (v2sf)  }
0x3cf: {  	s0 =	sadd.s32 s24, s0;
	s1 =	sadd.s32 s29, s1;
	s2 =	sadd.s32 s30, s2  }
0x3d0: {  	v8 =	vld [tilespmem:s31+$0x10];
	s0 =	sadd.s32 s28, s0;
	p1 =	sgt.s32 s1, $0xFFF;
	p0 =	sgt.s32 s2, $0xFFF  }
0x3d1: {  	v7 =	vld [tilespmem:s31+$0x0];
	s11 =	smov.u32 @p1 s13;
	s12 =	smov.u32 @p0 s14;
	p0 =	sgt.s32 s0, $0xFFF  }
0x3d2: {  	s11 =	smov.u32 @p0 s12  }
0x3d3: {  	v4 =	vimm.s32 $0x0;
	v6 =	vimm.s32 $0x0;
	v5 =	vimm.s32 $0x0;
	s12 =	sor.u32 $0x80, s11;
	s13 =	sor.u32 $0x40, s11;
	s14 =	sor.u32 $0xC0, s11  }
0x3d4: {  	s15 =	simm.s32 $0x80;
	v1 =	vmov s12;
	v2 =	vmov s13;
	v3 =	vmov s14  }
.LBB2_26:
0x3d5: {  	s0 =	sshra.s32 s15, $0x2;
	vm0 =	vge.s32 v8, v1;
	vm1 =	vge.s32 v8, v2;
	vm2 =	vge.s32 v8, v3;
	p0 =	sne.s32 s15, $0x7F80  }
.Ltmp12:
0x3d6: {  	v8 =	vld [tilespmem:s0+$0x10];
	vm3 =	vge.s32 v7, v1;
	vm4 =	vge.s32 v7, v2;
	vm5 =	vge.s32 v7, v3;
	(pc) =	sbr.rel @p0 .LBB2_26-.Ltmp12, $4  }
0x3d7: {  	s15 =	sadd.s32 $0x80, s15;
	v9 =	vsel vm0, $0x1, v0;
	v10 =	vsel vm1, $0x1, v0;
	v11 =	vsel vm2, $0x1, v0;
	v7 =	vld [tilespmem:s0+$0x0]  }
0x3d8: {  	v12 =	vsel vm3, $0x1, v0;
	v13 =	vsel vm4, $0x1, v0;
	v14 =	vsel vm5, $0x1, v0  }
0x3d9: {  	v4 =	vadd.s32 v12, v4;
	v6 =	vadd.s32 v13, v6;
	v5 =	vadd.s32 v14, v5  }
0x3da: {  	v4 =	vadd.s32 v9, v4;
	v6 =	vadd.s32 v10, v6;
	v5 =	vadd.s32 v11, v5  }
0x3db: {  	vm0 =	vge.s32 v8, v1;
	vm1 =	vge.s32 v8, v2;
	vm2 =	vge.s32 v8, v3  }
0x3dc: {  	vm3 =	vge.s32 v7, v1;
	vm4 =	vge.s32 v7, v2;
	vm5 =	vge.s32 v7, v3  }
0x3dd: {  	v1 =	vsel vm0, $0x1, v0;
	v2 =	vsel vm1, $0x1, v0;
	v3 =	vsel vm3, $0x1, v0  }
0x3de: {  	v7 =	vsel vm2, $0x1, v0;
	v8 =	vsel vm4, $0x1, v0;
	v3 =	vadd.s32 v3, v4  }
0x3df: {  	v4 =	vsel vm5, $0x1, v0;
	v6 =	vadd.s32 v8, v6;
	v1 =	vadd.s32 v1, v3  }
0x3e0: {  	v3 =	vadd.s32 v4, v5;
	v2 =	vadd.s32 v2, v6;
	(v2sf) =	vpush v1, $0x0  }
0x3e1: {  	v3 =	vadd.s32 v7, v3;
	(v2sf) =	vpush v2, $0x0  }
0x3e2: {  	(v2sf) =	vpush v3, $0x0  }
0x3e3: {  	(v2sf) =	vpush v1, $0x1  }
0x3e4: {  	(v2sf) =	vpush v2, $0x1  }
0x3e5: {  	(v2sf) =	vpush v3, $0x1  }
0x3e6: {  	(v2sf) =	vpush v1, $0x2  }
0x3e7: {  	(v2sf) =	vpush v2, $0x2  }
0x3e8: {  	(v2sf) =	vpush v3, $0x2  }
0x3e9: {  	(v2sf) =	vpush v1, $0x3  }
0x3ea: {  	(v2sf) =	vpush v2, $0x3  }
0x3eb: {  	(v2sf) =	vpush v3, $0x3  }
0x3ec: {  	(v2sf) =	vpush v1, $0x4  }
0x3ed: {  	(v2sf) =	vpush v2, $0x4  }
0x3ee: {  	(v2sf) =	vpush v3, $0x4  }
0x3ef: {  	s0 =	spop (v2sf);
	(v2sf) =	vpush v1, $0x5  }
0x3f0: {  	s1 =	spop (v2sf);
	(v2sf) =	vpush v2, $0x5  }
0x3f1: {  	s2 =	spop (v2sf);
	(v2sf) =	vpush v3, $0x5  }
0x3f2: {  	s3 =	spop (v2sf);
	(v2sf) =	vpush v1, $0x6  }
0x3f3: {  	s4 =	spop (v2sf);
	(v2sf) =	vpush v2, $0x6  }
0x3f4: {  	s5 =	spop (v2sf);
	(v2sf) =	vpush v3, $0x6  }
0x3f5: {  	s6 =	spop (v2sf);
	(v2sf) =	vpush v1, $0x7  }
0x3f6: {  	s7 =	spop (v2sf);
	(v2sf) =	vpush v2, $0x7  }
0x3f7: {  	s8 =	spop (v2sf);
	(v2sf) =	vpush v3, $0x7  }
0x3f8: {  	s9 =	spop (v2sf);
	(v2sf) =	vpush v1, $0x8  }
0x3f9: {  	s10 =	spop (v2sf);
	(v2sf) =	vpush v2, $0x8  }
0x3fa: {  	s15 =	spop (v2sf);
	(v2sf) =	vpush v3, $0x8  }
0x3fb: {  	s16 =	spop (v2sf);
	(v2sf) =	vpush v1, $0x9  }
0x3fc: {  	s17 =	spop (v2sf);
	(v2sf) =	vpush v2, $0x9  }
0x3fd: {  	s18 =	spop (v2sf);
	(v2sf) =	vpush v3, $0x9  }
0x3fe: {  	s19 =	spop (v2sf);
	(v2sf) =	vpush v1, $0xA  }
0x3ff: {  	s20 =	spop (v2sf);
	(v2sf) =	vpush v2, $0xA  }
0x400: {  	s21 =	spop (v2sf);
	(v2sf) =	vpush v3, $0xA  }
0x401: {  	s22 =	spop (v2sf);
	(v2sf) =	vpush v1, $0xB  }
0x402: {  	s23 =	spop (v2sf);
	(v2sf) =	vpush v2, $0xB  }
0x403: {  	s24 =	spop (v2sf);
	(v2sf) =	vpush v3, $0xB  }
0x404: {  	s25 =	spop (v2sf);
	(v2sf) =	vpush v1, $0xC  }
0x405: {  	s26 =	spop (v2sf);
	(v2sf) =	vpush v2, $0xC  }
0x406: {  	(v2sf) =	vpush v3, $0xC;
	s28 =	spop (v2sf)  }
0x407: {  	(v2sf) =	vpush v1, $0xD;
	s29 =	spop (v2sf)  }
0x408: {  	(v2sf) =	vpush v2, $0xD;
	s30 =	spop (v2sf)  }
0x409: {  	(v2sf) =	vpush v3, $0xD;
	s31 =	spop (v2sf)  }
0x40a: {  	s0 =	sadd.s32 s3, s0;
	s1 =	sadd.s32 s4, s1;
	(v2sf) =	vpush v1, $0xE;
	s3 =	spop (v2sf)  }
0x40b: {  	s2 =	sadd.s32 s5, s2;
	s0 =	sadd.s32 s6, s0;
	(v2sf) =	vpush v2, $0xE;
	s5 =	spop (v2sf)  }
0x40c: {  	s1 =	sadd.s32 s7, s1;
	s2 =	sadd.s32 s8, s2;
	(v2sf) =	vpush v3, $0xE;
	s7 =	spop (v2sf)  }
0x40d: {  	s0 =	sadd.s32 s9, s0;
	s1 =	sadd.s32 s10, s1;
	(v2sf) =	vpush v1, $0xF;
	s8 =	spop (v2sf)  }
0x40e: {  	s2 =	sadd.s32 s15, s2;
	s0 =	sadd.s32 s16, s0;
	s9 =	spop (v2sf);
	(v2sf) =	vpush v2, $0xF  }
0x40f: {  	s1 =	sadd.s32 s17, s1;
	s2 =	sadd.s32 s18, s2;
	s10 =	spop (v2sf);
	(v2sf) =	vpush v3, $0xF  }
0x410: {  	s0 =	sadd.s32 s19, s0;
	s1 =	sadd.s32 s20, s1;
	s15 =	spop (v2sf)  }
0x411: {  	s2 =	sadd.s32 s21, s2;
	s0 =	sadd.s32 s22, s0;
	s16 =	spop (v2sf)  }
0x412: {  	s1 =	sadd.s32 s23, s1;
	s2 =	sadd.s32 s24, s2;
	s17 =	spop (v2sf)  }
0x413: {  	s0 =	sadd.s32 s25, s0;
	s1 =	sadd.s32 s26, s1;
	s18 =	spop (v2sf)  }
0x414: {  	s2 =	sadd.s32 s28, s2;
	s0 =	sadd.s32 s29, s0;
	s19 =	spop (v2sf)  }
0x415: {  	s1 =	sadd.s32 s30, s1;
	s2 =	sadd.s32 s31, s2;
	s20 =	spop (v2sf)  }
0x416: {  	s31 =	simm.s32 $0x0;
	s0 =	sadd.s32 s3, s0;
	s21 =	spop (v2sf)  }
0x417: {  	s1 =	sadd.s32 s5, s1;
	s2 =	sadd.s32 s7, s2;
	s22 =	spop (v2sf)  }
0x418: {  	s0 =	sadd.s32 s8, s0;
	s1 =	sadd.s32 s9, s1;
	s23 =	spop (v2sf)  }
0x419: {  	s2 =	sadd.s32 s10, s2;
	s0 =	sadd.s32 s15, s0;
	s24 =	spop (v2sf)  }
0x41a: {  	s1 =	sadd.s32 s16, s1;
	s2 =	sadd.s32 s17, s2;
	s25 =	spop (v2sf)  }
0x41b: {  	s0 =	sadd.s32 s18, s0;
	s1 =	sadd.s32 s19, s1;
	s26 =	spop (v2sf)  }
0x41c: {  	s2 =	sadd.s32 s20, s2;
	s0 =	sadd.s32 s21, s0;
	s28 =	spop (v2sf)  }
0x41d: {  	s1 =	sadd.s32 s22, s1;
	s2 =	sadd.s32 s23, s2;
	s29 =	spop (v2sf)  }
0x41e: {  	s1 =	sadd.s32 s25, s1;
	s2 =	sadd.s32 s26, s2;
	s30 =	spop (v2sf)  }
0x41f: {  	s0 =	sadd.s32 s24, s0;
	s1 =	sadd.s32 s29, s1;
	s2 =	sadd.s32 s30, s2  }
0x420: {  	v8 =	vld [tilespmem:s31+$0x10];
	s0 =	sadd.s32 s28, s0;
	p1 =	sgt.s32 s1, $0xFFF;
	p0 =	sgt.s32 s2, $0xFFF  }
0x421: {  	v7 =	vld [tilespmem:s31+$0x0];
	s11 =	smov.u32 @p1 s13;
	s12 =	smov.u32 @p0 s14;
	p0 =	sgt.s32 s0, $0xFFF  }
0x422: {  	s11 =	smov.u32 @p0 s12  }
0x423: {  	v4 =	vimm.s32 $0x0;
	v6 =	vimm.s32 $0x0;
	v5 =	vimm.s32 $0x0;
	s12 =	sor.u32 $0x20, s11;
	s13 =	sor.u32 $0x10, s11;
	s14 =	sor.u32 $0x30, s11  }
0x424: {  	s15 =	simm.s32 $0x80;
	v1 =	vmov s12;
	v2 =	vmov s13;
	v3 =	vmov s14  }
.LBB2_28:
0x425: {  	s0 =	sshra.s32 s15, $0x2;
	vm0 =	vge.s32 v8, v1;
	vm1 =	vge.s32 v8, v2;
	vm2 =	vge.s32 v8, v3;
	p0 =	sne.s32 s15, $0x7F80  }
.Ltmp13:
0x426: {  	v8 =	vld [tilespmem:s0+$0x10];
	vm3 =	vge.s32 v7, v1;
	vm4 =	vge.s32 v7, v2;
	vm5 =	vge.s32 v7, v3;
	(pc) =	sbr.rel @p0 .LBB2_28-.Ltmp13, $4  }
0x427: {  	s15 =	sadd.s32 $0x80, s15;
	v9 =	vsel vm0, $0x1, v0;
	v10 =	vsel vm1, $0x1, v0;
	v11 =	vsel vm2, $0x1, v0;
	v7 =	vld [tilespmem:s0+$0x0]  }
0x428: {  	v12 =	vsel vm3, $0x1, v0;
	v13 =	vsel vm4, $0x1, v0;
	v14 =	vsel vm5, $0x1, v0  }
0x429: {  	v4 =	vadd.s32 v12, v4;
	v6 =	vadd.s32 v13, v6;
	v5 =	vadd.s32 v14, v5  }
0x42a: {  	v4 =	vadd.s32 v9, v4;
	v6 =	vadd.s32 v10, v6;
	v5 =	vadd.s32 v11, v5  }
0x42b: {  	vm0 =	vge.s32 v8, v1;
	vm1 =	vge.s32 v8, v2;
	vm2 =	vge.s32 v8, v3  }
0x42c: {  	vm3 =	vge.s32 v7, v1;
	vm4 =	vge.s32 v7, v2;
	vm5 =	vge.s32 v7, v3  }
0x42d: {  	v1 =	vsel vm0, $0x1, v0;
	v2 =	vsel vm1, $0x1, v0;
	v3 =	vsel vm3, $0x1, v0  }
0x42e: {  	v7 =	vsel vm2, $0x1, v0;
	v8 =	vsel vm4, $0x1, v0;
	v3 =	vadd.s32 v3, v4  }
0x42f: {  	v4 =	vsel vm5, $0x1, v0;
	v6 =	vadd.s32 v8, v6;
	v1 =	vadd.s32 v1, v3  }
0x430: {  	v3 =	vadd.s32 v4, v5;
	v2 =	vadd.s32 v2, v6;
	(v2sf) =	vpush v1, $0x0  }
0x431: {  	v3 =	vadd.s32 v7, v3;
	(v2sf) =	vpush v2, $0x0  }
0x432: {  	(v2sf) =	vpush v3, $0x0  }
0x433: {  	(v2sf) =	vpush v1, $0x1  }
0x434: {  	(v2sf) =	vpush v2, $0x1  }
0x435: {  	(v2sf) =	vpush v3, $0x1  }
0x436: {  	(v2sf) =	vpush v1, $0x2  }
0x437: {  	(v2sf) =	vpush v2, $0x2  }
0x438: {  	(v2sf) =	vpush v3, $0x2  }
0x439: {  	(v2sf) =	vpush v1, $0x3  }
0x43a: {  	(v2sf) =	vpush v2, $0x3  }
0x43b: {  	(v2sf) =	vpush v3, $0x3  }
0x43c: {  	(v2sf) =	vpush v1, $0x4  }
0x43d: {  	(v2sf) =	vpush v2, $0x4  }
0x43e: {  	(v2sf) =	vpush v3, $0x4  }
0x43f: {  	s0 =	spop (v2sf);
	(v2sf) =	vpush v1, $0x5  }
0x440: {  	s1 =	spop (v2sf);
	(v2sf) =	vpush v2, $0x5  }
0x441: {  	s2 =	spop (v2sf);
	(v2sf) =	vpush v3, $0x5  }
0x442: {  	s3 =	spop (v2sf);
	(v2sf) =	vpush v1, $0x6  }
0x443: {  	s4 =	spop (v2sf);
	(v2sf) =	vpush v2, $0x6  }
0x444: {  	s5 =	spop (v2sf);
	(v2sf) =	vpush v3, $0x6  }
0x445: {  	s6 =	spop (v2sf);
	(v2sf) =	vpush v1, $0x7  }
0x446: {  	s7 =	spop (v2sf);
	(v2sf) =	vpush v2, $0x7  }
0x447: {  	s8 =	spop (v2sf);
	(v2sf) =	vpush v3, $0x7  }
0x448: {  	s9 =	spop (v2sf);
	(v2sf) =	vpush v1, $0x8  }
0x449: {  	s10 =	spop (v2sf);
	(v2sf) =	vpush v2, $0x8  }
0x44a: {  	s15 =	spop (v2sf);
	(v2sf) =	vpush v3, $0x8  }
0x44b: {  	s16 =	spop (v2sf);
	(v2sf) =	vpush v1, $0x9  }
0x44c: {  	s17 =	spop (v2sf);
	(v2sf) =	vpush v2, $0x9  }
0x44d: {  	s18 =	spop (v2sf);
	(v2sf) =	vpush v3, $0x9  }
0x44e: {  	s19 =	spop (v2sf);
	(v2sf) =	vpush v1, $0xA  }
0x44f: {  	s20 =	spop (v2sf);
	(v2sf) =	vpush v2, $0xA  }
0x450: {  	s21 =	spop (v2sf);
	(v2sf) =	vpush v3, $0xA  }
0x451: {  	s22 =	spop (v2sf);
	(v2sf) =	vpush v1, $0xB  }
0x452: {  	s23 =	spop (v2sf);
	(v2sf) =	vpush v2, $0xB  }
0x453: {  	s24 =	spop (v2sf);
	(v2sf) =	vpush v3, $0xB  }
0x454: {  	s25 =	spop (v2sf);
	(v2sf) =	vpush v1, $0xC  }
0x455: {  	s26 =	spop (v2sf);
	(v2sf) =	vpush v2, $0xC  }
0x456: {  	(v2sf) =	vpush v3, $0xC;
	s28 =	spop (v2sf)  }
0x457: {  	(v2sf) =	vpush v1, $0xD;
	s29 =	spop (v2sf)  }
0x458: {  	(v2sf) =	vpush v2, $0xD;
	s30 =	spop (v2sf)  }
0x459: {  	(v2sf) =	vpush v3, $0xD;
	s31 =	spop (v2sf)  }
0x45a: {  	s0 =	sadd.s32 s3, s0;
	s1 =	sadd.s32 s4, s1;
	(v2sf) =	vpush v1, $0xE;
	s3 =	spop (v2sf)  }
0x45b: {  	s2 =	sadd.s32 s5, s2;
	s0 =	sadd.s32 s6, s0;
	(v2sf) =	vpush v2, $0xE;
	s5 =	spop (v2sf)  }
0x45c: {  	s1 =	sadd.s32 s7, s1;
	s2 =	sadd.s32 s8, s2;
	(v2sf) =	vpush v3, $0xE;
	s7 =	spop (v2sf)  }
0x45d: {  	s0 =	sadd.s32 s9, s0;
	s1 =	sadd.s32 s10, s1;
	(v2sf) =	vpush v1, $0xF;
	s8 =	spop (v2sf)  }
0x45e: {  	s2 =	sadd.s32 s15, s2;
	s0 =	sadd.s32 s16, s0;
	s9 =	spop (v2sf);
	(v2sf) =	vpush v2, $0xF  }
0x45f: {  	s1 =	sadd.s32 s17, s1;
	s2 =	sadd.s32 s18, s2;
	s10 =	spop (v2sf);
	(v2sf) =	vpush v3, $0xF  }
0x460: {  	s0 =	sadd.s32 s19, s0;
	s1 =	sadd.s32 s20, s1;
	s15 =	spop (v2sf)  }
0x461: {  	s2 =	sadd.s32 s21, s2;
	s0 =	sadd.s32 s22, s0;
	s16 =	spop (v2sf)  }
0x462: {  	s1 =	sadd.s32 s23, s1;
	s2 =	sadd.s32 s24, s2;
	s17 =	spop (v2sf)  }
0x463: {  	s0 =	sadd.s32 s25, s0;
	s1 =	sadd.s32 s26, s1;
	s18 =	spop (v2sf)  }
0x464: {  	s2 =	sadd.s32 s28, s2;
	s0 =	sadd.s32 s29, s0;
	s19 =	spop (v2sf)  }
0x465: {  	s1 =	sadd.s32 s30, s1;
	s2 =	sadd.s32 s31, s2;
	s20 =	spop (v2sf)  }
0x466: {  	s31 =	simm.s32 $0x0;
	s0 =	sadd.s32 s3, s0;
	s21 =	spop (v2sf)  }
0x467: {  	s1 =	sadd.s32 s5, s1;
	s2 =	sadd.s32 s7, s2;
	s22 =	spop (v2sf)  }
0x468: {  	s0 =	sadd.s32 s8, s0;
	s1 =	sadd.s32 s9, s1;
	s23 =	spop (v2sf)  }
0x469: {  	s2 =	sadd.s32 s10, s2;
	s0 =	sadd.s32 s15, s0;
	s24 =	spop (v2sf)  }
0x46a: {  	s1 =	sadd.s32 s16, s1;
	s2 =	sadd.s32 s17, s2;
	s25 =	spop (v2sf)  }
0x46b: {  	s0 =	sadd.s32 s18, s0;
	s1 =	sadd.s32 s19, s1;
	s26 =	spop (v2sf)  }
0x46c: {  	s2 =	sadd.s32 s20, s2;
	s0 =	sadd.s32 s21, s0;
	s28 =	spop (v2sf)  }
0x46d: {  	s1 =	sadd.s32 s22, s1;
	s2 =	sadd.s32 s23, s2;
	s29 =	spop (v2sf)  }
0x46e: {  	s1 =	sadd.s32 s25, s1;
	s2 =	sadd.s32 s26, s2;
	s30 =	spop (v2sf)  }
0x46f: {  	s0 =	sadd.s32 s24, s0;
	s1 =	sadd.s32 s29, s1;
	s2 =	sadd.s32 s30, s2  }
0x470: {  	v8 =	vld [tilespmem:s31+$0x10];
	s0 =	sadd.s32 s28, s0;
	p1 =	sgt.s32 s1, $0xFFF;
	p0 =	sgt.s32 s2, $0xFFF  }
0x471: {  	v7 =	vld [tilespmem:s31+$0x0];
	s11 =	smov.u32 @p1 s13;
	s12 =	smov.u32 @p0 s14;
	p0 =	sgt.s32 s0, $0xFFF  }
0x472: {  	s11 =	smov.u32 @p0 s12  }
0x473: {  	v4 =	vimm.s32 $0x0;
	v6 =	vimm.s32 $0x0;
	v5 =	vimm.s32 $0x0;
	s12 =	sor.u32 $0x8, s11;
	s13 =	sor.u32 $0x4, s11;
	s14 =	sor.u32 $0xC, s11  }
0x474: {  	s15 =	simm.s32 $0x80;
	v1 =	vmov s12;
	v2 =	vmov s13;
	v3 =	vmov s14  }
.LBB2_30:
0x475: {  	s0 =	sshra.s32 s15, $0x2;
	vm0 =	vge.s32 v8, v1;
	vm1 =	vge.s32 v8, v2;
	vm2 =	vge.s32 v8, v3;
	p0 =	sne.s32 s15, $0x7F80  }
.Ltmp14:
0x476: {  	v8 =	vld [tilespmem:s0+$0x10];
	vm3 =	vge.s32 v7, v1;
	vm4 =	vge.s32 v7, v2;
	vm5 =	vge.s32 v7, v3;
	(pc) =	sbr.rel @p0 .LBB2_30-.Ltmp14, $4  }
0x477: {  	s15 =	sadd.s32 $0x80, s15;
	v9 =	vsel vm0, $0x1, v0;
	v10 =	vsel vm1, $0x1, v0;
	v11 =	vsel vm2, $0x1, v0;
	v7 =	vld [tilespmem:s0+$0x0]  }
0x478: {  	v12 =	vsel vm3, $0x1, v0;
	v13 =	vsel vm4, $0x1, v0;
	v14 =	vsel vm5, $0x1, v0  }
0x479: {  	v4 =	vadd.s32 v12, v4;
	v6 =	vadd.s32 v13, v6;
	v5 =	vadd.s32 v14, v5  }
0x47a: {  	v4 =	vadd.s32 v9, v4;
	v6 =	vadd.s32 v10, v6;
	v5 =	vadd.s32 v11, v5  }
0x47b: {  	vm0 =	vge.s32 v8, v1;
	vm1 =	vge.s32 v8, v2;
	vm2 =	vge.s32 v8, v3  }
0x47c: {  	vm3 =	vge.s32 v7, v1;
	vm4 =	vge.s32 v7, v2;
	vm5 =	vge.s32 v7, v3  }
0x47d: {  	v1 =	vsel vm0, $0x1, v0;
	v2 =	vsel vm1, $0x1, v0;
	v3 =	vsel vm3, $0x1, v0  }
0x47e: {  	v7 =	vsel vm2, $0x1, v0;
	v8 =	vsel vm4, $0x1, v0;
	v3 =	vadd.s32 v3, v4  }
0x47f: {  	v4 =	vsel vm5, $0x1, v0;
	v6 =	vadd.s32 v8, v6;
	v1 =	vadd.s32 v1, v3  }
0x480: {  	v3 =	vadd.s32 v4, v5;
	v2 =	vadd.s32 v2, v6;
	(v2sf) =	vpush v1, $0x0  }
0x481: {  	v3 =	vadd.s32 v7, v3;
	(v2sf) =	vpush v2, $0x0  }
0x482: {  	(v2sf) =	vpush v3, $0x0  }
0x483: {  	(v2sf) =	vpush v1, $0x1  }
0x484: {  	(v2sf) =	vpush v2, $0x1  }
0x485: {  	(v2sf) =	vpush v3, $0x1  }
0x486: {  	(v2sf) =	vpush v1, $0x2  }
0x487: {  	(v2sf) =	vpush v2, $0x2  }
0x488: {  	(v2sf) =	vpush v3, $0x2  }
0x489: {  	(v2sf) =	vpush v1, $0x3  }
0x48a: {  	(v2sf) =	vpush v2, $0x3  }
0x48b: {  	(v2sf) =	vpush v3, $0x3  }
0x48c: {  	(v2sf) =	vpush v1, $0x4  }
0x48d: {  	(v2sf) =	vpush v2, $0x4  }
0x48e: {  	(v2sf) =	vpush v3, $0x4  }
0x48f: {  	s0 =	spop (v2sf);
	(v2sf) =	vpush v1, $0x5  }
0x490: {  	s1 =	spop (v2sf);
	(v2sf) =	vpush v2, $0x5  }
0x491: {  	s2 =	spop (v2sf);
	(v2sf) =	vpush v3, $0x5  }
0x492: {  	s3 =	spop (v2sf);
	(v2sf) =	vpush v1, $0x6  }
0x493: {  	s4 =	spop (v2sf);
	(v2sf) =	vpush v2, $0x6  }
0x494: {  	s5 =	spop (v2sf);
	(v2sf) =	vpush v3, $0x6  }
0x495: {  	s6 =	spop (v2sf);
	(v2sf) =	vpush v1, $0x7  }
0x496: {  	s7 =	spop (v2sf);
	(v2sf) =	vpush v2, $0x7  }
0x497: {  	s8 =	spop (v2sf);
	(v2sf) =	vpush v3, $0x7  }
0x498: {  	s9 =	spop (v2sf);
	(v2sf) =	vpush v1, $0x8  }
0x499: {  	s10 =	spop (v2sf);
	(v2sf) =	vpush v2, $0x8  }
0x49a: {  	s15 =	spop (v2sf);
	(v2sf) =	vpush v3, $0x8  }
0x49b: {  	s16 =	spop (v2sf);
	(v2sf) =	vpush v1, $0x9  }
0x49c: {  	s17 =	spop (v2sf);
	(v2sf) =	vpush v2, $0x9  }
0x49d: {  	s18 =	spop (v2sf);
	(v2sf) =	vpush v3, $0x9  }
0x49e: {  	s19 =	spop (v2sf);
	(v2sf) =	vpush v1, $0xA  }
0x49f: {  	s20 =	spop (v2sf);
	(v2sf) =	vpush v2, $0xA  }
0x4a0: {  	s21 =	spop (v2sf);
	(v2sf) =	vpush v3, $0xA  }
0x4a1: {  	s22 =	spop (v2sf);
	(v2sf) =	vpush v1, $0xB  }
0x4a2: {  	s23 =	spop (v2sf);
	(v2sf) =	vpush v2, $0xB  }
0x4a3: {  	s24 =	spop (v2sf);
	(v2sf) =	vpush v3, $0xB  }
0x4a4: {  	s25 =	spop (v2sf);
	(v2sf) =	vpush v1, $0xC  }
0x4a5: {  	s26 =	spop (v2sf);
	(v2sf) =	vpush v2, $0xC  }
0x4a6: {  	(v2sf) =	vpush v3, $0xC;
	s28 =	spop (v2sf)  }
0x4a7: {  	(v2sf) =	vpush v1, $0xD;
	s29 =	spop (v2sf)  }
0x4a8: {  	(v2sf) =	vpush v2, $0xD;
	s30 =	spop (v2sf)  }
0x4a9: {  	(v2sf) =	vpush v3, $0xD;
	s31 =	spop (v2sf)  }
0x4aa: {  	s0 =	sadd.s32 s3, s0;
	s1 =	sadd.s32 s4, s1;
	(v2sf) =	vpush v1, $0xE;
	s3 =	spop (v2sf)  }
0x4ab: {  	s2 =	sadd.s32 s5, s2;
	s0 =	sadd.s32 s6, s0;
	(v2sf) =	vpush v2, $0xE;
	s5 =	spop (v2sf)  }
0x4ac: {  	s1 =	sadd.s32 s7, s1;
	s2 =	sadd.s32 s8, s2;
	(v2sf) =	vpush v3, $0xE;
	s7 =	spop (v2sf)  }
0x4ad: {  	s0 =	sadd.s32 s9, s0;
	s1 =	sadd.s32 s10, s1;
	(v2sf) =	vpush v1, $0xF;
	s8 =	spop (v2sf)  }
0x4ae: {  	s2 =	sadd.s32 s15, s2;
	s0 =	sadd.s32 s16, s0;
	s9 =	spop (v2sf);
	(v2sf) =	vpush v2, $0xF  }
0x4af: {  	s1 =	sadd.s32 s17, s1;
	s2 =	sadd.s32 s18, s2;
	s10 =	spop (v2sf);
	(v2sf) =	vpush v3, $0xF  }
0x4b0: {  	s0 =	sadd.s32 s19, s0;
	s1 =	sadd.s32 s20, s1;
	s15 =	spop (v2sf)  }
0x4b1: {  	s2 =	sadd.s32 s21, s2;
	s0 =	sadd.s32 s22, s0;
	s16 =	spop (v2sf)  }
0x4b2: {  	s1 =	sadd.s32 s23, s1;
	s2 =	sadd.s32 s24, s2;
	s17 =	spop (v2sf)  }
0x4b3: {  	s0 =	sadd.s32 s25, s0;
	s1 =	sadd.s32 s26, s1;
	s18 =	spop (v2sf)  }
0x4b4: {  	s2 =	sadd.s32 s28, s2;
	s0 =	sadd.s32 s29, s0;
	s19 =	spop (v2sf)  }
0x4b5: {  	s1 =	sadd.s32 s30, s1;
	s2 =	sadd.s32 s31, s2;
	s20 =	spop (v2sf)  }
0x4b6: {  	s31 =	simm.s32 $0x0;
	s0 =	sadd.s32 s3, s0;
	s21 =	spop (v2sf)  }
0x4b7: {  	s1 =	sadd.s32 s5, s1;
	s2 =	sadd.s32 s7, s2;
	s22 =	spop (v2sf)  }
0x4b8: {  	s0 =	sadd.s32 s8, s0;
	s1 =	sadd.s32 s9, s1;
	s23 =	spop (v2sf)  }
0x4b9: {  	s2 =	sadd.s32 s10, s2;
	s0 =	sadd.s32 s15, s0;
	s24 =	spop (v2sf)  }
0x4ba: {  	s1 =	sadd.s32 s16, s1;
	s2 =	sadd.s32 s17, s2;
	s25 =	spop (v2sf)  }
0x4bb: {  	s0 =	sadd.s32 s18, s0;
	s1 =	sadd.s32 s19, s1;
	s26 =	spop (v2sf)  }
0x4bc: {  	s2 =	sadd.s32 s20, s2;
	s0 =	sadd.s32 s21, s0;
	s28 =	spop (v2sf)  }
0x4bd: {  	s1 =	sadd.s32 s22, s1;
	s2 =	sadd.s32 s23, s2;
	s29 =	spop (v2sf)  }
0x4be: {  	s1 =	sadd.s32 s25, s1;
	s2 =	sadd.s32 s26, s2;
	s30 =	spop (v2sf)  }
0x4bf: {  	s0 =	sadd.s32 s24, s0;
	s1 =	sadd.s32 s29, s1;
	s2 =	sadd.s32 s30, s2  }
0x4c0: {  	v8 =	vld [tilespmem:s31+$0x10];
	s0 =	sadd.s32 s28, s0;
	p1 =	sgt.s32 s1, $0xFFF;
	p0 =	sgt.s32 s2, $0xFFF  }
0x4c1: {  	v7 =	vld [tilespmem:s31+$0x0];
	s11 =	smov.u32 @p1 s13;
	s12 =	smov.u32 @p0 s14;
	p0 =	sgt.s32 s0, $0xFFF  }
0x4c2: {  	s11 =	smov.u32 @p0 s12  }
0x4c3: {  	v4 =	vimm.s32 $0x0;
	v6 =	vimm.s32 $0x0;
	v5 =	vimm.s32 $0x0;
	s12 =	sor.u32 $0x2, s11;
	s13 =	sor.u32 $0x1, s11;
	s14 =	sor.u32 $0x3, s11  }
0x4c4: {  	s15 =	simm.s32 $0x80;
	v1 =	vmov s12;
	v2 =	vmov s13;
	v3 =	vmov s14  }
.LBB2_32:
0x4c5: {  	s0 =	sshra.s32 s15, $0x2;
	vm0 =	vge.s32 v8, v1;
	vm1 =	vge.s32 v8, v2;
	vm2 =	vge.s32 v8, v3;
	p0 =	sne.s32 s15, $0x7F80  }
.Ltmp15:
0x4c6: {  	v8 =	vld [tilespmem:s0+$0x10];
	vm3 =	vge.s32 v7, v1;
	vm4 =	vge.s32 v7, v2;
	vm5 =	vge.s32 v7, v3;
	(pc) =	sbr.rel @p0 .LBB2_32-.Ltmp15, $4  }
0x4c7: {  	s15 =	sadd.s32 $0x80, s15;
	v9 =	vsel vm0, $0x1, v0;
	v10 =	vsel vm1, $0x1, v0;
	v11 =	vsel vm2, $0x1, v0;
	v7 =	vld [tilespmem:s0+$0x0]  }
0x4c8: {  	v12 =	vsel vm3, $0x1, v0;
	v13 =	vsel vm4, $0x1, v0;
	v14 =	vsel vm5, $0x1, v0  }
0x4c9: {  	v4 =	vadd.s32 v12, v4;
	v6 =	vadd.s32 v13, v6;
	v5 =	vadd.s32 v14, v5  }
0x4ca: {  	v4 =	vadd.s32 v9, v4;
	v6 =	vadd.s32 v10, v6;
	v5 =	vadd.s32 v11, v5  }
0x4cb: {  	vm0 =	vge.s32 v8, v1;
	vm1 =	vge.s32 v8, v2;
	vm2 =	vge.s32 v8, v3  }
0x4cc: {  	vm3 =	vge.s32 v7, v1;
	vm4 =	vge.s32 v7, v2;
	vm5 =	vge.s32 v7, v3  }
0x4cd: {  	v1 =	vsel vm0, $0x1, v0;
	v2 =	vsel vm1, $0x1, v0;
	v3 =	vsel vm3, $0x1, v0  }
0x4ce: {  	v61 =	vsel vm2, $0x1, v0;
	v62 =	vsel vm4, $0x1, v0;
	v3 =	vadd.s32 v3, v4  }
0x4cf: {  	v63 =	vsel vm5, $0x1, v0;
	v6 =	vadd.s32 v62, v6;
	v1 =	vadd.s32 v1, v3  }
0x4d0: {  	v3 =	vadd.s32 v63, v5;
	v2 =	vadd.s32 v2, v6;
	(v2sf) =	vpush v1, $0x0  }
0x4d1: {  	v3 =	vadd.s32 v61, v3;
	(v2sf) =	vpush v2, $0x0  }
0x4d2: {  	(v2sf) =	vpush v3, $0x0  }
0x4d3: {  	(v2sf) =	vpush v1, $0x1  }
0x4d4: {  	(v2sf) =	vpush v2, $0x1  }
0x4d5: {  	(v2sf) =	vpush v3, $0x1  }
0x4d6: {  	(v2sf) =	vpush v1, $0x2  }
0x4d7: {  	(v2sf) =	vpush v2, $0x2  }
0x4d8: {  	(v2sf) =	vpush v3, $0x2  }
0x4d9: {  	(v2sf) =	vpush v1, $0x3  }
0x4da: {  	(v2sf) =	vpush v2, $0x3  }
0x4db: {  	(v2sf) =	vpush v3, $0x3  }
0x4dc: {  	(v2sf) =	vpush v1, $0x4  }
0x4dd: {  	(v2sf) =	vpush v2, $0x4  }
0x4de: {  	(v2sf) =	vpush v3, $0x4  }
0x4df: {  	s0 =	spop (v2sf);
	(v2sf) =	vpush v1, $0x5  }
0x4e0: {  	s1 =	spop (v2sf);
	(v2sf) =	vpush v2, $0x5  }
0x4e1: {  	s2 =	spop (v2sf);
	(v2sf) =	vpush v3, $0x5  }
0x4e2: {  	s3 =	spop (v2sf);
	(v2sf) =	vpush v1, $0x6  }
0x4e3: {  	s4 =	spop (v2sf);
	(v2sf) =	vpush v2, $0x6  }
0x4e4: {  	s5 =	spop (v2sf);
	(v2sf) =	vpush v3, $0x6  }
0x4e5: {  	s6 =	spop (v2sf);
	(v2sf) =	vpush v1, $0x7  }
0x4e6: {  	s7 =	spop (v2sf);
	(v2sf) =	vpush v2, $0x7  }
0x4e7: {  	s8 =	spop (v2sf);
	(v2sf) =	vpush v3, $0x7  }
0x4e8: {  	s9 =	spop (v2sf);
	(v2sf) =	vpush v1, $0x8  }
0x4e9: {  	s10 =	spop (v2sf);
	(v2sf) =	vpush v2, $0x8  }
0x4ea: {  	s15 =	spop (v2sf);
	(v2sf) =	vpush v3, $0x8  }
0x4eb: {  	s16 =	spop (v2sf);
	(v2sf) =	vpush v1, $0x9  }
0x4ec: {  	s17 =	spop (v2sf);
	(v2sf) =	vpush v2, $0x9  }
0x4ed: {  	s18 =	spop (v2sf);
	(v2sf) =	vpush v3, $0x9  }
0x4ee: {  	s19 =	spop (v2sf);
	(v2sf) =	vpush v1, $0xA  }
0x4ef: {  	s20 =	spop (v2sf);
	(v2sf) =	vpush v2, $0xA  }
0x4f0: {  	s21 =	spop (v2sf);
	(v2sf) =	vpush v3, $0xA  }
0x4f1: {  	s22 =	spop (v2sf);
	(v2sf) =	vpush v1, $0xB  }
0x4f2: {  	s23 =	spop (v2sf);
	(v2sf) =	vpush v2, $0xB  }
0x4f3: {  	s24 =	spop (v2sf);
	(v2sf) =	vpush v3, $0xB  }
0x4f4: {  	s25 =	spop (v2sf);
	(v2sf) =	vpush v1, $0xC  }
0x4f5: {  	(v2sf) =	vpush v2, $0xC;
	s26 =	spop (v2sf)  }
0x4f6: {  	(v2sf) =	vpush v3, $0xC;
	s28 =	spop (v2sf)  }
0x4f7: {  	(v2sf) =	vpush v1, $0xD;
	s29 =	spop (v2sf)  }
0x4f8: {  	(v2sf) =	vpush v2, $0xD;
	s30 =	spop (v2sf)  }
0x4f9: {  	(v2sf) =	vpush v3, $0xD;
	s31 =	spop (v2sf)  }
0x4fa: {  	s0 =	sadd.s32 s3, s0;
	(v2sf) =	vpush v1, $0xE;
	s3 =	spop (v2sf)  }
0x4fb: {  	s1 =	sadd.s32 s4, s1;
	s2 =	sadd.s32 s5, s2;
	(v2sf) =	vpush v2, $0xE;
	s5 =	spop (v2sf)  }
0x4fc: {  	s0 =	sadd.s32 s6, s0;
	s1 =	sadd.s32 s7, s1;
	(v2sf) =	vpush v3, $0xE;
	s7 =	spop (v2sf)  }
0x4fd: {  	s2 =	sadd.s32 s8, s2;
	s0 =	sadd.s32 s9, s0;
	(v2sf) =	vpush v1, $0xF;
	s9 =	spop (v2sf)  }
0x4fe: {  	s1 =	sadd.s32 s10, s1;
	s2 =	sadd.s32 s15, s2;
	(v2sf) =	vpush v2, $0xF;
	s15 =	spop (v2sf)  }
0x4ff: {  	s0 =	sadd.s32 s16, s0;
	s1 =	sadd.s32 s17, s1;
	s16 =	spop (v2sf);
	(v2sf) =	vpush v3, $0xF  }
0x500: {  	s2 =	sadd.s32 s18, s2;
	s0 =	sadd.s32 s19, s0;
	s17 =	spop (v2sf)  }
0x501: {  	s1 =	sadd.s32 s20, s1;
	s2 =	sadd.s32 s21, s2;
	s18 =	spop (v2sf)  }
0x502: {  	s0 =	sadd.s32 s22, s0;
	s1 =	sadd.s32 s23, s1;
	s23 =	spop (v2sf)  }
0x503: {  	s2 =	sadd.s32 s24, s2;
	s0 =	sadd.s32 s25, s0;
	s25 =	spop (v2sf)  }
0x504: {  	s1 =	sadd.s32 s26, s1;
	s2 =	sadd.s32 s28, s2;
	s28 =	spop (v2sf)  }
0x505: {  	s0 =	sadd.s32 s29, s0;
	s1 =	sadd.s32 s30, s1;
	s30 =	spop (v2sf)  }
0x506: {  	s2 =	sadd.s32 s31, s2;
	s0 =	sadd.s32 s3, s0;
	s31 =	spop (v2sf)  }
0x507: {  	s1 =	sadd.s32 s5, s1;
	s2 =	sadd.s32 s7, s2;
	s19 =	spop (v2sf)  }
0x508: {  	s0 =	sadd.s32 s9, s0;
	s1 =	sadd.s32 s15, s1;
	s20 =	spop (v2sf)  }
0x509: {  	s2 =	sadd.s32 s16, s2;
	s0 =	sadd.s32 s17, s0;
	s21 =	spop (v2sf)  }
0x50a: {  	s1 =	sadd.s32 s18, s1;
	s2 =	sadd.s32 s23, s2;
	s22 =	spop (v2sf)  }
0x50b: {  	s0 =	sadd.s32 s25, s0;
	s1 =	sadd.s32 s28, s1;
	s23 =	spop (v2sf)  }
0x50c: {  	s2 =	sadd.s32 s30, s2;
	s0 =	sadd.s32 s31, s0;
	s24 =	spop (v2sf)  }
0x50d: {  	s1 =	sadd.s32 s19, s1;
	s2 =	sadd.s32 s20, s2;
	s25 =	spop (v2sf)  }
0x50e: {  	s1 =	sadd.s32 s22, s1;
	s2 =	sadd.s32 s23, s2;
	s26 =	spop (v2sf)  }
0x50f: {  	s0 =	sadd.s32 s21, s0;
	s1 =	sadd.s32 s25, s1;
	s2 =	sadd.s32 s26, s2  }
0x510: {  	s0 =	sadd.s32 s24, s0;
	p1 =	sgt.s32 s1, $0xFFF;
	p0 =	sgt.s32 s2, $0xFFF  }
0x511: {  	s11 =	smov.u32 @p1 s13;
	s12 =	smov.u32 @p0 s14;
	p0 =	sgt.s32 s0, $0xFFF  }
0x512: {  	s11 =	smov.u32 @p0 s12  }
0x513: {  	s4 =	simm.s32 $0x1;
	v1 =	vmov s11  }
0x514: {  	s29 =	simm.s32 $0x2000;
	s28 =	rddreg [dreg:$0x3];
	s1 =	simm.s32 $0x0;
	[tilespmem:$0x2000] =	vst v1  }
0x515: {  	[hbm4b:s28+s1] =	stream.linear.scatter [tilespmem:s29], [sflag:$0x1], $0x80, $0x38;
	[tilespmem:$0x2080] =	vst v63  }
0x516: {  	_ =	swait.ge [sflag:s4], $0x80  }
0x517: {  	s30 =	rddreg [dreg:$0x5]  }
0x518: {  	s31 =	rddreg [dreg:$0x4];
	s2 =	sadd.s32 $0x1, s30  }
0x519: {  	p0 =	sne.s32 s2, s31  }
.Ltmp16:
0x51a: {  	_ = 	snop;
	(pc) =	sbr.rel @p0 .LBB2_1-.Ltmp16, $3  }
0x51b: {  	_ =	sdelay $0x1  }
0x51c: {  	[sflag:s4] =	ssyncset.done $0x0  }
0x51d: {  	[sflag:s4] =	ssyncadd.s32 $0xFFFFFF80  }
0x51e: {  	_ =	sfence.sel $0x180000  }
0x51f: {  	[bflag:$0x0] =	sbarrier.arrive $0xFFFF  }
0x520: {  	_ =	strace $0x90000047  }
0x521: {  	s0 =	stileid.u32;
	[bflag:$0x2] =	sbarrier.arrive $0xFFFF  }
0x522: {  	p0 =	sne.s32 s0, $0x0;
	s0 =	rddreg [dreg:$0x1]  }
0x523: {  	s0 =	sadd.s32 @!p0 $0x100000, s0  }
0x524: {  	[sflag:s0] =	ssyncadd.tile.s32 @!p0 $0x1;
	_ =	shalt  }
.Lfunc_end2:
_tile_overlayer_lowered:
.L_overlay_start_2:
0x525: {  	(tag) =	ssettag $0x2  }
0x526: {  	s0 =	rddreg [dreg:$0x0];
	s2 =	stileid.u32  }
0x527: {  	s1 =	rddreg [dreg:$0x1];
	p0 =	sne.s32 s2, $0x0  }
0x528: {  	s3 =	rddreg [dreg:$0x2];
	[bflag:$0x3] =	sbarrier.arrive $0xFFFF;
	s2 =	simm.s32 @!p0 $0x1C01  }
0x529: {  	[timem:s3], [sflag:s2] =	dma.local @!p0 [hbm:s0], s1  }
0x52a: {  	s0 =	simm.s32 @!p0 $0x1  }
0x52b: {  	_ =	swait.ge @!p0 [sflag:s0], s1  }
0x52c: {  	s1 =	ssub.s32 @!p0 $0x0, s1;
	[sflag:s0] =	ssyncset.done @!p0 $0x0  }
0x52d: {  	[sflag:s0] =	ssyncadd.s32 @!p0 s1  }
0x52e: {  	[bflag:$0x3] =	sbarrier.arrive $0xFFFF  }
0x52f: {  	_ =	shalt  }

</sc_bundles>
